<compile_context>
chip_gen: v7x
topology: tpu7x:2x2x1
jax: 0.10.2.dev20260603
libtpu: 0.0.44.dev20260713+nightly
codegen_flags: <defaults>
</compile_context>

<pallas_src>
import functools

import jax
import jax.numpy as jnp
import numpy as np
from jax import lax
from jax.experimental import pallas as pl
from jax.experimental.pallas import tpu as pltpu
from jax.experimental.pallas import tpu_sc as plsc

_N = 512
_D_EMB = 64
_D_HID = 64

_NC = 2
_NS = 16
_NW = _NC * _NS
_L = 16

_SC_ROWS = 128
_TC_ROWS = _N - _SC_ROWS
_RW = _SC_ROWS // _NW
_NJC = _N // _L
_BI = 64
_TC_ROW0 = _SC_ROWS // _BI

_consts = {}


def _threefry2x32_np(k0, k1, x0, x1):
    rot_a = (13, 15, 26, 6)
    rot_b = (17, 29, 16, 24)
    ks = [np.uint32(k0), np.uint32(k1),
          np.uint32(k0) ^ np.uint32(k1) ^ np.uint32(0x1BD11BDA)]
    x0 = (x0 + ks[0]).astype(np.uint32)
    x1 = (x1 + ks[1]).astype(np.uint32)

    def rotl(x, r):
        return ((x << np.uint32(r)) | (x >> np.uint32(32 - r))).astype(np.uint32)

    for g, rots in enumerate((rot_a, rot_b, rot_a, rot_b, rot_a)):
        for r in rots:
            x0 = (x0 + x1).astype(np.uint32)
            x1 = x0 ^ rotl(x1, r)
        x0 = (x0 + ks[(g + 1) % 3]).astype(np.uint32)
        x1 = (x1 + ks[(g + 2) % 3] + np.uint32(g + 1)).astype(np.uint32)
    return x0, x1


def _noise_logit_np():
    if "nl" not in _consts:
        n = _N * _N
        b0, b1_ = _threefry2x32_np(
            0, 42, np.zeros(n, dtype=np.uint32), np.arange(n, dtype=np.uint32)
        )
        bits = b0 ^ b1_
        fb = (bits >> np.uint32(9)) | np.uint32(0x3F800000)
        floats = fb.view(np.float32) - np.float32(1.0)
        mn = np.float32(1e-6)
        mx = np.float32(1.0 - 1e-6)
        u = np.maximum(mn, floats * (mx - mn) + mn)
        nl = (np.log(u) - np.log(np.float32(1.0) - u)).astype(np.float32)
        nl = nl.reshape(_N, _N)
        _consts["nl"] = nl
        _consts["nlT"] = np.ascontiguousarray(nl.T)
    return _consts["nl"], _consts["nlT"]



def _prep_body(
    embed_ref, w1_ref, b1_ref, b2_ref, tmp_ref,
    ab_ref, bb_ref, abt_ref, bbt_ref, aux_ref,
):
    w1a = w1_ref[:_D_EMB, :]
    w1b = w1_ref[_D_EMB:, :]
    ab = (
        jnp.dot(embed_ref[...], w1a, preferred_element_type=jnp.float32)
        + b1_ref[...]
    )
    bb = jnp.dot(embed_ref[...], w1b, preferred_element_type=jnp.float32)
    ab_ref[...] = ab[:_SC_ROWS, :]
    bb_ref[...] = bb[:_SC_ROWS, :]
    abt_ref[...] = ab.T
    bbt_ref[...] = bb.T
    aux_ref[0:1, :] = jnp.full((1, _L), 1.0, jnp.float32) / tmp_ref[0, 0]
    aux_ref[1:2, :] = jnp.full((1, _L), 1.0, jnp.float32) * b2_ref[0, 0]


def _prep(embed, W1, b1r, b2r, tmpr):
    return pl.pallas_call(
        _prep_body,
        out_shape=[
            jax.ShapeDtypeStruct((_SC_ROWS, _D_HID), jnp.float32),
            jax.ShapeDtypeStruct((_SC_ROWS, _D_HID), jnp.float32),
            jax.ShapeDtypeStruct((_D_HID, _N), jnp.float32),
            jax.ShapeDtypeStruct((_D_HID, _N), jnp.float32),
            jax.ShapeDtypeStruct((2, _L), jnp.float32),
        ],
    )(embed, W1, b1r, b2r, tmpr)



@functools.partial(
    pl.kernel,
    out_type=jax.ShapeDtypeStruct((_SC_ROWS, _N), jnp.float32),
    mesh=plsc.VectorSubcoreMesh(core_axis_name="c", subcore_axis_name="s"),
    compiler_params=pltpu.CompilerParams(needs_layout_passes=False),
    scratch_types=[
        pltpu.VMEM((_RW, _D_HID), jnp.float32),
        pltpu.VMEM((_RW, _D_HID), jnp.float32),
        pltpu.VMEM((_D_HID, _N), jnp.float32),
        pltpu.VMEM((_D_HID, _N), jnp.float32),
        pltpu.VMEM((_D_HID,), jnp.float32),
        pltpu.VMEM((2, _L), jnp.float32),
        pltpu.VMEM((_RW, _N), jnp.float32),
        pltpu.VMEM((_RW, _N), jnp.float32),
        pltpu.VMEM((_RW, _N), jnp.float32),
        pltpu.VMEM((_RW, _N), jnp.float32),
        pltpu.VMEM((_RW, _N), jnp.float32),
    ],
)
def _sc_pair(
    ab_hbm, bb_hbm, abt_hbm, bbt_hbm, w2_hbm, aux_hbm,
    adj_hbm, nl_hbm, nlt_hbm, out_hbm,
    ab_v, bb_v, abt_v, bbt_v, w2_v, aux_v,
    adj_v, nl_v, nlt_v, v1_v, v2_v,
):
    wid = lax.axis_index("s") * _NC + lax.axis_index("c")
    base = wid * _RW

    pltpu.sync_copy(ab_hbm.at[pl.ds(base, _RW)], ab_v)
    pltpu.sync_copy(bb_hbm.at[pl.ds(base, _RW)], bb_v)
    pltpu.sync_copy(abt_hbm, abt_v)
    pltpu.sync_copy(bbt_hbm, bbt_v)
    pltpu.sync_copy(w2_hbm, w2_v)
    pltpu.sync_copy(aux_hbm, aux_v)
    pltpu.sync_copy(adj_hbm.at[pl.ds(base, _RW)], adj_v)
    pltpu.sync_copy(nl_hbm.at[pl.ds(base, _RW)], nl_v)
    pltpu.sync_copy(nlt_hbm.at[pl.ds(base, _RW)], nlt_v)

    zero = jnp.zeros((_L,), jnp.float32)

    def zbody(r, c):
        for jc in range(_NJC):
            v1_v[r, pl.ds(jc * _L, _L)] = zero
            v2_v[r, pl.ds(jc * _L, _L)] = zero
        return c

    lax.fori_loop(0, _RW, zbody, 0)

    def accumulate(bt_ref, a_ref, acc_ref):
        def kbody(k, c):
            kv = jnp.full((_L,), k, jnp.int32)
            sw = plsc.load_gather(w2_v, [kv])
            bt = [bt_ref[k, pl.ds(jc * _L, _L)] for jc in range(_NJC)]

            def rbody(r, c2):
                rv = jnp.full((_L,), r, jnp.int32)
                sa = plsc.load_gather(a_ref, [rv, kv])
                for jc in range(_NJC):
                    t = jnp.maximum(bt[jc] + sa, 0.0) * sw
                    plsc.addupdate(acc_ref.at[r, pl.ds(jc * _L, _L)], t)
                return c2

            return lax.fori_loop(0, _RW, rbody, c)

        lax.fori_loop(0, _D_HID, kbody, 0)

    accumulate(bbt_v, ab_v, v1_v)
    accumulate(abt_v, bb_v, v2_v)

    itmp = aux_v[0, pl.ds(0, _L)]
    b2v = aux_v[1, pl.ds(0, _L)]
    half = jnp.full((_L,), 0.5, jnp.float32)
    one = jnp.full((_L,), 1.0, jnp.float32)

    def ebody(r, c):
        for jc in range(_NJC):
            d = pl.ds(jc * _L, _L)
            x1 = (nl_v[r, d] + v1_v[r, d] + b2v) * itmp
            g1 = one / (one + jnp.exp(-x1))
            x2 = (nlt_v[r, d] + v2_v[r, d] + b2v) * itmp
            g2 = one / (one + jnp.exp(-x2))
            v1_v[r, d] = adj_v[r, d] * (half * (g1 + g2))
        return c

    lax.fori_loop(0, _RW, ebody, 0)

    pltpu.sync_copy(v1_v, out_hbm.at[pl.ds(base, _RW)])



def _tc_pair_body(
    embed_ref, eblk_ref, w1_ref, b1_ref, w2_ref, b2_ref, tmp_ref,
    adj_ref, nl_ref, nlt_ref, out_ref, ba_scr,
):
    i = pl.program_id(0)
    w1a = w1_ref[:_D_EMB, :]
    w1b = w1_ref[_D_EMB:, :]

    @pl.when(i == 0)
    def _init():
        a_full = (
            jnp.dot(embed_ref[...], w1a, preferred_element_type=jnp.float32)
            + b1_ref[...]
        )
        b_full = jnp.dot(embed_ref[...], w1b, preferred_element_type=jnp.float32)
        ba_scr[...] = jnp.concatenate([b_full, a_full], axis=1).T

    a_i = (
        jnp.dot(eblk_ref[...], w1a, preferred_element_type=jnp.float32)
        + b1_ref[...]
    )
    b_i = jnp.dot(eblk_ref[...], w1b, preferred_element_type=jnp.float32)
    ab_i = jnp.concatenate([a_i, b_i], axis=1)

    itmp = 1.0 / tmp_ref[0, 0]
    b2 = b2_ref[0, 0]

    t12 = jnp.maximum(ab_i[:, :, None] + ba_scr[...][None, :, :], 0.0)
    w2full = jnp.concatenate([w2_ref[...], w2_ref[...]], axis=0)
    m = t12 * w2full.reshape(1, 2 * _D_HID, 1)
    v1 = jnp.sum(m[:, :_D_HID, :], axis=1)
    v2 = jnp.sum(m[:, _D_HID:, :], axis=1)

    g1 = jax.nn.sigmoid((nl_ref[...] + v1 + b2) * itmp)
    g2 = jax.nn.sigmoid((nlt_ref[...] + v2 + b2) * itmp)
    out_ref[...] = adj_ref[...] * (0.5 * (g1 + g2))


def _tc_pair(embed, W1, b1r, W2, b2r, tmpr, adj, nl, nlt):
    grid = (_TC_ROWS // _BI,)
    return pl.pallas_call(
        _tc_pair_body,
        grid=grid,
        in_specs=[
            pl.BlockSpec((_N, _D_EMB), lambda i: (0, 0)),
            pl.BlockSpec((_BI, _D_EMB), lambda i: (i + _TC_ROW0, 0)),
            pl.BlockSpec((2 * _D_EMB, _D_HID), lambda i: (0, 0)),
            pl.BlockSpec((1, _D_HID), lambda i: (0, 0)),
            pl.BlockSpec((_D_HID, 1), lambda i: (0, 0)),
            pl.BlockSpec((1, 1), lambda i: (0, 0)),
            pl.BlockSpec((1, 1), lambda i: (0, 0)),
            pl.BlockSpec((_BI, _N), lambda i: (i + _TC_ROW0, 0)),
            pl.BlockSpec((_BI, _N), lambda i: (i + _TC_ROW0, 0)),
            pl.BlockSpec((_BI, _N), lambda i: (i + _TC_ROW0, 0)),
        ],
        out_specs=pl.BlockSpec((_BI, _N), lambda i: (i + _TC_ROW0, 0)),
        out_shape=jax.ShapeDtypeStruct((_N, _N), jnp.float32),
        scratch_shapes=[
            pltpu.VMEM((2 * _D_HID, _N), jnp.float32),
        ],
    )(embed, embed, W1, b1r, W2, b2r, tmpr, adj, nl, nlt)


def kernel(x, embed, adj, W1, b1, W2, b2, tmp, label, sub_nodes):
    del x, label, sub_nodes
    nl_np, nlt_np = _noise_logit_np()
    nl = jnp.asarray(nl_np)
    nlt = jnp.asarray(nlt_np)
    b1r = b1.reshape(1, _D_HID)
    b2r = jnp.asarray(b2, jnp.float32).reshape(1, 1)
    tmpr = jnp.asarray(tmp, jnp.float32).reshape(1, 1)

    nl_sc = jnp.asarray(nl_np[:_SC_ROWS])
    nlt_sc = jnp.asarray(nlt_np[:_SC_ROWS])

    ab, bb, abt, bbt, aux = _prep(embed, W1, b1r, b2r, tmpr)

    w2f = W2.reshape(_D_HID)

    out_sc = _sc_pair(ab, bb, abt, bbt, w2f, aux, adj, nl_sc, nlt_sc)
    out_tc = _tc_pair(embed, W1, b1r, W2, b2r, tmpr, adj, nl, nlt)
    return lax.dynamic_update_slice(out_tc, out_sc, (0, 0))

# --- scband reference (transcript-rebuilt; emitter-appended) ---
"""Pipeline reference for scband-explain-module-89739046683412 (READ-ONLY COPY).

The authoritative reference and input builder live on the scoring server;
editing this copy changes nothing except your own understanding.
"""

import jax, jax.numpy as jnp
import numpy as np

N = 512
D_EMB = 64
D_X = 128
D_HID = 64

def setup_inputs(seed: int = 0) -> dict:
    key = jax.random.key(seed)
    k1, k2, k3, k4, k5, k6 = jax.random.split(key, 6)
    x = jax.random.normal(k1, (N, D_X), dtype=jnp.float32)
    embed = jax.random.normal(k2, (N, D_EMB), dtype=jnp.float32)
    adj = jax.random.uniform(k3, (N, N), dtype=jnp.float32)
    # learned explainer MLP params: Linear(2*D_EMB -> 64) -> ReLU -> Linear(64 -> 1)
    W1 = jax.random.normal(k4, (2 * D_EMB, D_HID), dtype=jnp.float32) * (1.0 / np.sqrt(2 * D_EMB))
    b1 = jnp.zeros((D_HID,), dtype=jnp.float32)
    W2 = jax.random.normal(k5, (D_HID, 1), dtype=jnp.float32) * (1.0 / np.sqrt(D_HID))
    b2 = jnp.zeros((1,), dtype=jnp.float32)
    label = jax.random.randint(k6, (N,), 0, 7)
    return {"x": x, "embed": embed, "adj": adj, "W1": W1, "b1": b1, "W2": W2, "b2": b2, "tmp": 1, "label": label, "sub_nodes": N}

def reference(x, embed, adj, W1, b1, W2, b2, tmp, label, sub_nodes):
    # node_idx=None, training=True, args.gumbel=False, boundary_c=0, inverse_boundary_c=0 path
    n = embed.shape[0]
    rc = jnp.arange(n)
    row = jnp.repeat(rc, n)   # reshape(rc.T, [-1])
    col = jnp.tile(rc, n)     # reshape(rc, [-1])
    # gather pair embeddings (SparseCore gather)
    f1 = jnp.take(embed, row, axis=0)
    f2 = jnp.take(embed, col, axis=0)
    h = jnp.concatenate([f1, f2], axis=-1)
    # elayers: Linear -> ReLU -> Linear
    h = jax.nn.relu(h @ W1 + b1)
    h = h @ W2 + b2
    values = jnp.reshape(h, [-1])
    # concrete_sample with sample_bias=0, beta=tmp, training=True
    noise = jax.random.uniform(jax.random.key(42), values.shape, minval=1e-6, maxval=1.0 - 1e-6)
    gate_inputs = (jnp.log(noise) - jnp.log(1.0 - noise) + values) / jnp.asarray(tmp, dtype=jnp.float32)
    gate = jax.nn.sigmoid(gate_inputs)
    # sparse coo -> coalesce -> dense  ==  scatter-overwrite on full index grid
    sym_mask = jnp.zeros((n, n), dtype=jnp.float32).at[row, col].set(gate)
    sym_mask = (sym_mask + sym_mask.T) / 2.0
    masked_adj = adj * sym_mask
    return masked_adj

if __name__ == "__main__":
    import jax
    _d = setup_inputs()
    print(jax.jit(kernel)(*tuple(_d.values())))

</pallas_src>

<mosaic_0001>
#map = affine_map<(d0, d1) -> (0, 0)>
#map1 = affine_map<(d0, d1) -> (0)>
module attributes {stable_mosaic.version = 14 : i64} {
  func.func @_sc_pair(%arg0: i32, %arg1: i32, %arg2: memref<128x64xf32, #tpu.memory_space<hbm>>, %arg3: memref<128x64xf32, #tpu.memory_space<hbm>>, %arg4: memref<64x512xf32, #tpu.memory_space<hbm>>, %arg5: memref<64x512xf32, #tpu.memory_space<hbm>>, %arg6: memref<64xf32, #tpu.memory_space<hbm>>, %arg7: memref<2x16xf32, #tpu.memory_space<hbm>>, %arg8: memref<512x512xf32, #tpu.memory_space<hbm>>, %arg9: memref<128x512xf32, #tpu.memory_space<hbm>>, %arg10: memref<128x512xf32, #tpu.memory_space<hbm>>, %arg11: memref<128x512xf32, #tpu.memory_space<hbm>>, %arg12: memref<4x64xf32, #tpu.memory_space<vmem>>, %arg13: memref<4x64xf32, #tpu.memory_space<vmem>>, %arg14: memref<64x512xf32, #tpu.memory_space<vmem>>, %arg15: memref<64x512xf32, #tpu.memory_space<vmem>>, %arg16: memref<64xf32, #tpu.memory_space<vmem>>, %arg17: memref<2x16xf32, #tpu.memory_space<vmem>>, %arg18: memref<4x512xf32, #tpu.memory_space<vmem>>, %arg19: memref<4x512xf32, #tpu.memory_space<vmem>>, %arg20: memref<4x512xf32, #tpu.memory_space<vmem>>, %arg21: memref<4x512xf32, #tpu.memory_space<vmem>>, %arg22: memref<4x512xf32, #tpu.memory_space<vmem>>) attributes {dimension_semantics = [#tpu.dimension_semantics<core_parallel>, #tpu.dimension_semantics<subcore_parallel>], iteration_bounds = array<i64: 2, 16>, scalar_prefetch = 0 : i64, scratch_operands = 11 : i64, tpu.core_type = #tpu.core_type<sc_vector_subcore>, window_params = [{transform_indices = #map}, {transform_indices = #map}, {transform_indices = #map}, {transform_indices = #map}, {transform_indices = #map1}, {transform_indices = #map}, {transform_indices = #map}, {transform_indices = #map}, {transform_indices = #map}, {transform_indices = #map}]} {
    %mul3A = arith.constant 2 : i32
    %mul3A_0 = arith.muli %arg1, %mul3A : i32
    %add3A = arith.addi %mul3A_0, %arg0 : i32
    %mul3A_1 = arith.constant 4 : i32
    %mul3A_2 = arith.muli %add3A, %mul3A_1 : i32
    "tpu.region"() ({
      %run_scoped3A = tpu.sem_alloc : memref<!tpu.dma_semaphore, #tpu.memory_space<semaphore_mem>>
      %dma_start3A = arith.constant 0 : i32
      %dma_start3A_38 = tpu.memref_slice %arg2[%mul3A_2, %dma_start3A] : memref<128x64xf32, #tpu.memory_space<hbm>> -> memref<4x64xf32, #tpu.memory_space<hbm>>
      %dma_start3A_39 = arith.constant 0 : i32
      %dma_start3A_40 = tpu.memref_slice %arg2[%mul3A_2, %dma_start3A_39] : memref<128x64xf32, #tpu.memory_space<hbm>> -> memref<4x64xf32, #tpu.memory_space<hbm>>
      tpu.enqueue_dma source(%dma_start3A_40 : memref<4x64xf32, #tpu.memory_space<hbm>>) target(%arg12 : memref<4x64xf32, #tpu.memory_space<vmem>>) target_semaphore(%run_scoped3A : memref<!tpu.dma_semaphore, #tpu.memory_space<semaphore_mem>>)
      %dma_wait3A = arith.constant 0 : i32
      %dma_wait3A_41 = tpu.memref_slice %arg2[%mul3A_2, %dma_wait3A] : memref<128x64xf32, #tpu.memory_space<hbm>> -> memref<4x64xf32, #tpu.memory_space<hbm>>
      %dma_wait3A_42 = arith.constant 0 : i32
      %dma_wait3A_43 = tpu.memref_slice %arg2[%mul3A_2, %dma_wait3A_42] : memref<128x64xf32, #tpu.memory_space<hbm>> -> memref<4x64xf32, #tpu.memory_space<hbm>>
      tpu.wait_dma2 semaphore(%run_scoped3A : memref<!tpu.dma_semaphore, #tpu.memory_space<semaphore_mem>>) src(%dma_wait3A_43 : memref<4x64xf32, #tpu.memory_space<hbm>>) dst(%arg12 : memref<4x64xf32, #tpu.memory_space<vmem>>)
      tpu.yield
    }) : () -> ()
    "tpu.region"() ({
      %run_scoped3A = tpu.sem_alloc : memref<!tpu.dma_semaphore, #tpu.memory_space<semaphore_mem>>
      %dma_start3A = arith.constant 0 : i32
      %dma_start3A_38 = tpu.memref_slice %arg3[%mul3A_2, %dma_start3A] : memref<128x64xf32, #tpu.memory_space<hbm>> -> memref<4x64xf32, #tpu.memory_space<hbm>>
      %dma_start3A_39 = arith.constant 0 : i32
      %dma_start3A_40 = tpu.memref_slice %arg3[%mul3A_2, %dma_start3A_39] : memref<128x64xf32, #tpu.memory_space<hbm>> -> memref<4x64xf32, #tpu.memory_space<hbm>>
      tpu.enqueue_dma source(%dma_start3A_40 : memref<4x64xf32, #tpu.memory_space<hbm>>) target(%arg13 : memref<4x64xf32, #tpu.memory_space<vmem>>) target_semaphore(%run_scoped3A : memref<!tpu.dma_semaphore, #tpu.memory_space<semaphore_mem>>)
      %dma_wait3A = arith.constant 0 : i32
      %dma_wait3A_41 = tpu.memref_slice %arg3[%mul3A_2, %dma_wait3A] : memref<128x64xf32, #tpu.memory_space<hbm>> -> memref<4x64xf32, #tpu.memory_space<hbm>>
      %dma_wait3A_42 = arith.constant 0 : i32
      %dma_wait3A_43 = tpu.memref_slice %arg3[%mul3A_2, %dma_wait3A_42] : memref<128x64xf32, #tpu.memory_space<hbm>> -> memref<4x64xf32, #tpu.memory_space<hbm>>
      tpu.wait_dma2 semaphore(%run_scoped3A : memref<!tpu.dma_semaphore, #tpu.memory_space<semaphore_mem>>) src(%dma_wait3A_43 : memref<4x64xf32, #tpu.memory_space<hbm>>) dst(%arg13 : memref<4x64xf32, #tpu.memory_space<vmem>>)
      tpu.yield
    }) : () -> ()
    "tpu.region"() ({
      %run_scoped3A = tpu.sem_alloc : memref<!tpu.dma_semaphore, #tpu.memory_space<semaphore_mem>>
      tpu.enqueue_dma source(%arg4 : memref<64x512xf32, #tpu.memory_space<hbm>>) target(%arg14 : memref<64x512xf32, #tpu.memory_space<vmem>>) target_semaphore(%run_scoped3A : memref<!tpu.dma_semaphore, #tpu.memory_space<semaphore_mem>>)
      tpu.wait_dma2 semaphore(%run_scoped3A : memref<!tpu.dma_semaphore, #tpu.memory_space<semaphore_mem>>) src(%arg4 : memref<64x512xf32, #tpu.memory_space<hbm>>) dst(%arg14 : memref<64x512xf32, #tpu.memory_space<vmem>>)
      tpu.yield
    }) : () -> ()
    "tpu.region"() ({
      %run_scoped3A = tpu.sem_alloc : memref<!tpu.dma_semaphore, #tpu.memory_space<semaphore_mem>>
      tpu.enqueue_dma source(%arg5 : memref<64x512xf32, #tpu.memory_space<hbm>>) target(%arg15 : memref<64x512xf32, #tpu.memory_space<vmem>>) target_semaphore(%run_scoped3A : memref<!tpu.dma_semaphore, #tpu.memory_space<semaphore_mem>>)
      tpu.wait_dma2 semaphore(%run_scoped3A : memref<!tpu.dma_semaphore, #tpu.memory_space<semaphore_mem>>) src(%arg5 : memref<64x512xf32, #tpu.memory_space<hbm>>) dst(%arg15 : memref<64x512xf32, #tpu.memory_space<vmem>>)
      tpu.yield
    }) : () -> ()
    "tpu.region"() ({
      %run_scoped3A = tpu.sem_alloc : memref<!tpu.dma_semaphore, #tpu.memory_space<semaphore_mem>>
      tpu.enqueue_dma source(%arg6 : memref<64xf32, #tpu.memory_space<hbm>>) target(%arg16 : memref<64xf32, #tpu.memory_space<vmem>>) target_semaphore(%run_scoped3A : memref<!tpu.dma_semaphore, #tpu.memory_space<semaphore_mem>>)
      tpu.wait_dma2 semaphore(%run_scoped3A : memref<!tpu.dma_semaphore, #tpu.memory_space<semaphore_mem>>) src(%arg6 : memref<64xf32, #tpu.memory_space<hbm>>) dst(%arg16 : memref<64xf32, #tpu.memory_space<vmem>>)
      tpu.yield
    }) : () -> ()
    "tpu.region"() ({
      %run_scoped3A = tpu.sem_alloc : memref<!tpu.dma_semaphore, #tpu.memory_space<semaphore_mem>>
      tpu.enqueue_dma source(%arg7 : memref<2x16xf32, #tpu.memory_space<hbm>>) target(%arg17 : memref<2x16xf32, #tpu.memory_space<vmem>>) target_semaphore(%run_scoped3A : memref<!tpu.dma_semaphore, #tpu.memory_space<semaphore_mem>>)
      tpu.wait_dma2 semaphore(%run_scoped3A : memref<!tpu.dma_semaphore, #tpu.memory_space<semaphore_mem>>) src(%arg7 : memref<2x16xf32, #tpu.memory_space<hbm>>) dst(%arg17 : memref<2x16xf32, #tpu.memory_space<vmem>>)
      tpu.yield
    }) : () -> ()
    "tpu.region"() ({
      %run_scoped3A = tpu.sem_alloc : memref<!tpu.dma_semaphore, #tpu.memory_space<semaphore_mem>>
      %dma_start3A = arith.constant 0 : i32
      %dma_start3A_38 = tpu.memref_slice %arg8[%mul3A_2, %dma_start3A] : memref<512x512xf32, #tpu.memory_space<hbm>> -> memref<4x512xf32, #tpu.memory_space<hbm>>
      %dma_start3A_39 = arith.constant 0 : i32
      %dma_start3A_40 = tpu.memref_slice %arg8[%mul3A_2, %dma_start3A_39] : memref<512x512xf32, #tpu.memory_space<hbm>> -> memref<4x512xf32, #tpu.memory_space<hbm>>
      tpu.enqueue_dma source(%dma_start3A_40 : memref<4x512xf32, #tpu.memory_space<hbm>>) target(%arg18 : memref<4x512xf32, #tpu.memory_space<vmem>>) target_semaphore(%run_scoped3A : memref<!tpu.dma_semaphore, #tpu.memory_space<semaphore_mem>>)
      %dma_wait3A = arith.constant 0 : i32
      %dma_wait3A_41 = tpu.memref_slice %arg8[%mul3A_2, %dma_wait3A] : memref<512x512xf32, #tpu.memory_space<hbm>> -> memref<4x512xf32, #tpu.memory_space<hbm>>
      %dma_wait3A_42 = arith.constant 0 : i32
      %dma_wait3A_43 = tpu.memref_slice %arg8[%mul3A_2, %dma_wait3A_42] : memref<512x512xf32, #tpu.memory_space<hbm>> -> memref<4x512xf32, #tpu.memory_space<hbm>>
      tpu.wait_dma2 semaphore(%run_scoped3A : memref<!tpu.dma_semaphore, #tpu.memory_space<semaphore_mem>>) src(%dma_wait3A_43 : memref<4x512xf32, #tpu.memory_space<hbm>>) dst(%arg18 : memref<4x512xf32, #tpu.memory_space<vmem>>)
      tpu.yield
    }) : () -> ()
    "tpu.region"() ({
      %run_scoped3A = tpu.sem_alloc : memref<!tpu.dma_semaphore, #tpu.memory_space<semaphore_mem>>
      %dma_start3A = arith.constant 0 : i32
      %dma_start3A_38 = tpu.memref_slice %arg9[%mul3A_2, %dma_start3A] : memref<128x512xf32, #tpu.memory_space<hbm>> -> memref<4x512xf32, #tpu.memory_space<hbm>>
      %dma_start3A_39 = arith.constant 0 : i32
      %dma_start3A_40 = tpu.memref_slice %arg9[%mul3A_2, %dma_start3A_39] : memref<128x512xf32, #tpu.memory_space<hbm>> -> memref<4x512xf32, #tpu.memory_space<hbm>>
      tpu.enqueue_dma source(%dma_start3A_40 : memref<4x512xf32, #tpu.memory_space<hbm>>) target(%arg19 : memref<4x512xf32, #tpu.memory_space<vmem>>) target_semaphore(%run_scoped3A : memref<!tpu.dma_semaphore, #tpu.memory_space<semaphore_mem>>)
      %dma_wait3A = arith.constant 0 : i32
      %dma_wait3A_41 = tpu.memref_slice %arg9[%mul3A_2, %dma_wait3A] : memref<128x512xf32, #tpu.memory_space<hbm>> -> memref<4x512xf32, #tpu.memory_space<hbm>>
      %dma_wait3A_42 = arith.constant 0 : i32
      %dma_wait3A_43 = tpu.memref_slice %arg9[%mul3A_2, %dma_wait3A_42] : memref<128x512xf32, #tpu.memory_space<hbm>> -> memref<4x512xf32, #tpu.memory_space<hbm>>
      tpu.wait_dma2 semaphore(%run_scoped3A : memref<!tpu.dma_semaphore, #tpu.memory_space<semaphore_mem>>) src(%dma_wait3A_43 : memref<4x512xf32, #tpu.memory_space<hbm>>) dst(%arg19 : memref<4x512xf32, #tpu.memory_space<vmem>>)
      tpu.yield
    }) : () -> ()
    "tpu.region"() ({
      %run_scoped3A = tpu.sem_alloc : memref<!tpu.dma_semaphore, #tpu.memory_space<semaphore_mem>>
      %dma_start3A = arith.constant 0 : i32
      %dma_start3A_38 = tpu.memref_slice %arg10[%mul3A_2, %dma_start3A] : memref<128x512xf32, #tpu.memory_space<hbm>> -> memref<4x512xf32, #tpu.memory_space<hbm>>
      %dma_start3A_39 = arith.constant 0 : i32
      %dma_start3A_40 = tpu.memref_slice %arg10[%mul3A_2, %dma_start3A_39] : memref<128x512xf32, #tpu.memory_space<hbm>> -> memref<4x512xf32, #tpu.memory_space<hbm>>
      tpu.enqueue_dma source(%dma_start3A_40 : memref<4x512xf32, #tpu.memory_space<hbm>>) target(%arg20 : memref<4x512xf32, #tpu.memory_space<vmem>>) target_semaphore(%run_scoped3A : memref<!tpu.dma_semaphore, #tpu.memory_space<semaphore_mem>>)
      %dma_wait3A = arith.constant 0 : i32
      %dma_wait3A_41 = tpu.memref_slice %arg10[%mul3A_2, %dma_wait3A] : memref<128x512xf32, #tpu.memory_space<hbm>> -> memref<4x512xf32, #tpu.memory_space<hbm>>
      %dma_wait3A_42 = arith.constant 0 : i32
      %dma_wait3A_43 = tpu.memref_slice %arg10[%mul3A_2, %dma_wait3A_42] : memref<128x512xf32, #tpu.memory_space<hbm>> -> memref<4x512xf32, #tpu.memory_space<hbm>>
      tpu.wait_dma2 semaphore(%run_scoped3A : memref<!tpu.dma_semaphore, #tpu.memory_space<semaphore_mem>>) src(%dma_wait3A_43 : memref<4x512xf32, #tpu.memory_space<hbm>>) dst(%arg20 : memref<4x512xf32, #tpu.memory_space<vmem>>)
      tpu.yield
    }) : () -> ()
    %broadcast_in_dim3A = arith.constant 0.000000e+00 : f32
    %broadcast_in_dim3A_3 = vector.broadcast %broadcast_in_dim3A : f32 to vector<16xf32>
    %scan3A = arith.constant 0 : i32
    %scan3A_4 = arith.constant 0 : i32
    %scan3A_5 = arith.constant 4 : i32
    %scan3A_6 = arith.addi %scan3A_4, %scan3A_5 : i32
    %scan3A_7 = arith.constant 1 : i32
    scf.for %scan3A_38 = %scan3A_4 to %scan3A_6 step %scan3A_7  : i32 {
      %swap3A = arith.index_cast %scan3A_38 : i32 to index
      %swap3A_39 = arith.constant 0 : index
      %swap3A_40 = tpu.vector_load %arg21[%swap3A, %swap3A_39] {strides = array<i32>} : memref<4x512xf32, #tpu.memory_space<vmem>>, vector<16xf32>,
      tpu.vector_store %arg21[%swap3A, %swap3A_39], %broadcast_in_dim3A_3 {strides = array<i32>} : memref<4x512xf32, #tpu.memory_space<vmem>>, vector<16xf32>,
      %swap3A_41 = arith.index_cast %scan3A_38 : i32 to index
      %swap3A_42 = arith.constant 0 : index
      %swap3A_43 = tpu.vector_load %arg22[%swap3A_41, %swap3A_42] {strides = array<i32>} : memref<4x512xf32, #tpu.memory_space<vmem>>, vector<16xf32>,
      tpu.vector_store %arg22[%swap3A_41, %swap3A_42], %broadcast_in_dim3A_3 {strides = array<i32>} : memref<4x512xf32, #tpu.memory_space<vmem>>, vector<16xf32>,
      %swap3A_44 = arith.index_cast %scan3A_38 : i32 to index
      %swap3A_45 = arith.constant 16 : index
      %swap3A_46 = tpu.vector_load %arg21[%swap3A_44, %swap3A_45] {strides = array<i32>} : memref<4x512xf32, #tpu.memory_space<vmem>>, vector<16xf32>,
      tpu.vector_store %arg21[%swap3A_44, %swap3A_45], %broadcast_in_dim3A_3 {strides = array<i32>} : memref<4x512xf32, #tpu.memory_space<vmem>>, vector<16xf32>,
      %swap3A_47 = arith.index_cast %scan3A_38 : i32 to index
      %swap3A_48 = arith.constant 16 : index
      %swap3A_49 = tpu.vector_load %arg22[%swap3A_47, %swap3A_48] {strides = array<i32>} : memref<4x512xf32, #tpu.memory_space<vmem>>, vector<16xf32>,
      tpu.vector_store %arg22[%swap3A_47, %swap3A_48], %broadcast_in_dim3A_3 {strides = array<i32>} : memref<4x512xf32, #tpu.memory_space<vmem>>, vector<16xf32>,
      %swap3A_50 = arith.index_cast %scan3A_38 : i32 to index
      %swap3A_51 = arith.constant 32 : index
      %swap3A_52 = tpu.vector_load %arg21[%swap3A_50, %swap3A_51] {strides = array<i32>} : memref<4x512xf32, #tpu.memory_space<vmem>>, vector<16xf32>,
      tpu.vector_store %arg21[%swap3A_50, %swap3A_51], %broadcast_in_dim3A_3 {strides = array<i32>} : memref<4x512xf32, #tpu.memory_space<vmem>>, vector<16xf32>,
      %swap3A_53 = arith.index_cast %scan3A_38 : i32 to index
      %swap3A_54 = arith.constant 32 : index
      %swap3A_55 = tpu.vector_load %arg22[%swap3A_53, %swap3A_54] {strides = array<i32>} : memref<4x512xf32, #tpu.memory_space<vmem>>, vector<16xf32>,
      tpu.vector_store %arg22[%swap3A_53, %swap3A_54], %broadcast_in_dim3A_3 {strides = array<i32>} : memref<4x512xf32, #tpu.memory_space<vmem>>, vector<16xf32>,
      %swap3A_56 = arith.index_cast %scan3A_38 : i32 to index
      %swap3A_57 = arith.constant 48 : index
      %swap3A_58 = tpu.vector_load %arg21[%swap3A_56, %swap3A_57] {strides = array<i32>} : memref<4x512xf32, #tpu.memory_space<vmem>>, vector<16xf32>,
      tpu.vector_store %arg21[%swap3A_56, %swap3A_57], %broadcast_in_dim3A_3 {strides = array<i32>} : memref<4x512xf32, #tpu.memory_space<vmem>>, vector<16xf32>,
      %swap3A_59 = arith.index_cast %scan3A_38 : i32 to index
      %swap3A_60 = arith.constant 48 : index
      %swap3A_61 = tpu.vector_load %arg22[%swap3A_59, %swap3A_60] {strides = array<i32>} : memref<4x512xf32, #tpu.memory_space<vmem>>, vector<16xf32>,
      tpu.vector_store %arg22[%swap3A_59, %swap3A_60], %broadcast_in_dim3A_3 {strides = array<i32>} : memref<4x512xf32, #tpu.memory_space<vmem>>, vector<16xf32>,
      %swap3A_62 = arith.index_cast %scan3A_38 : i32 to index
      %swap3A_63 = arith.constant 64 : index
      %swap3A_64 = tpu.vector_load %arg21[%swap3A_62, %swap3A_63] {strides = array<i32>} : memref<4x512xf32, #tpu.memory_space<vmem>>, vector<16xf32>,
      tpu.vector_store %arg21[%swap3A_62, %swap3A_63], %broadcast_in_dim3A_3 {strides = array<i32>} : memref<4x512xf32, #tpu.memory_space<vmem>>, vector<16xf32>,
      %swap3A_65 = arith.index_cast %scan3A_38 : i32 to index
      %swap3A_66 = arith.constant 64 : index
      %swap3A_67 = tpu.vector_load %arg22[%swap3A_65, %swap3A_66] {strides = array<i32>} : memref<4x512xf32, #tpu.memory_space<vmem>>, vector<16xf32>,
      tpu.vector_store %arg22[%swap3A_65, %swap3A_66], %broadcast_in_dim3A_3 {strides = array<i32>} : memref<4x512xf32, #tpu.memory_space<vmem>>, vector<16xf32>,
      %swap3A_68 = arith.index_cast %scan3A_38 : i32 to index
      %swap3A_69 = arith.constant 80 : index
      %swap3A_70 = tpu.vector_load %arg21[%swap3A_68, %swap3A_69] {strides = array<i32>} : memref<4x512xf32, #tpu.memory_space<vmem>>, vector<16xf32>,
      tpu.vector_store %arg21[%swap3A_68, %swap3A_69], %broadcast_in_dim3A_3 {strides = array<i32>} : memref<4x512xf32, #tpu.memory_space<vmem>>, vector<16xf32>,
      %swap3A_71 = arith.index_cast %scan3A_38 : i32 to index
      %swap3A_72 = arith.constant 80 : index
      %swap3A_73 = tpu.vector_load %arg22[%swap3A_71, %swap3A_72] {strides = array<i32>} : memref<4x512xf32, #tpu.memory_space<vmem>>, vector<16xf32>,
      tpu.vector_store %arg22[%swap3A_71, %swap3A_72], %broadcast_in_dim3A_3 {strides = array<i32>} : memref<4x512xf32, #tpu.memory_space<vmem>>, vector<16xf32>,
      %swap3A_74 = arith.index_cast %scan3A_38 : i32 to index
      %swap3A_75 = arith.constant 96 : index
      %swap3A_76 = tpu.vector_load %arg21[%swap3A_74, %swap3A_75] {strides = array<i32>} : memref<4x512xf32, #tpu.memory_space<vmem>>, vector<16xf32>,
      tpu.vector_store %arg21[%swap3A_74, %swap3A_75], %broadcast_in_dim3A_3 {strides = array<i32>} : memref<4x512xf32, #tpu.memory_space<vmem>>, vector<16xf32>,
      %swap3A_77 = arith.index_cast %scan3A_38 : i32 to index
      %swap3A_78 = arith.constant 96 : index
      %swap3A_79 = tpu.vector_load %arg22[%swap3A_77, %swap3A_78] {strides = array<i32>} : memref<4x512xf32, #tpu.memory_space<vmem>>, vector<16xf32>,
      tpu.vector_store %arg22[%swap3A_77, %swap3A_78], %broadcast_in_dim3A_3 {strides = array<i32>} : memref<4x512xf32, #tpu.memory_space<vmem>>, vector<16xf32>,
      %swap3A_80 = arith.index_cast %scan3A_38 : i32 to index
      %swap3A_81 = arith.constant 112 : index
      %swap3A_82 = tpu.vector_load %arg21[%swap3A_80, %swap3A_81] {strides = array<i32>} : memref<4x512xf32, #tpu.memory_space<vmem>>, vector<16xf32>,
      tpu.vector_store %arg21[%swap3A_80, %swap3A_81], %broadcast_in_dim3A_3 {strides = array<i32>} : memref<4x512xf32, #tpu.memory_space<vmem>>, vector<16xf32>,
      %swap3A_83 = arith.index_cast %scan3A_38 : i32 to index
      %swap3A_84 = arith.constant 112 : index
      %swap3A_85 = tpu.vector_load %arg22[%swap3A_83, %swap3A_84] {strides = array<i32>} : memref<4x512xf32, #tpu.memory_space<vmem>>, vector<16xf32>,
      tpu.vector_store %arg22[%swap3A_83, %swap3A_84], %broadcast_in_dim3A_3 {strides = array<i32>} : memref<4x512xf32, #tpu.memory_space<vmem>>, vector<16xf32>,
      %swap3A_86 = arith.index_cast %scan3A_38 : i32 to index
      %swap3A_87 = arith.constant 128 : index
      %swap3A_88 = tpu.vector_load %arg21[%swap3A_86, %swap3A_87] {strides = array<i32>} : memref<4x512xf32, #tpu.memory_space<vmem>>, vector<16xf32>,
      tpu.vector_store %arg21[%swap3A_86, %swap3A_87], %broadcast_in_dim3A_3 {strides = array<i32>} : memref<4x512xf32, #tpu.memory_space<vmem>>, vector<16xf32>,
      %swap3A_89 = arith.index_cast %scan3A_38 : i32 to index
      %swap3A_90 = arith.constant 128 : index
      %swap3A_91 = tpu.vector_load %arg22[%swap3A_89, %swap3A_90] {strides = array<i32>} : memref<4x512xf32, #tpu.memory_space<vmem>>, vector<16xf32>,
      tpu.vector_store %arg22[%swap3A_89, %swap3A_90], %broadcast_in_dim3A_3 {strides = array<i32>} : memref<4x512xf32, #tpu.memory_space<vmem>>, vector<16xf32>,
      %swap3A_92 = arith.index_cast %scan3A_38 : i32 to index
      %swap3A_93 = arith.constant 144 : index
      %swap3A_94 = tpu.vector_load %arg21[%swap3A_92, %swap3A_93] {strides = array<i32>} : memref<4x512xf32, #tpu.memory_space<vmem>>, vector<16xf32>,
      tpu.vector_store %arg21[%swap3A_92, %swap3A_93], %broadcast_in_dim3A_3 {strides = array<i32>} : memref<4x512xf32, #tpu.memory_space<vmem>>, vector<16xf32>,
      %swap3A_95 = arith.index_cast %scan3A_38 : i32 to index
      %swap3A_96 = arith.constant 144 : index
      %swap3A_97 = tpu.vector_load %arg22[%swap3A_95, %swap3A_96] {strides = array<i32>} : memref<4x512xf32, #tpu.memory_space<vmem>>, vector<16xf32>,
      tpu.vector_store %arg22[%swap3A_95, %swap3A_96], %broadcast_in_dim3A_3 {strides = array<i32>} : memref<4x512xf32, #tpu.memory_space<vmem>>, vector<16xf32>,
      %swap3A_98 = arith.index_cast %scan3A_38 : i32 to index
      %swap3A_99 = arith.constant 160 : index
      %swap3A_100 = tpu.vector_load %arg21[%swap3A_98, %swap3A_99] {strides = array<i32>} : memref<4x512xf32, #tpu.memory_space<vmem>>, vector<16xf32>,
      tpu.vector_store %arg21[%swap3A_98, %swap3A_99], %broadcast_in_dim3A_3 {strides = array<i32>} : memref<4x512xf32, #tpu.memory_space<vmem>>, vector<16xf32>,
      %swap3A_101 = arith.index_cast %scan3A_38 : i32 to index
      %swap3A_102 = arith.constant 160 : index
      %swap3A_103 = tpu.vector_load %arg22[%swap3A_101, %swap3A_102] {strides = array<i32>} : memref<4x512xf32, #tpu.memory_space<vmem>>, vector<16xf32>,
      tpu.vector_store %arg22[%swap3A_101, %swap3A_102], %broadcast_in_dim3A_3 {strides = array<i32>} : memref<4x512xf32, #tpu.memory_space<vmem>>, vector<16xf32>,
      %swap3A_104 = arith.index_cast %scan3A_38 : i32 to index
      %swap3A_105 = arith.constant 176 : index
      %swap3A_106 = tpu.vector_load %arg21[%swap3A_104, %swap3A_105] {strides = array<i32>} : memref<4x512xf32, #tpu.memory_space<vmem>>, vector<16xf32>,
      tpu.vector_store %arg21[%swap3A_104, %swap3A_105], %broadcast_in_dim3A_3 {strides = array<i32>} : memref<4x512xf32, #tpu.memory_space<vmem>>, vector<16xf32>,
      %swap3A_107 = arith.index_cast %scan3A_38 : i32 to index
      %swap3A_108 = arith.constant 176 : index
      %swap3A_109 = tpu.vector_load %arg22[%swap3A_107, %swap3A_108] {strides = array<i32>} : memref<4x512xf32, #tpu.memory_space<vmem>>, vector<16xf32>,
      tpu.vector_store %arg22[%swap3A_107, %swap3A_108], %broadcast_in_dim3A_3 {strides = array<i32>} : memref<4x512xf32, #tpu.memory_space<vmem>>, vector<16xf32>,
      %swap3A_110 = arith.index_cast %scan3A_38 : i32 to index
      %swap3A_111 = arith.constant 192 : index
      %swap3A_112 = tpu.vector_load %arg21[%swap3A_110, %swap3A_111] {strides = array<i32>} : memref<4x512xf32, #tpu.memory_space<vmem>>, vector<16xf32>,
      tpu.vector_store %arg21[%swap3A_110, %swap3A_111], %broadcast_in_dim3A_3 {strides = array<i32>} : memref<4x512xf32, #tpu.memory_space<vmem>>, vector<16xf32>,
      %swap3A_113 = arith.index_cast %scan3A_38 : i32 to index
      %swap3A_114 = arith.constant 192 : index
      %swap3A_115 = tpu.vector_load %arg22[%swap3A_113, %swap3A_114] {strides = array<i32>} : memref<4x512xf32, #tpu.memory_space<vmem>>, vector<16xf32>,
      tpu.vector_store %arg22[%swap3A_113, %swap3A_114], %broadcast_in_dim3A_3 {strides = array<i32>} : memref<4x512xf32, #tpu.memory_space<vmem>>, vector<16xf32>,
      %swap3A_116 = arith.index_cast %scan3A_38 : i32 to index
      %swap3A_117 = arith.constant 208 : index
      %swap3A_118 = tpu.vector_load %arg21[%swap3A_116, %swap3A_117] {strides = array<i32>} : memref<4x512xf32, #tpu.memory_space<vmem>>, vector<16xf32>,
      tpu.vector_store %arg21[%swap3A_116, %swap3A_117], %broadcast_in_dim3A_3 {strides = array<i32>} : memref<4x512xf32, #tpu.memory_space<vmem>>, vector<16xf32>,
      %swap3A_119 = arith.index_cast %scan3A_38 : i32 to index
      %swap3A_120 = arith.constant 208 : index
      %swap3A_121 = tpu.vector_load %arg22[%swap3A_119, %swap3A_120] {strides = array<i32>} : memref<4x512xf32, #tpu.memory_space<vmem>>, vector<16xf32>,
      tpu.vector_store %arg22[%swap3A_119, %swap3A_120], %broadcast_in_dim3A_3 {strides = array<i32>} : memref<4x512xf32, #tpu.memory_space<vmem>>, vector<16xf32>,
      %swap3A_122 = arith.index_cast %scan3A_38 : i32 to index
      %swap3A_123 = arith.constant 224 : index
      %swap3A_124 = tpu.vector_load %arg21[%swap3A_122, %swap3A_123] {strides = array<i32>} : memref<4x512xf32, #tpu.memory_space<vmem>>, vector<16xf32>,
      tpu.vector_store %arg21[%swap3A_122, %swap3A_123], %broadcast_in_dim3A_3 {strides = array<i32>} : memref<4x512xf32, #tpu.memory_space<vmem>>, vector<16xf32>,
      %swap3A_125 = arith.index_cast %scan3A_38 : i32 to index
      %swap3A_126 = arith.constant 224 : index
      %swap3A_127 = tpu.vector_load %arg22[%swap3A_125, %swap3A_126] {strides = array<i32>} : memref<4x512xf32, #tpu.memory_space<vmem>>, vector<16xf32>,
      tpu.vector_store %arg22[%swap3A_125, %swap3A_126], %broadcast_in_dim3A_3 {strides = array<i32>} : memref<4x512xf32, #tpu.memory_space<vmem>>, vector<16xf32>,
      %swap3A_128 = arith.index_cast %scan3A_38 : i32 to index
      %swap3A_129 = arith.constant 240 : index
      %swap3A_130 = tpu.vector_load %arg21[%swap3A_128, %swap3A_129] {strides = array<i32>} : memref<4x512xf32, #tpu.memory_space<vmem>>, vector<16xf32>,
      tpu.vector_store %arg21[%swap3A_128, %swap3A_129], %broadcast_in_dim3A_3 {strides = array<i32>} : memref<4x512xf32, #tpu.memory_space<vmem>>, vector<16xf32>,
      %swap3A_131 = arith.index_cast %scan3A_38 : i32 to index
      %swap3A_132 = arith.constant 240 : index
      %swap3A_133 = tpu.vector_load %arg22[%swap3A_131, %swap3A_132] {strides = array<i32>} : memref<4x512xf32, #tpu.memory_space<vmem>>, vector<16xf32>,
      tpu.vector_store %arg22[%swap3A_131, %swap3A_132], %broadcast_in_dim3A_3 {strides = array<i32>} : memref<4x512xf32, #tpu.memory_space<vmem>>, vector<16xf32>,
      %swap3A_134 = arith.index_cast %scan3A_38 : i32 to index
      %swap3A_135 = arith.constant 256 : index
      %swap3A_136 = tpu.vector_load %arg21[%swap3A_134, %swap3A_135] {strides = array<i32>} : memref<4x512xf32, #tpu.memory_space<vmem>>, vector<16xf32>,
      tpu.vector_store %arg21[%swap3A_134, %swap3A_135], %broadcast_in_dim3A_3 {strides = array<i32>} : memref<4x512xf32, #tpu.memory_space<vmem>>, vector<16xf32>,
      %swap3A_137 = arith.index_cast %scan3A_38 : i32 to index
      %swap3A_138 = arith.constant 256 : index
      %swap3A_139 = tpu.vector_load %arg22[%swap3A_137, %swap3A_138] {strides = array<i32>} : memref<4x512xf32, #tpu.memory_space<vmem>>, vector<16xf32>,
      tpu.vector_store %arg22[%swap3A_137, %swap3A_138], %broadcast_in_dim3A_3 {strides = array<i32>} : memref<4x512xf32, #tpu.memory_space<vmem>>, vector<16xf32>,
      %swap3A_140 = arith.index_cast %scan3A_38 : i32 to index
      %swap3A_141 = arith.constant 272 : index
      %swap3A_142 = tpu.vector_load %arg21[%swap3A_140, %swap3A_141] {strides = array<i32>} : memref<4x512xf32, #tpu.memory_space<vmem>>, vector<16xf32>,
      tpu.vector_store %arg21[%swap3A_140, %swap3A_141], %broadcast_in_dim3A_3 {strides = array<i32>} : memref<4x512xf32, #tpu.memory_space<vmem>>, vector<16xf32>,
      %swap3A_143 = arith.index_cast %scan3A_38 : i32 to index
      %swap3A_144 = arith.constant 272 : index
      %swap3A_145 = tpu.vector_load %arg22[%swap3A_143, %swap3A_144] {strides = array<i32>} : memref<4x512xf32, #tpu.memory_space<vmem>>, vector<16xf32>,
      tpu.vector_store %arg22[%swap3A_143, %swap3A_144], %broadcast_in_dim3A_3 {strides = array<i32>} : memref<4x512xf32, #tpu.memory_space<vmem>>, vector<16xf32>,
      %swap3A_146 = arith.index_cast %scan3A_38 : i32 to index
      %swap3A_147 = arith.constant 288 : index
      %swap3A_148 = tpu.vector_load %arg21[%swap3A_146, %swap3A_147] {strides = array<i32>} : memref<4x512xf32, #tpu.memory_space<vmem>>, vector<16xf32>,
      tpu.vector_store %arg21[%swap3A_146, %swap3A_147], %broadcast_in_dim3A_3 {strides = array<i32>} : memref<4x512xf32, #tpu.memory_space<vmem>>, vector<16xf32>,
      %swap3A_149 = arith.index_cast %scan3A_38 : i32 to index
      %swap3A_150 = arith.constant 288 : index
      %swap3A_151 = tpu.vector_load %arg22[%swap3A_149, %swap3A_150] {strides = array<i32>} : memref<4x512xf32, #tpu.memory_space<vmem>>, vector<16xf32>,
      tpu.vector_store %arg22[%swap3A_149, %swap3A_150], %broadcast_in_dim3A_3 {strides = array<i32>} : memref<4x512xf32, #tpu.memory_space<vmem>>, vector<16xf32>,
      %swap3A_152 = arith.index_cast %scan3A_38 : i32 to index
      %swap3A_153 = arith.constant 304 : index
      %swap3A_154 = tpu.vector_load %arg21[%swap3A_152, %swap3A_153] {strides = array<i32>} : memref<4x512xf32, #tpu.memory_space<vmem>>, vector<16xf32>,
      tpu.vector_store %arg21[%swap3A_152, %swap3A_153], %broadcast_in_dim3A_3 {strides = array<i32>} : memref<4x512xf32, #tpu.memory_space<vmem>>, vector<16xf32>,
      %swap3A_155 = arith.index_cast %scan3A_38 : i32 to index
      %swap3A_156 = arith.constant 304 : index
      %swap3A_157 = tpu.vector_load %arg22[%swap3A_155, %swap3A_156] {strides = array<i32>} : memref<4x512xf32, #tpu.memory_space<vmem>>, vector<16xf32>,
      tpu.vector_store %arg22[%swap3A_155, %swap3A_156], %broadcast_in_dim3A_3 {strides = array<i32>} : memref<4x512xf32, #tpu.memory_space<vmem>>, vector<16xf32>,
      %swap3A_158 = arith.index_cast %scan3A_38 : i32 to index
      %swap3A_159 = arith.constant 320 : index
      %swap3A_160 = tpu.vector_load %arg21[%swap3A_158, %swap3A_159] {strides = array<i32>} : memref<4x512xf32, #tpu.memory_space<vmem>>, vector<16xf32>,
      tpu.vector_store %arg21[%swap3A_158, %swap3A_159], %broadcast_in_dim3A_3 {strides = array<i32>} : memref<4x512xf32, #tpu.memory_space<vmem>>, vector<16xf32>,
      %swap3A_161 = arith.index_cast %scan3A_38 : i32 to index
      %swap3A_162 = arith.constant 320 : index
      %swap3A_163 = tpu.vector_load %arg22[%swap3A_161, %swap3A_162] {strides = array<i32>} : memref<4x512xf32, #tpu.memory_space<vmem>>, vector<16xf32>,
      tpu.vector_store %arg22[%swap3A_161, %swap3A_162], %broadcast_in_dim3A_3 {strides = array<i32>} : memref<4x512xf32, #tpu.memory_space<vmem>>, vector<16xf32>,
      %swap3A_164 = arith.index_cast %scan3A_38 : i32 to index
      %swap3A_165 = arith.constant 336 : index
      %swap3A_166 = tpu.vector_load %arg21[%swap3A_164, %swap3A_165] {strides = array<i32>} : memref<4x512xf32, #tpu.memory_space<vmem>>, vector<16xf32>,
      tpu.vector_store %arg21[%swap3A_164, %swap3A_165], %broadcast_in_dim3A_3 {strides = array<i32>} : memref<4x512xf32, #tpu.memory_space<vmem>>, vector<16xf32>,
      %swap3A_167 = arith.index_cast %scan3A_38 : i32 to index
      %swap3A_168 = arith.constant 336 : index
      %swap3A_169 = tpu.vector_load %arg22[%swap3A_167, %swap3A_168] {strides = array<i32>} : memref<4x512xf32, #tpu.memory_space<vmem>>, vector<16xf32>,
      tpu.vector_store %arg22[%swap3A_167, %swap3A_168], %broadcast_in_dim3A_3 {strides = array<i32>} : memref<4x512xf32, #tpu.memory_space<vmem>>, vector<16xf32>,
      %swap3A_170 = arith.index_cast %scan3A_38 : i32 to index
      %swap3A_171 = arith.constant 352 : index
      %swap3A_172 = tpu.vector_load %arg21[%swap3A_170, %swap3A_171] {strides = array<i32>} : memref<4x512xf32, #tpu.memory_space<vmem>>, vector<16xf32>,
      tpu.vector_store %arg21[%swap3A_170, %swap3A_171], %broadcast_in_dim3A_3 {strides = array<i32>} : memref<4x512xf32, #tpu.memory_space<vmem>>, vector<16xf32>,
      %swap3A_173 = arith.index_cast %scan3A_38 : i32 to index
      %swap3A_174 = arith.constant 352 : index
      %swap3A_175 = tpu.vector_load %arg22[%swap3A_173, %swap3A_174] {strides = array<i32>} : memref<4x512xf32, #tpu.memory_space<vmem>>, vector<16xf32>,
      tpu.vector_store %arg22[%swap3A_173, %swap3A_174], %broadcast_in_dim3A_3 {strides = array<i32>} : memref<4x512xf32, #tpu.memory_space<vmem>>, vector<16xf32>,
      %swap3A_176 = arith.index_cast %scan3A_38 : i32 to index
      %swap3A_177 = arith.constant 368 : index
      %swap3A_178 = tpu.vector_load %arg21[%swap3A_176, %swap3A_177] {strides = array<i32>} : memref<4x512xf32, #tpu.memory_space<vmem>>, vector<16xf32>,
      tpu.vector_store %arg21[%swap3A_176, %swap3A_177], %broadcast_in_dim3A_3 {strides = array<i32>} : memref<4x512xf32, #tpu.memory_space<vmem>>, vector<16xf32>,
      %swap3A_179 = arith.index_cast %scan3A_38 : i32 to index
      %swap3A_180 = arith.constant 368 : index
      %swap3A_181 = tpu.vector_load %arg22[%swap3A_179, %swap3A_180] {strides = array<i32>} : memref<4x512xf32, #tpu.memory_space<vmem>>, vector<16xf32>,
      tpu.vector_store %arg22[%swap3A_179, %swap3A_180], %broadcast_in_dim3A_3 {strides = array<i32>} : memref<4x512xf32, #tpu.memory_space<vmem>>, vector<16xf32>,
      %swap3A_182 = arith.index_cast %scan3A_38 : i32 to index
      %swap3A_183 = arith.constant 384 : index
      %swap3A_184 = tpu.vector_load %arg21[%swap3A_182, %swap3A_183] {strides = array<i32>} : memref<4x512xf32, #tpu.memory_space<vmem>>, vector<16xf32>,
      tpu.vector_store %arg21[%swap3A_182, %swap3A_183], %broadcast_in_dim3A_3 {strides = array<i32>} : memref<4x512xf32, #tpu.memory_space<vmem>>, vector<16xf32>,
      %swap3A_185 = arith.index_cast %scan3A_38 : i32 to index
      %swap3A_186 = arith.constant 384 : index
      %swap3A_187 = tpu.vector_load %arg22[%swap3A_185, %swap3A_186] {strides = array<i32>} : memref<4x512xf32, #tpu.memory_space<vmem>>, vector<16xf32>,
      tpu.vector_store %arg22[%swap3A_185, %swap3A_186], %broadcast_in_dim3A_3 {strides = array<i32>} : memref<4x512xf32, #tpu.memory_space<vmem>>, vector<16xf32>,
      %swap3A_188 = arith.index_cast %scan3A_38 : i32 to index
      %swap3A_189 = arith.constant 400 : index
      %swap3A_190 = tpu.vector_load %arg21[%swap3A_188, %swap3A_189] {strides = array<i32>} : memref<4x512xf32, #tpu.memory_space<vmem>>, vector<16xf32>,
      tpu.vector_store %arg21[%swap3A_188, %swap3A_189], %broadcast_in_dim3A_3 {strides = array<i32>} : memref<4x512xf32, #tpu.memory_space<vmem>>, vector<16xf32>,
      %swap3A_191 = arith.index_cast %scan3A_38 : i32 to index
      %swap3A_192 = arith.constant 400 : index
      %swap3A_193 = tpu.vector_load %arg22[%swap3A_191, %swap3A_192] {strides = array<i32>} : memref<4x512xf32, #tpu.memory_space<vmem>>, vector<16xf32>,
      tpu.vector_store %arg22[%swap3A_191, %swap3A_192], %broadcast_in_dim3A_3 {strides = array<i32>} : memref<4x512xf32, #tpu.memory_space<vmem>>, vector<16xf32>,
      %swap3A_194 = arith.index_cast %scan3A_38 : i32 to index
      %swap3A_195 = arith.constant 416 : index
      %swap3A_196 = tpu.vector_load %arg21[%swap3A_194, %swap3A_195] {strides = array<i32>} : memref<4x512xf32, #tpu.memory_space<vmem>>, vector<16xf32>,
      tpu.vector_store %arg21[%swap3A_194, %swap3A_195], %broadcast_in_dim3A_3 {strides = array<i32>} : memref<4x512xf32, #tpu.memory_space<vmem>>, vector<16xf32>,
      %swap3A_197 = arith.index_cast %scan3A_38 : i32 to index
      %swap3A_198 = arith.constant 416 : index
      %swap3A_199 = tpu.vector_load %arg22[%swap3A_197, %swap3A_198] {strides = array<i32>} : memref<4x512xf32, #tpu.memory_space<vmem>>, vector<16xf32>,
      tpu.vector_store %arg22[%swap3A_197, %swap3A_198], %broadcast_in_dim3A_3 {strides = array<i32>} : memref<4x512xf32, #tpu.memory_space<vmem>>, vector<16xf32>,
      %swap3A_200 = arith.index_cast %scan3A_38 : i32 to index
      %swap3A_201 = arith.constant 432 : index
      %swap3A_202 = tpu.vector_load %arg21[%swap3A_200, %swap3A_201] {strides = array<i32>} : memref<4x512xf32, #tpu.memory_space<vmem>>, vector<16xf32>,
      tpu.vector_store %arg21[%swap3A_200, %swap3A_201], %broadcast_in_dim3A_3 {strides = array<i32>} : memref<4x512xf32, #tpu.memory_space<vmem>>, vector<16xf32>,
      %swap3A_203 = arith.index_cast %scan3A_38 : i32 to index
      %swap3A_204 = arith.constant 432 : index
      %swap3A_205 = tpu.vector_load %arg22[%swap3A_203, %swap3A_204] {strides = array<i32>} : memref<4x512xf32, #tpu.memory_space<vmem>>, vector<16xf32>,
      tpu.vector_store %arg22[%swap3A_203, %swap3A_204], %broadcast_in_dim3A_3 {strides = array<i32>} : memref<4x512xf32, #tpu.memory_space<vmem>>, vector<16xf32>,
      %swap3A_206 = arith.index_cast %scan3A_38 : i32 to index
      %swap3A_207 = arith.constant 448 : index
      %swap3A_208 = tpu.vector_load %arg21[%swap3A_206, %swap3A_207] {strides = array<i32>} : memref<4x512xf32, #tpu.memory_space<vmem>>, vector<16xf32>,
      tpu.vector_store %arg21[%swap3A_206, %swap3A_207], %broadcast_in_dim3A_3 {strides = array<i32>} : memref<4x512xf32, #tpu.memory_space<vmem>>, vector<16xf32>,
      %swap3A_209 = arith.index_cast %scan3A_38 : i32 to index
      %swap3A_210 = arith.constant 448 : index
      %swap3A_211 = tpu.vector_load %arg22[%swap3A_209, %swap3A_210] {strides = array<i32>} : memref<4x512xf32, #tpu.memory_space<vmem>>, vector<16xf32>,
      tpu.vector_store %arg22[%swap3A_209, %swap3A_210], %broadcast_in_dim3A_3 {strides = array<i32>} : memref<4x512xf32, #tpu.memory_space<vmem>>, vector<16xf32>,
      %swap3A_212 = arith.index_cast %scan3A_38 : i32 to index
      %swap3A_213 = arith.constant 464 : index
      %swap3A_214 = tpu.vector_load %arg21[%swap3A_212, %swap3A_213] {strides = array<i32>} : memref<4x512xf32, #tpu.memory_space<vmem>>, vector<16xf32>,
      tpu.vector_store %arg21[%swap3A_212, %swap3A_213], %broadcast_in_dim3A_3 {strides = array<i32>} : memref<4x512xf32, #tpu.memory_space<vmem>>, vector<16xf32>,
      %swap3A_215 = arith.index_cast %scan3A_38 : i32 to index
      %swap3A_216 = arith.constant 464 : index
      %swap3A_217 = tpu.vector_load %arg22[%swap3A_215, %swap3A_216] {strides = array<i32>} : memref<4x512xf32, #tpu.memory_space<vmem>>, vector<16xf32>,
      tpu.vector_store %arg22[%swap3A_215, %swap3A_216], %broadcast_in_dim3A_3 {strides = array<i32>} : memref<4x512xf32, #tpu.memory_space<vmem>>, vector<16xf32>,
      %swap3A_218 = arith.index_cast %scan3A_38 : i32 to index
      %swap3A_219 = arith.constant 480 : index
      %swap3A_220 = tpu.vector_load %arg21[%swap3A_218, %swap3A_219] {strides = array<i32>} : memref<4x512xf32, #tpu.memory_space<vmem>>, vector<16xf32>,
      tpu.vector_store %arg21[%swap3A_218, %swap3A_219], %broadcast_in_dim3A_3 {strides = array<i32>} : memref<4x512xf32, #tpu.memory_space<vmem>>, vector<16xf32>,
      %swap3A_221 = arith.index_cast %scan3A_38 : i32 to index
      %swap3A_222 = arith.constant 480 : index
      %swap3A_223 = tpu.vector_load %arg22[%swap3A_221, %swap3A_222] {strides = array<i32>} : memref<4x512xf32, #tpu.memory_space<vmem>>, vector<16xf32>,
      tpu.vector_store %arg22[%swap3A_221, %swap3A_222], %broadcast_in_dim3A_3 {strides = array<i32>} : memref<4x512xf32, #tpu.memory_space<vmem>>, vector<16xf32>,
      %swap3A_224 = arith.index_cast %scan3A_38 : i32 to index
      %swap3A_225 = arith.constant 496 : index
      %swap3A_226 = tpu.vector_load %arg21[%swap3A_224, %swap3A_225] {strides = array<i32>} : memref<4x512xf32, #tpu.memory_space<vmem>>, vector<16xf32>,
      tpu.vector_store %arg21[%swap3A_224, %swap3A_225], %broadcast_in_dim3A_3 {strides = array<i32>} : memref<4x512xf32, #tpu.memory_space<vmem>>, vector<16xf32>,
      %swap3A_227 = arith.index_cast %scan3A_38 : i32 to index
      %swap3A_228 = arith.constant 496 : index
      %swap3A_229 = tpu.vector_load %arg22[%swap3A_227, %swap3A_228] {strides = array<i32>} : memref<4x512xf32, #tpu.memory_space<vmem>>, vector<16xf32>,
      tpu.vector_store %arg22[%swap3A_227, %swap3A_228], %broadcast_in_dim3A_3 {strides = array<i32>} : memref<4x512xf32, #tpu.memory_space<vmem>>, vector<16xf32>,
    }
    %scan3A_8 = arith.constant 4 : i32
    %scan3A_9 = arith.constant 0 : i32
    %scan3A_10 = arith.constant 0 : i32
    %scan3A_11 = arith.constant 64 : i32
    %scan3A_12 = arith.addi %scan3A_10, %scan3A_11 : i32
    %scan3A_13 = arith.constant 1 : i32
    scf.for %scan3A_38 = %scan3A_10 to %scan3A_12 step %scan3A_13  : i32 {
      %broadcast_in_dim3A_39 = vector.broadcast %scan3A_38 : i32 to vector<16xi32>
      %gather3A = tpu.vector_load_idx %arg16[%broadcast_in_dim3A_39] : memref<64xf32, #tpu.memory_space<vmem>>[vector<16xi32>], vector<16xf32>,
      %get3A_40 = arith.index_cast %scan3A_38 : i32 to index
      %get3A_41 = arith.constant 0 : index
      %get3A_42 = tpu.vector_load %arg15[%get3A_40, %get3A_41] {strides = array<i32>} : memref<64x512xf32, #tpu.memory_space<vmem>>, vector<16xf32>,
      %get3A_43 = arith.index_cast %scan3A_38 : i32 to index
      %get3A_44 = arith.constant 16 : index
      %get3A_45 = tpu.vector_load %arg15[%get3A_43, %get3A_44] {strides = array<i32>} : memref<64x512xf32, #tpu.memory_space<vmem>>, vector<16xf32>,
      %get3A_46 = arith.index_cast %scan3A_38 : i32 to index
      %get3A_47 = arith.constant 32 : index
      %get3A_48 = tpu.vector_load %arg15[%get3A_46, %get3A_47] {strides = array<i32>} : memref<64x512xf32, #tpu.memory_space<vmem>>, vector<16xf32>,
      %get3A_49 = arith.index_cast %scan3A_38 : i32 to index
      %get3A_50 = arith.constant 48 : index
      %get3A_51 = tpu.vector_load %arg15[%get3A_49, %get3A_50] {strides = array<i32>} : memref<64x512xf32, #tpu.memory_space<vmem>>, vector<16xf32>,
      %get3A_52 = arith.index_cast %scan3A_38 : i32 to index
      %get3A_53 = arith.constant 64 : index
      %get3A_54 = tpu.vector_load %arg15[%get3A_52, %get3A_53] {strides = array<i32>} : memref<64x512xf32, #tpu.memory_space<vmem>>, vector<16xf32>,
      %get3A_55 = arith.index_cast %scan3A_38 : i32 to index
      %get3A_56 = arith.constant 80 : index
      %get3A_57 = tpu.vector_load %arg15[%get3A_55, %get3A_56] {strides = array<i32>} : memref<64x512xf32, #tpu.memory_space<vmem>>, vector<16xf32>,
      %get3A_58 = arith.index_cast %scan3A_38 : i32 to index
      %get3A_59 = arith.constant 96 : index
      %get3A_60 = tpu.vector_load %arg15[%get3A_58, %get3A_59] {strides = array<i32>} : memref<64x512xf32, #tpu.memory_space<vmem>>, vector<16xf32>,
      %get3A_61 = arith.index_cast %scan3A_38 : i32 to index
      %get3A_62 = arith.constant 112 : index
      %get3A_63 = tpu.vector_load %arg15[%get3A_61, %get3A_62] {strides = array<i32>} : memref<64x512xf32, #tpu.memory_space<vmem>>, vector<16xf32>,
      %get3A_64 = arith.index_cast %scan3A_38 : i32 to index
      %get3A_65 = arith.constant 128 : index
      %get3A_66 = tpu.vector_load %arg15[%get3A_64, %get3A_65] {strides = array<i32>} : memref<64x512xf32, #tpu.memory_space<vmem>>, vector<16xf32>,
      %get3A_67 = arith.index_cast %scan3A_38 : i32 to index
      %get3A_68 = arith.constant 144 : index
      %get3A_69 = tpu.vector_load %arg15[%get3A_67, %get3A_68] {strides = array<i32>} : memref<64x512xf32, #tpu.memory_space<vmem>>, vector<16xf32>,
      %get3A_70 = arith.index_cast %scan3A_38 : i32 to index
      %get3A_71 = arith.constant 160 : index
      %get3A_72 = tpu.vector_load %arg15[%get3A_70, %get3A_71] {strides = array<i32>} : memref<64x512xf32, #tpu.memory_space<vmem>>, vector<16xf32>,
      %get3A_73 = arith.index_cast %scan3A_38 : i32 to index
      %get3A_74 = arith.constant 176 : index
      %get3A_75 = tpu.vector_load %arg15[%get3A_73, %get3A_74] {strides = array<i32>} : memref<64x512xf32, #tpu.memory_space<vmem>>, vector<16xf32>,
      %get3A_76 = arith.index_cast %scan3A_38 : i32 to index
      %get3A_77 = arith.constant 192 : index
      %get3A_78 = tpu.vector_load %arg15[%get3A_76, %get3A_77] {strides = array<i32>} : memref<64x512xf32, #tpu.memory_space<vmem>>, vector<16xf32>,
      %get3A_79 = arith.index_cast %scan3A_38 : i32 to index
      %get3A_80 = arith.constant 208 : index
      %get3A_81 = tpu.vector_load %arg15[%get3A_79, %get3A_80] {strides = array<i32>} : memref<64x512xf32, #tpu.memory_space<vmem>>, vector<16xf32>,
      %get3A_82 = arith.index_cast %scan3A_38 : i32 to index
      %get3A_83 = arith.constant 224 : index
      %get3A_84 = tpu.vector_load %arg15[%get3A_82, %get3A_83] {strides = array<i32>} : memref<64x512xf32, #tpu.memory_space<vmem>>, vector<16xf32>,
      %get3A_85 = arith.index_cast %scan3A_38 : i32 to index
      %get3A_86 = arith.constant 240 : index
      %get3A_87 = tpu.vector_load %arg15[%get3A_85, %get3A_86] {strides = array<i32>} : memref<64x512xf32, #tpu.memory_space<vmem>>, vector<16xf32>,
      %get3A_88 = arith.index_cast %scan3A_38 : i32 to index
      %get3A_89 = arith.constant 256 : index
      %get3A_90 = tpu.vector_load %arg15[%get3A_88, %get3A_89] {strides = array<i32>} : memref<64x512xf32, #tpu.memory_space<vmem>>, vector<16xf32>,
      %get3A_91 = arith.index_cast %scan3A_38 : i32 to index
      %get3A_92 = arith.constant 272 : index
      %get3A_93 = tpu.vector_load %arg15[%get3A_91, %get3A_92] {strides = array<i32>} : memref<64x512xf32, #tpu.memory_space<vmem>>, vector<16xf32>,
      %get3A_94 = arith.index_cast %scan3A_38 : i32 to index
      %get3A_95 = arith.constant 288 : index
      %get3A_96 = tpu.vector_load %arg15[%get3A_94, %get3A_95] {strides = array<i32>} : memref<64x512xf32, #tpu.memory_space<vmem>>, vector<16xf32>,
      %get3A_97 = arith.index_cast %scan3A_38 : i32 to index
      %get3A_98 = arith.constant 304 : index
      %get3A_99 = tpu.vector_load %arg15[%get3A_97, %get3A_98] {strides = array<i32>} : memref<64x512xf32, #tpu.memory_space<vmem>>, vector<16xf32>,
      %get3A_100 = arith.index_cast %scan3A_38 : i32 to index
      %get3A_101 = arith.constant 320 : index
      %get3A_102 = tpu.vector_load %arg15[%get3A_100, %get3A_101] {strides = array<i32>} : memref<64x512xf32, #tpu.memory_space<vmem>>, vector<16xf32>,
      %get3A_103 = arith.index_cast %scan3A_38 : i32 to index
      %get3A_104 = arith.constant 336 : index
      %get3A_105 = tpu.vector_load %arg15[%get3A_103, %get3A_104] {strides = array<i32>} : memref<64x512xf32, #tpu.memory_space<vmem>>, vector<16xf32>,
      %get3A_106 = arith.index_cast %scan3A_38 : i32 to index
      %get3A_107 = arith.constant 352 : index
      %get3A_108 = tpu.vector_load %arg15[%get3A_106, %get3A_107] {strides = array<i32>} : memref<64x512xf32, #tpu.memory_space<vmem>>, vector<16xf32>,
      %get3A_109 = arith.index_cast %scan3A_38 : i32 to index
      %get3A_110 = arith.constant 368 : index
      %get3A_111 = tpu.vector_load %arg15[%get3A_109, %get3A_110] {strides = array<i32>} : memref<64x512xf32, #tpu.memory_space<vmem>>, vector<16xf32>,
      %get3A_112 = arith.index_cast %scan3A_38 : i32 to index
      %get3A_113 = arith.constant 384 : index
      %get3A_114 = tpu.vector_load %arg15[%get3A_112, %get3A_113] {strides = array<i32>} : memref<64x512xf32, #tpu.memory_space<vmem>>, vector<16xf32>,
      %get3A_115 = arith.index_cast %scan3A_38 : i32 to index
      %get3A_116 = arith.constant 400 : index
      %get3A_117 = tpu.vector_load %arg15[%get3A_115, %get3A_116] {strides = array<i32>} : memref<64x512xf32, #tpu.memory_space<vmem>>, vector<16xf32>,
      %get3A_118 = arith.index_cast %scan3A_38 : i32 to index
      %get3A_119 = arith.constant 416 : index
      %get3A_120 = tpu.vector_load %arg15[%get3A_118, %get3A_119] {strides = array<i32>} : memref<64x512xf32, #tpu.memory_space<vmem>>, vector<16xf32>,
      %get3A_121 = arith.index_cast %scan3A_38 : i32 to index
      %get3A_122 = arith.constant 432 : index
      %get3A_123 = tpu.vector_load %arg15[%get3A_121, %get3A_122] {strides = array<i32>} : memref<64x512xf32, #tpu.memory_space<vmem>>, vector<16xf32>,
      %get3A_124 = arith.index_cast %scan3A_38 : i32 to index
      %get3A_125 = arith.constant 448 : index
      %get3A_126 = tpu.vector_load %arg15[%get3A_124, %get3A_125] {strides = array<i32>} : memref<64x512xf32, #tpu.memory_space<vmem>>, vector<16xf32>,
      %get3A_127 = arith.index_cast %scan3A_38 : i32 to index
      %get3A_128 = arith.constant 464 : index
      %get3A_129 = tpu.vector_load %arg15[%get3A_127, %get3A_128] {strides = array<i32>} : memref<64x512xf32, #tpu.memory_space<vmem>>, vector<16xf32>,
      %get3A_130 = arith.index_cast %scan3A_38 : i32 to index
      %get3A_131 = arith.constant 480 : index
      %get3A_132 = tpu.vector_load %arg15[%get3A_130, %get3A_131] {strides = array<i32>} : memref<64x512xf32, #tpu.memory_space<vmem>>, vector<16xf32>,
      %get3A_133 = arith.index_cast %scan3A_38 : i32 to index
      %get3A_134 = arith.constant 496 : index
      %get3A_135 = tpu.vector_load %arg15[%get3A_133, %get3A_134] {strides = array<i32>} : memref<64x512xf32, #tpu.memory_space<vmem>>, vector<16xf32>,
      %scan3A_136 = arith.constant 0 : i32
      %scan3A_137 = arith.constant 4 : i32
      %scan3A_138 = arith.addi %scan3A_136, %scan3A_137 : i32
      %scan3A_139 = arith.constant 1 : i32
      scf.for %scan3A_141 = %scan3A_136 to %scan3A_138 step %scan3A_139  : i32 {
        %broadcast_in_dim3A_142 = vector.broadcast %scan3A_141 : i32 to vector<16xi32>
        %gather3A_143 = tpu.vector_load_idx %arg12[%broadcast_in_dim3A_142, %broadcast_in_dim3A_39] : memref<4x64xf32, #tpu.memory_space<vmem>>[vector<16xi32>, vector<16xi32>], vector<16xf32>,
        %add3A_144 = arith.addf %get3A_42, %gather3A_143 : vector<16xf32>
        %max3A = arith.constant 0.000000e+00 : f32
        %max3A_145 = vector.broadcast %max3A : f32 to vector<16xf32>
        %max3A_146 = arith.maximumf %add3A_144, %max3A_145 : vector<16xf32>
        %mul3A_147 = arith.mulf %max3A_146, %gather3A : vector<16xf32>
        %swap3A = arith.index_cast %scan3A_141 : i32 to index
        %swap3A_148 = arith.constant 0 : index
        %swap3A_149 = tpu.vector_load %arg21[%swap3A, %swap3A_148] {strides = array<i32>} : memref<4x512xf32, #tpu.memory_space<vmem>>, vector<16xf32>,
        tpu.vector_store %arg21[%swap3A, %swap3A_148], %mul3A_147 {add = true, strides = array<i32>} : memref<4x512xf32, #tpu.memory_space<vmem>>, vector<16xf32>,
        %add3A_150 = arith.addf %get3A_45, %gather3A_143 : vector<16xf32>
        %max3A_151 = arith.constant 0.000000e+00 : f32
        %max3A_152 = vector.broadcast %max3A_151 : f32 to vector<16xf32>
        %max3A_153 = arith.maximumf %add3A_150, %max3A_152 : vector<16xf32>
        %mul3A_154 = arith.mulf %max3A_153, %gather3A : vector<16xf32>
        %swap3A_155 = arith.index_cast %scan3A_141 : i32 to index
        %swap3A_156 = arith.constant 16 : index
        %swap3A_157 = tpu.vector_load %arg21[%swap3A_155, %swap3A_156] {strides = array<i32>} : memref<4x512xf32, #tpu.memory_space<vmem>>, vector<16xf32>,
        tpu.vector_store %arg21[%swap3A_155, %swap3A_156], %mul3A_154 {add = true, strides = array<i32>} : memref<4x512xf32, #tpu.memory_space<vmem>>, vector<16xf32>,
        %add3A_158 = arith.addf %get3A_48, %gather3A_143 : vector<16xf32>
        %max3A_159 = arith.constant 0.000000e+00 : f32
        %max3A_160 = vector.broadcast %max3A_159 : f32 to vector<16xf32>
        %max3A_161 = arith.maximumf %add3A_158, %max3A_160 : vector<16xf32>
        %mul3A_162 = arith.mulf %max3A_161, %gather3A : vector<16xf32>
        %swap3A_163 = arith.index_cast %scan3A_141 : i32 to index
        %swap3A_164 = arith.constant 32 : index
        %swap3A_165 = tpu.vector_load %arg21[%swap3A_163, %swap3A_164] {strides = array<i32>} : memref<4x512xf32, #tpu.memory_space<vmem>>, vector<16xf32>,
        tpu.vector_store %arg21[%swap3A_163, %swap3A_164], %mul3A_162 {add = true, strides = array<i32>} : memref<4x512xf32, #tpu.memory_space<vmem>>, vector<16xf32>,
        %add3A_166 = arith.addf %get3A_51, %gather3A_143 : vector<16xf32>
        %max3A_167 = arith.constant 0.000000e+00 : f32
        %max3A_168 = vector.broadcast %max3A_167 : f32 to vector<16xf32>
        %max3A_169 = arith.maximumf %add3A_166, %max3A_168 : vector<16xf32>
        %mul3A_170 = arith.mulf %max3A_169, %gather3A : vector<16xf32>
        %swap3A_171 = arith.index_cast %scan3A_141 : i32 to index
        %swap3A_172 = arith.constant 48 : index
        %swap3A_173 = tpu.vector_load %arg21[%swap3A_171, %swap3A_172] {strides = array<i32>} : memref<4x512xf32, #tpu.memory_space<vmem>>, vector<16xf32>,
        tpu.vector_store %arg21[%swap3A_171, %swap3A_172], %mul3A_170 {add = true, strides = array<i32>} : memref<4x512xf32, #tpu.memory_space<vmem>>, vector<16xf32>,
        %add3A_174 = arith.addf %get3A_54, %gather3A_143 : vector<16xf32>
        %max3A_175 = arith.constant 0.000000e+00 : f32
        %max3A_176 = vector.broadcast %max3A_175 : f32 to vector<16xf32>
        %max3A_177 = arith.maximumf %add3A_174, %max3A_176 : vector<16xf32>
        %mul3A_178 = arith.mulf %max3A_177, %gather3A : vector<16xf32>
        %swap3A_179 = arith.index_cast %scan3A_141 : i32 to index
        %swap3A_180 = arith.constant 64 : index
        %swap3A_181 = tpu.vector_load %arg21[%swap3A_179, %swap3A_180] {strides = array<i32>} : memref<4x512xf32, #tpu.memory_space<vmem>>, vector<16xf32>,
        tpu.vector_store %arg21[%swap3A_179, %swap3A_180], %mul3A_178 {add = true, strides = array<i32>} : memref<4x512xf32, #tpu.memory_space<vmem>>, vector<16xf32>,
        %add3A_182 = arith.addf %get3A_57, %gather3A_143 : vector<16xf32>
        %max3A_183 = arith.constant 0.000000e+00 : f32
        %max3A_184 = vector.broadcast %max3A_183 : f32 to vector<16xf32>
        %max3A_185 = arith.maximumf %add3A_182, %max3A_184 : vector<16xf32>
        %mul3A_186 = arith.mulf %max3A_185, %gather3A : vector<16xf32>
        %swap3A_187 = arith.index_cast %scan3A_141 : i32 to index
        %swap3A_188 = arith.constant 80 : index
        %swap3A_189 = tpu.vector_load %arg21[%swap3A_187, %swap3A_188] {strides = array<i32>} : memref<4x512xf32, #tpu.memory_space<vmem>>, vector<16xf32>,
        tpu.vector_store %arg21[%swap3A_187, %swap3A_188], %mul3A_186 {add = true, strides = array<i32>} : memref<4x512xf32, #tpu.memory_space<vmem>>, vector<16xf32>,
        %add3A_190 = arith.addf %get3A_60, %gather3A_143 : vector<16xf32>
        %max3A_191 = arith.constant 0.000000e+00 : f32
        %max3A_192 = vector.broadcast %max3A_191 : f32 to vector<16xf32>
        %max3A_193 = arith.maximumf %add3A_190, %max3A_192 : vector<16xf32>
        %mul3A_194 = arith.mulf %max3A_193, %gather3A : vector<16xf32>
        %swap3A_195 = arith.index_cast %scan3A_141 : i32 to index
        %swap3A_196 = arith.constant 96 : index
        %swap3A_197 = tpu.vector_load %arg21[%swap3A_195, %swap3A_196] {strides = array<i32>} : memref<4x512xf32, #tpu.memory_space<vmem>>, vector<16xf32>,
        tpu.vector_store %arg21[%swap3A_195, %swap3A_196], %mul3A_194 {add = true, strides = array<i32>} : memref<4x512xf32, #tpu.memory_space<vmem>>, vector<16xf32>,
        %add3A_198 = arith.addf %get3A_63, %gather3A_143 : vector<16xf32>
        %max3A_199 = arith.constant 0.000000e+00 : f32
        %max3A_200 = vector.broadcast %max3A_199 : f32 to vector<16xf32>
        %max3A_201 = arith.maximumf %add3A_198, %max3A_200 : vector<16xf32>
        %mul3A_202 = arith.mulf %max3A_201, %gather3A : vector<16xf32>
        %swap3A_203 = arith.index_cast %scan3A_141 : i32 to index
        %swap3A_204 = arith.constant 112 : index
        %swap3A_205 = tpu.vector_load %arg21[%swap3A_203, %swap3A_204] {strides = array<i32>} : memref<4x512xf32, #tpu.memory_space<vmem>>, vector<16xf32>,
        tpu.vector_store %arg21[%swap3A_203, %swap3A_204], %mul3A_202 {add = true, strides = array<i32>} : memref<4x512xf32, #tpu.memory_space<vmem>>, vector<16xf32>,
        %add3A_206 = arith.addf %get3A_66, %gather3A_143 : vector<16xf32>
        %max3A_207 = arith.constant 0.000000e+00 : f32
        %max3A_208 = vector.broadcast %max3A_207 : f32 to vector<16xf32>
        %max3A_209 = arith.maximumf %add3A_206, %max3A_208 : vector<16xf32>
        %mul3A_210 = arith.mulf %max3A_209, %gather3A : vector<16xf32>
        %swap3A_211 = arith.index_cast %scan3A_141 : i32 to index
        %swap3A_212 = arith.constant 128 : index
        %swap3A_213 = tpu.vector_load %arg21[%swap3A_211, %swap3A_212] {strides = array<i32>} : memref<4x512xf32, #tpu.memory_space<vmem>>, vector<16xf32>,
        tpu.vector_store %arg21[%swap3A_211, %swap3A_212], %mul3A_210 {add = true, strides = array<i32>} : memref<4x512xf32, #tpu.memory_space<vmem>>, vector<16xf32>,
        %add3A_214 = arith.addf %get3A_69, %gather3A_143 : vector<16xf32>
        %max3A_215 = arith.constant 0.000000e+00 : f32
        %max3A_216 = vector.broadcast %max3A_215 : f32 to vector<16xf32>
        %max3A_217 = arith.maximumf %add3A_214, %max3A_216 : vector<16xf32>
        %mul3A_218 = arith.mulf %max3A_217, %gather3A : vector<16xf32>
        %swap3A_219 = arith.index_cast %scan3A_141 : i32 to index
        %swap3A_220 = arith.constant 144 : index
        %swap3A_221 = tpu.vector_load %arg21[%swap3A_219, %swap3A_220] {strides = array<i32>} : memref<4x512xf32, #tpu.memory_space<vmem>>, vector<16xf32>,
        tpu.vector_store %arg21[%swap3A_219, %swap3A_220], %mul3A_218 {add = true, strides = array<i32>} : memref<4x512xf32, #tpu.memory_space<vmem>>, vector<16xf32>,
        %add3A_222 = arith.addf %get3A_72, %gather3A_143 : vector<16xf32>
        %max3A_223 = arith.constant 0.000000e+00 : f32
        %max3A_224 = vector.broadcast %max3A_223 : f32 to vector<16xf32>
        %max3A_225 = arith.maximumf %add3A_222, %max3A_224 : vector<16xf32>
        %mul3A_226 = arith.mulf %max3A_225, %gather3A : vector<16xf32>
        %swap3A_227 = arith.index_cast %scan3A_141 : i32 to index
        %swap3A_228 = arith.constant 160 : index
        %swap3A_229 = tpu.vector_load %arg21[%swap3A_227, %swap3A_228] {strides = array<i32>} : memref<4x512xf32, #tpu.memory_space<vmem>>, vector<16xf32>,
        tpu.vector_store %arg21[%swap3A_227, %swap3A_228], %mul3A_226 {add = true, strides = array<i32>} : memref<4x512xf32, #tpu.memory_space<vmem>>, vector<16xf32>,
        %add3A_230 = arith.addf %get3A_75, %gather3A_143 : vector<16xf32>
        %max3A_231 = arith.constant 0.000000e+00 : f32
        %max3A_232 = vector.broadcast %max3A_231 : f32 to vector<16xf32>
        %max3A_233 = arith.maximumf %add3A_230, %max3A_232 : vector<16xf32>
        %mul3A_234 = arith.mulf %max3A_233, %gather3A : vector<16xf32>
        %swap3A_235 = arith.index_cast %scan3A_141 : i32 to index
        %swap3A_236 = arith.constant 176 : index
        %swap3A_237 = tpu.vector_load %arg21[%swap3A_235, %swap3A_236] {strides = array<i32>} : memref<4x512xf32, #tpu.memory_space<vmem>>, vector<16xf32>,
        tpu.vector_store %arg21[%swap3A_235, %swap3A_236], %mul3A_234 {add = true, strides = array<i32>} : memref<4x512xf32, #tpu.memory_space<vmem>>, vector<16xf32>,
        %add3A_238 = arith.addf %get3A_78, %gather3A_143 : vector<16xf32>
        %max3A_239 = arith.constant 0.000000e+00 : f32
        %max3A_240 = vector.broadcast %max3A_239 : f32 to vector<16xf32>
        %max3A_241 = arith.maximumf %add3A_238, %max3A_240 : vector<16xf32>
        %mul3A_242 = arith.mulf %max3A_241, %gather3A : vector<16xf32>
        %swap3A_243 = arith.index_cast %scan3A_141 : i32 to index
        %swap3A_244 = arith.constant 192 : index
        %swap3A_245 = tpu.vector_load %arg21[%swap3A_243, %swap3A_244] {strides = array<i32>} : memref<4x512xf32, #tpu.memory_space<vmem>>, vector<16xf32>,
        tpu.vector_store %arg21[%swap3A_243, %swap3A_244], %mul3A_242 {add = true, strides = array<i32>} : memref<4x512xf32, #tpu.memory_space<vmem>>, vector<16xf32>,
        %add3A_246 = arith.addf %get3A_81, %gather3A_143 : vector<16xf32>
        %max3A_247 = arith.constant 0.000000e+00 : f32
        %max3A_248 = vector.broadcast %max3A_247 : f32 to vector<16xf32>
        %max3A_249 = arith.maximumf %add3A_246, %max3A_248 : vector<16xf32>
        %mul3A_250 = arith.mulf %max3A_249, %gather3A : vector<16xf32>
        %swap3A_251 = arith.index_cast %scan3A_141 : i32 to index
        %swap3A_252 = arith.constant 208 : index
        %swap3A_253 = tpu.vector_load %arg21[%swap3A_251, %swap3A_252] {strides = array<i32>} : memref<4x512xf32, #tpu.memory_space<vmem>>, vector<16xf32>,
        tpu.vector_store %arg21[%swap3A_251, %swap3A_252], %mul3A_250 {add = true, strides = array<i32>} : memref<4x512xf32, #tpu.memory_space<vmem>>, vector<16xf32>,
        %add3A_254 = arith.addf %get3A_84, %gather3A_143 : vector<16xf32>
        %max3A_255 = arith.constant 0.000000e+00 : f32
        %max3A_256 = vector.broadcast %max3A_255 : f32 to vector<16xf32>
        %max3A_257 = arith.maximumf %add3A_254, %max3A_256 : vector<16xf32>
        %mul3A_258 = arith.mulf %max3A_257, %gather3A : vector<16xf32>
        %swap3A_259 = arith.index_cast %scan3A_141 : i32 to index
        %swap3A_260 = arith.constant 224 : index
        %swap3A_261 = tpu.vector_load %arg21[%swap3A_259, %swap3A_260] {strides = array<i32>} : memref<4x512xf32, #tpu.memory_space<vmem>>, vector<16xf32>,
        tpu.vector_store %arg21[%swap3A_259, %swap3A_260], %mul3A_258 {add = true, strides = array<i32>} : memref<4x512xf32, #tpu.memory_space<vmem>>, vector<16xf32>,
        %add3A_262 = arith.addf %get3A_87, %gather3A_143 : vector<16xf32>
        %max3A_263 = arith.constant 0.000000e+00 : f32
        %max3A_264 = vector.broadcast %max3A_263 : f32 to vector<16xf32>
        %max3A_265 = arith.maximumf %add3A_262, %max3A_264 : vector<16xf32>
        %mul3A_266 = arith.mulf %max3A_265, %gather3A : vector<16xf32>
        %swap3A_267 = arith.index_cast %scan3A_141 : i32 to index
        %swap3A_268 = arith.constant 240 : index
        %swap3A_269 = tpu.vector_load %arg21[%swap3A_267, %swap3A_268] {strides = array<i32>} : memref<4x512xf32, #tpu.memory_space<vmem>>, vector<16xf32>,
        tpu.vector_store %arg21[%swap3A_267, %swap3A_268], %mul3A_266 {add = true, strides = array<i32>} : memref<4x512xf32, #tpu.memory_space<vmem>>, vector<16xf32>,
        %add3A_270 = arith.addf %get3A_90, %gather3A_143 : vector<16xf32>
        %max3A_271 = arith.constant 0.000000e+00 : f32
        %max3A_272 = vector.broadcast %max3A_271 : f32 to vector<16xf32>
        %max3A_273 = arith.maximumf %add3A_270, %max3A_272 : vector<16xf32>
        %mul3A_274 = arith.mulf %max3A_273, %gather3A : vector<16xf32>
        %swap3A_275 = arith.index_cast %scan3A_141 : i32 to index
        %swap3A_276 = arith.constant 256 : index
        %swap3A_277 = tpu.vector_load %arg21[%swap3A_275, %swap3A_276] {strides = array<i32>} : memref<4x512xf32, #tpu.memory_space<vmem>>, vector<16xf32>,
        tpu.vector_store %arg21[%swap3A_275, %swap3A_276], %mul3A_274 {add = true, strides = array<i32>} : memref<4x512xf32, #tpu.memory_space<vmem>>, vector<16xf32>,
        %add3A_278 = arith.addf %get3A_93, %gather3A_143 : vector<16xf32>
        %max3A_279 = arith.constant 0.000000e+00 : f32
        %max3A_280 = vector.broadcast %max3A_279 : f32 to vector<16xf32>
        %max3A_281 = arith.maximumf %add3A_278, %max3A_280 : vector<16xf32>
        %mul3A_282 = arith.mulf %max3A_281, %gather3A : vector<16xf32>
        %swap3A_283 = arith.index_cast %scan3A_141 : i32 to index
        %swap3A_284 = arith.constant 272 : index
        %swap3A_285 = tpu.vector_load %arg21[%swap3A_283, %swap3A_284] {strides = array<i32>} : memref<4x512xf32, #tpu.memory_space<vmem>>, vector<16xf32>,
        tpu.vector_store %arg21[%swap3A_283, %swap3A_284], %mul3A_282 {add = true, strides = array<i32>} : memref<4x512xf32, #tpu.memory_space<vmem>>, vector<16xf32>,
        %add3A_286 = arith.addf %get3A_96, %gather3A_143 : vector<16xf32>
        %max3A_287 = arith.constant 0.000000e+00 : f32
        %max3A_288 = vector.broadcast %max3A_287 : f32 to vector<16xf32>
        %max3A_289 = arith.maximumf %add3A_286, %max3A_288 : vector<16xf32>
        %mul3A_290 = arith.mulf %max3A_289, %gather3A : vector<16xf32>
        %swap3A_291 = arith.index_cast %scan3A_141 : i32 to index
        %swap3A_292 = arith.constant 288 : index
        %swap3A_293 = tpu.vector_load %arg21[%swap3A_291, %swap3A_292] {strides = array<i32>} : memref<4x512xf32, #tpu.memory_space<vmem>>, vector<16xf32>,
        tpu.vector_store %arg21[%swap3A_291, %swap3A_292], %mul3A_290 {add = true, strides = array<i32>} : memref<4x512xf32, #tpu.memory_space<vmem>>, vector<16xf32>,
        %add3A_294 = arith.addf %get3A_99, %gather3A_143 : vector<16xf32>
        %max3A_295 = arith.constant 0.000000e+00 : f32
        %max3A_296 = vector.broadcast %max3A_295 : f32 to vector<16xf32>
        %max3A_297 = arith.maximumf %add3A_294, %max3A_296 : vector<16xf32>
        %mul3A_298 = arith.mulf %max3A_297, %gather3A : vector<16xf32>
        %swap3A_299 = arith.index_cast %scan3A_141 : i32 to index
        %swap3A_300 = arith.constant 304 : index
        %swap3A_301 = tpu.vector_load %arg21[%swap3A_299, %swap3A_300] {strides = array<i32>} : memref<4x512xf32, #tpu.memory_space<vmem>>, vector<16xf32>,
        tpu.vector_store %arg21[%swap3A_299, %swap3A_300], %mul3A_298 {add = true, strides = array<i32>} : memref<4x512xf32, #tpu.memory_space<vmem>>, vector<16xf32>,
        %add3A_302 = arith.addf %get3A_102, %gather3A_143 : vector<16xf32>
        %max3A_303 = arith.constant 0.000000e+00 : f32
        %max3A_304 = vector.broadcast %max3A_303 : f32 to vector<16xf32>
        %max3A_305 = arith.maximumf %add3A_302, %max3A_304 : vector<16xf32>
        %mul3A_306 = arith.mulf %max3A_305, %gather3A : vector<16xf32>
        %swap3A_307 = arith.index_cast %scan3A_141 : i32 to index
        %swap3A_308 = arith.constant 320 : index
        %swap3A_309 = tpu.vector_load %arg21[%swap3A_307, %swap3A_308] {strides = array<i32>} : memref<4x512xf32, #tpu.memory_space<vmem>>, vector<16xf32>,
        tpu.vector_store %arg21[%swap3A_307, %swap3A_308], %mul3A_306 {add = true, strides = array<i32>} : memref<4x512xf32, #tpu.memory_space<vmem>>, vector<16xf32>,
        %add3A_310 = arith.addf %get3A_105, %gather3A_143 : vector<16xf32>
        %max3A_311 = arith.constant 0.000000e+00 : f32
        %max3A_312 = vector.broadcast %max3A_311 : f32 to vector<16xf32>
        %max3A_313 = arith.maximumf %add3A_310, %max3A_312 : vector<16xf32>
        %mul3A_314 = arith.mulf %max3A_313, %gather3A : vector<16xf32>
        %swap3A_315 = arith.index_cast %scan3A_141 : i32 to index
        %swap3A_316 = arith.constant 336 : index
        %swap3A_317 = tpu.vector_load %arg21[%swap3A_315, %swap3A_316] {strides = array<i32>} : memref<4x512xf32, #tpu.memory_space<vmem>>, vector<16xf32>,
        tpu.vector_store %arg21[%swap3A_315, %swap3A_316], %mul3A_314 {add = true, strides = array<i32>} : memref<4x512xf32, #tpu.memory_space<vmem>>, vector<16xf32>,
        %add3A_318 = arith.addf %get3A_108, %gather3A_143 : vector<16xf32>
        %max3A_319 = arith.constant 0.000000e+00 : f32
        %max3A_320 = vector.broadcast %max3A_319 : f32 to vector<16xf32>
        %max3A_321 = arith.maximumf %add3A_318, %max3A_320 : vector<16xf32>
        %mul3A_322 = arith.mulf %max3A_321, %gather3A : vector<16xf32>
        %swap3A_323 = arith.index_cast %scan3A_141 : i32 to index
        %swap3A_324 = arith.constant 352 : index
        %swap3A_325 = tpu.vector_load %arg21[%swap3A_323, %swap3A_324] {strides = array<i32>} : memref<4x512xf32, #tpu.memory_space<vmem>>, vector<16xf32>,
        tpu.vector_store %arg21[%swap3A_323, %swap3A_324], %mul3A_322 {add = true, strides = array<i32>} : memref<4x512xf32, #tpu.memory_space<vmem>>, vector<16xf32>,
        %add3A_326 = arith.addf %get3A_111, %gather3A_143 : vector<16xf32>
        %max3A_327 = arith.constant 0.000000e+00 : f32
        %max3A_328 = vector.broadcast %max3A_327 : f32 to vector<16xf32>
        %max3A_329 = arith.maximumf %add3A_326, %max3A_328 : vector<16xf32>
        %mul3A_330 = arith.mulf %max3A_329, %gather3A : vector<16xf32>
        %swap3A_331 = arith.index_cast %scan3A_141 : i32 to index
        %swap3A_332 = arith.constant 368 : index
        %swap3A_333 = tpu.vector_load %arg21[%swap3A_331, %swap3A_332] {strides = array<i32>} : memref<4x512xf32, #tpu.memory_space<vmem>>, vector<16xf32>,
        tpu.vector_store %arg21[%swap3A_331, %swap3A_332], %mul3A_330 {add = true, strides = array<i32>} : memref<4x512xf32, #tpu.memory_space<vmem>>, vector<16xf32>,
        %add3A_334 = arith.addf %get3A_114, %gather3A_143 : vector<16xf32>
        %max3A_335 = arith.constant 0.000000e+00 : f32
        %max3A_336 = vector.broadcast %max3A_335 : f32 to vector<16xf32>
        %max3A_337 = arith.maximumf %add3A_334, %max3A_336 : vector<16xf32>
        %mul3A_338 = arith.mulf %max3A_337, %gather3A : vector<16xf32>
        %swap3A_339 = arith.index_cast %scan3A_141 : i32 to index
        %swap3A_340 = arith.constant 384 : index
        %swap3A_341 = tpu.vector_load %arg21[%swap3A_339, %swap3A_340] {strides = array<i32>} : memref<4x512xf32, #tpu.memory_space<vmem>>, vector<16xf32>,
        tpu.vector_store %arg21[%swap3A_339, %swap3A_340], %mul3A_338 {add = true, strides = array<i32>} : memref<4x512xf32, #tpu.memory_space<vmem>>, vector<16xf32>,
        %add3A_342 = arith.addf %get3A_117, %gather3A_143 : vector<16xf32>
        %max3A_343 = arith.constant 0.000000e+00 : f32
        %max3A_344 = vector.broadcast %max3A_343 : f32 to vector<16xf32>
        %max3A_345 = arith.maximumf %add3A_342, %max3A_344 : vector<16xf32>
        %mul3A_346 = arith.mulf %max3A_345, %gather3A : vector<16xf32>
        %swap3A_347 = arith.index_cast %scan3A_141 : i32 to index
        %swap3A_348 = arith.constant 400 : index
        %swap3A_349 = tpu.vector_load %arg21[%swap3A_347, %swap3A_348] {strides = array<i32>} : memref<4x512xf32, #tpu.memory_space<vmem>>, vector<16xf32>,
        tpu.vector_store %arg21[%swap3A_347, %swap3A_348], %mul3A_346 {add = true, strides = array<i32>} : memref<4x512xf32, #tpu.memory_space<vmem>>, vector<16xf32>,
        %add3A_350 = arith.addf %get3A_120, %gather3A_143 : vector<16xf32>
        %max3A_351 = arith.constant 0.000000e+00 : f32
        %max3A_352 = vector.broadcast %max3A_351 : f32 to vector<16xf32>
        %max3A_353 = arith.maximumf %add3A_350, %max3A_352 : vector<16xf32>
        %mul3A_354 = arith.mulf %max3A_353, %gather3A : vector<16xf32>
        %swap3A_355 = arith.index_cast %scan3A_141 : i32 to index
        %swap3A_356 = arith.constant 416 : index
        %swap3A_357 = tpu.vector_load %arg21[%swap3A_355, %swap3A_356] {strides = array<i32>} : memref<4x512xf32, #tpu.memory_space<vmem>>, vector<16xf32>,
        tpu.vector_store %arg21[%swap3A_355, %swap3A_356], %mul3A_354 {add = true, strides = array<i32>} : memref<4x512xf32, #tpu.memory_space<vmem>>, vector<16xf32>,
        %add3A_358 = arith.addf %get3A_123, %gather3A_143 : vector<16xf32>
        %max3A_359 = arith.constant 0.000000e+00 : f32
        %max3A_360 = vector.broadcast %max3A_359 : f32 to vector<16xf32>
        %max3A_361 = arith.maximumf %add3A_358, %max3A_360 : vector<16xf32>
        %mul3A_362 = arith.mulf %max3A_361, %gather3A : vector<16xf32>
        %swap3A_363 = arith.index_cast %scan3A_141 : i32 to index
        %swap3A_364 = arith.constant 432 : index
        %swap3A_365 = tpu.vector_load %arg21[%swap3A_363, %swap3A_364] {strides = array<i32>} : memref<4x512xf32, #tpu.memory_space<vmem>>, vector<16xf32>,
        tpu.vector_store %arg21[%swap3A_363, %swap3A_364], %mul3A_362 {add = true, strides = array<i32>} : memref<4x512xf32, #tpu.memory_space<vmem>>, vector<16xf32>,
        %add3A_366 = arith.addf %get3A_126, %gather3A_143 : vector<16xf32>
        %max3A_367 = arith.constant 0.000000e+00 : f32
        %max3A_368 = vector.broadcast %max3A_367 : f32 to vector<16xf32>
        %max3A_369 = arith.maximumf %add3A_366, %max3A_368 : vector<16xf32>
        %mul3A_370 = arith.mulf %max3A_369, %gather3A : vector<16xf32>
        %swap3A_371 = arith.index_cast %scan3A_141 : i32 to index
        %swap3A_372 = arith.constant 448 : index
        %swap3A_373 = tpu.vector_load %arg21[%swap3A_371, %swap3A_372] {strides = array<i32>} : memref<4x512xf32, #tpu.memory_space<vmem>>, vector<16xf32>,
        tpu.vector_store %arg21[%swap3A_371, %swap3A_372], %mul3A_370 {add = true, strides = array<i32>} : memref<4x512xf32, #tpu.memory_space<vmem>>, vector<16xf32>,
        %add3A_374 = arith.addf %get3A_129, %gather3A_143 : vector<16xf32>
        %max3A_375 = arith.constant 0.000000e+00 : f32
        %max3A_376 = vector.broadcast %max3A_375 : f32 to vector<16xf32>
        %max3A_377 = arith.maximumf %add3A_374, %max3A_376 : vector<16xf32>
        %mul3A_378 = arith.mulf %max3A_377, %gather3A : vector<16xf32>
        %swap3A_379 = arith.index_cast %scan3A_141 : i32 to index
        %swap3A_380 = arith.constant 464 : index
        %swap3A_381 = tpu.vector_load %arg21[%swap3A_379, %swap3A_380] {strides = array<i32>} : memref<4x512xf32, #tpu.memory_space<vmem>>, vector<16xf32>,
        tpu.vector_store %arg21[%swap3A_379, %swap3A_380], %mul3A_378 {add = true, strides = array<i32>} : memref<4x512xf32, #tpu.memory_space<vmem>>, vector<16xf32>,
        %add3A_382 = arith.addf %get3A_132, %gather3A_143 : vector<16xf32>
        %max3A_383 = arith.constant 0.000000e+00 : f32
        %max3A_384 = vector.broadcast %max3A_383 : f32 to vector<16xf32>
        %max3A_385 = arith.maximumf %add3A_382, %max3A_384 : vector<16xf32>
        %mul3A_386 = arith.mulf %max3A_385, %gather3A : vector<16xf32>
        %swap3A_387 = arith.index_cast %scan3A_141 : i32 to index
        %swap3A_388 = arith.constant 480 : index
        %swap3A_389 = tpu.vector_load %arg21[%swap3A_387, %swap3A_388] {strides = array<i32>} : memref<4x512xf32, #tpu.memory_space<vmem>>, vector<16xf32>,
        tpu.vector_store %arg21[%swap3A_387, %swap3A_388], %mul3A_386 {add = true, strides = array<i32>} : memref<4x512xf32, #tpu.memory_space<vmem>>, vector<16xf32>,
        %add3A_390 = arith.addf %get3A_135, %gather3A_143 : vector<16xf32>
        %max3A_391 = arith.constant 0.000000e+00 : f32
        %max3A_392 = vector.broadcast %max3A_391 : f32 to vector<16xf32>
        %max3A_393 = arith.maximumf %add3A_390, %max3A_392 : vector<16xf32>
        %mul3A_394 = arith.mulf %max3A_393, %gather3A : vector<16xf32>
        %swap3A_395 = arith.index_cast %scan3A_141 : i32 to index
        %swap3A_396 = arith.constant 496 : index
        %swap3A_397 = tpu.vector_load %arg21[%swap3A_395, %swap3A_396] {strides = array<i32>} : memref<4x512xf32, #tpu.memory_space<vmem>>, vector<16xf32>,
        tpu.vector_store %arg21[%swap3A_395, %swap3A_396], %mul3A_394 {add = true, strides = array<i32>} : memref<4x512xf32, #tpu.memory_space<vmem>>, vector<16xf32>,
      }
      %scan3A_140 = arith.constant 4 : i32
    }
    %scan3A_14 = arith.constant 64 : i32
    %scan3A_15 = arith.constant 0 : i32
    %scan3A_16 = arith.constant 0 : i32
    %scan3A_17 = arith.constant 64 : i32
    %scan3A_18 = arith.addi %scan3A_16, %scan3A_17 : i32
    %scan3A_19 = arith.constant 1 : i32
    scf.for %scan3A_38 = %scan3A_16 to %scan3A_18 step %scan3A_19  : i32 {
      %broadcast_in_dim3A_39 = vector.broadcast %scan3A_38 : i32 to vector<16xi32>
      %gather3A = tpu.vector_load_idx %arg16[%broadcast_in_dim3A_39] : memref<64xf32, #tpu.memory_space<vmem>>[vector<16xi32>], vector<16xf32>,
      %get3A_40 = arith.index_cast %scan3A_38 : i32 to index
      %get3A_41 = arith.constant 0 : index
      %get3A_42 = tpu.vector_load %arg14[%get3A_40, %get3A_41] {strides = array<i32>} : memref<64x512xf32, #tpu.memory_space<vmem>>, vector<16xf32>,
      %get3A_43 = arith.index_cast %scan3A_38 : i32 to index
      %get3A_44 = arith.constant 16 : index
      %get3A_45 = tpu.vector_load %arg14[%get3A_43, %get3A_44] {strides = array<i32>} : memref<64x512xf32, #tpu.memory_space<vmem>>, vector<16xf32>,
      %get3A_46 = arith.index_cast %scan3A_38 : i32 to index
      %get3A_47 = arith.constant 32 : index
      %get3A_48 = tpu.vector_load %arg14[%get3A_46, %get3A_47] {strides = array<i32>} : memref<64x512xf32, #tpu.memory_space<vmem>>, vector<16xf32>,
      %get3A_49 = arith.index_cast %scan3A_38 : i32 to index
      %get3A_50 = arith.constant 48 : index
      %get3A_51 = tpu.vector_load %arg14[%get3A_49, %get3A_50] {strides = array<i32>} : memref<64x512xf32, #tpu.memory_space<vmem>>, vector<16xf32>,
      %get3A_52 = arith.index_cast %scan3A_38 : i32 to index
      %get3A_53 = arith.constant 64 : index
      %get3A_54 = tpu.vector_load %arg14[%get3A_52, %get3A_53] {strides = array<i32>} : memref<64x512xf32, #tpu.memory_space<vmem>>, vector<16xf32>,
      %get3A_55 = arith.index_cast %scan3A_38 : i32 to index
      %get3A_56 = arith.constant 80 : index
      %get3A_57 = tpu.vector_load %arg14[%get3A_55, %get3A_56] {strides = array<i32>} : memref<64x512xf32, #tpu.memory_space<vmem>>, vector<16xf32>,
      %get3A_58 = arith.index_cast %scan3A_38 : i32 to index
      %get3A_59 = arith.constant 96 : index
      %get3A_60 = tpu.vector_load %arg14[%get3A_58, %get3A_59] {strides = array<i32>} : memref<64x512xf32, #tpu.memory_space<vmem>>, vector<16xf32>,
      %get3A_61 = arith.index_cast %scan3A_38 : i32 to index
      %get3A_62 = arith.constant 112 : index
      %get3A_63 = tpu.vector_load %arg14[%get3A_61, %get3A_62] {strides = array<i32>} : memref<64x512xf32, #tpu.memory_space<vmem>>, vector<16xf32>,
      %get3A_64 = arith.index_cast %scan3A_38 : i32 to index
      %get3A_65 = arith.constant 128 : index
      %get3A_66 = tpu.vector_load %arg14[%get3A_64, %get3A_65] {strides = array<i32>} : memref<64x512xf32, #tpu.memory_space<vmem>>, vector<16xf32>,
      %get3A_67 = arith.index_cast %scan3A_38 : i32 to index
      %get3A_68 = arith.constant 144 : index
      %get3A_69 = tpu.vector_load %arg14[%get3A_67, %get3A_68] {strides = array<i32>} : memref<64x512xf32, #tpu.memory_space<vmem>>, vector<16xf32>,
      %get3A_70 = arith.index_cast %scan3A_38 : i32 to index
      %get3A_71 = arith.constant 160 : index
      %get3A_72 = tpu.vector_load %arg14[%get3A_70, %get3A_71] {strides = array<i32>} : memref<64x512xf32, #tpu.memory_space<vmem>>, vector<16xf32>,
      %get3A_73 = arith.index_cast %scan3A_38 : i32 to index
      %get3A_74 = arith.constant 176 : index
      %get3A_75 = tpu.vector_load %arg14[%get3A_73, %get3A_74] {strides = array<i32>} : memref<64x512xf32, #tpu.memory_space<vmem>>, vector<16xf32>,
      %get3A_76 = arith.index_cast %scan3A_38 : i32 to index
      %get3A_77 = arith.constant 192 : index
      %get3A_78 = tpu.vector_load %arg14[%get3A_76, %get3A_77] {strides = array<i32>} : memref<64x512xf32, #tpu.memory_space<vmem>>, vector<16xf32>,
      %get3A_79 = arith.index_cast %scan3A_38 : i32 to index
      %get3A_80 = arith.constant 208 : index
      %get3A_81 = tpu.vector_load %arg14[%get3A_79, %get3A_80] {strides = array<i32>} : memref<64x512xf32, #tpu.memory_space<vmem>>, vector<16xf32>,
      %get3A_82 = arith.index_cast %scan3A_38 : i32 to index
      %get3A_83 = arith.constant 224 : index
      %get3A_84 = tpu.vector_load %arg14[%get3A_82, %get3A_83] {strides = array<i32>} : memref<64x512xf32, #tpu.memory_space<vmem>>, vector<16xf32>,
      %get3A_85 = arith.index_cast %scan3A_38 : i32 to index
      %get3A_86 = arith.constant 240 : index
      %get3A_87 = tpu.vector_load %arg14[%get3A_85, %get3A_86] {strides = array<i32>} : memref<64x512xf32, #tpu.memory_space<vmem>>, vector<16xf32>,
      %get3A_88 = arith.index_cast %scan3A_38 : i32 to index
      %get3A_89 = arith.constant 256 : index
      %get3A_90 = tpu.vector_load %arg14[%get3A_88, %get3A_89] {strides = array<i32>} : memref<64x512xf32, #tpu.memory_space<vmem>>, vector<16xf32>,
      %get3A_91 = arith.index_cast %scan3A_38 : i32 to index
      %get3A_92 = arith.constant 272 : index
      %get3A_93 = tpu.vector_load %arg14[%get3A_91, %get3A_92] {strides = array<i32>} : memref<64x512xf32, #tpu.memory_space<vmem>>, vector<16xf32>,
      %get3A_94 = arith.index_cast %scan3A_38 : i32 to index
      %get3A_95 = arith.constant 288 : index
      %get3A_96 = tpu.vector_load %arg14[%get3A_94, %get3A_95] {strides = array<i32>} : memref<64x512xf32, #tpu.memory_space<vmem>>, vector<16xf32>,
      %get3A_97 = arith.index_cast %scan3A_38 : i32 to index
      %get3A_98 = arith.constant 304 : index
      %get3A_99 = tpu.vector_load %arg14[%get3A_97, %get3A_98] {strides = array<i32>} : memref<64x512xf32, #tpu.memory_space<vmem>>, vector<16xf32>,
      %get3A_100 = arith.index_cast %scan3A_38 : i32 to index
      %get3A_101 = arith.constant 320 : index
      %get3A_102 = tpu.vector_load %arg14[%get3A_100, %get3A_101] {strides = array<i32>} : memref<64x512xf32, #tpu.memory_space<vmem>>, vector<16xf32>,
      %get3A_103 = arith.index_cast %scan3A_38 : i32 to index
      %get3A_104 = arith.constant 336 : index
      %get3A_105 = tpu.vector_load %arg14[%get3A_103, %get3A_104] {strides = array<i32>} : memref<64x512xf32, #tpu.memory_space<vmem>>, vector<16xf32>,
      %get3A_106 = arith.index_cast %scan3A_38 : i32 to index
      %get3A_107 = arith.constant 352 : index
      %get3A_108 = tpu.vector_load %arg14[%get3A_106, %get3A_107] {strides = array<i32>} : memref<64x512xf32, #tpu.memory_space<vmem>>, vector<16xf32>,
      %get3A_109 = arith.index_cast %scan3A_38 : i32 to index
      %get3A_110 = arith.constant 368 : index
      %get3A_111 = tpu.vector_load %arg14[%get3A_109, %get3A_110] {strides = array<i32>} : memref<64x512xf32, #tpu.memory_space<vmem>>, vector<16xf32>,
      %get3A_112 = arith.index_cast %scan3A_38 : i32 to index
      %get3A_113 = arith.constant 384 : index
      %get3A_114 = tpu.vector_load %arg14[%get3A_112, %get3A_113] {strides = array<i32>} : memref<64x512xf32, #tpu.memory_space<vmem>>, vector<16xf32>,
      %get3A_115 = arith.index_cast %scan3A_38 : i32 to index
      %get3A_116 = arith.constant 400 : index
      %get3A_117 = tpu.vector_load %arg14[%get3A_115, %get3A_116] {strides = array<i32>} : memref<64x512xf32, #tpu.memory_space<vmem>>, vector<16xf32>,
      %get3A_118 = arith.index_cast %scan3A_38 : i32 to index
      %get3A_119 = arith.constant 416 : index
      %get3A_120 = tpu.vector_load %arg14[%get3A_118, %get3A_119] {strides = array<i32>} : memref<64x512xf32, #tpu.memory_space<vmem>>, vector<16xf32>,
      %get3A_121 = arith.index_cast %scan3A_38 : i32 to index
      %get3A_122 = arith.constant 432 : index
      %get3A_123 = tpu.vector_load %arg14[%get3A_121, %get3A_122] {strides = array<i32>} : memref<64x512xf32, #tpu.memory_space<vmem>>, vector<16xf32>,
      %get3A_124 = arith.index_cast %scan3A_38 : i32 to index
      %get3A_125 = arith.constant 448 : index
      %get3A_126 = tpu.vector_load %arg14[%get3A_124, %get3A_125] {strides = array<i32>} : memref<64x512xf32, #tpu.memory_space<vmem>>, vector<16xf32>,
      %get3A_127 = arith.index_cast %scan3A_38 : i32 to index
      %get3A_128 = arith.constant 464 : index
      %get3A_129 = tpu.vector_load %arg14[%get3A_127, %get3A_128] {strides = array<i32>} : memref<64x512xf32, #tpu.memory_space<vmem>>, vector<16xf32>,
      %get3A_130 = arith.index_cast %scan3A_38 : i32 to index
      %get3A_131 = arith.constant 480 : index
      %get3A_132 = tpu.vector_load %arg14[%get3A_130, %get3A_131] {strides = array<i32>} : memref<64x512xf32, #tpu.memory_space<vmem>>, vector<16xf32>,
      %get3A_133 = arith.index_cast %scan3A_38 : i32 to index
      %get3A_134 = arith.constant 496 : index
      %get3A_135 = tpu.vector_load %arg14[%get3A_133, %get3A_134] {strides = array<i32>} : memref<64x512xf32, #tpu.memory_space<vmem>>, vector<16xf32>,
      %scan3A_136 = arith.constant 0 : i32
      %scan3A_137 = arith.constant 4 : i32
      %scan3A_138 = arith.addi %scan3A_136, %scan3A_137 : i32
      %scan3A_139 = arith.constant 1 : i32
      scf.for %scan3A_141 = %scan3A_136 to %scan3A_138 step %scan3A_139  : i32 {
        %broadcast_in_dim3A_142 = vector.broadcast %scan3A_141 : i32 to vector<16xi32>
        %gather3A_143 = tpu.vector_load_idx %arg13[%broadcast_in_dim3A_142, %broadcast_in_dim3A_39] : memref<4x64xf32, #tpu.memory_space<vmem>>[vector<16xi32>, vector<16xi32>], vector<16xf32>,
        %add3A_144 = arith.addf %get3A_42, %gather3A_143 : vector<16xf32>
        %max3A = arith.constant 0.000000e+00 : f32
        %max3A_145 = vector.broadcast %max3A : f32 to vector<16xf32>
        %max3A_146 = arith.maximumf %add3A_144, %max3A_145 : vector<16xf32>
        %mul3A_147 = arith.mulf %max3A_146, %gather3A : vector<16xf32>
        %swap3A = arith.index_cast %scan3A_141 : i32 to index
        %swap3A_148 = arith.constant 0 : index
        %swap3A_149 = tpu.vector_load %arg22[%swap3A, %swap3A_148] {strides = array<i32>} : memref<4x512xf32, #tpu.memory_space<vmem>>, vector<16xf32>,
        tpu.vector_store %arg22[%swap3A, %swap3A_148], %mul3A_147 {add = true, strides = array<i32>} : memref<4x512xf32, #tpu.memory_space<vmem>>, vector<16xf32>,
        %add3A_150 = arith.addf %get3A_45, %gather3A_143 : vector<16xf32>
        %max3A_151 = arith.constant 0.000000e+00 : f32
        %max3A_152 = vector.broadcast %max3A_151 : f32 to vector<16xf32>
        %max3A_153 = arith.maximumf %add3A_150, %max3A_152 : vector<16xf32>
        %mul3A_154 = arith.mulf %max3A_153, %gather3A : vector<16xf32>
        %swap3A_155 = arith.index_cast %scan3A_141 : i32 to index
        %swap3A_156 = arith.constant 16 : index
        %swap3A_157 = tpu.vector_load %arg22[%swap3A_155, %swap3A_156] {strides = array<i32>} : memref<4x512xf32, #tpu.memory_space<vmem>>, vector<16xf32>,
        tpu.vector_store %arg22[%swap3A_155, %swap3A_156], %mul3A_154 {add = true, strides = array<i32>} : memref<4x512xf32, #tpu.memory_space<vmem>>, vector<16xf32>,
        %add3A_158 = arith.addf %get3A_48, %gather3A_143 : vector<16xf32>
        %max3A_159 = arith.constant 0.000000e+00 : f32
        %max3A_160 = vector.broadcast %max3A_159 : f32 to vector<16xf32>
        %max3A_161 = arith.maximumf %add3A_158, %max3A_160 : vector<16xf32>
        %mul3A_162 = arith.mulf %max3A_161, %gather3A : vector<16xf32>
        %swap3A_163 = arith.index_cast %scan3A_141 : i32 to index
        %swap3A_164 = arith.constant 32 : index
        %swap3A_165 = tpu.vector_load %arg22[%swap3A_163, %swap3A_164] {strides = array<i32>} : memref<4x512xf32, #tpu.memory_space<vmem>>, vector<16xf32>,
        tpu.vector_store %arg22[%swap3A_163, %swap3A_164], %mul3A_162 {add = true, strides = array<i32>} : memref<4x512xf32, #tpu.memory_space<vmem>>, vector<16xf32>,
        %add3A_166 = arith.addf %get3A_51, %gather3A_143 : vector<16xf32>
        %max3A_167 = arith.constant 0.000000e+00 : f32
        %max3A_168 = vector.broadcast %max3A_167 : f32 to vector<16xf32>
        %max3A_169 = arith.maximumf %add3A_166, %max3A_168 : vector<16xf32>
        %mul3A_170 = arith.mulf %max3A_169, %gather3A : vector<16xf32>
        %swap3A_171 = arith.index_cast %scan3A_141 : i32 to index
        %swap3A_172 = arith.constant 48 : index
        %swap3A_173 = tpu.vector_load %arg22[%swap3A_171, %swap3A_172] {strides = array<i32>} : memref<4x512xf32, #tpu.memory_space<vmem>>, vector<16xf32>,
        tpu.vector_store %arg22[%swap3A_171, %swap3A_172], %mul3A_170 {add = true, strides = array<i32>} : memref<4x512xf32, #tpu.memory_space<vmem>>, vector<16xf32>,
        %add3A_174 = arith.addf %get3A_54, %gather3A_143 : vector<16xf32>
        %max3A_175 = arith.constant 0.000000e+00 : f32
        %max3A_176 = vector.broadcast %max3A_175 : f32 to vector<16xf32>
        %max3A_177 = arith.maximumf %add3A_174, %max3A_176 : vector<16xf32>
        %mul3A_178 = arith.mulf %max3A_177, %gather3A : vector<16xf32>
        %swap3A_179 = arith.index_cast %scan3A_141 : i32 to index
        %swap3A_180 = arith.constant 64 : index
        %swap3A_181 = tpu.vector_load %arg22[%swap3A_179, %swap3A_180] {strides = array<i32>} : memref<4x512xf32, #tpu.memory_space<vmem>>, vector<16xf32>,
        tpu.vector_store %arg22[%swap3A_179, %swap3A_180], %mul3A_178 {add = true, strides = array<i32>} : memref<4x512xf32, #tpu.memory_space<vmem>>, vector<16xf32>,
        %add3A_182 = arith.addf %get3A_57, %gather3A_143 : vector<16xf32>
        %max3A_183 = arith.constant 0.000000e+00 : f32
        %max3A_184 = vector.broadcast %max3A_183 : f32 to vector<16xf32>
        %max3A_185 = arith.maximumf %add3A_182, %max3A_184 : vector<16xf32>
        %mul3A_186 = arith.mulf %max3A_185, %gather3A : vector<16xf32>
        %swap3A_187 = arith.index_cast %scan3A_141 : i32 to index
        %swap3A_188 = arith.constant 80 : index
        %swap3A_189 = tpu.vector_load %arg22[%swap3A_187, %swap3A_188] {strides = array<i32>} : memref<4x512xf32, #tpu.memory_space<vmem>>, vector<16xf32>,
        tpu.vector_store %arg22[%swap3A_187, %swap3A_188], %mul3A_186 {add = true, strides = array<i32>} : memref<4x512xf32, #tpu.memory_space<vmem>>, vector<16xf32>,
        %add3A_190 = arith.addf %get3A_60, %gather3A_143 : vector<16xf32>
        %max3A_191 = arith.constant 0.000000e+00 : f32
        %max3A_192 = vector.broadcast %max3A_191 : f32 to vector<16xf32>
        %max3A_193 = arith.maximumf %add3A_190, %max3A_192 : vector<16xf32>
        %mul3A_194 = arith.mulf %max3A_193, %gather3A : vector<16xf32>
        %swap3A_195 = arith.index_cast %scan3A_141 : i32 to index
        %swap3A_196 = arith.constant 96 : index
        %swap3A_197 = tpu.vector_load %arg22[%swap3A_195, %swap3A_196] {strides = array<i32>} : memref<4x512xf32, #tpu.memory_space<vmem>>, vector<16xf32>,
        tpu.vector_store %arg22[%swap3A_195, %swap3A_196], %mul3A_194 {add = true, strides = array<i32>} : memref<4x512xf32, #tpu.memory_space<vmem>>, vector<16xf32>,
        %add3A_198 = arith.addf %get3A_63, %gather3A_143 : vector<16xf32>
        %max3A_199 = arith.constant 0.000000e+00 : f32
        %max3A_200 = vector.broadcast %max3A_199 : f32 to vector<16xf32>
        %max3A_201 = arith.maximumf %add3A_198, %max3A_200 : vector<16xf32>
        %mul3A_202 = arith.mulf %max3A_201, %gather3A : vector<16xf32>
        %swap3A_203 = arith.index_cast %scan3A_141 : i32 to index
        %swap3A_204 = arith.constant 112 : index
        %swap3A_205 = tpu.vector_load %arg22[%swap3A_203, %swap3A_204] {strides = array<i32>} : memref<4x512xf32, #tpu.memory_space<vmem>>, vector<16xf32>,
        tpu.vector_store %arg22[%swap3A_203, %swap3A_204], %mul3A_202 {add = true, strides = array<i32>} : memref<4x512xf32, #tpu.memory_space<vmem>>, vector<16xf32>,
        %add3A_206 = arith.addf %get3A_66, %gather3A_143 : vector<16xf32>
        %max3A_207 = arith.constant 0.000000e+00 : f32
        %max3A_208 = vector.broadcast %max3A_207 : f32 to vector<16xf32>
        %max3A_209 = arith.maximumf %add3A_206, %max3A_208 : vector<16xf32>
        %mul3A_210 = arith.mulf %max3A_209, %gather3A : vector<16xf32>
        %swap3A_211 = arith.index_cast %scan3A_141 : i32 to index
        %swap3A_212 = arith.constant 128 : index
        %swap3A_213 = tpu.vector_load %arg22[%swap3A_211, %swap3A_212] {strides = array<i32>} : memref<4x512xf32, #tpu.memory_space<vmem>>, vector<16xf32>,
        tpu.vector_store %arg22[%swap3A_211, %swap3A_212], %mul3A_210 {add = true, strides = array<i32>} : memref<4x512xf32, #tpu.memory_space<vmem>>, vector<16xf32>,
        %add3A_214 = arith.addf %get3A_69, %gather3A_143 : vector<16xf32>
        %max3A_215 = arith.constant 0.000000e+00 : f32
        %max3A_216 = vector.broadcast %max3A_215 : f32 to vector<16xf32>
        %max3A_217 = arith.maximumf %add3A_214, %max3A_216 : vector<16xf32>
        %mul3A_218 = arith.mulf %max3A_217, %gather3A : vector<16xf32>
        %swap3A_219 = arith.index_cast %scan3A_141 : i32 to index
        %swap3A_220 = arith.constant 144 : index
        %swap3A_221 = tpu.vector_load %arg22[%swap3A_219, %swap3A_220] {strides = array<i32>} : memref<4x512xf32, #tpu.memory_space<vmem>>, vector<16xf32>,
        tpu.vector_store %arg22[%swap3A_219, %swap3A_220], %mul3A_218 {add = true, strides = array<i32>} : memref<4x512xf32, #tpu.memory_space<vmem>>, vector<16xf32>,
        %add3A_222 = arith.addf %get3A_72, %gather3A_143 : vector<16xf32>
        %max3A_223 = arith.constant 0.000000e+00 : f32
        %max3A_224 = vector.broadcast %max3A_223 : f32 to vector<16xf32>
        %max3A_225 = arith.maximumf %add3A_222, %max3A_224 : vector<16xf32>
        %mul3A_226 = arith.mulf %max3A_225, %gather3A : vector<16xf32>
        %swap3A_227 = arith.index_cast %scan3A_141 : i32 to index
        %swap3A_228 = arith.constant 160 : index
        %swap3A_229 = tpu.vector_load %arg22[%swap3A_227, %swap3A_228] {strides = array<i32>} : memref<4x512xf32, #tpu.memory_space<vmem>>, vector<16xf32>,
        tpu.vector_store %arg22[%swap3A_227, %swap3A_228], %mul3A_226 {add = true, strides = array<i32>} : memref<4x512xf32, #tpu.memory_space<vmem>>, vector<16xf32>,
        %add3A_230 = arith.addf %get3A_75, %gather3A_143 : vector<16xf32>
        %max3A_231 = arith.constant 0.000000e+00 : f32
        %max3A_232 = vector.broadcast %max3A_231 : f32 to vector<16xf32>
        %max3A_233 = arith.maximumf %add3A_230, %max3A_232 : vector<16xf32>
        %mul3A_234 = arith.mulf %max3A_233, %gather3A : vector<16xf32>
        %swap3A_235 = arith.index_cast %scan3A_141 : i32 to index
        %swap3A_236 = arith.constant 176 : index
        %swap3A_237 = tpu.vector_load %arg22[%swap3A_235, %swap3A_236] {strides = array<i32>} : memref<4x512xf32, #tpu.memory_space<vmem>>, vector<16xf32>,
        tpu.vector_store %arg22[%swap3A_235, %swap3A_236], %mul3A_234 {add = true, strides = array<i32>} : memref<4x512xf32, #tpu.memory_space<vmem>>, vector<16xf32>,
        %add3A_238 = arith.addf %get3A_78, %gather3A_143 : vector<16xf32>
        %max3A_239 = arith.constant 0.000000e+00 : f32
        %max3A_240 = vector.broadcast %max3A_239 : f32 to vector<16xf32>
        %max3A_241 = arith.maximumf %add3A_238, %max3A_240 : vector<16xf32>
        %mul3A_242 = arith.mulf %max3A_241, %gather3A : vector<16xf32>
        %swap3A_243 = arith.index_cast %scan3A_141 : i32 to index
        %swap3A_244 = arith.constant 192 : index
        %swap3A_245 = tpu.vector_load %arg22[%swap3A_243, %swap3A_244] {strides = array<i32>} : memref<4x512xf32, #tpu.memory_space<vmem>>, vector<16xf32>,
        tpu.vector_store %arg22[%swap3A_243, %swap3A_244], %mul3A_242 {add = true, strides = array<i32>} : memref<4x512xf32, #tpu.memory_space<vmem>>, vector<16xf32>,
        %add3A_246 = arith.addf %get3A_81, %gather3A_143 : vector<16xf32>
        %max3A_247 = arith.constant 0.000000e+00 : f32
        %max3A_248 = vector.broadcast %max3A_247 : f32 to vector<16xf32>
        %max3A_249 = arith.maximumf %add3A_246, %max3A_248 : vector<16xf32>
        %mul3A_250 = arith.mulf %max3A_249, %gather3A : vector<16xf32>
        %swap3A_251 = arith.index_cast %scan3A_141 : i32 to index
        %swap3A_252 = arith.constant 208 : index
        %swap3A_253 = tpu.vector_load %arg22[%swap3A_251, %swap3A_252] {strides = array<i32>} : memref<4x512xf32, #tpu.memory_space<vmem>>, vector<16xf32>,
        tpu.vector_store %arg22[%swap3A_251, %swap3A_252], %mul3A_250 {add = true, strides = array<i32>} : memref<4x512xf32, #tpu.memory_space<vmem>>, vector<16xf32>,
        %add3A_254 = arith.addf %get3A_84, %gather3A_143 : vector<16xf32>
        %max3A_255 = arith.constant 0.000000e+00 : f32
        %max3A_256 = vector.broadcast %max3A_255 : f32 to vector<16xf32>
        %max3A_257 = arith.maximumf %add3A_254, %max3A_256 : vector<16xf32>
        %mul3A_258 = arith.mulf %max3A_257, %gather3A : vector<16xf32>
        %swap3A_259 = arith.index_cast %scan3A_141 : i32 to index
        %swap3A_260 = arith.constant 224 : index
        %swap3A_261 = tpu.vector_load %arg22[%swap3A_259, %swap3A_260] {strides = array<i32>} : memref<4x512xf32, #tpu.memory_space<vmem>>, vector<16xf32>,
        tpu.vector_store %arg22[%swap3A_259, %swap3A_260], %mul3A_258 {add = true, strides = array<i32>} : memref<4x512xf32, #tpu.memory_space<vmem>>, vector<16xf32>,
        %add3A_262 = arith.addf %get3A_87, %gather3A_143 : vector<16xf32>
        %max3A_263 = arith.constant 0.000000e+00 : f32
        %max3A_264 = vector.broadcast %max3A_263 : f32 to vector<16xf32>
        %max3A_265 = arith.maximumf %add3A_262, %max3A_264 : vector<16xf32>
        %mul3A_266 = arith.mulf %max3A_265, %gather3A : vector<16xf32>
        %swap3A_267 = arith.index_cast %scan3A_141 : i32 to index
        %swap3A_268 = arith.constant 240 : index
        %swap3A_269 = tpu.vector_load %arg22[%swap3A_267, %swap3A_268] {strides = array<i32>} : memref<4x512xf32, #tpu.memory_space<vmem>>, vector<16xf32>,
        tpu.vector_store %arg22[%swap3A_267, %swap3A_268], %mul3A_266 {add = true, strides = array<i32>} : memref<4x512xf32, #tpu.memory_space<vmem>>, vector<16xf32>,
        %add3A_270 = arith.addf %get3A_90, %gather3A_143 : vector<16xf32>
        %max3A_271 = arith.constant 0.000000e+00 : f32
        %max3A_272 = vector.broadcast %max3A_271 : f32 to vector<16xf32>
        %max3A_273 = arith.maximumf %add3A_270, %max3A_272 : vector<16xf32>
        %mul3A_274 = arith.mulf %max3A_273, %gather3A : vector<16xf32>
        %swap3A_275 = arith.index_cast %scan3A_141 : i32 to index
        %swap3A_276 = arith.constant 256 : index
        %swap3A_277 = tpu.vector_load %arg22[%swap3A_275, %swap3A_276] {strides = array<i32>} : memref<4x512xf32, #tpu.memory_space<vmem>>, vector<16xf32>,
        tpu.vector_store %arg22[%swap3A_275, %swap3A_276], %mul3A_274 {add = true, strides = array<i32>} : memref<4x512xf32, #tpu.memory_space<vmem>>, vector<16xf32>,
        %add3A_278 = arith.addf %get3A_93, %gather3A_143 : vector<16xf32>
        %max3A_279 = arith.constant 0.000000e+00 : f32
        %max3A_280 = vector.broadcast %max3A_279 : f32 to vector<16xf32>
        %max3A_281 = arith.maximumf %add3A_278, %max3A_280 : vector<16xf32>
        %mul3A_282 = arith.mulf %max3A_281, %gather3A : vector<16xf32>
        %swap3A_283 = arith.index_cast %scan3A_141 : i32 to index
        %swap3A_284 = arith.constant 272 : index
        %swap3A_285 = tpu.vector_load %arg22[%swap3A_283, %swap3A_284] {strides = array<i32>} : memref<4x512xf32, #tpu.memory_space<vmem>>, vector<16xf32>,
        tpu.vector_store %arg22[%swap3A_283, %swap3A_284], %mul3A_282 {add = true, strides = array<i32>} : memref<4x512xf32, #tpu.memory_space<vmem>>, vector<16xf32>,
        %add3A_286 = arith.addf %get3A_96, %gather3A_143 : vector<16xf32>
        %max3A_287 = arith.constant 0.000000e+00 : f32
        %max3A_288 = vector.broadcast %max3A_287 : f32 to vector<16xf32>
        %max3A_289 = arith.maximumf %add3A_286, %max3A_288 : vector<16xf32>
        %mul3A_290 = arith.mulf %max3A_289, %gather3A : vector<16xf32>
        %swap3A_291 = arith.index_cast %scan3A_141 : i32 to index
        %swap3A_292 = arith.constant 288 : index
        %swap3A_293 = tpu.vector_load %arg22[%swap3A_291, %swap3A_292] {strides = array<i32>} : memref<4x512xf32, #tpu.memory_space<vmem>>, vector<16xf32>,
        tpu.vector_store %arg22[%swap3A_291, %swap3A_292], %mul3A_290 {add = true, strides = array<i32>} : memref<4x512xf32, #tpu.memory_space<vmem>>, vector<16xf32>,
        %add3A_294 = arith.addf %get3A_99, %gather3A_143 : vector<16xf32>
        %max3A_295 = arith.constant 0.000000e+00 : f32
        %max3A_296 = vector.broadcast %max3A_295 : f32 to vector<16xf32>
        %max3A_297 = arith.maximumf %add3A_294, %max3A_296 : vector<16xf32>
        %mul3A_298 = arith.mulf %max3A_297, %gather3A : vector<16xf32>
        %swap3A_299 = arith.index_cast %scan3A_141 : i32 to index
        %swap3A_300 = arith.constant 304 : index
        %swap3A_301 = tpu.vector_load %arg22[%swap3A_299, %swap3A_300] {strides = array<i32>} : memref<4x512xf32, #tpu.memory_space<vmem>>, vector<16xf32>,
        tpu.vector_store %arg22[%swap3A_299, %swap3A_300], %mul3A_298 {add = true, strides = array<i32>} : memref<4x512xf32, #tpu.memory_space<vmem>>, vector<16xf32>,
        %add3A_302 = arith.addf %get3A_102, %gather3A_143 : vector<16xf32>
        %max3A_303 = arith.constant 0.000000e+00 : f32
        %max3A_304 = vector.broadcast %max3A_303 : f32 to vector<16xf32>
        %max3A_305 = arith.maximumf %add3A_302, %max3A_304 : vector<16xf32>
        %mul3A_306 = arith.mulf %max3A_305, %gather3A : vector<16xf32>
        %swap3A_307 = arith.index_cast %scan3A_141 : i32 to index
        %swap3A_308 = arith.constant 320 : index
        %swap3A_309 = tpu.vector_load %arg22[%swap3A_307, %swap3A_308] {strides = array<i32>} : memref<4x512xf32, #tpu.memory_space<vmem>>, vector<16xf32>,
        tpu.vector_store %arg22[%swap3A_307, %swap3A_308], %mul3A_306 {add = true, strides = array<i32>} : memref<4x512xf32, #tpu.memory_space<vmem>>, vector<16xf32>,
        %add3A_310 = arith.addf %get3A_105, %gather3A_143 : vector<16xf32>
        %max3A_311 = arith.constant 0.000000e+00 : f32
        %max3A_312 = vector.broadcast %max3A_311 : f32 to vector<16xf32>
        %max3A_313 = arith.maximumf %add3A_310, %max3A_312 : vector<16xf32>
        %mul3A_314 = arith.mulf %max3A_313, %gather3A : vector<16xf32>
        %swap3A_315 = arith.index_cast %scan3A_141 : i32 to index
        %swap3A_316 = arith.constant 336 : index
        %swap3A_317 = tpu.vector_load %arg22[%swap3A_315, %swap3A_316] {strides = array<i32>} : memref<4x512xf32, #tpu.memory_space<vmem>>, vector<16xf32>,
        tpu.vector_store %arg22[%swap3A_315, %swap3A_316], %mul3A_314 {add = true, strides = array<i32>} : memref<4x512xf32, #tpu.memory_space<vmem>>, vector<16xf32>,
        %add3A_318 = arith.addf %get3A_108, %gather3A_143 : vector<16xf32>
        %max3A_319 = arith.constant 0.000000e+00 : f32
        %max3A_320 = vector.broadcast %max3A_319 : f32 to vector<16xf32>
        %max3A_321 = arith.maximumf %add3A_318, %max3A_320 : vector<16xf32>
        %mul3A_322 = arith.mulf %max3A_321, %gather3A : vector<16xf32>
        %swap3A_323 = arith.index_cast %scan3A_141 : i32 to index
        %swap3A_324 = arith.constant 352 : index
        %swap3A_325 = tpu.vector_load %arg22[%swap3A_323, %swap3A_324] {strides = array<i32>} : memref<4x512xf32, #tpu.memory_space<vmem>>, vector<16xf32>,
        tpu.vector_store %arg22[%swap3A_323, %swap3A_324], %mul3A_322 {add = true, strides = array<i32>} : memref<4x512xf32, #tpu.memory_space<vmem>>, vector<16xf32>,
        %add3A_326 = arith.addf %get3A_111, %gather3A_143 : vector<16xf32>
        %max3A_327 = arith.constant 0.000000e+00 : f32
        %max3A_328 = vector.broadcast %max3A_327 : f32 to vector<16xf32>
        %max3A_329 = arith.maximumf %add3A_326, %max3A_328 : vector<16xf32>
        %mul3A_330 = arith.mulf %max3A_329, %gather3A : vector<16xf32>
        %swap3A_331 = arith.index_cast %scan3A_141 : i32 to index
        %swap3A_332 = arith.constant 368 : index
        %swap3A_333 = tpu.vector_load %arg22[%swap3A_331, %swap3A_332] {strides = array<i32>} : memref<4x512xf32, #tpu.memory_space<vmem>>, vector<16xf32>,
        tpu.vector_store %arg22[%swap3A_331, %swap3A_332], %mul3A_330 {add = true, strides = array<i32>} : memref<4x512xf32, #tpu.memory_space<vmem>>, vector<16xf32>,
        %add3A_334 = arith.addf %get3A_114, %gather3A_143 : vector<16xf32>
        %max3A_335 = arith.constant 0.000000e+00 : f32
        %max3A_336 = vector.broadcast %max3A_335 : f32 to vector<16xf32>
        %max3A_337 = arith.maximumf %add3A_334, %max3A_336 : vector<16xf32>
        %mul3A_338 = arith.mulf %max3A_337, %gather3A : vector<16xf32>
        %swap3A_339 = arith.index_cast %scan3A_141 : i32 to index
        %swap3A_340 = arith.constant 384 : index
        %swap3A_341 = tpu.vector_load %arg22[%swap3A_339, %swap3A_340] {strides = array<i32>} : memref<4x512xf32, #tpu.memory_space<vmem>>, vector<16xf32>,
        tpu.vector_store %arg22[%swap3A_339, %swap3A_340], %mul3A_338 {add = true, strides = array<i32>} : memref<4x512xf32, #tpu.memory_space<vmem>>, vector<16xf32>,
        %add3A_342 = arith.addf %get3A_117, %gather3A_143 : vector<16xf32>
        %max3A_343 = arith.constant 0.000000e+00 : f32
        %max3A_344 = vector.broadcast %max3A_343 : f32 to vector<16xf32>
        %max3A_345 = arith.maximumf %add3A_342, %max3A_344 : vector<16xf32>
        %mul3A_346 = arith.mulf %max3A_345, %gather3A : vector<16xf32>
        %swap3A_347 = arith.index_cast %scan3A_141 : i32 to index
        %swap3A_348 = arith.constant 400 : index
        %swap3A_349 = tpu.vector_load %arg22[%swap3A_347, %swap3A_348] {strides = array<i32>} : memref<4x512xf32, #tpu.memory_space<vmem>>, vector<16xf32>,
        tpu.vector_store %arg22[%swap3A_347, %swap3A_348], %mul3A_346 {add = true, strides = array<i32>} : memref<4x512xf32, #tpu.memory_space<vmem>>, vector<16xf32>,
        %add3A_350 = arith.addf %get3A_120, %gather3A_143 : vector<16xf32>
        %max3A_351 = arith.constant 0.000000e+00 : f32
        %max3A_352 = vector.broadcast %max3A_351 : f32 to vector<16xf32>
        %max3A_353 = arith.maximumf %add3A_350, %max3A_352 : vector<16xf32>
        %mul3A_354 = arith.mulf %max3A_353, %gather3A : vector<16xf32>
        %swap3A_355 = arith.index_cast %scan3A_141 : i32 to index
        %swap3A_356 = arith.constant 416 : index
        %swap3A_357 = tpu.vector_load %arg22[%swap3A_355, %swap3A_356] {strides = array<i32>} : memref<4x512xf32, #tpu.memory_space<vmem>>, vector<16xf32>,
        tpu.vector_store %arg22[%swap3A_355, %swap3A_356], %mul3A_354 {add = true, strides = array<i32>} : memref<4x512xf32, #tpu.memory_space<vmem>>, vector<16xf32>,
        %add3A_358 = arith.addf %get3A_123, %gather3A_143 : vector<16xf32>
        %max3A_359 = arith.constant 0.000000e+00 : f32
        %max3A_360 = vector.broadcast %max3A_359 : f32 to vector<16xf32>
        %max3A_361 = arith.maximumf %add3A_358, %max3A_360 : vector<16xf32>
        %mul3A_362 = arith.mulf %max3A_361, %gather3A : vector<16xf32>
        %swap3A_363 = arith.index_cast %scan3A_141 : i32 to index
        %swap3A_364 = arith.constant 432 : index
        %swap3A_365 = tpu.vector_load %arg22[%swap3A_363, %swap3A_364] {strides = array<i32>} : memref<4x512xf32, #tpu.memory_space<vmem>>, vector<16xf32>,
        tpu.vector_store %arg22[%swap3A_363, %swap3A_364], %mul3A_362 {add = true, strides = array<i32>} : memref<4x512xf32, #tpu.memory_space<vmem>>, vector<16xf32>,
        %add3A_366 = arith.addf %get3A_126, %gather3A_143 : vector<16xf32>
        %max3A_367 = arith.constant 0.000000e+00 : f32
        %max3A_368 = vector.broadcast %max3A_367 : f32 to vector<16xf32>
        %max3A_369 = arith.maximumf %add3A_366, %max3A_368 : vector<16xf32>
        %mul3A_370 = arith.mulf %max3A_369, %gather3A : vector<16xf32>
        %swap3A_371 = arith.index_cast %scan3A_141 : i32 to index
        %swap3A_372 = arith.constant 448 : index
        %swap3A_373 = tpu.vector_load %arg22[%swap3A_371, %swap3A_372] {strides = array<i32>} : memref<4x512xf32, #tpu.memory_space<vmem>>, vector<16xf32>,
        tpu.vector_store %arg22[%swap3A_371, %swap3A_372], %mul3A_370 {add = true, strides = array<i32>} : memref<4x512xf32, #tpu.memory_space<vmem>>, vector<16xf32>,
        %add3A_374 = arith.addf %get3A_129, %gather3A_143 : vector<16xf32>
        %max3A_375 = arith.constant 0.000000e+00 : f32
        %max3A_376 = vector.broadcast %max3A_375 : f32 to vector<16xf32>
        %max3A_377 = arith.maximumf %add3A_374, %max3A_376 : vector<16xf32>
        %mul3A_378 = arith.mulf %max3A_377, %gather3A : vector<16xf32>
        %swap3A_379 = arith.index_cast %scan3A_141 : i32 to index
        %swap3A_380 = arith.constant 464 : index
        %swap3A_381 = tpu.vector_load %arg22[%swap3A_379, %swap3A_380] {strides = array<i32>} : memref<4x512xf32, #tpu.memory_space<vmem>>, vector<16xf32>,
        tpu.vector_store %arg22[%swap3A_379, %swap3A_380], %mul3A_378 {add = true, strides = array<i32>} : memref<4x512xf32, #tpu.memory_space<vmem>>, vector<16xf32>,
        %add3A_382 = arith.addf %get3A_132, %gather3A_143 : vector<16xf32>
        %max3A_383 = arith.constant 0.000000e+00 : f32
        %max3A_384 = vector.broadcast %max3A_383 : f32 to vector<16xf32>
        %max3A_385 = arith.maximumf %add3A_382, %max3A_384 : vector<16xf32>
        %mul3A_386 = arith.mulf %max3A_385, %gather3A : vector<16xf32>
        %swap3A_387 = arith.index_cast %scan3A_141 : i32 to index
        %swap3A_388 = arith.constant 480 : index
        %swap3A_389 = tpu.vector_load %arg22[%swap3A_387, %swap3A_388] {strides = array<i32>} : memref<4x512xf32, #tpu.memory_space<vmem>>, vector<16xf32>,
        tpu.vector_store %arg22[%swap3A_387, %swap3A_388], %mul3A_386 {add = true, strides = array<i32>} : memref<4x512xf32, #tpu.memory_space<vmem>>, vector<16xf32>,
        %add3A_390 = arith.addf %get3A_135, %gather3A_143 : vector<16xf32>
        %max3A_391 = arith.constant 0.000000e+00 : f32
        %max3A_392 = vector.broadcast %max3A_391 : f32 to vector<16xf32>
        %max3A_393 = arith.maximumf %add3A_390, %max3A_392 : vector<16xf32>
        %mul3A_394 = arith.mulf %max3A_393, %gather3A : vector<16xf32>
        %swap3A_395 = arith.index_cast %scan3A_141 : i32 to index
        %swap3A_396 = arith.constant 496 : index
        %swap3A_397 = tpu.vector_load %arg22[%swap3A_395, %swap3A_396] {strides = array<i32>} : memref<4x512xf32, #tpu.memory_space<vmem>>, vector<16xf32>,
        tpu.vector_store %arg22[%swap3A_395, %swap3A_396], %mul3A_394 {add = true, strides = array<i32>} : memref<4x512xf32, #tpu.memory_space<vmem>>, vector<16xf32>,
      }
      %scan3A_140 = arith.constant 4 : i32
    }
    %scan3A_20 = arith.constant 64 : i32
    %get3A = arith.constant 0 : i32
    %get3A_21 = arith.index_cast %get3A : i32 to index
    %get3A_22 = arith.constant 0 : index
    %get3A_23 = tpu.vector_load %arg17[%get3A_21, %get3A_22] {strides = array<i32>} : memref<2x16xf32, #tpu.memory_space<vmem>>, vector<16xf32>,
    %get3A_24 = arith.constant 1 : i32
    %get3A_25 = arith.index_cast %get3A_24 : i32 to index
    %get3A_26 = arith.constant 0 : index
    %get3A_27 = tpu.vector_load %arg17[%get3A_25, %get3A_26] {strides = array<i32>} : memref<2x16xf32, #tpu.memory_space<vmem>>, vector<16xf32>,
    %broadcast_in_dim3A_28 = arith.constant 5.000000e-01 : f32
    %broadcast_in_dim3A_29 = vector.broadcast %broadcast_in_dim3A_28 : f32 to vector<16xf32>
    %broadcast_in_dim3A_30 = arith.constant 1.000000e+00 : f32
    %broadcast_in_dim3A_31 = vector.broadcast %broadcast_in_dim3A_30 : f32 to vector<16xf32>
    %scan3A_32 = arith.constant 0 : i32
    %scan3A_33 = arith.constant 0 : i32
    %scan3A_34 = arith.constant 4 : i32
    %scan3A_35 = arith.addi %scan3A_33, %scan3A_34 : i32
    %scan3A_36 = arith.constant 1 : i32
    scf.for %scan3A_38 = %scan3A_33 to %scan3A_35 step %scan3A_36  : i32 {
      %get3A_39 = arith.index_cast %scan3A_38 : i32 to index
      %get3A_40 = arith.constant 0 : index
      %get3A_41 = tpu.vector_load %arg19[%get3A_39, %get3A_40] {strides = array<i32>} : memref<4x512xf32, #tpu.memory_space<vmem>>, vector<16xf32>,
      %get3A_42 = arith.index_cast %scan3A_38 : i32 to index
      %get3A_43 = arith.constant 0 : index
      %get3A_44 = tpu.vector_load %arg21[%get3A_42, %get3A_43] {strides = array<i32>} : memref<4x512xf32, #tpu.memory_space<vmem>>, vector<16xf32>,
      %add3A_45 = arith.addf %get3A_41, %get3A_44 : vector<16xf32>
      %add3A_46 = arith.addf %add3A_45, %get3A_27 : vector<16xf32>
      %mul3A_47 = arith.mulf %add3A_46, %get3A_23 : vector<16xf32>
      %neg3A = arith.constant 0.000000e+00 : f32
      %neg3A_48 = vector.broadcast %neg3A : f32 to vector<16xf32>
      %neg3A_49 = arith.subf %neg3A_48, %mul3A_47 : vector<16xf32>
      %exp3A = math.exp %neg3A_49 : vector<16xf32>
      %add3A_50 = arith.addf %broadcast_in_dim3A_31, %exp3A : vector<16xf32>
      %div3A = arith.divf %broadcast_in_dim3A_31, %add3A_50 : vector<16xf32>
      %get3A_51 = arith.index_cast %scan3A_38 : i32 to index
      %get3A_52 = arith.constant 0 : index
      %get3A_53 = tpu.vector_load %arg20[%get3A_51, %get3A_52] {strides = array<i32>} : memref<4x512xf32, #tpu.memory_space<vmem>>, vector<16xf32>,
      %get3A_54 = arith.index_cast %scan3A_38 : i32 to index
      %get3A_55 = arith.constant 0 : index
      %get3A_56 = tpu.vector_load %arg22[%get3A_54, %get3A_55] {strides = array<i32>} : memref<4x512xf32, #tpu.memory_space<vmem>>, vector<16xf32>,
      %add3A_57 = arith.addf %get3A_53, %get3A_56 : vector<16xf32>
      %add3A_58 = arith.addf %add3A_57, %get3A_27 : vector<16xf32>
      %mul3A_59 = arith.mulf %add3A_58, %get3A_23 : vector<16xf32>
      %neg3A_60 = arith.constant 0.000000e+00 : f32
      %neg3A_61 = vector.broadcast %neg3A_60 : f32 to vector<16xf32>
      %neg3A_62 = arith.subf %neg3A_61, %mul3A_59 : vector<16xf32>
      %exp3A_63 = math.exp %neg3A_62 : vector<16xf32>
      %add3A_64 = arith.addf %broadcast_in_dim3A_31, %exp3A_63 : vector<16xf32>
      %div3A_65 = arith.divf %broadcast_in_dim3A_31, %add3A_64 : vector<16xf32>
      %get3A_66 = arith.index_cast %scan3A_38 : i32 to index
      %get3A_67 = arith.constant 0 : index
      %get3A_68 = tpu.vector_load %arg18[%get3A_66, %get3A_67] {strides = array<i32>} : memref<4x512xf32, #tpu.memory_space<vmem>>, vector<16xf32>,
      %add3A_69 = arith.addf %div3A, %div3A_65 : vector<16xf32>
      %mul3A_70 = arith.mulf %broadcast_in_dim3A_29, %add3A_69 : vector<16xf32>
      %mul3A_71 = arith.mulf %get3A_68, %mul3A_70 : vector<16xf32>
      %swap3A = arith.index_cast %scan3A_38 : i32 to index
      %swap3A_72 = arith.constant 0 : index
      %swap3A_73 = tpu.vector_load %arg21[%swap3A, %swap3A_72] {strides = array<i32>} : memref<4x512xf32, #tpu.memory_space<vmem>>, vector<16xf32>,
      tpu.vector_store %arg21[%swap3A, %swap3A_72], %mul3A_71 {strides = array<i32>} : memref<4x512xf32, #tpu.memory_space<vmem>>, vector<16xf32>,
      %get3A_74 = arith.index_cast %scan3A_38 : i32 to index
      %get3A_75 = arith.constant 16 : index
      %get3A_76 = tpu.vector_load %arg19[%get3A_74, %get3A_75] {strides = array<i32>} : memref<4x512xf32, #tpu.memory_space<vmem>>, vector<16xf32>,
      %get3A_77 = arith.index_cast %scan3A_38 : i32 to index
      %get3A_78 = arith.constant 16 : index
      %get3A_79 = tpu.vector_load %arg21[%get3A_77, %get3A_78] {strides = array<i32>} : memref<4x512xf32, #tpu.memory_space<vmem>>, vector<16xf32>,
      %add3A_80 = arith.addf %get3A_76, %get3A_79 : vector<16xf32>
      %add3A_81 = arith.addf %add3A_80, %get3A_27 : vector<16xf32>
      %mul3A_82 = arith.mulf %add3A_81, %get3A_23 : vector<16xf32>
      %neg3A_83 = arith.constant 0.000000e+00 : f32
      %neg3A_84 = vector.broadcast %neg3A_83 : f32 to vector<16xf32>
      %neg3A_85 = arith.subf %neg3A_84, %mul3A_82 : vector<16xf32>
      %exp3A_86 = math.exp %neg3A_85 : vector<16xf32>
      %add3A_87 = arith.addf %broadcast_in_dim3A_31, %exp3A_86 : vector<16xf32>
      %div3A_88 = arith.divf %broadcast_in_dim3A_31, %add3A_87 : vector<16xf32>
      %get3A_89 = arith.index_cast %scan3A_38 : i32 to index
      %get3A_90 = arith.constant 16 : index
      %get3A_91 = tpu.vector_load %arg20[%get3A_89, %get3A_90] {strides = array<i32>} : memref<4x512xf32, #tpu.memory_space<vmem>>, vector<16xf32>,
      %get3A_92 = arith.index_cast %scan3A_38 : i32 to index
      %get3A_93 = arith.constant 16 : index
      %get3A_94 = tpu.vector_load %arg22[%get3A_92, %get3A_93] {strides = array<i32>} : memref<4x512xf32, #tpu.memory_space<vmem>>, vector<16xf32>,
      %add3A_95 = arith.addf %get3A_91, %get3A_94 : vector<16xf32>
      %add3A_96 = arith.addf %add3A_95, %get3A_27 : vector<16xf32>
      %mul3A_97 = arith.mulf %add3A_96, %get3A_23 : vector<16xf32>
      %neg3A_98 = arith.constant 0.000000e+00 : f32
      %neg3A_99 = vector.broadcast %neg3A_98 : f32 to vector<16xf32>
      %neg3A_100 = arith.subf %neg3A_99, %mul3A_97 : vector<16xf32>
      %exp3A_101 = math.exp %neg3A_100 : vector<16xf32>
      %add3A_102 = arith.addf %broadcast_in_dim3A_31, %exp3A_101 : vector<16xf32>
      %div3A_103 = arith.divf %broadcast_in_dim3A_31, %add3A_102 : vector<16xf32>
      %get3A_104 = arith.index_cast %scan3A_38 : i32 to index
      %get3A_105 = arith.constant 16 : index
      %get3A_106 = tpu.vector_load %arg18[%get3A_104, %get3A_105] {strides = array<i32>} : memref<4x512xf32, #tpu.memory_space<vmem>>, vector<16xf32>,
      %add3A_107 = arith.addf %div3A_88, %div3A_103 : vector<16xf32>
      %mul3A_108 = arith.mulf %broadcast_in_dim3A_29, %add3A_107 : vector<16xf32>
      %mul3A_109 = arith.mulf %get3A_106, %mul3A_108 : vector<16xf32>
      %swap3A_110 = arith.index_cast %scan3A_38 : i32 to index
      %swap3A_111 = arith.constant 16 : index
      %swap3A_112 = tpu.vector_load %arg21[%swap3A_110, %swap3A_111] {strides = array<i32>} : memref<4x512xf32, #tpu.memory_space<vmem>>, vector<16xf32>,
      tpu.vector_store %arg21[%swap3A_110, %swap3A_111], %mul3A_109 {strides = array<i32>} : memref<4x512xf32, #tpu.memory_space<vmem>>, vector<16xf32>,
      %get3A_113 = arith.index_cast %scan3A_38 : i32 to index
      %get3A_114 = arith.constant 32 : index
      %get3A_115 = tpu.vector_load %arg19[%get3A_113, %get3A_114] {strides = array<i32>} : memref<4x512xf32, #tpu.memory_space<vmem>>, vector<16xf32>,
      %get3A_116 = arith.index_cast %scan3A_38 : i32 to index
      %get3A_117 = arith.constant 32 : index
      %get3A_118 = tpu.vector_load %arg21[%get3A_116, %get3A_117] {strides = array<i32>} : memref<4x512xf32, #tpu.memory_space<vmem>>, vector<16xf32>,
      %add3A_119 = arith.addf %get3A_115, %get3A_118 : vector<16xf32>
      %add3A_120 = arith.addf %add3A_119, %get3A_27 : vector<16xf32>
      %mul3A_121 = arith.mulf %add3A_120, %get3A_23 : vector<16xf32>
      %neg3A_122 = arith.constant 0.000000e+00 : f32
      %neg3A_123 = vector.broadcast %neg3A_122 : f32 to vector<16xf32>
      %neg3A_124 = arith.subf %neg3A_123, %mul3A_121 : vector<16xf32>
      %exp3A_125 = math.exp %neg3A_124 : vector<16xf32>
      %add3A_126 = arith.addf %broadcast_in_dim3A_31, %exp3A_125 : vector<16xf32>
      %div3A_127 = arith.divf %broadcast_in_dim3A_31, %add3A_126 : vector<16xf32>
      %get3A_128 = arith.index_cast %scan3A_38 : i32 to index
      %get3A_129 = arith.constant 32 : index
      %get3A_130 = tpu.vector_load %arg20[%get3A_128, %get3A_129] {strides = array<i32>} : memref<4x512xf32, #tpu.memory_space<vmem>>, vector<16xf32>,
      %get3A_131 = arith.index_cast %scan3A_38 : i32 to index
      %get3A_132 = arith.constant 32 : index
      %get3A_133 = tpu.vector_load %arg22[%get3A_131, %get3A_132] {strides = array<i32>} : memref<4x512xf32, #tpu.memory_space<vmem>>, vector<16xf32>,
      %add3A_134 = arith.addf %get3A_130, %get3A_133 : vector<16xf32>
      %add3A_135 = arith.addf %add3A_134, %get3A_27 : vector<16xf32>
      %mul3A_136 = arith.mulf %add3A_135, %get3A_23 : vector<16xf32>
      %neg3A_137 = arith.constant 0.000000e+00 : f32
      %neg3A_138 = vector.broadcast %neg3A_137 : f32 to vector<16xf32>
      %neg3A_139 = arith.subf %neg3A_138, %mul3A_136 : vector<16xf32>
      %exp3A_140 = math.exp %neg3A_139 : vector<16xf32>
      %add3A_141 = arith.addf %broadcast_in_dim3A_31, %exp3A_140 : vector<16xf32>
      %div3A_142 = arith.divf %broadcast_in_dim3A_31, %add3A_141 : vector<16xf32>
      %get3A_143 = arith.index_cast %scan3A_38 : i32 to index
      %get3A_144 = arith.constant 32 : index
      %get3A_145 = tpu.vector_load %arg18[%get3A_143, %get3A_144] {strides = array<i32>} : memref<4x512xf32, #tpu.memory_space<vmem>>, vector<16xf32>,
      %add3A_146 = arith.addf %div3A_127, %div3A_142 : vector<16xf32>
      %mul3A_147 = arith.mulf %broadcast_in_dim3A_29, %add3A_146 : vector<16xf32>
      %mul3A_148 = arith.mulf %get3A_145, %mul3A_147 : vector<16xf32>
      %swap3A_149 = arith.index_cast %scan3A_38 : i32 to index
      %swap3A_150 = arith.constant 32 : index
      %swap3A_151 = tpu.vector_load %arg21[%swap3A_149, %swap3A_150] {strides = array<i32>} : memref<4x512xf32, #tpu.memory_space<vmem>>, vector<16xf32>,
      tpu.vector_store %arg21[%swap3A_149, %swap3A_150], %mul3A_148 {strides = array<i32>} : memref<4x512xf32, #tpu.memory_space<vmem>>, vector<16xf32>,
      %get3A_152 = arith.index_cast %scan3A_38 : i32 to index
      %get3A_153 = arith.constant 48 : index
      %get3A_154 = tpu.vector_load %arg19[%get3A_152, %get3A_153] {strides = array<i32>} : memref<4x512xf32, #tpu.memory_space<vmem>>, vector<16xf32>,
      %get3A_155 = arith.index_cast %scan3A_38 : i32 to index
      %get3A_156 = arith.constant 48 : index
      %get3A_157 = tpu.vector_load %arg21[%get3A_155, %get3A_156] {strides = array<i32>} : memref<4x512xf32, #tpu.memory_space<vmem>>, vector<16xf32>,
      %add3A_158 = arith.addf %get3A_154, %get3A_157 : vector<16xf32>
      %add3A_159 = arith.addf %add3A_158, %get3A_27 : vector<16xf32>
      %mul3A_160 = arith.mulf %add3A_159, %get3A_23 : vector<16xf32>
      %neg3A_161 = arith.constant 0.000000e+00 : f32
      %neg3A_162 = vector.broadcast %neg3A_161 : f32 to vector<16xf32>
      %neg3A_163 = arith.subf %neg3A_162, %mul3A_160 : vector<16xf32>
      %exp3A_164 = math.exp %neg3A_163 : vector<16xf32>
      %add3A_165 = arith.addf %broadcast_in_dim3A_31, %exp3A_164 : vector<16xf32>
      %div3A_166 = arith.divf %broadcast_in_dim3A_31, %add3A_165 : vector<16xf32>
      %get3A_167 = arith.index_cast %scan3A_38 : i32 to index
      %get3A_168 = arith.constant 48 : index
      %get3A_169 = tpu.vector_load %arg20[%get3A_167, %get3A_168] {strides = array<i32>} : memref<4x512xf32, #tpu.memory_space<vmem>>, vector<16xf32>,
      %get3A_170 = arith.index_cast %scan3A_38 : i32 to index
      %get3A_171 = arith.constant 48 : index
      %get3A_172 = tpu.vector_load %arg22[%get3A_170, %get3A_171] {strides = array<i32>} : memref<4x512xf32, #tpu.memory_space<vmem>>, vector<16xf32>,
      %add3A_173 = arith.addf %get3A_169, %get3A_172 : vector<16xf32>
      %add3A_174 = arith.addf %add3A_173, %get3A_27 : vector<16xf32>
      %mul3A_175 = arith.mulf %add3A_174, %get3A_23 : vector<16xf32>
      %neg3A_176 = arith.constant 0.000000e+00 : f32
      %neg3A_177 = vector.broadcast %neg3A_176 : f32 to vector<16xf32>
      %neg3A_178 = arith.subf %neg3A_177, %mul3A_175 : vector<16xf32>
      %exp3A_179 = math.exp %neg3A_178 : vector<16xf32>
      %add3A_180 = arith.addf %broadcast_in_dim3A_31, %exp3A_179 : vector<16xf32>
      %div3A_181 = arith.divf %broadcast_in_dim3A_31, %add3A_180 : vector<16xf32>
      %get3A_182 = arith.index_cast %scan3A_38 : i32 to index
      %get3A_183 = arith.constant 48 : index
      %get3A_184 = tpu.vector_load %arg18[%get3A_182, %get3A_183] {strides = array<i32>} : memref<4x512xf32, #tpu.memory_space<vmem>>, vector<16xf32>,
      %add3A_185 = arith.addf %div3A_166, %div3A_181 : vector<16xf32>
      %mul3A_186 = arith.mulf %broadcast_in_dim3A_29, %add3A_185 : vector<16xf32>
      %mul3A_187 = arith.mulf %get3A_184, %mul3A_186 : vector<16xf32>
      %swap3A_188 = arith.index_cast %scan3A_38 : i32 to index
      %swap3A_189 = arith.constant 48 : index
      %swap3A_190 = tpu.vector_load %arg21[%swap3A_188, %swap3A_189] {strides = array<i32>} : memref<4x512xf32, #tpu.memory_space<vmem>>, vector<16xf32>,
      tpu.vector_store %arg21[%swap3A_188, %swap3A_189], %mul3A_187 {strides = array<i32>} : memref<4x512xf32, #tpu.memory_space<vmem>>, vector<16xf32>,
      %get3A_191 = arith.index_cast %scan3A_38 : i32 to index
      %get3A_192 = arith.constant 64 : index
      %get3A_193 = tpu.vector_load %arg19[%get3A_191, %get3A_192] {strides = array<i32>} : memref<4x512xf32, #tpu.memory_space<vmem>>, vector<16xf32>,
      %get3A_194 = arith.index_cast %scan3A_38 : i32 to index
      %get3A_195 = arith.constant 64 : index
      %get3A_196 = tpu.vector_load %arg21[%get3A_194, %get3A_195] {strides = array<i32>} : memref<4x512xf32, #tpu.memory_space<vmem>>, vector<16xf32>,
      %add3A_197 = arith.addf %get3A_193, %get3A_196 : vector<16xf32>
      %add3A_198 = arith.addf %add3A_197, %get3A_27 : vector<16xf32>
      %mul3A_199 = arith.mulf %add3A_198, %get3A_23 : vector<16xf32>
      %neg3A_200 = arith.constant 0.000000e+00 : f32
      %neg3A_201 = vector.broadcast %neg3A_200 : f32 to vector<16xf32>
      %neg3A_202 = arith.subf %neg3A_201, %mul3A_199 : vector<16xf32>
      %exp3A_203 = math.exp %neg3A_202 : vector<16xf32>
      %add3A_204 = arith.addf %broadcast_in_dim3A_31, %exp3A_203 : vector<16xf32>
      %div3A_205 = arith.divf %broadcast_in_dim3A_31, %add3A_204 : vector<16xf32>
      %get3A_206 = arith.index_cast %scan3A_38 : i32 to index
      %get3A_207 = arith.constant 64 : index
      %get3A_208 = tpu.vector_load %arg20[%get3A_206, %get3A_207] {strides = array<i32>} : memref<4x512xf32, #tpu.memory_space<vmem>>, vector<16xf32>,
      %get3A_209 = arith.index_cast %scan3A_38 : i32 to index
      %get3A_210 = arith.constant 64 : index
      %get3A_211 = tpu.vector_load %arg22[%get3A_209, %get3A_210] {strides = array<i32>} : memref<4x512xf32, #tpu.memory_space<vmem>>, vector<16xf32>,
      %add3A_212 = arith.addf %get3A_208, %get3A_211 : vector<16xf32>
      %add3A_213 = arith.addf %add3A_212, %get3A_27 : vector<16xf32>
      %mul3A_214 = arith.mulf %add3A_213, %get3A_23 : vector<16xf32>
      %neg3A_215 = arith.constant 0.000000e+00 : f32
      %neg3A_216 = vector.broadcast %neg3A_215 : f32 to vector<16xf32>
      %neg3A_217 = arith.subf %neg3A_216, %mul3A_214 : vector<16xf32>
      %exp3A_218 = math.exp %neg3A_217 : vector<16xf32>
      %add3A_219 = arith.addf %broadcast_in_dim3A_31, %exp3A_218 : vector<16xf32>
      %div3A_220 = arith.divf %broadcast_in_dim3A_31, %add3A_219 : vector<16xf32>
      %get3A_221 = arith.index_cast %scan3A_38 : i32 to index
      %get3A_222 = arith.constant 64 : index
      %get3A_223 = tpu.vector_load %arg18[%get3A_221, %get3A_222] {strides = array<i32>} : memref<4x512xf32, #tpu.memory_space<vmem>>, vector<16xf32>,
      %add3A_224 = arith.addf %div3A_205, %div3A_220 : vector<16xf32>
      %mul3A_225 = arith.mulf %broadcast_in_dim3A_29, %add3A_224 : vector<16xf32>
      %mul3A_226 = arith.mulf %get3A_223, %mul3A_225 : vector<16xf32>
      %swap3A_227 = arith.index_cast %scan3A_38 : i32 to index
      %swap3A_228 = arith.constant 64 : index
      %swap3A_229 = tpu.vector_load %arg21[%swap3A_227, %swap3A_228] {strides = array<i32>} : memref<4x512xf32, #tpu.memory_space<vmem>>, vector<16xf32>,
      tpu.vector_store %arg21[%swap3A_227, %swap3A_228], %mul3A_226 {strides = array<i32>} : memref<4x512xf32, #tpu.memory_space<vmem>>, vector<16xf32>,
      %get3A_230 = arith.index_cast %scan3A_38 : i32 to index
      %get3A_231 = arith.constant 80 : index
      %get3A_232 = tpu.vector_load %arg19[%get3A_230, %get3A_231] {strides = array<i32>} : memref<4x512xf32, #tpu.memory_space<vmem>>, vector<16xf32>,
      %get3A_233 = arith.index_cast %scan3A_38 : i32 to index
      %get3A_234 = arith.constant 80 : index
      %get3A_235 = tpu.vector_load %arg21[%get3A_233, %get3A_234] {strides = array<i32>} : memref<4x512xf32, #tpu.memory_space<vmem>>, vector<16xf32>,
      %add3A_236 = arith.addf %get3A_232, %get3A_235 : vector<16xf32>
      %add3A_237 = arith.addf %add3A_236, %get3A_27 : vector<16xf32>
      %mul3A_238 = arith.mulf %add3A_237, %get3A_23 : vector<16xf32>
      %neg3A_239 = arith.constant 0.000000e+00 : f32
      %neg3A_240 = vector.broadcast %neg3A_239 : f32 to vector<16xf32>
      %neg3A_241 = arith.subf %neg3A_240, %mul3A_238 : vector<16xf32>
      %exp3A_242 = math.exp %neg3A_241 : vector<16xf32>
      %add3A_243 = arith.addf %broadcast_in_dim3A_31, %exp3A_242 : vector<16xf32>
      %div3A_244 = arith.divf %broadcast_in_dim3A_31, %add3A_243 : vector<16xf32>
      %get3A_245 = arith.index_cast %scan3A_38 : i32 to index
      %get3A_246 = arith.constant 80 : index
      %get3A_247 = tpu.vector_load %arg20[%get3A_245, %get3A_246] {strides = array<i32>} : memref<4x512xf32, #tpu.memory_space<vmem>>, vector<16xf32>,
      %get3A_248 = arith.index_cast %scan3A_38 : i32 to index
      %get3A_249 = arith.constant 80 : index
      %get3A_250 = tpu.vector_load %arg22[%get3A_248, %get3A_249] {strides = array<i32>} : memref<4x512xf32, #tpu.memory_space<vmem>>, vector<16xf32>,
      %add3A_251 = arith.addf %get3A_247, %get3A_250 : vector<16xf32>
      %add3A_252 = arith.addf %add3A_251, %get3A_27 : vector<16xf32>
      %mul3A_253 = arith.mulf %add3A_252, %get3A_23 : vector<16xf32>
      %neg3A_254 = arith.constant 0.000000e+00 : f32
      %neg3A_255 = vector.broadcast %neg3A_254 : f32 to vector<16xf32>
      %neg3A_256 = arith.subf %neg3A_255, %mul3A_253 : vector<16xf32>
      %exp3A_257 = math.exp %neg3A_256 : vector<16xf32>
      %add3A_258 = arith.addf %broadcast_in_dim3A_31, %exp3A_257 : vector<16xf32>
      %div3A_259 = arith.divf %broadcast_in_dim3A_31, %add3A_258 : vector<16xf32>
      %get3A_260 = arith.index_cast %scan3A_38 : i32 to index
      %get3A_261 = arith.constant 80 : index
      %get3A_262 = tpu.vector_load %arg18[%get3A_260, %get3A_261] {strides = array<i32>} : memref<4x512xf32, #tpu.memory_space<vmem>>, vector<16xf32>,
      %add3A_263 = arith.addf %div3A_244, %div3A_259 : vector<16xf32>
      %mul3A_264 = arith.mulf %broadcast_in_dim3A_29, %add3A_263 : vector<16xf32>
      %mul3A_265 = arith.mulf %get3A_262, %mul3A_264 : vector<16xf32>
      %swap3A_266 = arith.index_cast %scan3A_38 : i32 to index
      %swap3A_267 = arith.constant 80 : index
      %swap3A_268 = tpu.vector_load %arg21[%swap3A_266, %swap3A_267] {strides = array<i32>} : memref<4x512xf32, #tpu.memory_space<vmem>>, vector<16xf32>,
      tpu.vector_store %arg21[%swap3A_266, %swap3A_267], %mul3A_265 {strides = array<i32>} : memref<4x512xf32, #tpu.memory_space<vmem>>, vector<16xf32>,
      %get3A_269 = arith.index_cast %scan3A_38 : i32 to index
      %get3A_270 = arith.constant 96 : index
      %get3A_271 = tpu.vector_load %arg19[%get3A_269, %get3A_270] {strides = array<i32>} : memref<4x512xf32, #tpu.memory_space<vmem>>, vector<16xf32>,
      %get3A_272 = arith.index_cast %scan3A_38 : i32 to index
      %get3A_273 = arith.constant 96 : index
      %get3A_274 = tpu.vector_load %arg21[%get3A_272, %get3A_273] {strides = array<i32>} : memref<4x512xf32, #tpu.memory_space<vmem>>, vector<16xf32>,
      %add3A_275 = arith.addf %get3A_271, %get3A_274 : vector<16xf32>
      %add3A_276 = arith.addf %add3A_275, %get3A_27 : vector<16xf32>
      %mul3A_277 = arith.mulf %add3A_276, %get3A_23 : vector<16xf32>
      %neg3A_278 = arith.constant 0.000000e+00 : f32
      %neg3A_279 = vector.broadcast %neg3A_278 : f32 to vector<16xf32>
      %neg3A_280 = arith.subf %neg3A_279, %mul3A_277 : vector<16xf32>
      %exp3A_281 = math.exp %neg3A_280 : vector<16xf32>
      %add3A_282 = arith.addf %broadcast_in_dim3A_31, %exp3A_281 : vector<16xf32>
      %div3A_283 = arith.divf %broadcast_in_dim3A_31, %add3A_282 : vector<16xf32>
      %get3A_284 = arith.index_cast %scan3A_38 : i32 to index
      %get3A_285 = arith.constant 96 : index
      %get3A_286 = tpu.vector_load %arg20[%get3A_284, %get3A_285] {strides = array<i32>} : memref<4x512xf32, #tpu.memory_space<vmem>>, vector<16xf32>,
      %get3A_287 = arith.index_cast %scan3A_38 : i32 to index
      %get3A_288 = arith.constant 96 : index
      %get3A_289 = tpu.vector_load %arg22[%get3A_287, %get3A_288] {strides = array<i32>} : memref<4x512xf32, #tpu.memory_space<vmem>>, vector<16xf32>,
      %add3A_290 = arith.addf %get3A_286, %get3A_289 : vector<16xf32>
      %add3A_291 = arith.addf %add3A_290, %get3A_27 : vector<16xf32>
      %mul3A_292 = arith.mulf %add3A_291, %get3A_23 : vector<16xf32>
      %neg3A_293 = arith.constant 0.000000e+00 : f32
      %neg3A_294 = vector.broadcast %neg3A_293 : f32 to vector<16xf32>
      %neg3A_295 = arith.subf %neg3A_294, %mul3A_292 : vector<16xf32>
      %exp3A_296 = math.exp %neg3A_295 : vector<16xf32>
      %add3A_297 = arith.addf %broadcast_in_dim3A_31, %exp3A_296 : vector<16xf32>
      %div3A_298 = arith.divf %broadcast_in_dim3A_31, %add3A_297 : vector<16xf32>
      %get3A_299 = arith.index_cast %scan3A_38 : i32 to index
      %get3A_300 = arith.constant 96 : index
      %get3A_301 = tpu.vector_load %arg18[%get3A_299, %get3A_300] {strides = array<i32>} : memref<4x512xf32, #tpu.memory_space<vmem>>, vector<16xf32>,
      %add3A_302 = arith.addf %div3A_283, %div3A_298 : vector<16xf32>
      %mul3A_303 = arith.mulf %broadcast_in_dim3A_29, %add3A_302 : vector<16xf32>
      %mul3A_304 = arith.mulf %get3A_301, %mul3A_303 : vector<16xf32>
      %swap3A_305 = arith.index_cast %scan3A_38 : i32 to index
      %swap3A_306 = arith.constant 96 : index
      %swap3A_307 = tpu.vector_load %arg21[%swap3A_305, %swap3A_306] {strides = array<i32>} : memref<4x512xf32, #tpu.memory_space<vmem>>, vector<16xf32>,
      tpu.vector_store %arg21[%swap3A_305, %swap3A_306], %mul3A_304 {strides = array<i32>} : memref<4x512xf32, #tpu.memory_space<vmem>>, vector<16xf32>,
      %get3A_308 = arith.index_cast %scan3A_38 : i32 to index
      %get3A_309 = arith.constant 112 : index
      %get3A_310 = tpu.vector_load %arg19[%get3A_308, %get3A_309] {strides = array<i32>} : memref<4x512xf32, #tpu.memory_space<vmem>>, vector<16xf32>,
      %get3A_311 = arith.index_cast %scan3A_38 : i32 to index
      %get3A_312 = arith.constant 112 : index
      %get3A_313 = tpu.vector_load %arg21[%get3A_311, %get3A_312] {strides = array<i32>} : memref<4x512xf32, #tpu.memory_space<vmem>>, vector<16xf32>,
      %add3A_314 = arith.addf %get3A_310, %get3A_313 : vector<16xf32>
      %add3A_315 = arith.addf %add3A_314, %get3A_27 : vector<16xf32>
      %mul3A_316 = arith.mulf %add3A_315, %get3A_23 : vector<16xf32>
      %neg3A_317 = arith.constant 0.000000e+00 : f32
      %neg3A_318 = vector.broadcast %neg3A_317 : f32 to vector<16xf32>
      %neg3A_319 = arith.subf %neg3A_318, %mul3A_316 : vector<16xf32>
      %exp3A_320 = math.exp %neg3A_319 : vector<16xf32>
      %add3A_321 = arith.addf %broadcast_in_dim3A_31, %exp3A_320 : vector<16xf32>
      %div3A_322 = arith.divf %broadcast_in_dim3A_31, %add3A_321 : vector<16xf32>
      %get3A_323 = arith.index_cast %scan3A_38 : i32 to index
      %get3A_324 = arith.constant 112 : index
      %get3A_325 = tpu.vector_load %arg20[%get3A_323, %get3A_324] {strides = array<i32>} : memref<4x512xf32, #tpu.memory_space<vmem>>, vector<16xf32>,
      %get3A_326 = arith.index_cast %scan3A_38 : i32 to index
      %get3A_327 = arith.constant 112 : index
      %get3A_328 = tpu.vector_load %arg22[%get3A_326, %get3A_327] {strides = array<i32>} : memref<4x512xf32, #tpu.memory_space<vmem>>, vector<16xf32>,
      %add3A_329 = arith.addf %get3A_325, %get3A_328 : vector<16xf32>
      %add3A_330 = arith.addf %add3A_329, %get3A_27 : vector<16xf32>
      %mul3A_331 = arith.mulf %add3A_330, %get3A_23 : vector<16xf32>
      %neg3A_332 = arith.constant 0.000000e+00 : f32
      %neg3A_333 = vector.broadcast %neg3A_332 : f32 to vector<16xf32>
      %neg3A_334 = arith.subf %neg3A_333, %mul3A_331 : vector<16xf32>
      %exp3A_335 = math.exp %neg3A_334 : vector<16xf32>
      %add3A_336 = arith.addf %broadcast_in_dim3A_31, %exp3A_335 : vector<16xf32>
      %div3A_337 = arith.divf %broadcast_in_dim3A_31, %add3A_336 : vector<16xf32>
      %get3A_338 = arith.index_cast %scan3A_38 : i32 to index
      %get3A_339 = arith.constant 112 : index
      %get3A_340 = tpu.vector_load %arg18[%get3A_338, %get3A_339] {strides = array<i32>} : memref<4x512xf32, #tpu.memory_space<vmem>>, vector<16xf32>,
      %add3A_341 = arith.addf %div3A_322, %div3A_337 : vector<16xf32>
      %mul3A_342 = arith.mulf %broadcast_in_dim3A_29, %add3A_341 : vector<16xf32>
      %mul3A_343 = arith.mulf %get3A_340, %mul3A_342 : vector<16xf32>
      %swap3A_344 = arith.index_cast %scan3A_38 : i32 to index
      %swap3A_345 = arith.constant 112 : index
      %swap3A_346 = tpu.vector_load %arg21[%swap3A_344, %swap3A_345] {strides = array<i32>} : memref<4x512xf32, #tpu.memory_space<vmem>>, vector<16xf32>,
      tpu.vector_store %arg21[%swap3A_344, %swap3A_345], %mul3A_343 {strides = array<i32>} : memref<4x512xf32, #tpu.memory_space<vmem>>, vector<16xf32>,
      %get3A_347 = arith.index_cast %scan3A_38 : i32 to index
      %get3A_348 = arith.constant 128 : index
      %get3A_349 = tpu.vector_load %arg19[%get3A_347, %get3A_348] {strides = array<i32>} : memref<4x512xf32, #tpu.memory_space<vmem>>, vector<16xf32>,
      %get3A_350 = arith.index_cast %scan3A_38 : i32 to index
      %get3A_351 = arith.constant 128 : index
      %get3A_352 = tpu.vector_load %arg21[%get3A_350, %get3A_351] {strides = array<i32>} : memref<4x512xf32, #tpu.memory_space<vmem>>, vector<16xf32>,
      %add3A_353 = arith.addf %get3A_349, %get3A_352 : vector<16xf32>
      %add3A_354 = arith.addf %add3A_353, %get3A_27 : vector<16xf32>
      %mul3A_355 = arith.mulf %add3A_354, %get3A_23 : vector<16xf32>
      %neg3A_356 = arith.constant 0.000000e+00 : f32
      %neg3A_357 = vector.broadcast %neg3A_356 : f32 to vector<16xf32>
      %neg3A_358 = arith.subf %neg3A_357, %mul3A_355 : vector<16xf32>
      %exp3A_359 = math.exp %neg3A_358 : vector<16xf32>
      %add3A_360 = arith.addf %broadcast_in_dim3A_31, %exp3A_359 : vector<16xf32>
      %div3A_361 = arith.divf %broadcast_in_dim3A_31, %add3A_360 : vector<16xf32>
      %get3A_362 = arith.index_cast %scan3A_38 : i32 to index
      %get3A_363 = arith.constant 128 : index
      %get3A_364 = tpu.vector_load %arg20[%get3A_362, %get3A_363] {strides = array<i32>} : memref<4x512xf32, #tpu.memory_space<vmem>>, vector<16xf32>,
      %get3A_365 = arith.index_cast %scan3A_38 : i32 to index
      %get3A_366 = arith.constant 128 : index
      %get3A_367 = tpu.vector_load %arg22[%get3A_365, %get3A_366] {strides = array<i32>} : memref<4x512xf32, #tpu.memory_space<vmem>>, vector<16xf32>,
      %add3A_368 = arith.addf %get3A_364, %get3A_367 : vector<16xf32>
      %add3A_369 = arith.addf %add3A_368, %get3A_27 : vector<16xf32>
      %mul3A_370 = arith.mulf %add3A_369, %get3A_23 : vector<16xf32>
      %neg3A_371 = arith.constant 0.000000e+00 : f32
      %neg3A_372 = vector.broadcast %neg3A_371 : f32 to vector<16xf32>
      %neg3A_373 = arith.subf %neg3A_372, %mul3A_370 : vector<16xf32>
      %exp3A_374 = math.exp %neg3A_373 : vector<16xf32>
      %add3A_375 = arith.addf %broadcast_in_dim3A_31, %exp3A_374 : vector<16xf32>
      %div3A_376 = arith.divf %broadcast_in_dim3A_31, %add3A_375 : vector<16xf32>
      %get3A_377 = arith.index_cast %scan3A_38 : i32 to index
      %get3A_378 = arith.constant 128 : index
      %get3A_379 = tpu.vector_load %arg18[%get3A_377, %get3A_378] {strides = array<i32>} : memref<4x512xf32, #tpu.memory_space<vmem>>, vector<16xf32>,
      %add3A_380 = arith.addf %div3A_361, %div3A_376 : vector<16xf32>
      %mul3A_381 = arith.mulf %broadcast_in_dim3A_29, %add3A_380 : vector<16xf32>
      %mul3A_382 = arith.mulf %get3A_379, %mul3A_381 : vector<16xf32>
      %swap3A_383 = arith.index_cast %scan3A_38 : i32 to index
      %swap3A_384 = arith.constant 128 : index
      %swap3A_385 = tpu.vector_load %arg21[%swap3A_383, %swap3A_384] {strides = array<i32>} : memref<4x512xf32, #tpu.memory_space<vmem>>, vector<16xf32>,
      tpu.vector_store %arg21[%swap3A_383, %swap3A_384], %mul3A_382 {strides = array<i32>} : memref<4x512xf32, #tpu.memory_space<vmem>>, vector<16xf32>,
      %get3A_386 = arith.index_cast %scan3A_38 : i32 to index
      %get3A_387 = arith.constant 144 : index
      %get3A_388 = tpu.vector_load %arg19[%get3A_386, %get3A_387] {strides = array<i32>} : memref<4x512xf32, #tpu.memory_space<vmem>>, vector<16xf32>,
      %get3A_389 = arith.index_cast %scan3A_38 : i32 to index
      %get3A_390 = arith.constant 144 : index
      %get3A_391 = tpu.vector_load %arg21[%get3A_389, %get3A_390] {strides = array<i32>} : memref<4x512xf32, #tpu.memory_space<vmem>>, vector<16xf32>,
      %add3A_392 = arith.addf %get3A_388, %get3A_391 : vector<16xf32>
      %add3A_393 = arith.addf %add3A_392, %get3A_27 : vector<16xf32>
      %mul3A_394 = arith.mulf %add3A_393, %get3A_23 : vector<16xf32>
      %neg3A_395 = arith.constant 0.000000e+00 : f32
      %neg3A_396 = vector.broadcast %neg3A_395 : f32 to vector<16xf32>
      %neg3A_397 = arith.subf %neg3A_396, %mul3A_394 : vector<16xf32>
      %exp3A_398 = math.exp %neg3A_397 : vector<16xf32>
      %add3A_399 = arith.addf %broadcast_in_dim3A_31, %exp3A_398 : vector<16xf32>
      %div3A_400 = arith.divf %broadcast_in_dim3A_31, %add3A_399 : vector<16xf32>
      %get3A_401 = arith.index_cast %scan3A_38 : i32 to index
      %get3A_402 = arith.constant 144 : index
      %get3A_403 = tpu.vector_load %arg20[%get3A_401, %get3A_402] {strides = array<i32>} : memref<4x512xf32, #tpu.memory_space<vmem>>, vector<16xf32>,
      %get3A_404 = arith.index_cast %scan3A_38 : i32 to index
      %get3A_405 = arith.constant 144 : index
      %get3A_406 = tpu.vector_load %arg22[%get3A_404, %get3A_405] {strides = array<i32>} : memref<4x512xf32, #tpu.memory_space<vmem>>, vector<16xf32>,
      %add3A_407 = arith.addf %get3A_403, %get3A_406 : vector<16xf32>
      %add3A_408 = arith.addf %add3A_407, %get3A_27 : vector<16xf32>
      %mul3A_409 = arith.mulf %add3A_408, %get3A_23 : vector<16xf32>
      %neg3A_410 = arith.constant 0.000000e+00 : f32
      %neg3A_411 = vector.broadcast %neg3A_410 : f32 to vector<16xf32>
      %neg3A_412 = arith.subf %neg3A_411, %mul3A_409 : vector<16xf32>
      %exp3A_413 = math.exp %neg3A_412 : vector<16xf32>
      %add3A_414 = arith.addf %broadcast_in_dim3A_31, %exp3A_413 : vector<16xf32>
      %div3A_415 = arith.divf %broadcast_in_dim3A_31, %add3A_414 : vector<16xf32>
      %get3A_416 = arith.index_cast %scan3A_38 : i32 to index
      %get3A_417 = arith.constant 144 : index
      %get3A_418 = tpu.vector_load %arg18[%get3A_416, %get3A_417] {strides = array<i32>} : memref<4x512xf32, #tpu.memory_space<vmem>>, vector<16xf32>,
      %add3A_419 = arith.addf %div3A_400, %div3A_415 : vector<16xf32>
      %mul3A_420 = arith.mulf %broadcast_in_dim3A_29, %add3A_419 : vector<16xf32>
      %mul3A_421 = arith.mulf %get3A_418, %mul3A_420 : vector<16xf32>
      %swap3A_422 = arith.index_cast %scan3A_38 : i32 to index
      %swap3A_423 = arith.constant 144 : index
      %swap3A_424 = tpu.vector_load %arg21[%swap3A_422, %swap3A_423] {strides = array<i32>} : memref<4x512xf32, #tpu.memory_space<vmem>>, vector<16xf32>,
      tpu.vector_store %arg21[%swap3A_422, %swap3A_423], %mul3A_421 {strides = array<i32>} : memref<4x512xf32, #tpu.memory_space<vmem>>, vector<16xf32>,
      %get3A_425 = arith.index_cast %scan3A_38 : i32 to index
      %get3A_426 = arith.constant 160 : index
      %get3A_427 = tpu.vector_load %arg19[%get3A_425, %get3A_426] {strides = array<i32>} : memref<4x512xf32, #tpu.memory_space<vmem>>, vector<16xf32>,
      %get3A_428 = arith.index_cast %scan3A_38 : i32 to index
      %get3A_429 = arith.constant 160 : index
      %get3A_430 = tpu.vector_load %arg21[%get3A_428, %get3A_429] {strides = array<i32>} : memref<4x512xf32, #tpu.memory_space<vmem>>, vector<16xf32>,
      %add3A_431 = arith.addf %get3A_427, %get3A_430 : vector<16xf32>
      %add3A_432 = arith.addf %add3A_431, %get3A_27 : vector<16xf32>
      %mul3A_433 = arith.mulf %add3A_432, %get3A_23 : vector<16xf32>
      %neg3A_434 = arith.constant 0.000000e+00 : f32
      %neg3A_435 = vector.broadcast %neg3A_434 : f32 to vector<16xf32>
      %neg3A_436 = arith.subf %neg3A_435, %mul3A_433 : vector<16xf32>
      %exp3A_437 = math.exp %neg3A_436 : vector<16xf32>
      %add3A_438 = arith.addf %broadcast_in_dim3A_31, %exp3A_437 : vector<16xf32>
      %div3A_439 = arith.divf %broadcast_in_dim3A_31, %add3A_438 : vector<16xf32>
      %get3A_440 = arith.index_cast %scan3A_38 : i32 to index
      %get3A_441 = arith.constant 160 : index
      %get3A_442 = tpu.vector_load %arg20[%get3A_440, %get3A_441] {strides = array<i32>} : memref<4x512xf32, #tpu.memory_space<vmem>>, vector<16xf32>,
      %get3A_443 = arith.index_cast %scan3A_38 : i32 to index
      %get3A_444 = arith.constant 160 : index
      %get3A_445 = tpu.vector_load %arg22[%get3A_443, %get3A_444] {strides = array<i32>} : memref<4x512xf32, #tpu.memory_space<vmem>>, vector<16xf32>,
      %add3A_446 = arith.addf %get3A_442, %get3A_445 : vector<16xf32>
      %add3A_447 = arith.addf %add3A_446, %get3A_27 : vector<16xf32>
      %mul3A_448 = arith.mulf %add3A_447, %get3A_23 : vector<16xf32>
      %neg3A_449 = arith.constant 0.000000e+00 : f32
      %neg3A_450 = vector.broadcast %neg3A_449 : f32 to vector<16xf32>
      %neg3A_451 = arith.subf %neg3A_450, %mul3A_448 : vector<16xf32>
      %exp3A_452 = math.exp %neg3A_451 : vector<16xf32>
      %add3A_453 = arith.addf %broadcast_in_dim3A_31, %exp3A_452 : vector<16xf32>
      %div3A_454 = arith.divf %broadcast_in_dim3A_31, %add3A_453 : vector<16xf32>
      %get3A_455 = arith.index_cast %scan3A_38 : i32 to index
      %get3A_456 = arith.constant 160 : index
      %get3A_457 = tpu.vector_load %arg18[%get3A_455, %get3A_456] {strides = array<i32>} : memref<4x512xf32, #tpu.memory_space<vmem>>, vector<16xf32>,
      %add3A_458 = arith.addf %div3A_439, %div3A_454 : vector<16xf32>
      %mul3A_459 = arith.mulf %broadcast_in_dim3A_29, %add3A_458 : vector<16xf32>
      %mul3A_460 = arith.mulf %get3A_457, %mul3A_459 : vector<16xf32>
      %swap3A_461 = arith.index_cast %scan3A_38 : i32 to index
      %swap3A_462 = arith.constant 160 : index
      %swap3A_463 = tpu.vector_load %arg21[%swap3A_461, %swap3A_462] {strides = array<i32>} : memref<4x512xf32, #tpu.memory_space<vmem>>, vector<16xf32>,
      tpu.vector_store %arg21[%swap3A_461, %swap3A_462], %mul3A_460 {strides = array<i32>} : memref<4x512xf32, #tpu.memory_space<vmem>>, vector<16xf32>,
      %get3A_464 = arith.index_cast %scan3A_38 : i32 to index
      %get3A_465 = arith.constant 176 : index
      %get3A_466 = tpu.vector_load %arg19[%get3A_464, %get3A_465] {strides = array<i32>} : memref<4x512xf32, #tpu.memory_space<vmem>>, vector<16xf32>,
      %get3A_467 = arith.index_cast %scan3A_38 : i32 to index
      %get3A_468 = arith.constant 176 : index
      %get3A_469 = tpu.vector_load %arg21[%get3A_467, %get3A_468] {strides = array<i32>} : memref<4x512xf32, #tpu.memory_space<vmem>>, vector<16xf32>,
      %add3A_470 = arith.addf %get3A_466, %get3A_469 : vector<16xf32>
      %add3A_471 = arith.addf %add3A_470, %get3A_27 : vector<16xf32>
      %mul3A_472 = arith.mulf %add3A_471, %get3A_23 : vector<16xf32>
      %neg3A_473 = arith.constant 0.000000e+00 : f32
      %neg3A_474 = vector.broadcast %neg3A_473 : f32 to vector<16xf32>
      %neg3A_475 = arith.subf %neg3A_474, %mul3A_472 : vector<16xf32>
      %exp3A_476 = math.exp %neg3A_475 : vector<16xf32>
      %add3A_477 = arith.addf %broadcast_in_dim3A_31, %exp3A_476 : vector<16xf32>
      %div3A_478 = arith.divf %broadcast_in_dim3A_31, %add3A_477 : vector<16xf32>
      %get3A_479 = arith.index_cast %scan3A_38 : i32 to index
      %get3A_480 = arith.constant 176 : index
      %get3A_481 = tpu.vector_load %arg20[%get3A_479, %get3A_480] {strides = array<i32>} : memref<4x512xf32, #tpu.memory_space<vmem>>, vector<16xf32>,
      %get3A_482 = arith.index_cast %scan3A_38 : i32 to index
      %get3A_483 = arith.constant 176 : index
      %get3A_484 = tpu.vector_load %arg22[%get3A_482, %get3A_483] {strides = array<i32>} : memref<4x512xf32, #tpu.memory_space<vmem>>, vector<16xf32>,
      %add3A_485 = arith.addf %get3A_481, %get3A_484 : vector<16xf32>
      %add3A_486 = arith.addf %add3A_485, %get3A_27 : vector<16xf32>
      %mul3A_487 = arith.mulf %add3A_486, %get3A_23 : vector<16xf32>
      %neg3A_488 = arith.constant 0.000000e+00 : f32
      %neg3A_489 = vector.broadcast %neg3A_488 : f32 to vector<16xf32>
      %neg3A_490 = arith.subf %neg3A_489, %mul3A_487 : vector<16xf32>
      %exp3A_491 = math.exp %neg3A_490 : vector<16xf32>
      %add3A_492 = arith.addf %broadcast_in_dim3A_31, %exp3A_491 : vector<16xf32>
      %div3A_493 = arith.divf %broadcast_in_dim3A_31, %add3A_492 : vector<16xf32>
      %get3A_494 = arith.index_cast %scan3A_38 : i32 to index
      %get3A_495 = arith.constant 176 : index
      %get3A_496 = tpu.vector_load %arg18[%get3A_494, %get3A_495] {strides = array<i32>} : memref<4x512xf32, #tpu.memory_space<vmem>>, vector<16xf32>,
      %add3A_497 = arith.addf %div3A_478, %div3A_493 : vector<16xf32>
      %mul3A_498 = arith.mulf %broadcast_in_dim3A_29, %add3A_497 : vector<16xf32>
      %mul3A_499 = arith.mulf %get3A_496, %mul3A_498 : vector<16xf32>
      %swap3A_500 = arith.index_cast %scan3A_38 : i32 to index
      %swap3A_501 = arith.constant 176 : index
      %swap3A_502 = tpu.vector_load %arg21[%swap3A_500, %swap3A_501] {strides = array<i32>} : memref<4x512xf32, #tpu.memory_space<vmem>>, vector<16xf32>,
      tpu.vector_store %arg21[%swap3A_500, %swap3A_501], %mul3A_499 {strides = array<i32>} : memref<4x512xf32, #tpu.memory_space<vmem>>, vector<16xf32>,
      %get3A_503 = arith.index_cast %scan3A_38 : i32 to index
      %get3A_504 = arith.constant 192 : index
      %get3A_505 = tpu.vector_load %arg19[%get3A_503, %get3A_504] {strides = array<i32>} : memref<4x512xf32, #tpu.memory_space<vmem>>, vector<16xf32>,
      %get3A_506 = arith.index_cast %scan3A_38 : i32 to index
      %get3A_507 = arith.constant 192 : index
      %get3A_508 = tpu.vector_load %arg21[%get3A_506, %get3A_507] {strides = array<i32>} : memref<4x512xf32, #tpu.memory_space<vmem>>, vector<16xf32>,
      %add3A_509 = arith.addf %get3A_505, %get3A_508 : vector<16xf32>
      %add3A_510 = arith.addf %add3A_509, %get3A_27 : vector<16xf32>
      %mul3A_511 = arith.mulf %add3A_510, %get3A_23 : vector<16xf32>
      %neg3A_512 = arith.constant 0.000000e+00 : f32
      %neg3A_513 = vector.broadcast %neg3A_512 : f32 to vector<16xf32>
      %neg3A_514 = arith.subf %neg3A_513, %mul3A_511 : vector<16xf32>
      %exp3A_515 = math.exp %neg3A_514 : vector<16xf32>
      %add3A_516 = arith.addf %broadcast_in_dim3A_31, %exp3A_515 : vector<16xf32>
      %div3A_517 = arith.divf %broadcast_in_dim3A_31, %add3A_516 : vector<16xf32>
      %get3A_518 = arith.index_cast %scan3A_38 : i32 to index
      %get3A_519 = arith.constant 192 : index
      %get3A_520 = tpu.vector_load %arg20[%get3A_518, %get3A_519] {strides = array<i32>} : memref<4x512xf32, #tpu.memory_space<vmem>>, vector<16xf32>,
      %get3A_521 = arith.index_cast %scan3A_38 : i32 to index
      %get3A_522 = arith.constant 192 : index
      %get3A_523 = tpu.vector_load %arg22[%get3A_521, %get3A_522] {strides = array<i32>} : memref<4x512xf32, #tpu.memory_space<vmem>>, vector<16xf32>,
      %add3A_524 = arith.addf %get3A_520, %get3A_523 : vector<16xf32>
      %add3A_525 = arith.addf %add3A_524, %get3A_27 : vector<16xf32>
      %mul3A_526 = arith.mulf %add3A_525, %get3A_23 : vector<16xf32>
      %neg3A_527 = arith.constant 0.000000e+00 : f32
      %neg3A_528 = vector.broadcast %neg3A_527 : f32 to vector<16xf32>
      %neg3A_529 = arith.subf %neg3A_528, %mul3A_526 : vector<16xf32>
      %exp3A_530 = math.exp %neg3A_529 : vector<16xf32>
      %add3A_531 = arith.addf %broadcast_in_dim3A_31, %exp3A_530 : vector<16xf32>
      %div3A_532 = arith.divf %broadcast_in_dim3A_31, %add3A_531 : vector<16xf32>
      %get3A_533 = arith.index_cast %scan3A_38 : i32 to index
      %get3A_534 = arith.constant 192 : index
      %get3A_535 = tpu.vector_load %arg18[%get3A_533, %get3A_534] {strides = array<i32>} : memref<4x512xf32, #tpu.memory_space<vmem>>, vector<16xf32>,
      %add3A_536 = arith.addf %div3A_517, %div3A_532 : vector<16xf32>
      %mul3A_537 = arith.mulf %broadcast_in_dim3A_29, %add3A_536 : vector<16xf32>
      %mul3A_538 = arith.mulf %get3A_535, %mul3A_537 : vector<16xf32>
      %swap3A_539 = arith.index_cast %scan3A_38 : i32 to index
      %swap3A_540 = arith.constant 192 : index
      %swap3A_541 = tpu.vector_load %arg21[%swap3A_539, %swap3A_540] {strides = array<i32>} : memref<4x512xf32, #tpu.memory_space<vmem>>, vector<16xf32>,
      tpu.vector_store %arg21[%swap3A_539, %swap3A_540], %mul3A_538 {strides = array<i32>} : memref<4x512xf32, #tpu.memory_space<vmem>>, vector<16xf32>,
      %get3A_542 = arith.index_cast %scan3A_38 : i32 to index
      %get3A_543 = arith.constant 208 : index
      %get3A_544 = tpu.vector_load %arg19[%get3A_542, %get3A_543] {strides = array<i32>} : memref<4x512xf32, #tpu.memory_space<vmem>>, vector<16xf32>,
      %get3A_545 = arith.index_cast %scan3A_38 : i32 to index
      %get3A_546 = arith.constant 208 : index
      %get3A_547 = tpu.vector_load %arg21[%get3A_545, %get3A_546] {strides = array<i32>} : memref<4x512xf32, #tpu.memory_space<vmem>>, vector<16xf32>,
      %add3A_548 = arith.addf %get3A_544, %get3A_547 : vector<16xf32>
      %add3A_549 = arith.addf %add3A_548, %get3A_27 : vector<16xf32>
      %mul3A_550 = arith.mulf %add3A_549, %get3A_23 : vector<16xf32>
      %neg3A_551 = arith.constant 0.000000e+00 : f32
      %neg3A_552 = vector.broadcast %neg3A_551 : f32 to vector<16xf32>
      %neg3A_553 = arith.subf %neg3A_552, %mul3A_550 : vector<16xf32>
      %exp3A_554 = math.exp %neg3A_553 : vector<16xf32>
      %add3A_555 = arith.addf %broadcast_in_dim3A_31, %exp3A_554 : vector<16xf32>
      %div3A_556 = arith.divf %broadcast_in_dim3A_31, %add3A_555 : vector<16xf32>
      %get3A_557 = arith.index_cast %scan3A_38 : i32 to index
      %get3A_558 = arith.constant 208 : index
      %get3A_559 = tpu.vector_load %arg20[%get3A_557, %get3A_558] {strides = array<i32>} : memref<4x512xf32, #tpu.memory_space<vmem>>, vector<16xf32>,
      %get3A_560 = arith.index_cast %scan3A_38 : i32 to index
      %get3A_561 = arith.constant 208 : index
      %get3A_562 = tpu.vector_load %arg22[%get3A_560, %get3A_561] {strides = array<i32>} : memref<4x512xf32, #tpu.memory_space<vmem>>, vector<16xf32>,
      %add3A_563 = arith.addf %get3A_559, %get3A_562 : vector<16xf32>
      %add3A_564 = arith.addf %add3A_563, %get3A_27 : vector<16xf32>
      %mul3A_565 = arith.mulf %add3A_564, %get3A_23 : vector<16xf32>
      %neg3A_566 = arith.constant 0.000000e+00 : f32
      %neg3A_567 = vector.broadcast %neg3A_566 : f32 to vector<16xf32>
      %neg3A_568 = arith.subf %neg3A_567, %mul3A_565 : vector<16xf32>
      %exp3A_569 = math.exp %neg3A_568 : vector<16xf32>
      %add3A_570 = arith.addf %broadcast_in_dim3A_31, %exp3A_569 : vector<16xf32>
      %div3A_571 = arith.divf %broadcast_in_dim3A_31, %add3A_570 : vector<16xf32>
      %get3A_572 = arith.index_cast %scan3A_38 : i32 to index
      %get3A_573 = arith.constant 208 : index
      %get3A_574 = tpu.vector_load %arg18[%get3A_572, %get3A_573] {strides = array<i32>} : memref<4x512xf32, #tpu.memory_space<vmem>>, vector<16xf32>,
      %add3A_575 = arith.addf %div3A_556, %div3A_571 : vector<16xf32>
      %mul3A_576 = arith.mulf %broadcast_in_dim3A_29, %add3A_575 : vector<16xf32>
      %mul3A_577 = arith.mulf %get3A_574, %mul3A_576 : vector<16xf32>
      %swap3A_578 = arith.index_cast %scan3A_38 : i32 to index
      %swap3A_579 = arith.constant 208 : index
      %swap3A_580 = tpu.vector_load %arg21[%swap3A_578, %swap3A_579] {strides = array<i32>} : memref<4x512xf32, #tpu.memory_space<vmem>>, vector<16xf32>,
      tpu.vector_store %arg21[%swap3A_578, %swap3A_579], %mul3A_577 {strides = array<i32>} : memref<4x512xf32, #tpu.memory_space<vmem>>, vector<16xf32>,
      %get3A_581 = arith.index_cast %scan3A_38 : i32 to index
      %get3A_582 = arith.constant 224 : index
      %get3A_583 = tpu.vector_load %arg19[%get3A_581, %get3A_582] {strides = array<i32>} : memref<4x512xf32, #tpu.memory_space<vmem>>, vector<16xf32>,
      %get3A_584 = arith.index_cast %scan3A_38 : i32 to index
      %get3A_585 = arith.constant 224 : index
      %get3A_586 = tpu.vector_load %arg21[%get3A_584, %get3A_585] {strides = array<i32>} : memref<4x512xf32, #tpu.memory_space<vmem>>, vector<16xf32>,
      %add3A_587 = arith.addf %get3A_583, %get3A_586 : vector<16xf32>
      %add3A_588 = arith.addf %add3A_587, %get3A_27 : vector<16xf32>
      %mul3A_589 = arith.mulf %add3A_588, %get3A_23 : vector<16xf32>
      %neg3A_590 = arith.constant 0.000000e+00 : f32
      %neg3A_591 = vector.broadcast %neg3A_590 : f32 to vector<16xf32>
      %neg3A_592 = arith.subf %neg3A_591, %mul3A_589 : vector<16xf32>
      %exp3A_593 = math.exp %neg3A_592 : vector<16xf32>
      %add3A_594 = arith.addf %broadcast_in_dim3A_31, %exp3A_593 : vector<16xf32>
      %div3A_595 = arith.divf %broadcast_in_dim3A_31, %add3A_594 : vector<16xf32>
      %get3A_596 = arith.index_cast %scan3A_38 : i32 to index
      %get3A_597 = arith.constant 224 : index
      %get3A_598 = tpu.vector_load %arg20[%get3A_596, %get3A_597] {strides = array<i32>} : memref<4x512xf32, #tpu.memory_space<vmem>>, vector<16xf32>,
      %get3A_599 = arith.index_cast %scan3A_38 : i32 to index
      %get3A_600 = arith.constant 224 : index
      %get3A_601 = tpu.vector_load %arg22[%get3A_599, %get3A_600] {strides = array<i32>} : memref<4x512xf32, #tpu.memory_space<vmem>>, vector<16xf32>,
      %add3A_602 = arith.addf %get3A_598, %get3A_601 : vector<16xf32>
      %add3A_603 = arith.addf %add3A_602, %get3A_27 : vector<16xf32>
      %mul3A_604 = arith.mulf %add3A_603, %get3A_23 : vector<16xf32>
      %neg3A_605 = arith.constant 0.000000e+00 : f32
      %neg3A_606 = vector.broadcast %neg3A_605 : f32 to vector<16xf32>
      %neg3A_607 = arith.subf %neg3A_606, %mul3A_604 : vector<16xf32>
      %exp3A_608 = math.exp %neg3A_607 : vector<16xf32>
      %add3A_609 = arith.addf %broadcast_in_dim3A_31, %exp3A_608 : vector<16xf32>
      %div3A_610 = arith.divf %broadcast_in_dim3A_31, %add3A_609 : vector<16xf32>
      %get3A_611 = arith.index_cast %scan3A_38 : i32 to index
      %get3A_612 = arith.constant 224 : index
      %get3A_613 = tpu.vector_load %arg18[%get3A_611, %get3A_612] {strides = array<i32>} : memref<4x512xf32, #tpu.memory_space<vmem>>, vector<16xf32>,
      %add3A_614 = arith.addf %div3A_595, %div3A_610 : vector<16xf32>
      %mul3A_615 = arith.mulf %broadcast_in_dim3A_29, %add3A_614 : vector<16xf32>
      %mul3A_616 = arith.mulf %get3A_613, %mul3A_615 : vector<16xf32>
      %swap3A_617 = arith.index_cast %scan3A_38 : i32 to index
      %swap3A_618 = arith.constant 224 : index
      %swap3A_619 = tpu.vector_load %arg21[%swap3A_617, %swap3A_618] {strides = array<i32>} : memref<4x512xf32, #tpu.memory_space<vmem>>, vector<16xf32>,
      tpu.vector_store %arg21[%swap3A_617, %swap3A_618], %mul3A_616 {strides = array<i32>} : memref<4x512xf32, #tpu.memory_space<vmem>>, vector<16xf32>,
      %get3A_620 = arith.index_cast %scan3A_38 : i32 to index
      %get3A_621 = arith.constant 240 : index
      %get3A_622 = tpu.vector_load %arg19[%get3A_620, %get3A_621] {strides = array<i32>} : memref<4x512xf32, #tpu.memory_space<vmem>>, vector<16xf32>,
      %get3A_623 = arith.index_cast %scan3A_38 : i32 to index
      %get3A_624 = arith.constant 240 : index
      %get3A_625 = tpu.vector_load %arg21[%get3A_623, %get3A_624] {strides = array<i32>} : memref<4x512xf32, #tpu.memory_space<vmem>>, vector<16xf32>,
      %add3A_626 = arith.addf %get3A_622, %get3A_625 : vector<16xf32>
      %add3A_627 = arith.addf %add3A_626, %get3A_27 : vector<16xf32>
      %mul3A_628 = arith.mulf %add3A_627, %get3A_23 : vector<16xf32>
      %neg3A_629 = arith.constant 0.000000e+00 : f32
      %neg3A_630 = vector.broadcast %neg3A_629 : f32 to vector<16xf32>
      %neg3A_631 = arith.subf %neg3A_630, %mul3A_628 : vector<16xf32>
      %exp3A_632 = math.exp %neg3A_631 : vector<16xf32>
      %add3A_633 = arith.addf %broadcast_in_dim3A_31, %exp3A_632 : vector<16xf32>
      %div3A_634 = arith.divf %broadcast_in_dim3A_31, %add3A_633 : vector<16xf32>
      %get3A_635 = arith.index_cast %scan3A_38 : i32 to index
      %get3A_636 = arith.constant 240 : index
      %get3A_637 = tpu.vector_load %arg20[%get3A_635, %get3A_636] {strides = array<i32>} : memref<4x512xf32, #tpu.memory_space<vmem>>, vector<16xf32>,
      %get3A_638 = arith.index_cast %scan3A_38 : i32 to index
      %get3A_639 = arith.constant 240 : index
      %get3A_640 = tpu.vector_load %arg22[%get3A_638, %get3A_639] {strides = array<i32>} : memref<4x512xf32, #tpu.memory_space<vmem>>, vector<16xf32>,
      %add3A_641 = arith.addf %get3A_637, %get3A_640 : vector<16xf32>
      %add3A_642 = arith.addf %add3A_641, %get3A_27 : vector<16xf32>
      %mul3A_643 = arith.mulf %add3A_642, %get3A_23 : vector<16xf32>
      %neg3A_644 = arith.constant 0.000000e+00 : f32
      %neg3A_645 = vector.broadcast %neg3A_644 : f32 to vector<16xf32>
      %neg3A_646 = arith.subf %neg3A_645, %mul3A_643 : vector<16xf32>
      %exp3A_647 = math.exp %neg3A_646 : vector<16xf32>
      %add3A_648 = arith.addf %broadcast_in_dim3A_31, %exp3A_647 : vector<16xf32>
      %div3A_649 = arith.divf %broadcast_in_dim3A_31, %add3A_648 : vector<16xf32>
      %get3A_650 = arith.index_cast %scan3A_38 : i32 to index
      %get3A_651 = arith.constant 240 : index
      %get3A_652 = tpu.vector_load %arg18[%get3A_650, %get3A_651] {strides = array<i32>} : memref<4x512xf32, #tpu.memory_space<vmem>>, vector<16xf32>,
      %add3A_653 = arith.addf %div3A_634, %div3A_649 : vector<16xf32>
      %mul3A_654 = arith.mulf %broadcast_in_dim3A_29, %add3A_653 : vector<16xf32>
      %mul3A_655 = arith.mulf %get3A_652, %mul3A_654 : vector<16xf32>
      %swap3A_656 = arith.index_cast %scan3A_38 : i32 to index
      %swap3A_657 = arith.constant 240 : index
      %swap3A_658 = tpu.vector_load %arg21[%swap3A_656, %swap3A_657] {strides = array<i32>} : memref<4x512xf32, #tpu.memory_space<vmem>>, vector<16xf32>,
      tpu.vector_store %arg21[%swap3A_656, %swap3A_657], %mul3A_655 {strides = array<i32>} : memref<4x512xf32, #tpu.memory_space<vmem>>, vector<16xf32>,
      %get3A_659 = arith.index_cast %scan3A_38 : i32 to index
      %get3A_660 = arith.constant 256 : index
      %get3A_661 = tpu.vector_load %arg19[%get3A_659, %get3A_660] {strides = array<i32>} : memref<4x512xf32, #tpu.memory_space<vmem>>, vector<16xf32>,
      %get3A_662 = arith.index_cast %scan3A_38 : i32 to index
      %get3A_663 = arith.constant 256 : index
      %get3A_664 = tpu.vector_load %arg21[%get3A_662, %get3A_663] {strides = array<i32>} : memref<4x512xf32, #tpu.memory_space<vmem>>, vector<16xf32>,
      %add3A_665 = arith.addf %get3A_661, %get3A_664 : vector<16xf32>
      %add3A_666 = arith.addf %add3A_665, %get3A_27 : vector<16xf32>
      %mul3A_667 = arith.mulf %add3A_666, %get3A_23 : vector<16xf32>
      %neg3A_668 = arith.constant 0.000000e+00 : f32
      %neg3A_669 = vector.broadcast %neg3A_668 : f32 to vector<16xf32>
      %neg3A_670 = arith.subf %neg3A_669, %mul3A_667 : vector<16xf32>
      %exp3A_671 = math.exp %neg3A_670 : vector<16xf32>
      %add3A_672 = arith.addf %broadcast_in_dim3A_31, %exp3A_671 : vector<16xf32>
      %div3A_673 = arith.divf %broadcast_in_dim3A_31, %add3A_672 : vector<16xf32>
      %get3A_674 = arith.index_cast %scan3A_38 : i32 to index
      %get3A_675 = arith.constant 256 : index
      %get3A_676 = tpu.vector_load %arg20[%get3A_674, %get3A_675] {strides = array<i32>} : memref<4x512xf32, #tpu.memory_space<vmem>>, vector<16xf32>,
      %get3A_677 = arith.index_cast %scan3A_38 : i32 to index
      %get3A_678 = arith.constant 256 : index
      %get3A_679 = tpu.vector_load %arg22[%get3A_677, %get3A_678] {strides = array<i32>} : memref<4x512xf32, #tpu.memory_space<vmem>>, vector<16xf32>,
      %add3A_680 = arith.addf %get3A_676, %get3A_679 : vector<16xf32>
      %add3A_681 = arith.addf %add3A_680, %get3A_27 : vector<16xf32>
      %mul3A_682 = arith.mulf %add3A_681, %get3A_23 : vector<16xf32>
      %neg3A_683 = arith.constant 0.000000e+00 : f32
      %neg3A_684 = vector.broadcast %neg3A_683 : f32 to vector<16xf32>
      %neg3A_685 = arith.subf %neg3A_684, %mul3A_682 : vector<16xf32>
      %exp3A_686 = math.exp %neg3A_685 : vector<16xf32>
      %add3A_687 = arith.addf %broadcast_in_dim3A_31, %exp3A_686 : vector<16xf32>
      %div3A_688 = arith.divf %broadcast_in_dim3A_31, %add3A_687 : vector<16xf32>
      %get3A_689 = arith.index_cast %scan3A_38 : i32 to index
      %get3A_690 = arith.constant 256 : index
      %get3A_691 = tpu.vector_load %arg18[%get3A_689, %get3A_690] {strides = array<i32>} : memref<4x512xf32, #tpu.memory_space<vmem>>, vector<16xf32>,
      %add3A_692 = arith.addf %div3A_673, %div3A_688 : vector<16xf32>
      %mul3A_693 = arith.mulf %broadcast_in_dim3A_29, %add3A_692 : vector<16xf32>
      %mul3A_694 = arith.mulf %get3A_691, %mul3A_693 : vector<16xf32>
      %swap3A_695 = arith.index_cast %scan3A_38 : i32 to index
      %swap3A_696 = arith.constant 256 : index
      %swap3A_697 = tpu.vector_load %arg21[%swap3A_695, %swap3A_696] {strides = array<i32>} : memref<4x512xf32, #tpu.memory_space<vmem>>, vector<16xf32>,
      tpu.vector_store %arg21[%swap3A_695, %swap3A_696], %mul3A_694 {strides = array<i32>} : memref<4x512xf32, #tpu.memory_space<vmem>>, vector<16xf32>,
      %get3A_698 = arith.index_cast %scan3A_38 : i32 to index
      %get3A_699 = arith.constant 272 : index
      %get3A_700 = tpu.vector_load %arg19[%get3A_698, %get3A_699] {strides = array<i32>} : memref<4x512xf32, #tpu.memory_space<vmem>>, vector<16xf32>,
      %get3A_701 = arith.index_cast %scan3A_38 : i32 to index
      %get3A_702 = arith.constant 272 : index
      %get3A_703 = tpu.vector_load %arg21[%get3A_701, %get3A_702] {strides = array<i32>} : memref<4x512xf32, #tpu.memory_space<vmem>>, vector<16xf32>,
      %add3A_704 = arith.addf %get3A_700, %get3A_703 : vector<16xf32>
      %add3A_705 = arith.addf %add3A_704, %get3A_27 : vector<16xf32>
      %mul3A_706 = arith.mulf %add3A_705, %get3A_23 : vector<16xf32>
      %neg3A_707 = arith.constant 0.000000e+00 : f32
      %neg3A_708 = vector.broadcast %neg3A_707 : f32 to vector<16xf32>
      %neg3A_709 = arith.subf %neg3A_708, %mul3A_706 : vector<16xf32>
      %exp3A_710 = math.exp %neg3A_709 : vector<16xf32>
      %add3A_711 = arith.addf %broadcast_in_dim3A_31, %exp3A_710 : vector<16xf32>
      %div3A_712 = arith.divf %broadcast_in_dim3A_31, %add3A_711 : vector<16xf32>
      %get3A_713 = arith.index_cast %scan3A_38 : i32 to index
      %get3A_714 = arith.constant 272 : index
      %get3A_715 = tpu.vector_load %arg20[%get3A_713, %get3A_714] {strides = array<i32>} : memref<4x512xf32, #tpu.memory_space<vmem>>, vector<16xf32>,
      %get3A_716 = arith.index_cast %scan3A_38 : i32 to index
      %get3A_717 = arith.constant 272 : index
      %get3A_718 = tpu.vector_load %arg22[%get3A_716, %get3A_717] {strides = array<i32>} : memref<4x512xf32, #tpu.memory_space<vmem>>, vector<16xf32>,
      %add3A_719 = arith.addf %get3A_715, %get3A_718 : vector<16xf32>
      %add3A_720 = arith.addf %add3A_719, %get3A_27 : vector<16xf32>
      %mul3A_721 = arith.mulf %add3A_720, %get3A_23 : vector<16xf32>
      %neg3A_722 = arith.constant 0.000000e+00 : f32
      %neg3A_723 = vector.broadcast %neg3A_722 : f32 to vector<16xf32>
      %neg3A_724 = arith.subf %neg3A_723, %mul3A_721 : vector<16xf32>
      %exp3A_725 = math.exp %neg3A_724 : vector<16xf32>
      %add3A_726 = arith.addf %broadcast_in_dim3A_31, %exp3A_725 : vector<16xf32>
      %div3A_727 = arith.divf %broadcast_in_dim3A_31, %add3A_726 : vector<16xf32>
      %get3A_728 = arith.index_cast %scan3A_38 : i32 to index
      %get3A_729 = arith.constant 272 : index
      %get3A_730 = tpu.vector_load %arg18[%get3A_728, %get3A_729] {strides = array<i32>} : memref<4x512xf32, #tpu.memory_space<vmem>>, vector<16xf32>,
      %add3A_731 = arith.addf %div3A_712, %div3A_727 : vector<16xf32>
      %mul3A_732 = arith.mulf %broadcast_in_dim3A_29, %add3A_731 : vector<16xf32>
      %mul3A_733 = arith.mulf %get3A_730, %mul3A_732 : vector<16xf32>
      %swap3A_734 = arith.index_cast %scan3A_38 : i32 to index
      %swap3A_735 = arith.constant 272 : index
      %swap3A_736 = tpu.vector_load %arg21[%swap3A_734, %swap3A_735] {strides = array<i32>} : memref<4x512xf32, #tpu.memory_space<vmem>>, vector<16xf32>,
      tpu.vector_store %arg21[%swap3A_734, %swap3A_735], %mul3A_733 {strides = array<i32>} : memref<4x512xf32, #tpu.memory_space<vmem>>, vector<16xf32>,
      %get3A_737 = arith.index_cast %scan3A_38 : i32 to index
      %get3A_738 = arith.constant 288 : index
      %get3A_739 = tpu.vector_load %arg19[%get3A_737, %get3A_738] {strides = array<i32>} : memref<4x512xf32, #tpu.memory_space<vmem>>, vector<16xf32>,
      %get3A_740 = arith.index_cast %scan3A_38 : i32 to index
      %get3A_741 = arith.constant 288 : index
      %get3A_742 = tpu.vector_load %arg21[%get3A_740, %get3A_741] {strides = array<i32>} : memref<4x512xf32, #tpu.memory_space<vmem>>, vector<16xf32>,
      %add3A_743 = arith.addf %get3A_739, %get3A_742 : vector<16xf32>
      %add3A_744 = arith.addf %add3A_743, %get3A_27 : vector<16xf32>
      %mul3A_745 = arith.mulf %add3A_744, %get3A_23 : vector<16xf32>
      %neg3A_746 = arith.constant 0.000000e+00 : f32
      %neg3A_747 = vector.broadcast %neg3A_746 : f32 to vector<16xf32>
      %neg3A_748 = arith.subf %neg3A_747, %mul3A_745 : vector<16xf32>
      %exp3A_749 = math.exp %neg3A_748 : vector<16xf32>
      %add3A_750 = arith.addf %broadcast_in_dim3A_31, %exp3A_749 : vector<16xf32>
      %div3A_751 = arith.divf %broadcast_in_dim3A_31, %add3A_750 : vector<16xf32>
      %get3A_752 = arith.index_cast %scan3A_38 : i32 to index
      %get3A_753 = arith.constant 288 : index
      %get3A_754 = tpu.vector_load %arg20[%get3A_752, %get3A_753] {strides = array<i32>} : memref<4x512xf32, #tpu.memory_space<vmem>>, vector<16xf32>,
      %get3A_755 = arith.index_cast %scan3A_38 : i32 to index
      %get3A_756 = arith.constant 288 : index
      %get3A_757 = tpu.vector_load %arg22[%get3A_755, %get3A_756] {strides = array<i32>} : memref<4x512xf32, #tpu.memory_space<vmem>>, vector<16xf32>,
      %add3A_758 = arith.addf %get3A_754, %get3A_757 : vector<16xf32>
      %add3A_759 = arith.addf %add3A_758, %get3A_27 : vector<16xf32>
      %mul3A_760 = arith.mulf %add3A_759, %get3A_23 : vector<16xf32>
      %neg3A_761 = arith.constant 0.000000e+00 : f32
      %neg3A_762 = vector.broadcast %neg3A_761 : f32 to vector<16xf32>
      %neg3A_763 = arith.subf %neg3A_762, %mul3A_760 : vector<16xf32>
      %exp3A_764 = math.exp %neg3A_763 : vector<16xf32>
      %add3A_765 = arith.addf %broadcast_in_dim3A_31, %exp3A_764 : vector<16xf32>
      %div3A_766 = arith.divf %broadcast_in_dim3A_31, %add3A_765 : vector<16xf32>
      %get3A_767 = arith.index_cast %scan3A_38 : i32 to index
      %get3A_768 = arith.constant 288 : index
      %get3A_769 = tpu.vector_load %arg18[%get3A_767, %get3A_768] {strides = array<i32>} : memref<4x512xf32, #tpu.memory_space<vmem>>, vector<16xf32>,
      %add3A_770 = arith.addf %div3A_751, %div3A_766 : vector<16xf32>
      %mul3A_771 = arith.mulf %broadcast_in_dim3A_29, %add3A_770 : vector<16xf32>
      %mul3A_772 = arith.mulf %get3A_769, %mul3A_771 : vector<16xf32>
      %swap3A_773 = arith.index_cast %scan3A_38 : i32 to index
      %swap3A_774 = arith.constant 288 : index
      %swap3A_775 = tpu.vector_load %arg21[%swap3A_773, %swap3A_774] {strides = array<i32>} : memref<4x512xf32, #tpu.memory_space<vmem>>, vector<16xf32>,
      tpu.vector_store %arg21[%swap3A_773, %swap3A_774], %mul3A_772 {strides = array<i32>} : memref<4x512xf32, #tpu.memory_space<vmem>>, vector<16xf32>,
      %get3A_776 = arith.index_cast %scan3A_38 : i32 to index
      %get3A_777 = arith.constant 304 : index
      %get3A_778 = tpu.vector_load %arg19[%get3A_776, %get3A_777] {strides = array<i32>} : memref<4x512xf32, #tpu.memory_space<vmem>>, vector<16xf32>,
      %get3A_779 = arith.index_cast %scan3A_38 : i32 to index
      %get3A_780 = arith.constant 304 : index
      %get3A_781 = tpu.vector_load %arg21[%get3A_779, %get3A_780] {strides = array<i32>} : memref<4x512xf32, #tpu.memory_space<vmem>>, vector<16xf32>,
      %add3A_782 = arith.addf %get3A_778, %get3A_781 : vector<16xf32>
      %add3A_783 = arith.addf %add3A_782, %get3A_27 : vector<16xf32>
      %mul3A_784 = arith.mulf %add3A_783, %get3A_23 : vector<16xf32>
      %neg3A_785 = arith.constant 0.000000e+00 : f32
      %neg3A_786 = vector.broadcast %neg3A_785 : f32 to vector<16xf32>
      %neg3A_787 = arith.subf %neg3A_786, %mul3A_784 : vector<16xf32>
      %exp3A_788 = math.exp %neg3A_787 : vector<16xf32>
      %add3A_789 = arith.addf %broadcast_in_dim3A_31, %exp3A_788 : vector<16xf32>
      %div3A_790 = arith.divf %broadcast_in_dim3A_31, %add3A_789 : vector<16xf32>
      %get3A_791 = arith.index_cast %scan3A_38 : i32 to index
      %get3A_792 = arith.constant 304 : index
      %get3A_793 = tpu.vector_load %arg20[%get3A_791, %get3A_792] {strides = array<i32>} : memref<4x512xf32, #tpu.memory_space<vmem>>, vector<16xf32>,
      %get3A_794 = arith.index_cast %scan3A_38 : i32 to index
      %get3A_795 = arith.constant 304 : index
      %get3A_796 = tpu.vector_load %arg22[%get3A_794, %get3A_795] {strides = array<i32>} : memref<4x512xf32, #tpu.memory_space<vmem>>, vector<16xf32>,
      %add3A_797 = arith.addf %get3A_793, %get3A_796 : vector<16xf32>
      %add3A_798 = arith.addf %add3A_797, %get3A_27 : vector<16xf32>
      %mul3A_799 = arith.mulf %add3A_798, %get3A_23 : vector<16xf32>
      %neg3A_800 = arith.constant 0.000000e+00 : f32
      %neg3A_801 = vector.broadcast %neg3A_800 : f32 to vector<16xf32>
      %neg3A_802 = arith.subf %neg3A_801, %mul3A_799 : vector<16xf32>
      %exp3A_803 = math.exp %neg3A_802 : vector<16xf32>
      %add3A_804 = arith.addf %broadcast_in_dim3A_31, %exp3A_803 : vector<16xf32>
      %div3A_805 = arith.divf %broadcast_in_dim3A_31, %add3A_804 : vector<16xf32>
      %get3A_806 = arith.index_cast %scan3A_38 : i32 to index
      %get3A_807 = arith.constant 304 : index
      %get3A_808 = tpu.vector_load %arg18[%get3A_806, %get3A_807] {strides = array<i32>} : memref<4x512xf32, #tpu.memory_space<vmem>>, vector<16xf32>,
      %add3A_809 = arith.addf %div3A_790, %div3A_805 : vector<16xf32>
      %mul3A_810 = arith.mulf %broadcast_in_dim3A_29, %add3A_809 : vector<16xf32>
      %mul3A_811 = arith.mulf %get3A_808, %mul3A_810 : vector<16xf32>
      %swap3A_812 = arith.index_cast %scan3A_38 : i32 to index
      %swap3A_813 = arith.constant 304 : index
      %swap3A_814 = tpu.vector_load %arg21[%swap3A_812, %swap3A_813] {strides = array<i32>} : memref<4x512xf32, #tpu.memory_space<vmem>>, vector<16xf32>,
      tpu.vector_store %arg21[%swap3A_812, %swap3A_813], %mul3A_811 {strides = array<i32>} : memref<4x512xf32, #tpu.memory_space<vmem>>, vector<16xf32>,
      %get3A_815 = arith.index_cast %scan3A_38 : i32 to index
      %get3A_816 = arith.constant 320 : index
      %get3A_817 = tpu.vector_load %arg19[%get3A_815, %get3A_816] {strides = array<i32>} : memref<4x512xf32, #tpu.memory_space<vmem>>, vector<16xf32>,
      %get3A_818 = arith.index_cast %scan3A_38 : i32 to index
      %get3A_819 = arith.constant 320 : index
      %get3A_820 = tpu.vector_load %arg21[%get3A_818, %get3A_819] {strides = array<i32>} : memref<4x512xf32, #tpu.memory_space<vmem>>, vector<16xf32>,
      %add3A_821 = arith.addf %get3A_817, %get3A_820 : vector<16xf32>
      %add3A_822 = arith.addf %add3A_821, %get3A_27 : vector<16xf32>
      %mul3A_823 = arith.mulf %add3A_822, %get3A_23 : vector<16xf32>
      %neg3A_824 = arith.constant 0.000000e+00 : f32
      %neg3A_825 = vector.broadcast %neg3A_824 : f32 to vector<16xf32>
      %neg3A_826 = arith.subf %neg3A_825, %mul3A_823 : vector<16xf32>
      %exp3A_827 = math.exp %neg3A_826 : vector<16xf32>
      %add3A_828 = arith.addf %broadcast_in_dim3A_31, %exp3A_827 : vector<16xf32>
      %div3A_829 = arith.divf %broadcast_in_dim3A_31, %add3A_828 : vector<16xf32>
      %get3A_830 = arith.index_cast %scan3A_38 : i32 to index
      %get3A_831 = arith.constant 320 : index
      %get3A_832 = tpu.vector_load %arg20[%get3A_830, %get3A_831] {strides = array<i32>} : memref<4x512xf32, #tpu.memory_space<vmem>>, vector<16xf32>,
      %get3A_833 = arith.index_cast %scan3A_38 : i32 to index
      %get3A_834 = arith.constant 320 : index
      %get3A_835 = tpu.vector_load %arg22[%get3A_833, %get3A_834] {strides = array<i32>} : memref<4x512xf32, #tpu.memory_space<vmem>>, vector<16xf32>,
      %add3A_836 = arith.addf %get3A_832, %get3A_835 : vector<16xf32>
      %add3A_837 = arith.addf %add3A_836, %get3A_27 : vector<16xf32>
      %mul3A_838 = arith.mulf %add3A_837, %get3A_23 : vector<16xf32>
      %neg3A_839 = arith.constant 0.000000e+00 : f32
      %neg3A_840 = vector.broadcast %neg3A_839 : f32 to vector<16xf32>
      %neg3A_841 = arith.subf %neg3A_840, %mul3A_838 : vector<16xf32>
      %exp3A_842 = math.exp %neg3A_841 : vector<16xf32>
      %add3A_843 = arith.addf %broadcast_in_dim3A_31, %exp3A_842 : vector<16xf32>
      %div3A_844 = arith.divf %broadcast_in_dim3A_31, %add3A_843 : vector<16xf32>
      %get3A_845 = arith.index_cast %scan3A_38 : i32 to index
      %get3A_846 = arith.constant 320 : index
      %get3A_847 = tpu.vector_load %arg18[%get3A_845, %get3A_846] {strides = array<i32>} : memref<4x512xf32, #tpu.memory_space<vmem>>, vector<16xf32>,
      %add3A_848 = arith.addf %div3A_829, %div3A_844 : vector<16xf32>
      %mul3A_849 = arith.mulf %broadcast_in_dim3A_29, %add3A_848 : vector<16xf32>
      %mul3A_850 = arith.mulf %get3A_847, %mul3A_849 : vector<16xf32>
      %swap3A_851 = arith.index_cast %scan3A_38 : i32 to index
      %swap3A_852 = arith.constant 320 : index
      %swap3A_853 = tpu.vector_load %arg21[%swap3A_851, %swap3A_852] {strides = array<i32>} : memref<4x512xf32, #tpu.memory_space<vmem>>, vector<16xf32>,
      tpu.vector_store %arg21[%swap3A_851, %swap3A_852], %mul3A_850 {strides = array<i32>} : memref<4x512xf32, #tpu.memory_space<vmem>>, vector<16xf32>,
      %get3A_854 = arith.index_cast %scan3A_38 : i32 to index
      %get3A_855 = arith.constant 336 : index
      %get3A_856 = tpu.vector_load %arg19[%get3A_854, %get3A_855] {strides = array<i32>} : memref<4x512xf32, #tpu.memory_space<vmem>>, vector<16xf32>,
      %get3A_857 = arith.index_cast %scan3A_38 : i32 to index
      %get3A_858 = arith.constant 336 : index
      %get3A_859 = tpu.vector_load %arg21[%get3A_857, %get3A_858] {strides = array<i32>} : memref<4x512xf32, #tpu.memory_space<vmem>>, vector<16xf32>,
      %add3A_860 = arith.addf %get3A_856, %get3A_859 : vector<16xf32>
      %add3A_861 = arith.addf %add3A_860, %get3A_27 : vector<16xf32>
      %mul3A_862 = arith.mulf %add3A_861, %get3A_23 : vector<16xf32>
      %neg3A_863 = arith.constant 0.000000e+00 : f32
      %neg3A_864 = vector.broadcast %neg3A_863 : f32 to vector<16xf32>
      %neg3A_865 = arith.subf %neg3A_864, %mul3A_862 : vector<16xf32>
      %exp3A_866 = math.exp %neg3A_865 : vector<16xf32>
      %add3A_867 = arith.addf %broadcast_in_dim3A_31, %exp3A_866 : vector<16xf32>
      %div3A_868 = arith.divf %broadcast_in_dim3A_31, %add3A_867 : vector<16xf32>
      %get3A_869 = arith.index_cast %scan3A_38 : i32 to index
      %get3A_870 = arith.constant 336 : index
      %get3A_871 = tpu.vector_load %arg20[%get3A_869, %get3A_870] {strides = array<i32>} : memref<4x512xf32, #tpu.memory_space<vmem>>, vector<16xf32>,
      %get3A_872 = arith.index_cast %scan3A_38 : i32 to index
      %get3A_873 = arith.constant 336 : index
      %get3A_874 = tpu.vector_load %arg22[%get3A_872, %get3A_873] {strides = array<i32>} : memref<4x512xf32, #tpu.memory_space<vmem>>, vector<16xf32>,
      %add3A_875 = arith.addf %get3A_871, %get3A_874 : vector<16xf32>
      %add3A_876 = arith.addf %add3A_875, %get3A_27 : vector<16xf32>
      %mul3A_877 = arith.mulf %add3A_876, %get3A_23 : vector<16xf32>
      %neg3A_878 = arith.constant 0.000000e+00 : f32
      %neg3A_879 = vector.broadcast %neg3A_878 : f32 to vector<16xf32>
      %neg3A_880 = arith.subf %neg3A_879, %mul3A_877 : vector<16xf32>
      %exp3A_881 = math.exp %neg3A_880 : vector<16xf32>
      %add3A_882 = arith.addf %broadcast_in_dim3A_31, %exp3A_881 : vector<16xf32>
      %div3A_883 = arith.divf %broadcast_in_dim3A_31, %add3A_882 : vector<16xf32>
      %get3A_884 = arith.index_cast %scan3A_38 : i32 to index
      %get3A_885 = arith.constant 336 : index
      %get3A_886 = tpu.vector_load %arg18[%get3A_884, %get3A_885] {strides = array<i32>} : memref<4x512xf32, #tpu.memory_space<vmem>>, vector<16xf32>,
      %add3A_887 = arith.addf %div3A_868, %div3A_883 : vector<16xf32>
      %mul3A_888 = arith.mulf %broadcast_in_dim3A_29, %add3A_887 : vector<16xf32>
      %mul3A_889 = arith.mulf %get3A_886, %mul3A_888 : vector<16xf32>
      %swap3A_890 = arith.index_cast %scan3A_38 : i32 to index
      %swap3A_891 = arith.constant 336 : index
      %swap3A_892 = tpu.vector_load %arg21[%swap3A_890, %swap3A_891] {strides = array<i32>} : memref<4x512xf32, #tpu.memory_space<vmem>>, vector<16xf32>,
      tpu.vector_store %arg21[%swap3A_890, %swap3A_891], %mul3A_889 {strides = array<i32>} : memref<4x512xf32, #tpu.memory_space<vmem>>, vector<16xf32>,
      %get3A_893 = arith.index_cast %scan3A_38 : i32 to index
      %get3A_894 = arith.constant 352 : index
      %get3A_895 = tpu.vector_load %arg19[%get3A_893, %get3A_894] {strides = array<i32>} : memref<4x512xf32, #tpu.memory_space<vmem>>, vector<16xf32>,
      %get3A_896 = arith.index_cast %scan3A_38 : i32 to index
      %get3A_897 = arith.constant 352 : index
      %get3A_898 = tpu.vector_load %arg21[%get3A_896, %get3A_897] {strides = array<i32>} : memref<4x512xf32, #tpu.memory_space<vmem>>, vector<16xf32>,
      %add3A_899 = arith.addf %get3A_895, %get3A_898 : vector<16xf32>
      %add3A_900 = arith.addf %add3A_899, %get3A_27 : vector<16xf32>
      %mul3A_901 = arith.mulf %add3A_900, %get3A_23 : vector<16xf32>
      %neg3A_902 = arith.constant 0.000000e+00 : f32
      %neg3A_903 = vector.broadcast %neg3A_902 : f32 to vector<16xf32>
      %neg3A_904 = arith.subf %neg3A_903, %mul3A_901 : vector<16xf32>
      %exp3A_905 = math.exp %neg3A_904 : vector<16xf32>
      %add3A_906 = arith.addf %broadcast_in_dim3A_31, %exp3A_905 : vector<16xf32>
      %div3A_907 = arith.divf %broadcast_in_dim3A_31, %add3A_906 : vector<16xf32>
      %get3A_908 = arith.index_cast %scan3A_38 : i32 to index
      %get3A_909 = arith.constant 352 : index
      %get3A_910 = tpu.vector_load %arg20[%get3A_908, %get3A_909] {strides = array<i32>} : memref<4x512xf32, #tpu.memory_space<vmem>>, vector<16xf32>,
      %get3A_911 = arith.index_cast %scan3A_38 : i32 to index
      %get3A_912 = arith.constant 352 : index
      %get3A_913 = tpu.vector_load %arg22[%get3A_911, %get3A_912] {strides = array<i32>} : memref<4x512xf32, #tpu.memory_space<vmem>>, vector<16xf32>,
      %add3A_914 = arith.addf %get3A_910, %get3A_913 : vector<16xf32>
      %add3A_915 = arith.addf %add3A_914, %get3A_27 : vector<16xf32>
      %mul3A_916 = arith.mulf %add3A_915, %get3A_23 : vector<16xf32>
      %neg3A_917 = arith.constant 0.000000e+00 : f32
      %neg3A_918 = vector.broadcast %neg3A_917 : f32 to vector<16xf32>
      %neg3A_919 = arith.subf %neg3A_918, %mul3A_916 : vector<16xf32>
      %exp3A_920 = math.exp %neg3A_919 : vector<16xf32>
      %add3A_921 = arith.addf %broadcast_in_dim3A_31, %exp3A_920 : vector<16xf32>
      %div3A_922 = arith.divf %broadcast_in_dim3A_31, %add3A_921 : vector<16xf32>
      %get3A_923 = arith.index_cast %scan3A_38 : i32 to index
      %get3A_924 = arith.constant 352 : index
      %get3A_925 = tpu.vector_load %arg18[%get3A_923, %get3A_924] {strides = array<i32>} : memref<4x512xf32, #tpu.memory_space<vmem>>, vector<16xf32>,
      %add3A_926 = arith.addf %div3A_907, %div3A_922 : vector<16xf32>
      %mul3A_927 = arith.mulf %broadcast_in_dim3A_29, %add3A_926 : vector<16xf32>
      %mul3A_928 = arith.mulf %get3A_925, %mul3A_927 : vector<16xf32>
      %swap3A_929 = arith.index_cast %scan3A_38 : i32 to index
      %swap3A_930 = arith.constant 352 : index
      %swap3A_931 = tpu.vector_load %arg21[%swap3A_929, %swap3A_930] {strides = array<i32>} : memref<4x512xf32, #tpu.memory_space<vmem>>, vector<16xf32>,
      tpu.vector_store %arg21[%swap3A_929, %swap3A_930], %mul3A_928 {strides = array<i32>} : memref<4x512xf32, #tpu.memory_space<vmem>>, vector<16xf32>,
      %get3A_932 = arith.index_cast %scan3A_38 : i32 to index
      %get3A_933 = arith.constant 368 : index
      %get3A_934 = tpu.vector_load %arg19[%get3A_932, %get3A_933] {strides = array<i32>} : memref<4x512xf32, #tpu.memory_space<vmem>>, vector<16xf32>,
      %get3A_935 = arith.index_cast %scan3A_38 : i32 to index
      %get3A_936 = arith.constant 368 : index
      %get3A_937 = tpu.vector_load %arg21[%get3A_935, %get3A_936] {strides = array<i32>} : memref<4x512xf32, #tpu.memory_space<vmem>>, vector<16xf32>,
      %add3A_938 = arith.addf %get3A_934, %get3A_937 : vector<16xf32>
      %add3A_939 = arith.addf %add3A_938, %get3A_27 : vector<16xf32>
      %mul3A_940 = arith.mulf %add3A_939, %get3A_23 : vector<16xf32>
      %neg3A_941 = arith.constant 0.000000e+00 : f32
      %neg3A_942 = vector.broadcast %neg3A_941 : f32 to vector<16xf32>
      %neg3A_943 = arith.subf %neg3A_942, %mul3A_940 : vector<16xf32>
      %exp3A_944 = math.exp %neg3A_943 : vector<16xf32>
      %add3A_945 = arith.addf %broadcast_in_dim3A_31, %exp3A_944 : vector<16xf32>
      %div3A_946 = arith.divf %broadcast_in_dim3A_31, %add3A_945 : vector<16xf32>
      %get3A_947 = arith.index_cast %scan3A_38 : i32 to index
      %get3A_948 = arith.constant 368 : index
      %get3A_949 = tpu.vector_load %arg20[%get3A_947, %get3A_948] {strides = array<i32>} : memref<4x512xf32, #tpu.memory_space<vmem>>, vector<16xf32>,
      %get3A_950 = arith.index_cast %scan3A_38 : i32 to index
      %get3A_951 = arith.constant 368 : index
      %get3A_952 = tpu.vector_load %arg22[%get3A_950, %get3A_951] {strides = array<i32>} : memref<4x512xf32, #tpu.memory_space<vmem>>, vector<16xf32>,
      %add3A_953 = arith.addf %get3A_949, %get3A_952 : vector<16xf32>
      %add3A_954 = arith.addf %add3A_953, %get3A_27 : vector<16xf32>
      %mul3A_955 = arith.mulf %add3A_954, %get3A_23 : vector<16xf32>
      %neg3A_956 = arith.constant 0.000000e+00 : f32
      %neg3A_957 = vector.broadcast %neg3A_956 : f32 to vector<16xf32>
      %neg3A_958 = arith.subf %neg3A_957, %mul3A_955 : vector<16xf32>
      %exp3A_959 = math.exp %neg3A_958 : vector<16xf32>
      %add3A_960 = arith.addf %broadcast_in_dim3A_31, %exp3A_959 : vector<16xf32>
      %div3A_961 = arith.divf %broadcast_in_dim3A_31, %add3A_960 : vector<16xf32>
      %get3A_962 = arith.index_cast %scan3A_38 : i32 to index
      %get3A_963 = arith.constant 368 : index
      %get3A_964 = tpu.vector_load %arg18[%get3A_962, %get3A_963] {strides = array<i32>} : memref<4x512xf32, #tpu.memory_space<vmem>>, vector<16xf32>,
      %add3A_965 = arith.addf %div3A_946, %div3A_961 : vector<16xf32>
      %mul3A_966 = arith.mulf %broadcast_in_dim3A_29, %add3A_965 : vector<16xf32>
      %mul3A_967 = arith.mulf %get3A_964, %mul3A_966 : vector<16xf32>
      %swap3A_968 = arith.index_cast %scan3A_38 : i32 to index
      %swap3A_969 = arith.constant 368 : index
      %swap3A_970 = tpu.vector_load %arg21[%swap3A_968, %swap3A_969] {strides = array<i32>} : memref<4x512xf32, #tpu.memory_space<vmem>>, vector<16xf32>,
      tpu.vector_store %arg21[%swap3A_968, %swap3A_969], %mul3A_967 {strides = array<i32>} : memref<4x512xf32, #tpu.memory_space<vmem>>, vector<16xf32>,
      %get3A_971 = arith.index_cast %scan3A_38 : i32 to index
      %get3A_972 = arith.constant 384 : index
      %get3A_973 = tpu.vector_load %arg19[%get3A_971, %get3A_972] {strides = array<i32>} : memref<4x512xf32, #tpu.memory_space<vmem>>, vector<16xf32>,
      %get3A_974 = arith.index_cast %scan3A_38 : i32 to index
      %get3A_975 = arith.constant 384 : index
      %get3A_976 = tpu.vector_load %arg21[%get3A_974, %get3A_975] {strides = array<i32>} : memref<4x512xf32, #tpu.memory_space<vmem>>, vector<16xf32>,
      %add3A_977 = arith.addf %get3A_973, %get3A_976 : vector<16xf32>
      %add3A_978 = arith.addf %add3A_977, %get3A_27 : vector<16xf32>
      %mul3A_979 = arith.mulf %add3A_978, %get3A_23 : vector<16xf32>
      %neg3A_980 = arith.constant 0.000000e+00 : f32
      %neg3A_981 = vector.broadcast %neg3A_980 : f32 to vector<16xf32>
      %neg3A_982 = arith.subf %neg3A_981, %mul3A_979 : vector<16xf32>
      %exp3A_983 = math.exp %neg3A_982 : vector<16xf32>
      %add3A_984 = arith.addf %broadcast_in_dim3A_31, %exp3A_983 : vector<16xf32>
      %div3A_985 = arith.divf %broadcast_in_dim3A_31, %add3A_984 : vector<16xf32>
      %get3A_986 = arith.index_cast %scan3A_38 : i32 to index
      %get3A_987 = arith.constant 384 : index
      %get3A_988 = tpu.vector_load %arg20[%get3A_986, %get3A_987] {strides = array<i32>} : memref<4x512xf32, #tpu.memory_space<vmem>>, vector<16xf32>,
      %get3A_989 = arith.index_cast %scan3A_38 : i32 to index
      %get3A_990 = arith.constant 384 : index
      %get3A_991 = tpu.vector_load %arg22[%get3A_989, %get3A_990] {strides = array<i32>} : memref<4x512xf32, #tpu.memory_space<vmem>>, vector<16xf32>,
      %add3A_992 = arith.addf %get3A_988, %get3A_991 : vector<16xf32>
      %add3A_993 = arith.addf %add3A_992, %get3A_27 : vector<16xf32>
      %mul3A_994 = arith.mulf %add3A_993, %get3A_23 : vector<16xf32>
      %neg3A_995 = arith.constant 0.000000e+00 : f32
      %neg3A_996 = vector.broadcast %neg3A_995 : f32 to vector<16xf32>
      %neg3A_997 = arith.subf %neg3A_996, %mul3A_994 : vector<16xf32>
      %exp3A_998 = math.exp %neg3A_997 : vector<16xf32>
      %add3A_999 = arith.addf %broadcast_in_dim3A_31, %exp3A_998 : vector<16xf32>
      %div3A_1000 = arith.divf %broadcast_in_dim3A_31, %add3A_999 : vector<16xf32>
      %get3A_1001 = arith.index_cast %scan3A_38 : i32 to index
      %get3A_1002 = arith.constant 384 : index
      %get3A_1003 = tpu.vector_load %arg18[%get3A_1001, %get3A_1002] {strides = array<i32>} : memref<4x512xf32, #tpu.memory_space<vmem>>, vector<16xf32>,
      %add3A_1004 = arith.addf %div3A_985, %div3A_1000 : vector<16xf32>
      %mul3A_1005 = arith.mulf %broadcast_in_dim3A_29, %add3A_1004 : vector<16xf32>
      %mul3A_1006 = arith.mulf %get3A_1003, %mul3A_1005 : vector<16xf32>
      %swap3A_1007 = arith.index_cast %scan3A_38 : i32 to index
      %swap3A_1008 = arith.constant 384 : index
      %swap3A_1009 = tpu.vector_load %arg21[%swap3A_1007, %swap3A_1008] {strides = array<i32>} : memref<4x512xf32, #tpu.memory_space<vmem>>, vector<16xf32>,
      tpu.vector_store %arg21[%swap3A_1007, %swap3A_1008], %mul3A_1006 {strides = array<i32>} : memref<4x512xf32, #tpu.memory_space<vmem>>, vector<16xf32>,
      %get3A_1010 = arith.index_cast %scan3A_38 : i32 to index
      %get3A_1011 = arith.constant 400 : index
      %get3A_1012 = tpu.vector_load %arg19[%get3A_1010, %get3A_1011] {strides = array<i32>} : memref<4x512xf32, #tpu.memory_space<vmem>>, vector<16xf32>,
      %get3A_1013 = arith.index_cast %scan3A_38 : i32 to index
      %get3A_1014 = arith.constant 400 : index
      %get3A_1015 = tpu.vector_load %arg21[%get3A_1013, %get3A_1014] {strides = array<i32>} : memref<4x512xf32, #tpu.memory_space<vmem>>, vector<16xf32>,
      %add3A_1016 = arith.addf %get3A_1012, %get3A_1015 : vector<16xf32>
      %add3A_1017 = arith.addf %add3A_1016, %get3A_27 : vector<16xf32>
      %mul3A_1018 = arith.mulf %add3A_1017, %get3A_23 : vector<16xf32>
      %neg3A_1019 = arith.constant 0.000000e+00 : f32
      %neg3A_1020 = vector.broadcast %neg3A_1019 : f32 to vector<16xf32>
      %neg3A_1021 = arith.subf %neg3A_1020, %mul3A_1018 : vector<16xf32>
      %exp3A_1022 = math.exp %neg3A_1021 : vector<16xf32>
      %add3A_1023 = arith.addf %broadcast_in_dim3A_31, %exp3A_1022 : vector<16xf32>
      %div3A_1024 = arith.divf %broadcast_in_dim3A_31, %add3A_1023 : vector<16xf32>
      %get3A_1025 = arith.index_cast %scan3A_38 : i32 to index
      %get3A_1026 = arith.constant 400 : index
      %get3A_1027 = tpu.vector_load %arg20[%get3A_1025, %get3A_1026] {strides = array<i32>} : memref<4x512xf32, #tpu.memory_space<vmem>>, vector<16xf32>,
      %get3A_1028 = arith.index_cast %scan3A_38 : i32 to index
      %get3A_1029 = arith.constant 400 : index
      %get3A_1030 = tpu.vector_load %arg22[%get3A_1028, %get3A_1029] {strides = array<i32>} : memref<4x512xf32, #tpu.memory_space<vmem>>, vector<16xf32>,
      %add3A_1031 = arith.addf %get3A_1027, %get3A_1030 : vector<16xf32>
      %add3A_1032 = arith.addf %add3A_1031, %get3A_27 : vector<16xf32>
      %mul3A_1033 = arith.mulf %add3A_1032, %get3A_23 : vector<16xf32>
      %neg3A_1034 = arith.constant 0.000000e+00 : f32
      %neg3A_1035 = vector.broadcast %neg3A_1034 : f32 to vector<16xf32>
      %neg3A_1036 = arith.subf %neg3A_1035, %mul3A_1033 : vector<16xf32>
      %exp3A_1037 = math.exp %neg3A_1036 : vector<16xf32>
      %add3A_1038 = arith.addf %broadcast_in_dim3A_31, %exp3A_1037 : vector<16xf32>
      %div3A_1039 = arith.divf %broadcast_in_dim3A_31, %add3A_1038 : vector<16xf32>
      %get3A_1040 = arith.index_cast %scan3A_38 : i32 to index
      %get3A_1041 = arith.constant 400 : index
      %get3A_1042 = tpu.vector_load %arg18[%get3A_1040, %get3A_1041] {strides = array<i32>} : memref<4x512xf32, #tpu.memory_space<vmem>>, vector<16xf32>,
      %add3A_1043 = arith.addf %div3A_1024, %div3A_1039 : vector<16xf32>
      %mul3A_1044 = arith.mulf %broadcast_in_dim3A_29, %add3A_1043 : vector<16xf32>
      %mul3A_1045 = arith.mulf %get3A_1042, %mul3A_1044 : vector<16xf32>
      %swap3A_1046 = arith.index_cast %scan3A_38 : i32 to index
      %swap3A_1047 = arith.constant 400 : index
      %swap3A_1048 = tpu.vector_load %arg21[%swap3A_1046, %swap3A_1047] {strides = array<i32>} : memref<4x512xf32, #tpu.memory_space<vmem>>, vector<16xf32>,
      tpu.vector_store %arg21[%swap3A_1046, %swap3A_1047], %mul3A_1045 {strides = array<i32>} : memref<4x512xf32, #tpu.memory_space<vmem>>, vector<16xf32>,
      %get3A_1049 = arith.index_cast %scan3A_38 : i32 to index
      %get3A_1050 = arith.constant 416 : index
      %get3A_1051 = tpu.vector_load %arg19[%get3A_1049, %get3A_1050] {strides = array<i32>} : memref<4x512xf32, #tpu.memory_space<vmem>>, vector<16xf32>,
      %get3A_1052 = arith.index_cast %scan3A_38 : i32 to index
      %get3A_1053 = arith.constant 416 : index
      %get3A_1054 = tpu.vector_load %arg21[%get3A_1052, %get3A_1053] {strides = array<i32>} : memref<4x512xf32, #tpu.memory_space<vmem>>, vector<16xf32>,
      %add3A_1055 = arith.addf %get3A_1051, %get3A_1054 : vector<16xf32>
      %add3A_1056 = arith.addf %add3A_1055, %get3A_27 : vector<16xf32>
      %mul3A_1057 = arith.mulf %add3A_1056, %get3A_23 : vector<16xf32>
      %neg3A_1058 = arith.constant 0.000000e+00 : f32
      %neg3A_1059 = vector.broadcast %neg3A_1058 : f32 to vector<16xf32>
      %neg3A_1060 = arith.subf %neg3A_1059, %mul3A_1057 : vector<16xf32>
      %exp3A_1061 = math.exp %neg3A_1060 : vector<16xf32>
      %add3A_1062 = arith.addf %broadcast_in_dim3A_31, %exp3A_1061 : vector<16xf32>
      %div3A_1063 = arith.divf %broadcast_in_dim3A_31, %add3A_1062 : vector<16xf32>
      %get3A_1064 = arith.index_cast %scan3A_38 : i32 to index
      %get3A_1065 = arith.constant 416 : index
      %get3A_1066 = tpu.vector_load %arg20[%get3A_1064, %get3A_1065] {strides = array<i32>} : memref<4x512xf32, #tpu.memory_space<vmem>>, vector<16xf32>,
      %get3A_1067 = arith.index_cast %scan3A_38 : i32 to index
      %get3A_1068 = arith.constant 416 : index
      %get3A_1069 = tpu.vector_load %arg22[%get3A_1067, %get3A_1068] {strides = array<i32>} : memref<4x512xf32, #tpu.memory_space<vmem>>, vector<16xf32>,
      %add3A_1070 = arith.addf %get3A_1066, %get3A_1069 : vector<16xf32>
      %add3A_1071 = arith.addf %add3A_1070, %get3A_27 : vector<16xf32>
      %mul3A_1072 = arith.mulf %add3A_1071, %get3A_23 : vector<16xf32>
      %neg3A_1073 = arith.constant 0.000000e+00 : f32
      %neg3A_1074 = vector.broadcast %neg3A_1073 : f32 to vector<16xf32>
      %neg3A_1075 = arith.subf %neg3A_1074, %mul3A_1072 : vector<16xf32>
      %exp3A_1076 = math.exp %neg3A_1075 : vector<16xf32>
      %add3A_1077 = arith.addf %broadcast_in_dim3A_31, %exp3A_1076 : vector<16xf32>
      %div3A_1078 = arith.divf %broadcast_in_dim3A_31, %add3A_1077 : vector<16xf32>
      %get3A_1079 = arith.index_cast %scan3A_38 : i32 to index
      %get3A_1080 = arith.constant 416 : index
      %get3A_1081 = tpu.vector_load %arg18[%get3A_1079, %get3A_1080] {strides = array<i32>} : memref<4x512xf32, #tpu.memory_space<vmem>>, vector<16xf32>,
      %add3A_1082 = arith.addf %div3A_1063, %div3A_1078 : vector<16xf32>
      %mul3A_1083 = arith.mulf %broadcast_in_dim3A_29, %add3A_1082 : vector<16xf32>
      %mul3A_1084 = arith.mulf %get3A_1081, %mul3A_1083 : vector<16xf32>
      %swap3A_1085 = arith.index_cast %scan3A_38 : i32 to index
      %swap3A_1086 = arith.constant 416 : index
      %swap3A_1087 = tpu.vector_load %arg21[%swap3A_1085, %swap3A_1086] {strides = array<i32>} : memref<4x512xf32, #tpu.memory_space<vmem>>, vector<16xf32>,
      tpu.vector_store %arg21[%swap3A_1085, %swap3A_1086], %mul3A_1084 {strides = array<i32>} : memref<4x512xf32, #tpu.memory_space<vmem>>, vector<16xf32>,
      %get3A_1088 = arith.index_cast %scan3A_38 : i32 to index
      %get3A_1089 = arith.constant 432 : index
      %get3A_1090 = tpu.vector_load %arg19[%get3A_1088, %get3A_1089] {strides = array<i32>} : memref<4x512xf32, #tpu.memory_space<vmem>>, vector<16xf32>,
      %get3A_1091 = arith.index_cast %scan3A_38 : i32 to index
      %get3A_1092 = arith.constant 432 : index
      %get3A_1093 = tpu.vector_load %arg21[%get3A_1091, %get3A_1092] {strides = array<i32>} : memref<4x512xf32, #tpu.memory_space<vmem>>, vector<16xf32>,
      %add3A_1094 = arith.addf %get3A_1090, %get3A_1093 : vector<16xf32>
      %add3A_1095 = arith.addf %add3A_1094, %get3A_27 : vector<16xf32>
      %mul3A_1096 = arith.mulf %add3A_1095, %get3A_23 : vector<16xf32>
      %neg3A_1097 = arith.constant 0.000000e+00 : f32
      %neg3A_1098 = vector.broadcast %neg3A_1097 : f32 to vector<16xf32>
      %neg3A_1099 = arith.subf %neg3A_1098, %mul3A_1096 : vector<16xf32>
      %exp3A_1100 = math.exp %neg3A_1099 : vector<16xf32>
      %add3A_1101 = arith.addf %broadcast_in_dim3A_31, %exp3A_1100 : vector<16xf32>
      %div3A_1102 = arith.divf %broadcast_in_dim3A_31, %add3A_1101 : vector<16xf32>
      %get3A_1103 = arith.index_cast %scan3A_38 : i32 to index
      %get3A_1104 = arith.constant 432 : index
      %get3A_1105 = tpu.vector_load %arg20[%get3A_1103, %get3A_1104] {strides = array<i32>} : memref<4x512xf32, #tpu.memory_space<vmem>>, vector<16xf32>,
      %get3A_1106 = arith.index_cast %scan3A_38 : i32 to index
      %get3A_1107 = arith.constant 432 : index
      %get3A_1108 = tpu.vector_load %arg22[%get3A_1106, %get3A_1107] {strides = array<i32>} : memref<4x512xf32, #tpu.memory_space<vmem>>, vector<16xf32>,
      %add3A_1109 = arith.addf %get3A_1105, %get3A_1108 : vector<16xf32>
      %add3A_1110 = arith.addf %add3A_1109, %get3A_27 : vector<16xf32>
      %mul3A_1111 = arith.mulf %add3A_1110, %get3A_23 : vector<16xf32>
      %neg3A_1112 = arith.constant 0.000000e+00 : f32
      %neg3A_1113 = vector.broadcast %neg3A_1112 : f32 to vector<16xf32>
      %neg3A_1114 = arith.subf %neg3A_1113, %mul3A_1111 : vector<16xf32>
      %exp3A_1115 = math.exp %neg3A_1114 : vector<16xf32>
      %add3A_1116 = arith.addf %broadcast_in_dim3A_31, %exp3A_1115 : vector<16xf32>
      %div3A_1117 = arith.divf %broadcast_in_dim3A_31, %add3A_1116 : vector<16xf32>
      %get3A_1118 = arith.index_cast %scan3A_38 : i32 to index
      %get3A_1119 = arith.constant 432 : index
      %get3A_1120 = tpu.vector_load %arg18[%get3A_1118, %get3A_1119] {strides = array<i32>} : memref<4x512xf32, #tpu.memory_space<vmem>>, vector<16xf32>,
      %add3A_1121 = arith.addf %div3A_1102, %div3A_1117 : vector<16xf32>
      %mul3A_1122 = arith.mulf %broadcast_in_dim3A_29, %add3A_1121 : vector<16xf32>
      %mul3A_1123 = arith.mulf %get3A_1120, %mul3A_1122 : vector<16xf32>
      %swap3A_1124 = arith.index_cast %scan3A_38 : i32 to index
      %swap3A_1125 = arith.constant 432 : index
      %swap3A_1126 = tpu.vector_load %arg21[%swap3A_1124, %swap3A_1125] {strides = array<i32>} : memref<4x512xf32, #tpu.memory_space<vmem>>, vector<16xf32>,
      tpu.vector_store %arg21[%swap3A_1124, %swap3A_1125], %mul3A_1123 {strides = array<i32>} : memref<4x512xf32, #tpu.memory_space<vmem>>, vector<16xf32>,
      %get3A_1127 = arith.index_cast %scan3A_38 : i32 to index
      %get3A_1128 = arith.constant 448 : index
      %get3A_1129 = tpu.vector_load %arg19[%get3A_1127, %get3A_1128] {strides = array<i32>} : memref<4x512xf32, #tpu.memory_space<vmem>>, vector<16xf32>,
      %get3A_1130 = arith.index_cast %scan3A_38 : i32 to index
      %get3A_1131 = arith.constant 448 : index
      %get3A_1132 = tpu.vector_load %arg21[%get3A_1130, %get3A_1131] {strides = array<i32>} : memref<4x512xf32, #tpu.memory_space<vmem>>, vector<16xf32>,
      %add3A_1133 = arith.addf %get3A_1129, %get3A_1132 : vector<16xf32>
      %add3A_1134 = arith.addf %add3A_1133, %get3A_27 : vector<16xf32>
      %mul3A_1135 = arith.mulf %add3A_1134, %get3A_23 : vector<16xf32>
      %neg3A_1136 = arith.constant 0.000000e+00 : f32
      %neg3A_1137 = vector.broadcast %neg3A_1136 : f32 to vector<16xf32>
      %neg3A_1138 = arith.subf %neg3A_1137, %mul3A_1135 : vector<16xf32>
      %exp3A_1139 = math.exp %neg3A_1138 : vector<16xf32>
      %add3A_1140 = arith.addf %broadcast_in_dim3A_31, %exp3A_1139 : vector<16xf32>
      %div3A_1141 = arith.divf %broadcast_in_dim3A_31, %add3A_1140 : vector<16xf32>
      %get3A_1142 = arith.index_cast %scan3A_38 : i32 to index
      %get3A_1143 = arith.constant 448 : index
      %get3A_1144 = tpu.vector_load %arg20[%get3A_1142, %get3A_1143] {strides = array<i32>} : memref<4x512xf32, #tpu.memory_space<vmem>>, vector<16xf32>,
      %get3A_1145 = arith.index_cast %scan3A_38 : i32 to index
      %get3A_1146 = arith.constant 448 : index
      %get3A_1147 = tpu.vector_load %arg22[%get3A_1145, %get3A_1146] {strides = array<i32>} : memref<4x512xf32, #tpu.memory_space<vmem>>, vector<16xf32>,
      %add3A_1148 = arith.addf %get3A_1144, %get3A_1147 : vector<16xf32>
      %add3A_1149 = arith.addf %add3A_1148, %get3A_27 : vector<16xf32>
      %mul3A_1150 = arith.mulf %add3A_1149, %get3A_23 : vector<16xf32>
      %neg3A_1151 = arith.constant 0.000000e+00 : f32
      %neg3A_1152 = vector.broadcast %neg3A_1151 : f32 to vector<16xf32>
      %neg3A_1153 = arith.subf %neg3A_1152, %mul3A_1150 : vector<16xf32>
      %exp3A_1154 = math.exp %neg3A_1153 : vector<16xf32>
      %add3A_1155 = arith.addf %broadcast_in_dim3A_31, %exp3A_1154 : vector<16xf32>
      %div3A_1156 = arith.divf %broadcast_in_dim3A_31, %add3A_1155 : vector<16xf32>
      %get3A_1157 = arith.index_cast %scan3A_38 : i32 to index
      %get3A_1158 = arith.constant 448 : index
      %get3A_1159 = tpu.vector_load %arg18[%get3A_1157, %get3A_1158] {strides = array<i32>} : memref<4x512xf32, #tpu.memory_space<vmem>>, vector<16xf32>,
      %add3A_1160 = arith.addf %div3A_1141, %div3A_1156 : vector<16xf32>
      %mul3A_1161 = arith.mulf %broadcast_in_dim3A_29, %add3A_1160 : vector<16xf32>
      %mul3A_1162 = arith.mulf %get3A_1159, %mul3A_1161 : vector<16xf32>
      %swap3A_1163 = arith.index_cast %scan3A_38 : i32 to index
      %swap3A_1164 = arith.constant 448 : index
      %swap3A_1165 = tpu.vector_load %arg21[%swap3A_1163, %swap3A_1164] {strides = array<i32>} : memref<4x512xf32, #tpu.memory_space<vmem>>, vector<16xf32>,
      tpu.vector_store %arg21[%swap3A_1163, %swap3A_1164], %mul3A_1162 {strides = array<i32>} : memref<4x512xf32, #tpu.memory_space<vmem>>, vector<16xf32>,
      %get3A_1166 = arith.index_cast %scan3A_38 : i32 to index
      %get3A_1167 = arith.constant 464 : index
      %get3A_1168 = tpu.vector_load %arg19[%get3A_1166, %get3A_1167] {strides = array<i32>} : memref<4x512xf32, #tpu.memory_space<vmem>>, vector<16xf32>,
      %get3A_1169 = arith.index_cast %scan3A_38 : i32 to index
      %get3A_1170 = arith.constant 464 : index
      %get3A_1171 = tpu.vector_load %arg21[%get3A_1169, %get3A_1170] {strides = array<i32>} : memref<4x512xf32, #tpu.memory_space<vmem>>, vector<16xf32>,
      %add3A_1172 = arith.addf %get3A_1168, %get3A_1171 : vector<16xf32>
      %add3A_1173 = arith.addf %add3A_1172, %get3A_27 : vector<16xf32>
      %mul3A_1174 = arith.mulf %add3A_1173, %get3A_23 : vector<16xf32>
      %neg3A_1175 = arith.constant 0.000000e+00 : f32
      %neg3A_1176 = vector.broadcast %neg3A_1175 : f32 to vector<16xf32>
      %neg3A_1177 = arith.subf %neg3A_1176, %mul3A_1174 : vector<16xf32>
      %exp3A_1178 = math.exp %neg3A_1177 : vector<16xf32>
      %add3A_1179 = arith.addf %broadcast_in_dim3A_31, %exp3A_1178 : vector<16xf32>
      %div3A_1180 = arith.divf %broadcast_in_dim3A_31, %add3A_1179 : vector<16xf32>
      %get3A_1181 = arith.index_cast %scan3A_38 : i32 to index
      %get3A_1182 = arith.constant 464 : index
      %get3A_1183 = tpu.vector_load %arg20[%get3A_1181, %get3A_1182] {strides = array<i32>} : memref<4x512xf32, #tpu.memory_space<vmem>>, vector<16xf32>,
      %get3A_1184 = arith.index_cast %scan3A_38 : i32 to index
      %get3A_1185 = arith.constant 464 : index
      %get3A_1186 = tpu.vector_load %arg22[%get3A_1184, %get3A_1185] {strides = array<i32>} : memref<4x512xf32, #tpu.memory_space<vmem>>, vector<16xf32>,
      %add3A_1187 = arith.addf %get3A_1183, %get3A_1186 : vector<16xf32>
      %add3A_1188 = arith.addf %add3A_1187, %get3A_27 : vector<16xf32>
      %mul3A_1189 = arith.mulf %add3A_1188, %get3A_23 : vector<16xf32>
      %neg3A_1190 = arith.constant 0.000000e+00 : f32
      %neg3A_1191 = vector.broadcast %neg3A_1190 : f32 to vector<16xf32>
      %neg3A_1192 = arith.subf %neg3A_1191, %mul3A_1189 : vector<16xf32>
      %exp3A_1193 = math.exp %neg3A_1192 : vector<16xf32>
      %add3A_1194 = arith.addf %broadcast_in_dim3A_31, %exp3A_1193 : vector<16xf32>
      %div3A_1195 = arith.divf %broadcast_in_dim3A_31, %add3A_1194 : vector<16xf32>
      %get3A_1196 = arith.index_cast %scan3A_38 : i32 to index
      %get3A_1197 = arith.constant 464 : index
      %get3A_1198 = tpu.vector_load %arg18[%get3A_1196, %get3A_1197] {strides = array<i32>} : memref<4x512xf32, #tpu.memory_space<vmem>>, vector<16xf32>,
      %add3A_1199 = arith.addf %div3A_1180, %div3A_1195 : vector<16xf32>
      %mul3A_1200 = arith.mulf %broadcast_in_dim3A_29, %add3A_1199 : vector<16xf32>
      %mul3A_1201 = arith.mulf %get3A_1198, %mul3A_1200 : vector<16xf32>
      %swap3A_1202 = arith.index_cast %scan3A_38 : i32 to index
      %swap3A_1203 = arith.constant 464 : index
      %swap3A_1204 = tpu.vector_load %arg21[%swap3A_1202, %swap3A_1203] {strides = array<i32>} : memref<4x512xf32, #tpu.memory_space<vmem>>, vector<16xf32>,
      tpu.vector_store %arg21[%swap3A_1202, %swap3A_1203], %mul3A_1201 {strides = array<i32>} : memref<4x512xf32, #tpu.memory_space<vmem>>, vector<16xf32>,
      %get3A_1205 = arith.index_cast %scan3A_38 : i32 to index
      %get3A_1206 = arith.constant 480 : index
      %get3A_1207 = tpu.vector_load %arg19[%get3A_1205, %get3A_1206] {strides = array<i32>} : memref<4x512xf32, #tpu.memory_space<vmem>>, vector<16xf32>,
      %get3A_1208 = arith.index_cast %scan3A_38 : i32 to index
      %get3A_1209 = arith.constant 480 : index
      %get3A_1210 = tpu.vector_load %arg21[%get3A_1208, %get3A_1209] {strides = array<i32>} : memref<4x512xf32, #tpu.memory_space<vmem>>, vector<16xf32>,
      %add3A_1211 = arith.addf %get3A_1207, %get3A_1210 : vector<16xf32>
      %add3A_1212 = arith.addf %add3A_1211, %get3A_27 : vector<16xf32>
      %mul3A_1213 = arith.mulf %add3A_1212, %get3A_23 : vector<16xf32>
      %neg3A_1214 = arith.constant 0.000000e+00 : f32
      %neg3A_1215 = vector.broadcast %neg3A_1214 : f32 to vector<16xf32>
      %neg3A_1216 = arith.subf %neg3A_1215, %mul3A_1213 : vector<16xf32>
      %exp3A_1217 = math.exp %neg3A_1216 : vector<16xf32>
      %add3A_1218 = arith.addf %broadcast_in_dim3A_31, %exp3A_1217 : vector<16xf32>
      %div3A_1219 = arith.divf %broadcast_in_dim3A_31, %add3A_1218 : vector<16xf32>
      %get3A_1220 = arith.index_cast %scan3A_38 : i32 to index
      %get3A_1221 = arith.constant 480 : index
      %get3A_1222 = tpu.vector_load %arg20[%get3A_1220, %get3A_1221] {strides = array<i32>} : memref<4x512xf32, #tpu.memory_space<vmem>>, vector<16xf32>,
      %get3A_1223 = arith.index_cast %scan3A_38 : i32 to index
      %get3A_1224 = arith.constant 480 : index
      %get3A_1225 = tpu.vector_load %arg22[%get3A_1223, %get3A_1224] {strides = array<i32>} : memref<4x512xf32, #tpu.memory_space<vmem>>, vector<16xf32>,
      %add3A_1226 = arith.addf %get3A_1222, %get3A_1225 : vector<16xf32>
      %add3A_1227 = arith.addf %add3A_1226, %get3A_27 : vector<16xf32>
      %mul3A_1228 = arith.mulf %add3A_1227, %get3A_23 : vector<16xf32>
      %neg3A_1229 = arith.constant 0.000000e+00 : f32
      %neg3A_1230 = vector.broadcast %neg3A_1229 : f32 to vector<16xf32>
      %neg3A_1231 = arith.subf %neg3A_1230, %mul3A_1228 : vector<16xf32>
      %exp3A_1232 = math.exp %neg3A_1231 : vector<16xf32>
      %add3A_1233 = arith.addf %broadcast_in_dim3A_31, %exp3A_1232 : vector<16xf32>
      %div3A_1234 = arith.divf %broadcast_in_dim3A_31, %add3A_1233 : vector<16xf32>
      %get3A_1235 = arith.index_cast %scan3A_38 : i32 to index
      %get3A_1236 = arith.constant 480 : index
      %get3A_1237 = tpu.vector_load %arg18[%get3A_1235, %get3A_1236] {strides = array<i32>} : memref<4x512xf32, #tpu.memory_space<vmem>>, vector<16xf32>,
      %add3A_1238 = arith.addf %div3A_1219, %div3A_1234 : vector<16xf32>
      %mul3A_1239 = arith.mulf %broadcast_in_dim3A_29, %add3A_1238 : vector<16xf32>
      %mul3A_1240 = arith.mulf %get3A_1237, %mul3A_1239 : vector<16xf32>
      %swap3A_1241 = arith.index_cast %scan3A_38 : i32 to index
      %swap3A_1242 = arith.constant 480 : index
      %swap3A_1243 = tpu.vector_load %arg21[%swap3A_1241, %swap3A_1242] {strides = array<i32>} : memref<4x512xf32, #tpu.memory_space<vmem>>, vector<16xf32>,
      tpu.vector_store %arg21[%swap3A_1241, %swap3A_1242], %mul3A_1240 {strides = array<i32>} : memref<4x512xf32, #tpu.memory_space<vmem>>, vector<16xf32>,
      %get3A_1244 = arith.index_cast %scan3A_38 : i32 to index
      %get3A_1245 = arith.constant 496 : index
      %get3A_1246 = tpu.vector_load %arg19[%get3A_1244, %get3A_1245] {strides = array<i32>} : memref<4x512xf32, #tpu.memory_space<vmem>>, vector<16xf32>,
      %get3A_1247 = arith.index_cast %scan3A_38 : i32 to index
      %get3A_1248 = arith.constant 496 : index
      %get3A_1249 = tpu.vector_load %arg21[%get3A_1247, %get3A_1248] {strides = array<i32>} : memref<4x512xf32, #tpu.memory_space<vmem>>, vector<16xf32>,
      %add3A_1250 = arith.addf %get3A_1246, %get3A_1249 : vector<16xf32>
      %add3A_1251 = arith.addf %add3A_1250, %get3A_27 : vector<16xf32>
      %mul3A_1252 = arith.mulf %add3A_1251, %get3A_23 : vector<16xf32>
      %neg3A_1253 = arith.constant 0.000000e+00 : f32
      %neg3A_1254 = vector.broadcast %neg3A_1253 : f32 to vector<16xf32>
      %neg3A_1255 = arith.subf %neg3A_1254, %mul3A_1252 : vector<16xf32>
      %exp3A_1256 = math.exp %neg3A_1255 : vector<16xf32>
      %add3A_1257 = arith.addf %broadcast_in_dim3A_31, %exp3A_1256 : vector<16xf32>
      %div3A_1258 = arith.divf %broadcast_in_dim3A_31, %add3A_1257 : vector<16xf32>
      %get3A_1259 = arith.index_cast %scan3A_38 : i32 to index
      %get3A_1260 = arith.constant 496 : index
      %get3A_1261 = tpu.vector_load %arg20[%get3A_1259, %get3A_1260] {strides = array<i32>} : memref<4x512xf32, #tpu.memory_space<vmem>>, vector<16xf32>,
      %get3A_1262 = arith.index_cast %scan3A_38 : i32 to index
      %get3A_1263 = arith.constant 496 : index
      %get3A_1264 = tpu.vector_load %arg22[%get3A_1262, %get3A_1263] {strides = array<i32>} : memref<4x512xf32, #tpu.memory_space<vmem>>, vector<16xf32>,
      %add3A_1265 = arith.addf %get3A_1261, %get3A_1264 : vector<16xf32>
      %add3A_1266 = arith.addf %add3A_1265, %get3A_27 : vector<16xf32>
      %mul3A_1267 = arith.mulf %add3A_1266, %get3A_23 : vector<16xf32>
      %neg3A_1268 = arith.constant 0.000000e+00 : f32
      %neg3A_1269 = vector.broadcast %neg3A_1268 : f32 to vector<16xf32>
      %neg3A_1270 = arith.subf %neg3A_1269, %mul3A_1267 : vector<16xf32>
      %exp3A_1271 = math.exp %neg3A_1270 : vector<16xf32>
      %add3A_1272 = arith.addf %broadcast_in_dim3A_31, %exp3A_1271 : vector<16xf32>
      %div3A_1273 = arith.divf %broadcast_in_dim3A_31, %add3A_1272 : vector<16xf32>
      %get3A_1274 = arith.index_cast %scan3A_38 : i32 to index
      %get3A_1275 = arith.constant 496 : index
      %get3A_1276 = tpu.vector_load %arg18[%get3A_1274, %get3A_1275] {strides = array<i32>} : memref<4x512xf32, #tpu.memory_space<vmem>>, vector<16xf32>,
      %add3A_1277 = arith.addf %div3A_1258, %div3A_1273 : vector<16xf32>
      %mul3A_1278 = arith.mulf %broadcast_in_dim3A_29, %add3A_1277 : vector<16xf32>
      %mul3A_1279 = arith.mulf %get3A_1276, %mul3A_1278 : vector<16xf32>
      %swap3A_1280 = arith.index_cast %scan3A_38 : i32 to index
      %swap3A_1281 = arith.constant 496 : index
      %swap3A_1282 = tpu.vector_load %arg21[%swap3A_1280, %swap3A_1281] {strides = array<i32>} : memref<4x512xf32, #tpu.memory_space<vmem>>, vector<16xf32>,
      tpu.vector_store %arg21[%swap3A_1280, %swap3A_1281], %mul3A_1279 {strides = array<i32>} : memref<4x512xf32, #tpu.memory_space<vmem>>, vector<16xf32>,
    }
    %scan3A_37 = arith.constant 4 : i32
    "tpu.region"() ({
      %run_scoped3A = tpu.sem_alloc : memref<!tpu.dma_semaphore, #tpu.memory_space<semaphore_mem>>
      %dma_start3A = arith.constant 0 : i32
      %dma_start3A_38 = tpu.memref_slice %arg11[%mul3A_2, %dma_start3A] : memref<128x512xf32, #tpu.memory_space<hbm>> -> memref<4x512xf32, #tpu.memory_space<hbm>>
      %dma_start3A_39 = arith.constant 0 : i32
      %dma_start3A_40 = tpu.memref_slice %arg11[%mul3A_2, %dma_start3A_39] : memref<128x512xf32, #tpu.memory_space<hbm>> -> memref<4x512xf32, #tpu.memory_space<hbm>>
      tpu.enqueue_dma source(%arg21 : memref<4x512xf32, #tpu.memory_space<vmem>>) target(%dma_start3A_40 : memref<4x512xf32, #tpu.memory_space<hbm>>) target_semaphore(%run_scoped3A : memref<!tpu.dma_semaphore, #tpu.memory_space<semaphore_mem>>)
      %dma_wait3A = arith.constant 0 : i32
      %dma_wait3A_41 = tpu.memref_slice %arg11[%mul3A_2, %dma_wait3A] : memref<128x512xf32, #tpu.memory_space<hbm>> -> memref<4x512xf32, #tpu.memory_space<hbm>>
      %dma_wait3A_42 = arith.constant 0 : i32
      %dma_wait3A_43 = tpu.memref_slice %arg11[%mul3A_2, %dma_wait3A_42] : memref<128x512xf32, #tpu.memory_space<hbm>> -> memref<4x512xf32, #tpu.memory_space<hbm>>
      tpu.wait_dma2 semaphore(%run_scoped3A : memref<!tpu.dma_semaphore, #tpu.memory_space<semaphore_mem>>) src(%arg21 : memref<4x512xf32, #tpu.memory_space<vmem>>) dst(%dma_wait3A_43 : memref<4x512xf32, #tpu.memory_space<hbm>>)
      tpu.yield
    }) : () -> ()
    return
  }
}

module attributes {stable_mosaic.version = 14 : i64} {
  func.func @_prep_body(%arg0: memref<512x64xf32, #tpu.memory_space<vmem>>, %arg1: memref<128x64xf32, #tpu.memory_space<vmem>>, %arg2: memref<1x64xf32, #tpu.memory_space<vmem>>, %arg3: memref<1x1xf32, #tpu.memory_space<vmem>>, %arg4: memref<1x1xf32, #tpu.memory_space<vmem>>, %arg5: memref<128x64xf32, #tpu.memory_space<vmem>>, %arg6: memref<128x64xf32, #tpu.memory_space<vmem>>, %arg7: memref<64x512xf32, #tpu.memory_space<vmem>>, %arg8: memref<64x512xf32, #tpu.memory_space<vmem>>, %arg9: memref<2x16xf32, #tpu.memory_space<vmem>>) attributes {dimension_semantics = [], scalar_prefetch = 0 : i64, scratch_operands = 0 : i64, tpu.core_type = #tpu.core_type<tc>} {
    %get3A = arith.constant 0 : index
    %get3A_0 = arith.constant 0 : index
    %get3A_1 = vector.load %arg1[%get3A, %get3A_0] : memref<128x64xf32, #tpu.memory_space<vmem>>, vector<64x64xf32>
    %get3A_2 = arith.constant 64 : index
    %get3A_3 = arith.constant 0 : index
    %get3A_4 = vector.load %arg1[%get3A_2, %get3A_3] : memref<128x64xf32, #tpu.memory_space<vmem>>, vector<64x64xf32>
    %get3A_5 = arith.constant 0 : index
    %get3A_6 = arith.constant 0 : index
    %get3A_7 = vector.load %arg0[%get3A_5, %get3A_6] : memref<512x64xf32, #tpu.memory_space<vmem>>, vector<512x64xf32>
    %dot_general3A = arith.constant dense<0.000000e+00> : vector<512x64xf32>
    %dot_general3A_8 = tpu.matmul %get3A_7, %get3A_1, %dot_general3A {dimension_numbers = #tpu.dot_dimension_numbers<[1], [0], [0], [1], [0, 0, 1, 1], [], []>, transpose_lhs_hint = false} : vector<512x64xf32>, vector<64x64xf32>, vector<512x64xf32> -> vector<512x64xf32>
    %get3A_9 = arith.constant 0 : index
    %get3A_10 = arith.constant 0 : index
    %get3A_11 = vector.load %arg2[%get3A_9, %get3A_10] : memref<1x64xf32, #tpu.memory_space<vmem>>, vector<1x64xf32>
    %add3A = vector.broadcast %get3A_11 : vector<1x64xf32> to vector<512x64xf32>
    %add3A_12 = arith.addf %dot_general3A_8, %add3A : vector<512x64xf32>
    %get3A_13 = arith.constant 0 : index
    %get3A_14 = arith.constant 0 : index
    %get3A_15 = vector.load %arg0[%get3A_13, %get3A_14] : memref<512x64xf32, #tpu.memory_space<vmem>>, vector<512x64xf32>
    %dot_general3A_16 = arith.constant dense<0.000000e+00> : vector<512x64xf32>
    %dot_general3A_17 = tpu.matmul %get3A_15, %get3A_4, %dot_general3A_16 {dimension_numbers = #tpu.dot_dimension_numbers<[1], [0], [0], [1], [0, 0, 1, 1], [], []>, transpose_lhs_hint = false} : vector<512x64xf32>, vector<64x64xf32>, vector<512x64xf32> -> vector<512x64xf32>
    %slice3A = vector.extract_strided_slice %add3A_12 {offsets = [0, 0], sizes = [128, 64], strides = [1, 1]} : vector<512x64xf32> to vector<128x64xf32>
    %swap3A = arith.constant 0 : index
    %swap3A_18 = arith.constant 0 : index
    %swap3A_19 = vector.load %arg5[%swap3A, %swap3A_18] : memref<128x64xf32, #tpu.memory_space<vmem>>, vector<128x64xf32>
    tpu.vector_store %arg5[%swap3A, %swap3A_18], %slice3A {strides = array<i32>} : memref<128x64xf32, #tpu.memory_space<vmem>>, vector<128x64xf32>,
    %slice3A_20 = vector.extract_strided_slice %dot_general3A_17 {offsets = [0, 0], sizes = [128, 64], strides = [1, 1]} : vector<512x64xf32> to vector<128x64xf32>
    %swap3A_21 = arith.constant 0 : index
    %swap3A_22 = arith.constant 0 : index
    %swap3A_23 = vector.load %arg6[%swap3A_21, %swap3A_22] : memref<128x64xf32, #tpu.memory_space<vmem>>, vector<128x64xf32>
    tpu.vector_store %arg6[%swap3A_21, %swap3A_22], %slice3A_20 {strides = array<i32>} : memref<128x64xf32, #tpu.memory_space<vmem>>, vector<128x64xf32>,
    %transpose3A = tpu.transpose %add3A_12, [1, 0] : vector<512x64xf32> -> vector<64x512xf32>
    %swap3A_24 = arith.constant 0 : index
    %swap3A_25 = arith.constant 0 : index
    %swap3A_26 = vector.load %arg7[%swap3A_24, %swap3A_25] : memref<64x512xf32, #tpu.memory_space<vmem>>, vector<64x512xf32>
    tpu.vector_store %arg7[%swap3A_24, %swap3A_25], %transpose3A {strides = array<i32>} : memref<64x512xf32, #tpu.memory_space<vmem>>, vector<64x512xf32>,
    %transpose3A_27 = tpu.transpose %dot_general3A_17, [1, 0] : vector<512x64xf32> -> vector<64x512xf32>
    %swap3A_28 = arith.constant 0 : index
    %swap3A_29 = arith.constant 0 : index
    %swap3A_30 = vector.load %arg8[%swap3A_28, %swap3A_29] : memref<64x512xf32, #tpu.memory_space<vmem>>, vector<64x512xf32>
    tpu.vector_store %arg8[%swap3A_28, %swap3A_29], %transpose3A_27 {strides = array<i32>} : memref<64x512xf32, #tpu.memory_space<vmem>>, vector<64x512xf32>,
    %broadcast_in_dim3A = arith.constant 1.000000e+00 : f32
    %broadcast_in_dim3A_31 = vector.broadcast %broadcast_in_dim3A : f32 to vector<1x16xf32>
    %get3A_32 = arith.constant 0 : index
    %get3A_33 = arith.constant 0 : index
    %get3A_34 = vector.load %arg4[%get3A_32, %get3A_33] : memref<1x1xf32, #tpu.memory_space<vmem>>, vector<1x1xf32>
    %get3A_35 = vector.extract %get3A_34[0, 0] : f32 from vector<1x1xf32>
    %div3A = vector.broadcast %get3A_35 : f32 to vector<1x16xf32>
    %div3A_36 = arith.divf %broadcast_in_dim3A_31, %div3A : vector<1x16xf32>
    %swap3A_37 = arith.constant 0 : index
    %swap3A_38 = arith.constant 0 : index
    %swap3A_39 = vector.load %arg9[%swap3A_37, %swap3A_38] : memref<2x16xf32, #tpu.memory_space<vmem>>, vector<1x16xf32>
    tpu.vector_store %arg9[%swap3A_37, %swap3A_38], %div3A_36 {strides = array<i32>} : memref<2x16xf32, #tpu.memory_space<vmem>>, vector<1x16xf32>,
    %broadcast_in_dim3A_40 = arith.constant 1.000000e+00 : f32
    %broadcast_in_dim3A_41 = vector.broadcast %broadcast_in_dim3A_40 : f32 to vector<1x16xf32>
    %get3A_42 = arith.constant 0 : index
    %get3A_43 = arith.constant 0 : index
    %get3A_44 = vector.load %arg3[%get3A_42, %get3A_43] : memref<1x1xf32, #tpu.memory_space<vmem>>, vector<1x1xf32>
    %get3A_45 = vector.extract %get3A_44[0, 0] : f32 from vector<1x1xf32>
    %mul3A = vector.broadcast %get3A_45 : f32 to vector<1x16xf32>
    %mul3A_46 = arith.mulf %broadcast_in_dim3A_41, %mul3A : vector<1x16xf32>
    %swap3A_47 = arith.constant 1 : index
    %swap3A_48 = arith.constant 0 : index
    %swap3A_49 = vector.load %arg9[%swap3A_47, %swap3A_48] : memref<2x16xf32, #tpu.memory_space<vmem>>, vector<1x16xf32>
    tpu.vector_store %arg9[%swap3A_47, %swap3A_48], %mul3A_46 {strides = array<i32>} : memref<2x16xf32, #tpu.memory_space<vmem>>, vector<1x16xf32>,
    return
  }
}

module attributes {stable_mosaic.version = 14 : i64} {
  func.func @_tc_pair_body(%arg0: i32, %arg1: memref<512x64xf32, #tpu.memory_space<vmem>>, %arg2: memref<64x64xf32, #tpu.memory_space<vmem>>, %arg3: memref<128x64xf32, #tpu.memory_space<vmem>>, %arg4: memref<1x64xf32, #tpu.memory_space<vmem>>, %arg5: memref<64x1xf32, #tpu.memory_space<vmem>>, %arg6: memref<1x1xf32, #tpu.memory_space<vmem>>, %arg7: memref<1x1xf32, #tpu.memory_space<vmem>>, %arg8: memref<64x512xf32, #tpu.memory_space<vmem>>, %arg9: memref<64x512xf32, #tpu.memory_space<vmem>>, %arg10: memref<64x512xf32, #tpu.memory_space<vmem>>, %arg11: memref<64x512xf32, #tpu.memory_space<vmem>>, %arg12: memref<128x512xf32, #tpu.memory_space<vmem>>) attributes {dimension_semantics = [#tpu.dimension_semantics<arbitrary>], iteration_bounds = array<i64: 6>, scalar_prefetch = 0 : i64, scratch_operands = 1 : i64, tpu.core_type = #tpu.core_type<tc>, window_params = [{pipeline_mode = #tpu.pipeline_mode<synchronous>, transform_indices = @transform_0, window_bounds = array<i64: 512, 64>}, {transform_indices = @transform_1, window_bounds = array<i64: 64, 64>}, {pipeline_mode = #tpu.pipeline_mode<synchronous>, transform_indices = @transform_2, window_bounds = array<i64: 128, 64>}, {pipeline_mode = #tpu.pipeline_mode<synchronous>, transform_indices = @transform_3, window_bounds = array<i64: 1, 64>}, {pipeline_mode = #tpu.pipeline_mode<synchronous>, transform_indices = @transform_4, window_bounds = array<i64: 64, 1>}, {pipeline_mode = #tpu.pipeline_mode<synchronous>, transform_indices = @transform_5, window_bounds = array<i64: 1, 1>}, {pipeline_mode = #tpu.pipeline_mode<synchronous>, transform_indices = @transform_6, window_bounds = array<i64: 1, 1>}, {transform_indices = @transform_7, window_bounds = array<i64: 64, 512>}, {transform_indices = @transform_8, window_bounds = array<i64: 64, 512>}, {transform_indices = @transform_9, window_bounds = array<i64: 64, 512>}, {transform_indices = @transform_10, window_bounds = array<i64: 64, 512>}]} {
    %get3A = arith.constant 0 : index
    %get3A_0 = arith.constant 0 : index
    %get3A_1 = vector.load %arg3[%get3A, %get3A_0] : memref<128x64xf32, #tpu.memory_space<vmem>>, vector<64x64xf32>
    %get3A_2 = arith.constant 64 : index
    %get3A_3 = arith.constant 0 : index
    %get3A_4 = vector.load %arg3[%get3A_2, %get3A_3] : memref<128x64xf32, #tpu.memory_space<vmem>>, vector<64x64xf32>
    %eq3A = arith.constant 0 : i32
    %eq3A_5 = arith.cmpi eq, %arg0, %eq3A : i32
    %convert_element_type3A = arith.extui %eq3A_5 : i1 to i32
    %cond3A = arith.constant 0 : i32
    %cond3A_6 = arith.cmpi ne, %convert_element_type3A, %cond3A : i32
    scf.if %cond3A_6 {
      %get3A_87 = arith.constant 0 : index
      %get3A_88 = arith.constant 0 : index
      %get3A_89 = vector.load %arg1[%get3A_87, %get3A_88] : memref<512x64xf32, #tpu.memory_space<vmem>>, vector<512x64xf32>
      %dot_general3A_90 = arith.constant dense<0.000000e+00> : vector<512x64xf32>
      %dot_general3A_91 = tpu.matmul %get3A_89, %get3A_1, %dot_general3A_90 {dimension_numbers = #tpu.dot_dimension_numbers<[1], [0], [0], [1], [0, 0, 1, 1], [], []>, transpose_lhs_hint = false} : vector<512x64xf32>, vector<64x64xf32>, vector<512x64xf32> -> vector<512x64xf32>
      %get3A_92 = arith.constant 0 : index
      %get3A_93 = arith.constant 0 : index
      %get3A_94 = vector.load %arg4[%get3A_92, %get3A_93] : memref<1x64xf32, #tpu.memory_space<vmem>>, vector<1x64xf32>
      %add3A_95 = vector.broadcast %get3A_94 : vector<1x64xf32> to vector<512x64xf32>
      %add3A_96 = arith.addf %dot_general3A_91, %add3A_95 : vector<512x64xf32>
      %get3A_97 = arith.constant 0 : index
      %get3A_98 = arith.constant 0 : index
      %get3A_99 = vector.load %arg1[%get3A_97, %get3A_98] : memref<512x64xf32, #tpu.memory_space<vmem>>, vector<512x64xf32>
      %dot_general3A_100 = arith.constant dense<0.000000e+00> : vector<512x64xf32>
      %dot_general3A_101 = tpu.matmul %get3A_99, %get3A_4, %dot_general3A_100 {dimension_numbers = #tpu.dot_dimension_numbers<[1], [0], [0], [1], [0, 0, 1, 1], [], []>, transpose_lhs_hint = false} : vector<512x64xf32>, vector<64x64xf32>, vector<512x64xf32> -> vector<512x64xf32>
      %concatenate3A_102 = tpu.concatenate %dot_general3A_101, %add3A_96 in 1 : vector<512x64xf32>, vector<512x64xf32> -> vector<512x128xf32>
      %transpose3A = tpu.transpose %concatenate3A_102, [1, 0] : vector<512x128xf32> -> vector<128x512xf32>
      %swap3A_103 = arith.constant 0 : index
      %swap3A_104 = arith.constant 0 : index
      %swap3A_105 = vector.load %arg12[%swap3A_103, %swap3A_104] : memref<128x512xf32, #tpu.memory_space<vmem>>, vector<128x512xf32>
      tpu.vector_store %arg12[%swap3A_103, %swap3A_104], %transpose3A {strides = array<i32>} : memref<128x512xf32, #tpu.memory_space<vmem>>, vector<128x512xf32>,
    } else {
    }
    %get3A_7 = arith.constant 0 : index
    %get3A_8 = arith.constant 0 : index
    %get3A_9 = vector.load %arg2[%get3A_7, %get3A_8] : memref<64x64xf32, #tpu.memory_space<vmem>>, vector<64x64xf32>
    %dot_general3A = arith.constant dense<0.000000e+00> : vector<64x64xf32>
    %dot_general3A_10 = tpu.matmul %get3A_9, %get3A_1, %dot_general3A {dimension_numbers = #tpu.dot_dimension_numbers<[1], [0], [0], [1], [0, 0, 1, 1], [], []>, transpose_lhs_hint = false} : vector<64x64xf32>, vector<64x64xf32>, vector<64x64xf32> -> vector<64x64xf32>
    %get3A_11 = arith.constant 0 : index
    %get3A_12 = arith.constant 0 : index
    %get3A_13 = vector.load %arg4[%get3A_11, %get3A_12] : memref<1x64xf32, #tpu.memory_space<vmem>>, vector<1x64xf32>
    %add3A = vector.broadcast %get3A_13 : vector<1x64xf32> to vector<64x64xf32>
    %add3A_14 = arith.addf %dot_general3A_10, %add3A : vector<64x64xf32>
    %get3A_15 = arith.constant 0 : index
    %get3A_16 = arith.constant 0 : index
    %get3A_17 = vector.load %arg2[%get3A_15, %get3A_16] : memref<64x64xf32, #tpu.memory_space<vmem>>, vector<64x64xf32>
    %dot_general3A_18 = arith.constant dense<0.000000e+00> : vector<64x64xf32>
    %dot_general3A_19 = tpu.matmul %get3A_17, %get3A_4, %dot_general3A_18 {dimension_numbers = #tpu.dot_dimension_numbers<[1], [0], [0], [1], [0, 0, 1, 1], [], []>, transpose_lhs_hint = false} : vector<64x64xf32>, vector<64x64xf32>, vector<64x64xf32> -> vector<64x64xf32>
    %concatenate3A = tpu.concatenate %add3A_14, %dot_general3A_19 in 1 : vector<64x64xf32>, vector<64x64xf32> -> vector<64x128xf32>
    %get3A_20 = arith.constant 0 : index
    %get3A_21 = arith.constant 0 : index
    %get3A_22 = vector.load %arg7[%get3A_20, %get3A_21] : memref<1x1xf32, #tpu.memory_space<vmem>>, vector<1x1xf32>
    %get3A_23 = vector.extract %get3A_22[0, 0] : f32 from vector<1x1xf32>
    %div3A = arith.constant 1.000000e+00 : f32
    %div3A_24 = arith.divf %div3A, %get3A_23 : f32
    %get3A_25 = arith.constant 0 : index
    %get3A_26 = arith.constant 0 : index
    %get3A_27 = vector.load %arg6[%get3A_25, %get3A_26] : memref<1x1xf32, #tpu.memory_space<vmem>>, vector<1x1xf32>
    %get3A_28 = vector.extract %get3A_27[0, 0] : f32 from vector<1x1xf32>
    %broadcast_in_dim3A = vector.shape_cast %concatenate3A : vector<64x128xf32> to vector<64x128x1xf32>
    %get3A_29 = arith.constant 0 : index
    %get3A_30 = arith.constant 0 : index
    %get3A_31 = vector.load %arg12[%get3A_29, %get3A_30] : memref<128x512xf32, #tpu.memory_space<vmem>>, vector<128x512xf32>
    %broadcast_in_dim3A_32 = vector.shape_cast %get3A_31 : vector<128x512xf32> to vector<1x128x512xf32>
    %add3A_33 = vector.broadcast %broadcast_in_dim3A : vector<64x128x1xf32> to vector<64x128x512xf32>
    %add3A_34 = vector.broadcast %broadcast_in_dim3A_32 : vector<1x128x512xf32> to vector<64x128x512xf32>
    %add3A_35 = arith.addf %add3A_33, %add3A_34 : vector<64x128x512xf32>
    %max3A = arith.constant 0.000000e+00 : f32
    %max3A_36 = vector.broadcast %max3A : f32 to vector<64x128x512xf32>
    %max3A_37 = arith.maximumf %add3A_35, %max3A_36 : vector<64x128x512xf32>
    %get3A_38 = arith.constant 0 : index
    %get3A_39 = arith.constant 0 : index
    %get3A_40 = vector.load %arg5[%get3A_38, %get3A_39] : memref<64x1xf32, #tpu.memory_space<vmem>>, vector<64x1xf32>
    %get3A_41 = arith.constant 0 : index
    %get3A_42 = arith.constant 0 : index
    %get3A_43 = vector.load %arg5[%get3A_41, %get3A_42] : memref<64x1xf32, #tpu.memory_space<vmem>>, vector<64x1xf32>
    %concatenate3A_44 = tpu.concatenate %get3A_40, %get3A_43 in 0 : vector<64x1xf32>, vector<64x1xf32> -> vector<128x1xf32>
    %reshape3A = vector.shape_cast %concatenate3A_44 : vector<128x1xf32> to vector<1x128x1xf32>
    %mul3A = vector.broadcast %reshape3A : vector<1x128x1xf32> to vector<64x128x512xf32>
    %mul3A_45 = arith.mulf %max3A_37, %mul3A : vector<64x128x512xf32>
    %slice3A = vector.extract_strided_slice %mul3A_45 {offsets = [0, 0, 0], sizes = [64, 64, 512], strides = [1, 1, 1]} : vector<64x128x512xf32> to vector<64x64x512xf32>
    %reduce_sum3A = arith.constant dense<0.000000e+00> : vector<64x512xf32>
    %reduce_sum3A_46 = vector.multi_reduction <add>, %slice3A, %reduce_sum3A [1] : vector<64x64x512xf32> to vector<64x512xf32>
    %slice3A_47 = vector.extract_strided_slice %mul3A_45 {offsets = [0, 64, 0], sizes = [64, 64, 512], strides = [1, 1, 1]} : vector<64x128x512xf32> to vector<64x64x512xf32>
    %reduce_sum3A_48 = arith.constant dense<0.000000e+00> : vector<64x512xf32>
    %reduce_sum3A_49 = vector.multi_reduction <add>, %slice3A_47, %reduce_sum3A_48 [1] : vector<64x64x512xf32> to vector<64x512xf32>
    %get3A_50 = arith.constant 0 : index
    %get3A_51 = arith.constant 0 : index
    %get3A_52 = vector.load %arg9[%get3A_50, %get3A_51] : memref<64x512xf32, #tpu.memory_space<vmem>>, vector<64x512xf32>
    %add3A_53 = arith.addf %get3A_52, %reduce_sum3A_46 : vector<64x512xf32>
    %add3A_54 = vector.broadcast %get3A_28 : f32 to vector<64x512xf32>
    %add3A_55 = arith.addf %add3A_53, %add3A_54 : vector<64x512xf32>
    %mul3A_56 = vector.broadcast %div3A_24 : f32 to vector<64x512xf32>
    %mul3A_57 = arith.mulf %add3A_55, %mul3A_56 : vector<64x512xf32>
    %logistic3A = arith.negf %mul3A_57 : vector<64x512xf32>
    %logistic3A_58 = math.exp %logistic3A : vector<64x512xf32>
    %logistic3A_59 = arith.constant 1.000000e+00 : f32
    %logistic3A_60 = vector.broadcast %logistic3A_59 : f32 to vector<64x512xf32>
    %logistic3A_61 = arith.addf %logistic3A_60, %logistic3A_58 : vector<64x512xf32>
    %logistic3A_62 = arith.divf %logistic3A_60, %logistic3A_61 : vector<64x512xf32>
    %get3A_63 = arith.constant 0 : index
    %get3A_64 = arith.constant 0 : index
    %get3A_65 = vector.load %arg10[%get3A_63, %get3A_64] : memref<64x512xf32, #tpu.memory_space<vmem>>, vector<64x512xf32>
    %add3A_66 = arith.addf %get3A_65, %reduce_sum3A_49 : vector<64x512xf32>
    %add3A_67 = vector.broadcast %get3A_28 : f32 to vector<64x512xf32>
    %add3A_68 = arith.addf %add3A_66, %add3A_67 : vector<64x512xf32>
    %mul3A_69 = vector.broadcast %div3A_24 : f32 to vector<64x512xf32>
    %mul3A_70 = arith.mulf %add3A_68, %mul3A_69 : vector<64x512xf32>
    %logistic3A_71 = arith.negf %mul3A_70 : vector<64x512xf32>
    %logistic3A_72 = math.exp %logistic3A_71 : vector<64x512xf32>
    %logistic3A_73 = arith.constant 1.000000e+00 : f32
    %logistic3A_74 = vector.broadcast %logistic3A_73 : f32 to vector<64x512xf32>
    %logistic3A_75 = arith.addf %logistic3A_74, %logistic3A_72 : vector<64x512xf32>
    %logistic3A_76 = arith.divf %logistic3A_74, %logistic3A_75 : vector<64x512xf32>
    %get3A_77 = arith.constant 0 : index
    %get3A_78 = arith.constant 0 : index
    %get3A_79 = vector.load %arg8[%get3A_77, %get3A_78] : memref<64x512xf32, #tpu.memory_space<vmem>>, vector<64x512xf32>
    %add3A_80 = arith.addf %logistic3A_62, %logistic3A_76 : vector<64x512xf32>
    %mul3A_81 = arith.constant 5.000000e-01 : f32
    %mul3A_82 = vector.broadcast %mul3A_81 : f32 to vector<64x512xf32>
    %mul3A_83 = arith.mulf %mul3A_82, %add3A_80 : vector<64x512xf32>
    %mul3A_84 = arith.mulf %get3A_79, %mul3A_83 : vector<64x512xf32>
    %swap3A = arith.constant 0 : index
    %swap3A_85 = arith.constant 0 : index
    %swap3A_86 = vector.load %arg11[%swap3A, %swap3A_85] : memref<64x512xf32, #tpu.memory_space<vmem>>, vector<64x512xf32>
    tpu.vector_store %arg11[%swap3A, %swap3A_85], %mul3A_84 {strides = array<i32>} : memref<64x512xf32, #tpu.memory_space<vmem>>, vector<64x512xf32>,
    return
  }
  func.func @transform_0(%arg0: i32) -> (i32, i32) {
    %c0_i32 = arith.constant 0 : i32
    %c0_i32_0 = arith.constant 0 : i32
    %c0_i32_1 = arith.constant 0 : i32
    return %c0_i32, %c0_i32_0 : i32, i32
  }
  func.func @transform_1(%arg0: i32) -> (i32, i32) {
    %add3A = arith.constant 2 : i32
    %add3A_0 = arith.addi %arg0, %add3A : i32
    %c0_i32 = arith.constant 0 : i32
    %c0_i32_1 = arith.constant 0 : i32
    return %add3A_0, %c0_i32 : i32, i32
  }
  func.func @transform_2(%arg0: i32) -> (i32, i32) {
    %c0_i32 = arith.constant 0 : i32
    %c0_i32_0 = arith.constant 0 : i32
    %c0_i32_1 = arith.constant 0 : i32
    return %c0_i32, %c0_i32_0 : i32, i32
  }
  func.func @transform_3(%arg0: i32) -> (i32, i32) {
    %c0_i32 = arith.constant 0 : i32
    %c0_i32_0 = arith.constant 0 : i32
    %c0_i32_1 = arith.constant 0 : i32
    return %c0_i32, %c0_i32_0 : i32, i32
  }
  func.func @transform_4(%arg0: i32) -> (i32, i32) {
    %c0_i32 = arith.constant 0 : i32
    %c0_i32_0 = arith.constant 0 : i32
    %c0_i32_1 = arith.constant 0 : i32
    return %c0_i32, %c0_i32_0 : i32, i32
  }
  func.func @transform_5(%arg0: i32) -> (i32, i32) {
    %c0_i32 = arith.constant 0 : i32
    %c0_i32_0 = arith.constant 0 : i32
    %c0_i32_1 = arith.constant 0 : i32
    return %c0_i32, %c0_i32_0 : i32, i32
  }
  func.func @transform_6(%arg0: i32) -> (i32, i32) {
    %c0_i32 = arith.constant 0 : i32
    %c0_i32_0 = arith.constant 0 : i32
    %c0_i32_1 = arith.constant 0 : i32
    return %c0_i32, %c0_i32_0 : i32, i32
  }
  func.func @transform_7(%arg0: i32) -> (i32, i32) {
    %add3A = arith.constant 2 : i32
    %add3A_0 = arith.addi %arg0, %add3A : i32
    %c0_i32 = arith.constant 0 : i32
    %c0_i32_1 = arith.constant 0 : i32
    return %add3A_0, %c0_i32 : i32, i32
  }
  func.func @transform_8(%arg0: i32) -> (i32, i32) {
    %add3A = arith.constant 2 : i32
    %add3A_0 = arith.addi %arg0, %add3A : i32
    %c0_i32 = arith.constant 0 : i32
    %c0_i32_1 = arith.constant 0 : i32
    return %add3A_0, %c0_i32 : i32, i32
  }
  func.func @transform_9(%arg0: i32) -> (i32, i32) {
    %add3A = arith.constant 2 : i32
    %add3A_0 = arith.addi %arg0, %add3A : i32
    %c0_i32 = arith.constant 0 : i32
    %c0_i32_1 = arith.constant 0 : i32
    return %add3A_0, %c0_i32 : i32, i32
  }
  func.func @transform_10(%arg0: i32) -> (i32, i32) {
    %add3A = arith.constant 2 : i32
    %add3A_0 = arith.addi %arg0, %add3A : i32
    %c0_i32 = arith.constant 0 : i32
    %c0_i32_1 = arith.constant 0 : i32
    return %add3A_0, %c0_i32 : i32, i32
  }
}

</mosaic_0001>

<sc_bundles>
// kernel: kernel.5.cloned.1.call-start
scs
__scs_entry_jumppad:
0x0: {  	(pc) =	sbr.rel $0x88, $3  }
0x1: {  	(tag) =	ssettag $0x0;
	lr =	simm.s32 $0x1  }
0x2: {  	[smem:$0x3F9A] =	sst lr;
	_ =	strace $0xD0000000  }
0x3: {  	_ = 	snop  }
0x4: {  	_ = 	snop  }
0x5: {  	_ = 	snop  }
0x6: {  	_ = 	snop  }
0x7: {  	_ = 	snop  }
__scs_overlays_trampoline_lowered:
0x8: {  	[smem:$0x3FA9] =	sst s0  }
0x9: {  	[smem:$0x3FAA] =	sst s1  }
0xa: {  	[smem:$0x3FAB] =	sst s2  }
0xb: {  	[smem:$0x3FAC] =	sst s3  }
0xc: {  	[smem:$0x3FAD] =	sst s4  }
0xd: {  	[smem:$0x3FAE] =	sst s5  }
0xe: {  	[smem:$0x3FAF] =	sst s6  }
0xf: {  	[smem:$0x3FB0] =	sst s7  }
0x10: {  	[smem:$0x3FB1] =	sst s8  }
0x11: {  	[smem:$0x3FB2] =	sst s9;
	s0 =	simm.s32 @!p0 $0x0  }
0x12: {  	s1 =	sld [smem:$0x3F98];
	s0 =	simm.s32 @p0 $0x1  }
0x13: {  	[smem:$0x3FB3] =	sst s0;
	s0 =	simm.s32 @!p1 $0x0  }
0x14: {  	s2 =	sld [smem:$0x3F97];
	s0 =	simm.s32 @p1 $0x1  }
0x15: {  	[smem:$0x3FB4] =	sst s0;
	s0 =	simm.s32 @!p2 $0x0  }
0x16: {  	s3 =	sld [smem:$0x3FDB];
	s0 =	simm.s32 @p2 $0x1  }
0x17: {  	s4 =	simm.s32 $0x1BF5;
	[smem:$0x3FB6] =	sst s0  }
0x18: {  	s0 =	sld [smem:$0x3F99];
	_ =	swait.ge [sflag:s4], $0x0  }
0x19: {  	s7 =	sld [smem:$0x3F9A]  }
0x1a: {  	s8 =	sadd.s32 $0xFFFFE003, lr  }
0x1b: {  	s9 =	sadd.s32 $0xFFFFFEF7, lr;
	s5 =	simm.s32 $0xFFFFFFFF;
	p2 =	slt.u32 s8, $0xFFFFF086  }
0x1c: {  	p1 =	slt.u32 s9, $0xF7A;
	s5 =	simm.s32 @!p2 $0x0  }
0x1d: {  	s5 =	simm.s32 @p1 $0x1;
	p0 =	seq.s32 s7, s2  }
0x1e: {  	s7 =	smul.u32 @!p0 $0xF7A, s2;
	p2 =	seq.s32 @!p0 s5, $0x0  }
0x1f: {  	s9 =	smul.u32 $0xF7A, s1;
	s8 =	simm.s32 @!p0 $0x1BF5;
	p2 =	por !p2, p0  }
0x20: {  	[sflag:s8] =	ssyncset.s32 @!p0 $0xFFFFF086;
	s6 =	sadd.s32 @!p0 s3, s7;
	s7 =	simm.s32 @!p0 $0x108  }
0x21: {  	s3 =	sadd.s32 s3, s9;
	s6 =	sadd.s32 @!p0 $0x88, s6;
	s7 =	simm.s32 @p2 $0x1082  }
0x22: {  	[simem:s7], [sflag:s8] =	dma.local @!p0 [hbm:s6], $0xF7A  }
0x23: {  	s9 =	sor.u32 $0xD0000000, s2;
	s6 =	simm.s32 $0x108;
	_ =	swait.ge @!p0 [sflag:s8], $0x0  }
0x24: {  	s3 =	sadd.s32 $0x88, s3;
	s6 =	simm.s32 @!p1 $0x1082;
	[sflag:s4] =	ssyncset.s32 $0xFFFFF086  }
0x25: {  	[simem:s6], [sflag:s4] =	dma.local [hbm:s3], $0xF7A  }
0x26: {  	[smem:$0x3F9A] =	sst s1;
	(tag) =	ssettag s2;
	_ =	strace s9  }
0x27: {  	s1 =	sld [smem:$0x3FAA]  }
0x28: {  	s2 =	sld [smem:$0x3FAB]  }
0x29: {  	s4 =	sld [smem:$0x3FAD]  }
0x2a: {  	p0 =	seq.s32 s5, $0x0;
	s5 =	sld [smem:$0x3FAE]  }
0x2b: {  	s6 =	sld [smem:$0x3FAF]  }
0x2c: {  	s7 =	sld [smem:$0x3FB0]  }
0x2d: {  	s3 =	simm.s32 $0x108;
	s8 =	sld [smem:$0x3FB1]  }
0x2e: {  	s3 =	simm.s32 @!p0 $0x1082;
	s9 =	sld [smem:$0x3FB2]  }
0x2f: {  	lr =	sadd.s32 s0, s3;
	s0 =	sld [smem:$0x3FA9]  }
0x30: {  	s3 =	sld [smem:$0x3FAC]  }
0x31: {  	[smem:$0x3FB5] =	sst s10  }
0x32: {  	s10 =	sld [smem:$0x3FB3];
	_ =	sdelay $0x3  }
0x33: {  	p0 =	seq.s32 s10, $0x1;
	s10 =	sld [smem:$0x3FB5];
	_ =	sdelay $0x3  }
0x34: {  	[smem:$0x3FB5] =	sst s10  }
0x35: {  	s10 =	sld [smem:$0x3FB4];
	_ =	sdelay $0x3  }
0x36: {  	p1 =	seq.s32 s10, $0x1;
	s10 =	sld [smem:$0x3FB5];
	_ =	sdelay $0x3  }
0x37: {  	[smem:$0x3FB5] =	sst s10  }
0x38: {  	s10 =	sld [smem:$0x3FB6]  }
0x39: {  	_ = 	snop;
	(pc) =	sbr.ind lr, $3  }
0x3a: {  	_ = 	snop  }
0x3b: {  	_ = 	snop  }
0x3c: {  	p2 =	seq.s32 s10, $0x1;
	s10 =	sld [smem:$0x3FB5]  }
0x3d: {  	_ =	shalt  }
0x3e: {  	_ =	shalt  }
0x3f: {  	_ =	shalt  }
0x40: {  	_ =	shalt  }
0x41: {  	_ =	shalt  }
0x42: {  	_ =	shalt  }
0x43: {  	_ =	shalt  }
0x44: {  	_ =	shalt  }
0x45: {  	_ =	shalt  }
0x46: {  	_ =	shalt  }
0x47: {  	_ =	shalt  }
0x48: {  	_ =	shalt  }
0x49: {  	_ =	shalt  }
0x4a: {  	_ =	shalt  }
0x4b: {  	_ =	shalt  }
0x4c: {  	_ =	shalt  }
0x4d: {  	_ =	shalt  }
0x4e: {  	_ =	shalt  }
0x4f: {  	_ =	shalt  }
0x50: {  	_ =	shalt  }
0x51: {  	_ =	shalt  }
0x52: {  	_ =	shalt  }
0x53: {  	_ =	shalt  }
0x54: {  	_ =	shalt  }
0x55: {  	_ =	shalt  }
0x56: {  	_ =	shalt  }
0x57: {  	_ =	shalt  }
0x58: {  	_ =	shalt  }
0x59: {  	_ =	shalt  }
0x5a: {  	_ =	shalt  }
0x5b: {  	_ =	shalt  }
0x5c: {  	_ =	shalt  }
0x5d: {  	_ =	shalt  }
0x5e: {  	_ =	shalt  }
0x5f: {  	_ =	shalt  }
0x60: {  	_ =	shalt  }
0x61: {  	_ =	shalt  }
0x62: {  	_ =	shalt  }
0x63: {  	_ =	shalt  }
0x64: {  	_ =	shalt  }
0x65: {  	_ =	shalt  }
0x66: {  	_ =	shalt  }
0x67: {  	_ =	shalt  }
0x68: {  	_ =	shalt  }
0x69: {  	_ =	shalt  }
0x6a: {  	_ =	shalt  }
0x6b: {  	_ =	shalt  }
0x6c: {  	_ =	shalt  }
0x6d: {  	_ =	shalt  }
0x6e: {  	_ =	shalt  }
0x6f: {  	_ =	shalt  }
0x70: {  	_ =	shalt  }
0x71: {  	_ =	shalt  }
0x72: {  	_ =	shalt  }
0x73: {  	_ =	shalt  }
0x74: {  	_ =	shalt  }
0x75: {  	_ =	shalt  }
0x76: {  	_ =	shalt  }
0x77: {  	_ =	shalt  }
0x78: {  	_ =	shalt  }
0x79: {  	_ =	shalt  }
0x7a: {  	_ =	shalt  }
0x7b: {  	_ =	shalt  }
0x7c: {  	_ =	shalt  }
0x7d: {  	_ =	shalt  }
0x7e: {  	_ =	shalt  }
0x7f: {  	_ =	shalt  }
0x80: {  	_ =	shalt  }
0x81: {  	_ =	shalt  }
0x82: {  	_ =	shalt  }
0x83: {  	_ =	shalt  }
0x84: {  	_ =	shalt  }
0x85: {  	_ =	shalt  }
0x86: {  	_ =	shalt  }
0x87: {  	_ =	shalt  }
.Lfunc_end0:
.L_simem_size_0:
called_computation_lowered:
.L_overlay_start_0:
0x88: {  	s2 =	sld [smem:$0x3FD9]  }
0x89: {  	s3 =	sld [smem:$0x3FFE];
	_ =	sdelay $0x1  }
0x8a: {  	s1 =	srdreg.scid  }
0x8b: {  	s0 =	sand.u32 $0x1, s1  }
0x8c: {  	s17 =	sshll.u32 s0, $0xA;
	s2 =	sadd.s32 s3, s2  }
0x8d: {  	s2 =	sadd.s32 s2, s17  }
0x8e: {  	[smem:$0x3FC1] =	sst s2  }
0x8f: {  	_ = 	snop  }
0x90: {  	s2 =	sld [smem:$0x3FC8]  }
0x91: {  	s18 =	sld [smem:$0x3FC5];
	(tm) =	ssettm $0x1  }
0x92: {  	s4 =	sld [smem:$0x3FFB];
	_ =	sdelay $0x3  }
0x93: {  	_ =	strace s4  }
0x94: {  	s4 =	sld [smem:$0x3FFC];
	_ =	sdelay $0x3  }
0x95: {  	_ =	strace s4  }
0x96: {  	s4 =	sld [smem:$0x3FFD];
	_ =	sdelay $0x3  }
0x97: {  	_ =	strace s4  }
0x98: {  	_ =	strace $0x8FFFFFFF  }
0x99: {  	s19 =	sld [smem:$0x3FDB];
	_ =	sdelay $0x1  }
0x9a: {  	s5 =	simm.s32 $_scs_section_size  }
0x9b: {  	s6 =	simm.s32 $_size__tile_overlayer_lowered;
	s7 =	simm.s32 $_tile_overlayer_lowered  }
0x9c: {  	s22 =	simm.s32 $0x1BFF;
	s21 =	sshll.u32 s7, $0x1;
	s4 =	sadd.s32 s5, s19  }
0x9d: {  	s8 =	simm.s32 $0x0;
	s20 =	sshll.u32 s6, $0x1;
	s6 =	sadd.s32 s21, s4  }
0x9e: {  	[timem:s8], [sflag:s22] =	dma.local [hbm:s6], s20  }
0x9f: {  	_ =	swait.ge [sflag:s22], s20  }
0xa0: {  	s5 =	ssub.s32 $0x0, s20;
	[sflag:s22] =	ssyncset.done $0x0  }
0xa1: {  	[sflag:s22] =	ssyncadd.s32 s5;
	_ =	sdelay $0x1  }
0xa2: {  	s23 =	simm.s32 $0x1B8B  }
0xa3: {  	_ =	swait.ge [sflag:s23], $0x1  }
0xa4: {  	[sflag:s23] =	ssyncset.done $0x0  }
0xa5: {  	s25 =	simm.s32 $0x1B8E;
	s24 =	sld [smem:$0x3FFE];
	[sflag:s23] =	ssyncadd.s32 $0xFFFFFFFF  }
0xa6: {  	s26 =	simm.s32 $execute0_lowered;
	[smem:$0x3FD2] =	sst s25  }
0xa7: {  	s6 =	sshll.u32 s26, $0x1;
	_ =	strace $0x80000046;
	[dreg:$0x1] =	wrdreg $0xFFFFFFFF  }
0xa8: {  	s28 =	simm.s32 $_size_execute0_lowered;
	s4 =	sadd.s32 s4, s6;
	[dreg:$0x0] =	wrdreg $0x0  }
0xa9: {  	s6 =	sshll.u32 s28, $0x1;
	[dreg:$0x2] =	wrdreg s4  }
0xaa: {  	[dreg:$0x3] =	wrdreg s6  }
0xab: {  	[dreg:$0x4] =	wrdreg $0xC0  }
0xac: {  	_ =	task [dreg:s8], $0x5FFFF  }
0xad: {  	[dreg:$0x1] =	wrdreg $0xFFFFFFFF  }
0xae: {  	[dreg:$0x0] =	wrdreg $0x60  }
0xaf: {  	[dreg:$0x2] =	wrdreg s24  }
0xb0: {  	[dreg:$0x3] =	wrdreg s18  }
0xb1: {  	[dreg:$0x4] =	wrdreg s2  }
0xb2: {  	[dreg:$0x5] =	wrdreg $0x9  }
0xb3: {  	_ =	task.clear_ibuf [dreg:s8], $0x6FFFF;
	_ =	strace $0x90000046  }
0xb4: {  	s29 =	simm.s32 $0x9;
	_ =	strace $0x80000048  }
0xb5: {  	_ =	swait.ge [sflag:s29], $0x1  }
0xb6: {  	[sflag:s29] =	ssyncadd.s32 $0xFFFFFFFF  }
0xb7: {  	_ =	strace $0x90000048  }
0xb8: {  	_ =	sfence  }
0xb9: {  	s30 =	sld [smem:$0x0];
	_ =	sdelay $0x2  }
0xba: {  	s31 =	sshll.u32 s1, $0xD;
	s1 =	sshrl.u32 s1, $0x2  }
0xbb: {  	s3 =	sand.u32 $0x4000, s31;
	s1 =	sadd.s32 s1, s30  }
0xbc: {  	s0 =	sor.u32 s3, s0;
	s1 =	sshll.u32 s1, $0x11  }
0xbd: {  	s0 =	sor.u32 s1, s0  }
0xbe: {  	s0 =	sadd.s32 $0x8F2B, s0  }
0xbf: {  	[sflag:s0] =	ssyncadd.remote.s32 $0x1  }
0xc0: {  	_ =	sfence.sel $0xFFFF  }
0xc1: {  	[dreg:$0x0] =	wrdreg $0xFFFFFFFF;
	(pc) =	sbr.abs _section_cstart, $3  }
0xc2: {  	[dreg:$0x1] =	wrdreg $0xFFFFFFFF  }
0xc3: {  	_ =	task.clear_ibuf [dreg:s8], $0x2FFFF;
	_ =	strace $0x9FFFFFFF  }
0xc4: {  	(tm) =	ssettm $0x7FFFFFFF  }
0xc5: {  	_ =	shalt  }
tec
execute0_lowered:
.L_overlay_start_1:
0x0: {  	(tag) =	ssettag $0x1  }
0x1: {  	s7 =	rddreg [dreg:$0x0];
	s1 =	srdreg.scid  }
0x2: {  	s2 =	rddreg [dreg:$0x1];
	s0 =	stileid.u32  }
0x3: {  	s9 =	rddreg [dreg:$0x2];
	s3 =	simm.s32 $0x0;
	s15 =	simm.s32 $0x200  }
0x4: {  	s16 =	simm.s32 $0x400;
	s17 =	simm.s32 $0x8400;
	s18 =	simm.s32 $0x10400  }
0x5: {  	s19 =	simm.s32 $0x10480;
	s20 =	simm.s32 $0x10580;
	s21 =	simm.s32 $0x10D80  }
0x6: {  	s22 =	simm.s32 $0x11580;
	s23 =	simm.s32 $0x11D80;
	s24 =	simm.s32 $0x0  }
0x7: {  	s5 =	sand.u32 $0x1, s1;
	s4 =	sshll.u32 s0, $0xA;
	s1 =	rddreg [dreg:$0x3]  }
0x8: {  	[smem:$0x7FF] =	sst s3;
	s10 =	sshll.u32 s0, $0xC;
	s6 =	sshll.u32 s5, $0x9  }
0x9: {  	_ =	strace $0x80000047;
	s31 =	ssub.s32 $0x2, s5;
	s5 =	sadd.s32 $0x3400, s7  }
0xa: {  	s4 =	sor.u32 s6, s4;
	s6 =	sor.u32 s6, s10;
	s12 =	sshrl.u32 s31, $0x1  }
0xb: {  	s4 =	sshrl.u32 s4, $0x3;
	s11 =	sshrl.u32 s6, $0x3;
	s6 =	sadd.s32 $0x2200, s7  }
0xc: {  	s14 =	ssub.s32 s31, s12;
	s8 =	sadd.s32 s4, s7;
	s4 =	sadd.s32 $0x2400, s7  }
0xd: {  	s13 =	sadd.s32 s11, s7;
	s9 =	sadd.s32 s9, s11;
	s7 =	sadd.s32 $0x4400, s8  }
0xe: {  	s8 =	sadd.s32 $0x4C00, s8;
	s10 =	sadd.s32 $0x7400, s13;
	s11 =	sadd.s32 $0x5400, s13  }
0xf: {  	s12 =	sadd.s32 $0x9400, s13;
	s13 =	smax.u32 s14, $0x1;
	s14 =	simm.s32 $0x1  }
.LBB2_1:
0x10: {  	[tilespmem:s3], [sflag:$0x1] =	stream.linear.gather [hbm4b:s7+s3], $0x200, $0x38;
	[tilespmem:$0x12D80] =	vst v63  }
0x11: {  	_ =	swait.ge [sflag:s14], $0x200  }
0x12: {  	[sflag:s14] =	ssyncset.done $0x0  }
0x13: {  	[sflag:s14] =	ssyncadd.s32 $0xFFFFFE00  }
0x14: {  	[tilespmem:s15], [sflag:$0x1] =	stream.linear.gather [hbm4b:s8+s3], $0x200, $0x38;
	[tilespmem:$0x12D80] =	vst v63  }
0x15: {  	_ =	swait.ge [sflag:s14], $0x200  }
0x16: {  	[sflag:s14] =	ssyncset.done $0x0  }
0x17: {  	[sflag:s14] =	ssyncadd.s32 $0xFFFFFE00  }
0x18: {  	[tilespmem:s16], [sflag:$0x1] =	stream.linear.gather [hbm4b:s4+s3], $0x8000, $0x38;
	[tilespmem:$0x12D80] =	vst v63  }
0x19: {  	_ =	swait.ge [sflag:s14], $0x8000  }
0x1a: {  	[sflag:s14] =	ssyncset.done $0x0  }
0x1b: {  	[sflag:s14] =	ssyncadd.s32 $0xFFFF8000  }
0x1c: {  	[tilespmem:s17], [sflag:$0x1] =	stream.linear.gather [hbm4b:s5+s3], $0x8000, $0x38;
	[tilespmem:$0x12D80] =	vst v63  }
0x1d: {  	_ =	swait.ge [sflag:s14], $0x8000  }
0x1e: {  	[sflag:s14] =	ssyncset.done $0x0  }
0x1f: {  	[sflag:s14] =	ssyncadd.s32 $0xFFFF8000  }
0x20: {  	[tilespmem:s18], [sflag:$0x1] =	stream.linear.gather [hbm4b:s2+s3], $0x80, $0x38;
	[tilespmem:$0x12D80] =	vst v63  }
0x21: {  	_ =	swait.ge [sflag:s14], $0x80  }
0x22: {  	[sflag:s14] =	ssyncset.done $0x0  }
0x23: {  	[sflag:s14] =	ssyncadd.s32 $0xFFFFFF80  }
0x24: {  	[tilespmem:s19], [sflag:$0x1] =	stream.linear.gather [hbm4b:s6+s3], $0x100, $0x38;
	[tilespmem:$0x12D80] =	vst v63  }
0x25: {  	_ =	swait.ge [sflag:s14], $0x100  }
0x26: {  	[sflag:s14] =	ssyncset.done $0x0  }
0x27: {  	[sflag:s14] =	ssyncadd.s32 $0xFFFFFF00  }
0x28: {  	[tilespmem:s20], [sflag:$0x1] =	stream.strided.gather [hbm4b:s9+s15], $0x800, s16, s15, $0x38;
	[tilespmem:$0x12D80] =	vst v63  }
0x29: {  	_ =	swait.ge [sflag:s14], $0x800  }
0x2a: {  	[sflag:s14] =	ssyncset.done $0x0  }
0x2b: {  	[sflag:s14] =	ssyncadd.s32 $0xFFFFF800  }
0x2c: {  	[tilespmem:s21], [sflag:$0x1] =	stream.strided.gather [hbm4b:s10+s15], $0x800, s16, s15, $0x38;
	[tilespmem:$0x12D80] =	vst v63  }
0x2d: {  	_ =	swait.ge [sflag:s14], $0x800  }
0x2e: {  	[sflag:s14] =	ssyncset.done $0x0  }
0x2f: {  	[sflag:s14] =	ssyncadd.s32 $0xFFFFF800  }
0x30: {  	[tilespmem:s22], [sflag:$0x1] =	stream.strided.gather [hbm4b:s11+s15], $0x800, s16, s15, $0x38;
	[tilespmem:$0x12D80] =	vst v63  }
0x31: {  	_ =	swait.ge [sflag:s14], $0x800  }
0x32: {  	[sflag:s14] =	ssyncset.done $0x0  }
0x33: {  	v0 =	vimm.f32 $0.0e+00;
	[sflag:s14] =	ssyncadd.s32 $0xFFFFF800  }
0x34: {  	[tilespmem:$0x11D80] =	vst v0  }
0x35: {  	[tilespmem:$0x12580] =	vst v0  }
0x36: {  	[tilespmem:$0x11D90] =	vst v0  }
0x37: {  	[tilespmem:$0x12590] =	vst v0  }
0x38: {  	[tilespmem:$0x11DA0] =	vst v0  }
0x39: {  	[tilespmem:$0x125A0] =	vst v0  }
0x3a: {  	[tilespmem:$0x11DB0] =	vst v0  }
0x3b: {  	[tilespmem:$0x125B0] =	vst v0  }
0x3c: {  	[tilespmem:$0x11DC0] =	vst v0  }
0x3d: {  	[tilespmem:$0x125C0] =	vst v0  }
0x3e: {  	[tilespmem:$0x11DD0] =	vst v0  }
0x3f: {  	[tilespmem:$0x125D0] =	vst v0  }
0x40: {  	[tilespmem:$0x11DE0] =	vst v0  }
0x41: {  	[tilespmem:$0x125E0] =	vst v0  }
0x42: {  	[tilespmem:$0x11DF0] =	vst v0  }
0x43: {  	[tilespmem:$0x125F0] =	vst v0  }
0x44: {  	[tilespmem:$0x11F80] =	vst v0  }
0x45: {  	[tilespmem:$0x12780] =	vst v0  }
0x46: {  	[tilespmem:$0x11F90] =	vst v0  }
0x47: {  	[tilespmem:$0x12790] =	vst v0  }
0x48: {  	[tilespmem:$0x11FA0] =	vst v0  }
0x49: {  	[tilespmem:$0x127A0] =	vst v0  }
0x4a: {  	[tilespmem:$0x11FB0] =	vst v0  }
0x4b: {  	[tilespmem:$0x127B0] =	vst v0  }
0x4c: {  	[tilespmem:$0x11FC0] =	vst v0  }
0x4d: {  	[tilespmem:$0x127C0] =	vst v0  }
0x4e: {  	[tilespmem:$0x11FD0] =	vst v0  }
0x4f: {  	[tilespmem:$0x127D0] =	vst v0  }
0x50: {  	[tilespmem:$0x11FE0] =	vst v0  }
0x51: {  	[tilespmem:$0x127E0] =	vst v0  }
0x52: {  	[tilespmem:$0x11FF0] =	vst v0  }
0x53: {  	[tilespmem:$0x127F0] =	vst v0  }
0x54: {  	[tilespmem:$0x12180] =	vst v0  }
0x55: {  	[tilespmem:$0x12980] =	vst v0  }
0x56: {  	[tilespmem:$0x12190] =	vst v0  }
0x57: {  	[tilespmem:$0x12990] =	vst v0  }
0x58: {  	[tilespmem:$0x121A0] =	vst v0  }
0x59: {  	[tilespmem:$0x129A0] =	vst v0  }
0x5a: {  	[tilespmem:$0x121B0] =	vst v0  }
0x5b: {  	[tilespmem:$0x129B0] =	vst v0  }
0x5c: {  	[tilespmem:$0x121C0] =	vst v0  }
0x5d: {  	[tilespmem:$0x129C0] =	vst v0  }
0x5e: {  	[tilespmem:$0x121D0] =	vst v0  }
0x5f: {  	[tilespmem:$0x129D0] =	vst v0  }
0x60: {  	[tilespmem:$0x121E0] =	vst v0  }
0x61: {  	[tilespmem:$0x129E0] =	vst v0  }
0x62: {  	[tilespmem:$0x121F0] =	vst v0  }
0x63: {  	[tilespmem:$0x129F0] =	vst v0  }
0x64: {  	[tilespmem:$0x12380] =	vst v0  }
0x65: {  	[tilespmem:$0x12B80] =	vst v0  }
0x66: {  	[tilespmem:$0x12390] =	vst v0  }
0x67: {  	[tilespmem:$0x12B90] =	vst v0  }
0x68: {  	[tilespmem:$0x123A0] =	vst v0  }
0x69: {  	[tilespmem:$0x12BA0] =	vst v0  }
0x6a: {  	[tilespmem:$0x123B0] =	vst v0  }
0x6b: {  	[tilespmem:$0x12BB0] =	vst v0  }
0x6c: {  	[tilespmem:$0x123C0] =	vst v0  }
0x6d: {  	[tilespmem:$0x12BC0] =	vst v0  }
0x6e: {  	[tilespmem:$0x123D0] =	vst v0  }
0x6f: {  	[tilespmem:$0x12BD0] =	vst v0  }
0x70: {  	[tilespmem:$0x123E0] =	vst v0  }
0x71: {  	[tilespmem:$0x12BE0] =	vst v0  }
0x72: {  	[tilespmem:$0x123F0] =	vst v0  }
0x73: {  	[tilespmem:$0x12BF0] =	vst v0  }
0x74: {  	[tilespmem:$0x11E00] =	vst v0  }
0x75: {  	[tilespmem:$0x12600] =	vst v0  }
0x76: {  	[tilespmem:$0x11E10] =	vst v0  }
0x77: {  	[tilespmem:$0x12610] =	vst v0  }
0x78: {  	[tilespmem:$0x11E20] =	vst v0  }
0x79: {  	[tilespmem:$0x12620] =	vst v0  }
0x7a: {  	[tilespmem:$0x11E30] =	vst v0  }
0x7b: {  	[tilespmem:$0x12630] =	vst v0  }
0x7c: {  	[tilespmem:$0x11E40] =	vst v0  }
0x7d: {  	[tilespmem:$0x12640] =	vst v0  }
0x7e: {  	[tilespmem:$0x11E50] =	vst v0  }
0x7f: {  	[tilespmem:$0x12650] =	vst v0  }
0x80: {  	[tilespmem:$0x11E60] =	vst v0  }
0x81: {  	[tilespmem:$0x12660] =	vst v0  }
0x82: {  	[tilespmem:$0x11E70] =	vst v0  }
0x83: {  	[tilespmem:$0x12670] =	vst v0  }
0x84: {  	[tilespmem:$0x12000] =	vst v0  }
0x85: {  	[tilespmem:$0x12800] =	vst v0  }
0x86: {  	[tilespmem:$0x12010] =	vst v0  }
0x87: {  	[tilespmem:$0x12810] =	vst v0  }
0x88: {  	[tilespmem:$0x12020] =	vst v0  }
0x89: {  	[tilespmem:$0x12820] =	vst v0  }
0x8a: {  	[tilespmem:$0x12030] =	vst v0  }
0x8b: {  	[tilespmem:$0x12830] =	vst v0  }
0x8c: {  	[tilespmem:$0x12040] =	vst v0  }
0x8d: {  	[tilespmem:$0x12840] =	vst v0  }
0x8e: {  	[tilespmem:$0x12050] =	vst v0  }
0x8f: {  	[tilespmem:$0x12850] =	vst v0  }
0x90: {  	[tilespmem:$0x12060] =	vst v0  }
0x91: {  	[tilespmem:$0x12860] =	vst v0  }
0x92: {  	[tilespmem:$0x12070] =	vst v0  }
0x93: {  	[tilespmem:$0x12870] =	vst v0  }
0x94: {  	[tilespmem:$0x12200] =	vst v0  }
0x95: {  	[tilespmem:$0x12A00] =	vst v0  }
0x96: {  	[tilespmem:$0x12210] =	vst v0  }
0x97: {  	[tilespmem:$0x12A10] =	vst v0  }
0x98: {  	[tilespmem:$0x12220] =	vst v0  }
0x99: {  	[tilespmem:$0x12A20] =	vst v0  }
0x9a: {  	[tilespmem:$0x12230] =	vst v0  }
0x9b: {  	[tilespmem:$0x12A30] =	vst v0  }
0x9c: {  	[tilespmem:$0x12240] =	vst v0  }
0x9d: {  	[tilespmem:$0x12A40] =	vst v0  }
0x9e: {  	[tilespmem:$0x12250] =	vst v0  }
0x9f: {  	[tilespmem:$0x12A50] =	vst v0  }
0xa0: {  	[tilespmem:$0x12260] =	vst v0  }
0xa1: {  	[tilespmem:$0x12A60] =	vst v0  }
0xa2: {  	[tilespmem:$0x12270] =	vst v0  }
0xa3: {  	[tilespmem:$0x12A70] =	vst v0  }
0xa4: {  	[tilespmem:$0x12400] =	vst v0  }
0xa5: {  	[tilespmem:$0x12C00] =	vst v0  }
0xa6: {  	[tilespmem:$0x12410] =	vst v0  }
0xa7: {  	[tilespmem:$0x12C10] =	vst v0  }
0xa8: {  	[tilespmem:$0x12420] =	vst v0  }
0xa9: {  	[tilespmem:$0x12C20] =	vst v0  }
0xaa: {  	[tilespmem:$0x12430] =	vst v0  }
0xab: {  	[tilespmem:$0x12C30] =	vst v0  }
0xac: {  	[tilespmem:$0x12440] =	vst v0  }
0xad: {  	[tilespmem:$0x12C40] =	vst v0  }
0xae: {  	[tilespmem:$0x12450] =	vst v0  }
0xaf: {  	[tilespmem:$0x12C50] =	vst v0  }
0xb0: {  	[tilespmem:$0x12460] =	vst v0  }
0xb1: {  	[tilespmem:$0x12C60] =	vst v0  }
0xb2: {  	[tilespmem:$0x12470] =	vst v0  }
0xb3: {  	[tilespmem:$0x12C70] =	vst v0  }
0xb4: {  	[tilespmem:$0x11E80] =	vst v0  }
0xb5: {  	[tilespmem:$0x12680] =	vst v0  }
0xb6: {  	[tilespmem:$0x11E90] =	vst v0  }
0xb7: {  	[tilespmem:$0x12690] =	vst v0  }
0xb8: {  	[tilespmem:$0x11EA0] =	vst v0  }
0xb9: {  	[tilespmem:$0x126A0] =	vst v0  }
0xba: {  	[tilespmem:$0x11EB0] =	vst v0  }
0xbb: {  	[tilespmem:$0x126B0] =	vst v0  }
0xbc: {  	[tilespmem:$0x11EC0] =	vst v0  }
0xbd: {  	[tilespmem:$0x126C0] =	vst v0  }
0xbe: {  	[tilespmem:$0x11ED0] =	vst v0  }
0xbf: {  	[tilespmem:$0x126D0] =	vst v0  }
0xc0: {  	[tilespmem:$0x11EE0] =	vst v0  }
0xc1: {  	[tilespmem:$0x126E0] =	vst v0  }
0xc2: {  	[tilespmem:$0x11EF0] =	vst v0  }
0xc3: {  	[tilespmem:$0x126F0] =	vst v0  }
0xc4: {  	[tilespmem:$0x12080] =	vst v0  }
0xc5: {  	[tilespmem:$0x12880] =	vst v0  }
0xc6: {  	[tilespmem:$0x12090] =	vst v0  }
0xc7: {  	[tilespmem:$0x12890] =	vst v0  }
0xc8: {  	[tilespmem:$0x120A0] =	vst v0  }
0xc9: {  	[tilespmem:$0x128A0] =	vst v0  }
0xca: {  	[tilespmem:$0x120B0] =	vst v0  }
0xcb: {  	[tilespmem:$0x128B0] =	vst v0  }
0xcc: {  	[tilespmem:$0x120C0] =	vst v0  }
0xcd: {  	[tilespmem:$0x128C0] =	vst v0  }
0xce: {  	[tilespmem:$0x120D0] =	vst v0  }
0xcf: {  	[tilespmem:$0x128D0] =	vst v0  }
0xd0: {  	[tilespmem:$0x120E0] =	vst v0  }
0xd1: {  	[tilespmem:$0x128E0] =	vst v0  }
0xd2: {  	[tilespmem:$0x120F0] =	vst v0  }
0xd3: {  	[tilespmem:$0x128F0] =	vst v0  }
0xd4: {  	[tilespmem:$0x12280] =	vst v0  }
0xd5: {  	[tilespmem:$0x12A80] =	vst v0  }
0xd6: {  	[tilespmem:$0x12290] =	vst v0  }
0xd7: {  	[tilespmem:$0x12A90] =	vst v0  }
0xd8: {  	[tilespmem:$0x122A0] =	vst v0  }
0xd9: {  	[tilespmem:$0x12AA0] =	vst v0  }
0xda: {  	[tilespmem:$0x122B0] =	vst v0  }
0xdb: {  	[tilespmem:$0x12AB0] =	vst v0  }
0xdc: {  	[tilespmem:$0x122C0] =	vst v0  }
0xdd: {  	[tilespmem:$0x12AC0] =	vst v0  }
0xde: {  	[tilespmem:$0x122D0] =	vst v0  }
0xdf: {  	[tilespmem:$0x12AD0] =	vst v0  }
0xe0: {  	[tilespmem:$0x122E0] =	vst v0  }
0xe1: {  	[tilespmem:$0x12AE0] =	vst v0  }
0xe2: {  	[tilespmem:$0x122F0] =	vst v0  }
0xe3: {  	[tilespmem:$0x12AF0] =	vst v0  }
0xe4: {  	[tilespmem:$0x12480] =	vst v0  }
0xe5: {  	[tilespmem:$0x12C80] =	vst v0  }
0xe6: {  	[tilespmem:$0x12490] =	vst v0  }
0xe7: {  	[tilespmem:$0x12C90] =	vst v0  }
0xe8: {  	[tilespmem:$0x124A0] =	vst v0  }
0xe9: {  	[tilespmem:$0x12CA0] =	vst v0  }
0xea: {  	[tilespmem:$0x124B0] =	vst v0  }
0xeb: {  	[tilespmem:$0x12CB0] =	vst v0  }
0xec: {  	[tilespmem:$0x124C0] =	vst v0  }
0xed: {  	[tilespmem:$0x12CC0] =	vst v0  }
0xee: {  	[tilespmem:$0x124D0] =	vst v0  }
0xef: {  	[tilespmem:$0x12CD0] =	vst v0  }
0xf0: {  	[tilespmem:$0x124E0] =	vst v0  }
0xf1: {  	[tilespmem:$0x12CE0] =	vst v0  }
0xf2: {  	[tilespmem:$0x124F0] =	vst v0  }
0xf3: {  	[tilespmem:$0x12CF0] =	vst v0  }
0xf4: {  	[tilespmem:$0x11F00] =	vst v0  }
0xf5: {  	[tilespmem:$0x12700] =	vst v0  }
0xf6: {  	[tilespmem:$0x11F10] =	vst v0  }
0xf7: {  	[tilespmem:$0x12710] =	vst v0  }
0xf8: {  	[tilespmem:$0x11F20] =	vst v0  }
0xf9: {  	[tilespmem:$0x12720] =	vst v0  }
0xfa: {  	[tilespmem:$0x11F30] =	vst v0  }
0xfb: {  	[tilespmem:$0x12730] =	vst v0  }
0xfc: {  	[tilespmem:$0x11F40] =	vst v0  }
0xfd: {  	[tilespmem:$0x12740] =	vst v0  }
0xfe: {  	[tilespmem:$0x11F50] =	vst v0  }
0xff: {  	[tilespmem:$0x12750] =	vst v0  }
0x100: {  	[tilespmem:$0x11F60] =	vst v0  }
0x101: {  	[tilespmem:$0x12760] =	vst v0  }
0x102: {  	[tilespmem:$0x11F70] =	vst v0  }
0x103: {  	[tilespmem:$0x12770] =	vst v0  }
0x104: {  	[tilespmem:$0x12100] =	vst v0  }
0x105: {  	[tilespmem:$0x12900] =	vst v0  }
0x106: {  	[tilespmem:$0x12110] =	vst v0  }
0x107: {  	[tilespmem:$0x12910] =	vst v0  }
0x108: {  	[tilespmem:$0x12120] =	vst v0  }
0x109: {  	[tilespmem:$0x12920] =	vst v0  }
0x10a: {  	[tilespmem:$0x12130] =	vst v0  }
0x10b: {  	[tilespmem:$0x12930] =	vst v0  }
0x10c: {  	[tilespmem:$0x12140] =	vst v0  }
0x10d: {  	[tilespmem:$0x12940] =	vst v0  }
0x10e: {  	[tilespmem:$0x12150] =	vst v0  }
0x10f: {  	[tilespmem:$0x12950] =	vst v0  }
0x110: {  	[tilespmem:$0x12160] =	vst v0  }
0x111: {  	[tilespmem:$0x12960] =	vst v0  }
0x112: {  	[tilespmem:$0x12170] =	vst v0  }
0x113: {  	[tilespmem:$0x12970] =	vst v0  }
0x114: {  	[tilespmem:$0x12300] =	vst v0  }
0x115: {  	[tilespmem:$0x12B00] =	vst v0  }
0x116: {  	[tilespmem:$0x12310] =	vst v0  }
0x117: {  	[tilespmem:$0x12B10] =	vst v0  }
0x118: {  	[tilespmem:$0x12320] =	vst v0  }
0x119: {  	[tilespmem:$0x12B20] =	vst v0  }
0x11a: {  	[tilespmem:$0x12330] =	vst v0  }
0x11b: {  	[tilespmem:$0x12B30] =	vst v0  }
0x11c: {  	[tilespmem:$0x12340] =	vst v0  }
0x11d: {  	[tilespmem:$0x12B40] =	vst v0  }
0x11e: {  	[tilespmem:$0x12350] =	vst v0  }
0x11f: {  	[tilespmem:$0x12B50] =	vst v0  }
0x120: {  	[tilespmem:$0x12360] =	vst v0  }
0x121: {  	[tilespmem:$0x12B60] =	vst v0  }
0x122: {  	[tilespmem:$0x12370] =	vst v0  }
0x123: {  	[tilespmem:$0x12B70] =	vst v0  }
0x124: {  	[tilespmem:$0x12500] =	vst v0  }
0x125: {  	[tilespmem:$0x12D00] =	vst v0  }
0x126: {  	[tilespmem:$0x12510] =	vst v0  }
0x127: {  	[tilespmem:$0x12D10] =	vst v0  }
0x128: {  	[tilespmem:$0x12520] =	vst v0  }
0x129: {  	[tilespmem:$0x12D20] =	vst v0  }
0x12a: {  	[tilespmem:$0x12530] =	vst v0  }
0x12b: {  	[tilespmem:$0x12D30] =	vst v0  }
0x12c: {  	[tilespmem:$0x12540] =	vst v0  }
0x12d: {  	[tilespmem:$0x12D40] =	vst v0  }
0x12e: {  	[tilespmem:$0x12550] =	vst v0  }
0x12f: {  	[tilespmem:$0x12D50] =	vst v0  }
0x130: {  	[tilespmem:$0x12560] =	vst v0  }
0x131: {  	[tilespmem:$0x12D60] =	vst v0  }
0x132: {  	[tilespmem:$0x12570] =	vst v0  }
0x133: {  	s26 =	simm.s32 $0x0;
	[tilespmem:$0x12D70] =	vst v0  }
.LBB2_2:
0x134: {  	s25 =	sshll.u32 s26, $0x9;
	s28 =	sshll.u32 s26, $0x7  }
0x135: {  	s25 =	sand.u32 $0x7000, s25;
	s28 =	sand.u32 $0x380, s28  }
0x136: {  	s25 =	sor.u32 s28, s25  }
0x137: {  	v31 =	vld [tilespmem:s25+$0x8400]  }
0x138: {  	v32 =	vld [tilespmem:s25+$0x8410]  }
0x139: {  	v33 =	vld [tilespmem:s25+$0x8420]  }
0x13a: {  	v30 =	vld [tilespmem:s25+$0x8430]  }
0x13b: {  	v29 =	vld [tilespmem:s25+$0x8440]  }
0x13c: {  	v28 =	vld [tilespmem:s25+$0x8450]  }
0x13d: {  	v27 =	vld [tilespmem:s25+$0x8460]  }
0x13e: {  	v26 =	vld [tilespmem:s25+$0x8470]  }
0x13f: {  	v25 =	vld [tilespmem:s25+$0x8800]  }
0x140: {  	v24 =	vld [tilespmem:s25+$0x8810]  }
0x141: {  	v23 =	vld [tilespmem:s25+$0x8820]  }
0x142: {  	v22 =	vld [tilespmem:s25+$0x8830]  }
0x143: {  	v21 =	vld [tilespmem:s25+$0x8840]  }
0x144: {  	v20 =	vld [tilespmem:s25+$0x8850]  }
0x145: {  	v0 =	vmov s26;
	v19 =	vld [tilespmem:s25+$0x8860]  }
0x146: {  	v18 =	vld [tilespmem:s25+$0x8870]  }
0x147: {  	v17 =	vld [tilespmem:s25+$0x8C00]  }
0x148: {  	v16 =	vld [tilespmem:s25+$0x8C10]  }
0x149: {  	s28 =	sadd.s32 $0x0, s26;
	v15 =	vld [tilespmem:s25+$0x8C20]  }
0x14a: {  	v1 =	vld.idx.msk [tilespmem:v0+s18+$0x0], $0xffff;
	v0 =	vmov s28  }
0x14b: {  	v14 =	vld [tilespmem:s25+$0x8C30]  }
0x14c: {  	v13 =	vld [tilespmem:s25+$0x8C40]  }
0x14d: {  	v12 =	vld [tilespmem:s25+$0x8C50]  }
0x14e: {  	v11 =	vld [tilespmem:s25+$0x8C60]  }
0x14f: {  	v34 =	vld.idx.msk [tilespmem:v0+s3+$0x0], $0xffff  }
0x150: {  	v10 =	vld [tilespmem:s25+$0x8C70]  }
0x151: {  	v9 =	vld [tilespmem:s25+$0x9000]  }
0x152: {  	v8 =	vld [tilespmem:s25+$0x9010]  }
0x153: {  	v7 =	vld [tilespmem:s25+$0x9020]  }
0x154: {  	v5 =	vld [tilespmem:s25+$0x9030];
	v0 =	vadd.f32 v34, v31  }
0x155: {  	v6 =	vld [tilespmem:s25+$0x9040];
	v2 =	vadd.f32 v34, v32;
	v3 =	vadd.f32 v34, v33  }
0x156: {  	v4 =	vld [tilespmem:s25+$0x9050];
	v35 =	vadd.f32 v34, v30;
	v37 =	vadd.f32 v34, v29;
	v0 =	vmax.f32 v0, $0.0e+00  }
0x157: {  	v50 =	vadd.f32 v34, v28;
	v36 =	vmax.f32 v2, $0.0e+00;
	v2 =	vld [tilespmem:s25+$0x9060];
	v0 =	vmul.f32 v0, v1  }
0x158: {  	v40 =	vadd.f32 v34, v24;
	v38 =	vmax.f32 v3, $0.0e+00;
	v3 =	vld [tilespmem:s25+$0x9070];
	s25 =	simm.s32 $0x0;
	v36 =	vmul.f32 v36, v1  }
0x159: {  	v59 =	vadd.f32 v34, v22;
	v37 =	vmax.f32 v37, $0.0e+00;
	v38 =	vmul.f32 v38, v1;
	[tilespmem:s25+$0x11D80] =	vst.add.f32.msk $0xffff, v0  }
0x15a: {  	v60 =	vadd.f32 v34, v21;
	v56 =	vmax.f32 v40, $0.0e+00;
	v37 =	vmul.f32 v37, v1;
	[tilespmem:s25+$0x11D90] =	vst.add.f32.msk $0xffff, v36  }
0x15b: {  	v51 =	vadd.f32 v34, v27;
	v43 =	vmax.f32 v59, $0.0e+00;
	v58 =	vmul.f32 v56, v1;
	[tilespmem:s25+$0x11DA0] =	vst.add.f32.msk $0xffff, v38  }
0x15c: {  	v39 =	vadd.f32 v34, v26;
	v44 =	vmax.f32 v60, $0.0e+00;
	v45 =	vmul.f32 v43, v1;
	[tilespmem:s25+$0x11DC0] =	vst.add.f32.msk $0xffff, v37  }
0x15d: {  	v52 =	vadd.f32 v34, v25;
	v35 =	vmax.f32 v35, $0.0e+00;
	v46 =	vmul.f32 v44, v1;
	[tilespmem:s25+$0x11F90] =	vst.add.f32.msk $0xffff, v58  }
0x15e: {  	v63 =	vadd.f32 v34, v19;
	v54 =	vmax.f32 v39, $0.0e+00;
	v0 =	vmul.f32 v35, v1;
	[tilespmem:s25+$0x11FB0] =	vst.add.f32.msk $0xffff, v45  }
0x15f: {  	v53 =	vmax.f32 v51, $0.0e+00;
	v35 =	vmax.f32 v50, $0.0e+00;
	v36 =	vmul.f32 v54, v1;
	[tilespmem:s25+$0x11FC0] =	vst.add.f32.msk $0xffff, v46  }
0x160: {  	v48 =	vmax.f32 v63, $0.0e+00;
	v51 =	vadd.f32 v34, v17;
	[tilespmem:s25+$0x11DB0] =	vst.add.f32.msk $0xffff, v0;
	v0 =	vmul.f32 v35, v1  }
0x161: {  	v57 =	vadd.f32 v34, v23;
	v55 =	vmax.f32 v52, $0.0e+00;
	v50 =	vmul.f32 v48, v1;
	[tilespmem:s25+$0x11DF0] =	vst.add.f32.msk $0xffff, v36  }
0x162: {  	v52 =	vadd.f32 v34, v16;
	v56 =	vmax.f32 v51, $0.0e+00;
	[tilespmem:s25+$0x11DD0] =	vst.add.f32.msk $0xffff, v0;
	v0 =	vmul.f32 v55, v1  }
0x163: {  	v62 =	vadd.f32 v34, v20;
	v61 =	vmax.f32 v57, $0.0e+00;
	v58 =	vmul.f32 v56, v1;
	[tilespmem:s25+$0x11FE0] =	vst.add.f32.msk $0xffff, v50  }
0x164: {  	v49 =	vadd.f32 v34, v18;
	v57 =	vmax.f32 v52, $0.0e+00;
	[tilespmem:s25+$0x11F80] =	vst.add.f32.msk $0xffff, v0;
	v0 =	vmul.f32 v61, v1  }
0x165: {  	v47 =	vmax.f32 v62, $0.0e+00;
	v62 =	vadd.f32 v34, v13;
	v59 =	vmul.f32 v57, v1;
	[tilespmem:s25+$0x12180] =	vst.add.f32.msk $0xffff, v58  }
0x166: {  	v44 =	vadd.f32 v34, v12;
	v54 =	vadd.f32 v34, v15;
	[tilespmem:s25+$0x11FA0] =	vst.add.f32.msk $0xffff, v0;
	v0 =	vmul.f32 v47, v1  }
0x167: {  	v45 =	vadd.f32 v34, v11;
	v35 =	vmul.f32 v53, v1;
	v53 =	vmax.f32 v49, $0.0e+00;
	[tilespmem:s25+$0x12190] =	vst.add.f32.msk $0xffff, v59  }
0x168: {  	v48 =	vadd.f32 v34, v9;
	v49 =	vmax.f32 v44, $0.0e+00;
	[tilespmem:s25+$0x11FD0] =	vst.add.f32.msk $0xffff, v0;
	v0 =	vmul.f32 v53, v1  }
0x169: {  	v46 =	vmax.f32 v62, $0.0e+00;
	v60 =	vmax.f32 v54, $0.0e+00;
	v51 =	vmul.f32 v49, v1;
	[tilespmem:s25+$0x11DE0] =	vst.add.f32.msk $0xffff, v35  }
0x16a: {  	v50 =	vmax.f32 v45, $0.0e+00;
	v54 =	vmax.f32 v48, $0.0e+00;
	[tilespmem:s25+$0x11FF0] =	vst.add.f32.msk $0xffff, v0;
	v0 =	vmul.f32 v60, v1  }
0x16b: {  	v52 =	vmul.f32 v50, v1;
	v55 =	vadd.f32 v34, v14;
	[tilespmem:s25+$0x121D0] =	vst.add.f32.msk $0xffff, v51;
	v47 =	vadd.f32 v34, v10  }
0x16c: {  	v57 =	vadd.f32 v34, v7;
	v56 =	vmul.f32 v54, v1;
	[tilespmem:s25+$0x121A0] =	vst.add.f32.msk $0xffff, v0;
	v0 =	vmul.f32 v46, v1  }
0x16d: {  	[tilespmem:s25+$0x121E0] =	vst.add.f32.msk $0xffff, v52;
	v61 =	vmax.f32 v55, $0.0e+00;
	v55 =	vadd.f32 v34, v8;
	v53 =	vmax.f32 v47, $0.0e+00  }
0x16e: {  	v58 =	vadd.f32 v34, v5;
	v37 =	vadd.f32 v34, v2;
	[tilespmem:s25+$0x121C0] =	vst.add.f32.msk $0xffff, v0;
	v0 =	vmul.f32 v53, v1  }
0x16f: {  	[tilespmem:s25+$0x12380] =	vst.add.f32.msk $0xffff, v56;
	v63 =	vmul.f32 v61, v1;
	v59 =	vmax.f32 v55, $0.0e+00;
	v60 =	vadd.f32 v34, v6  }
0x170: {  	v61 =	vadd.f32 v34, v4;
	v36 =	vmul.f32 v59, v1;
	[tilespmem:s25+$0x121F0] =	vst.add.f32.msk $0xffff, v0;
	v0 =	vmax.f32 v57, $0.0e+00  }
0x171: {  	s29 =	simm.s32 $0x1;
	v62 =	vmax.f32 v58, $0.0e+00;
	[tilespmem:s25+$0x121B0] =	vst.add.f32.msk $0xffff, v63;
	v63 =	vmax.f32 v60, $0.0e+00;
	v35 =	vmul.f32 v0, v1  }
0x172: {  	s31 =	simm.s32 $0x80;
	s30 =	simm.s32 $0x400;
	s28 =	simm.s32 $0x200;
	v38 =	vmax.f32 v61, $0.0e+00;
	[tilespmem:s25+$0x12390] =	vst.add.f32.msk $0xffff, v36;
	v36 =	vmul.f32 v63, v1;
	v0 =	vmul.f32 v62, v1  }
.LBB2_3:
0x173: {  	p0 =	sne.s32 s30, $0x600;
	s31 =	sadd.s32 s26, s31;
	[tilespmem:s25+$0x123A0] =	vst.add.f32.msk $0xffff, v35;
	v35 =	vmul.f32 v38, v1;
	v34 =	vadd.f32 v34, v3  }
0x174: {  	v38 =	vmov s31;
	[tilespmem:s25+$0x123B0] =	vst.add.f32.msk $0xffff, v0;
	v0 =	vmax.f32 v37, $0.0e+00  }
0x175: {  	[tilespmem:s25+$0x123C0] =	vst.add.f32.msk $0xffff, v36;
	v0 =	vmul.f32 v0, v1;
	v34 =	vmax.f32 v34, $0.0e+00  }
0x176: {  	[tilespmem:s25+$0x123D0] =	vst.add.f32.msk $0xffff, v35;
	v34 =	vmul.f32 v34, v1  }
0x177: {  	[tilespmem:s25+$0x123E0] =	vst.add.f32.msk $0xffff, v0  }
0x178: {  	[tilespmem:s25+$0x123F0] =	vst.add.f32.msk $0xffff, v34  }
0x179: {  	v34 =	vld.idx.msk [tilespmem:v38+s3+$0x0], $0xffff;
	_ =	sdelay $0x5  }
0x17a: {  	v0 =	vadd.f32 v34, v31;
	v35 =	vadd.f32 v34, v32  }
0x17b: {  	v36 =	vadd.f32 v34, v33;
	v37 =	vadd.f32 v34, v30  }
0x17c: {  	v38 =	vadd.f32 v34, v29;
	v0 =	vmax.f32 v0, $0.0e+00;
	v35 =	vmax.f32 v35, $0.0e+00  }
0x17d: {  	v36 =	vmax.f32 v36, $0.0e+00;
	v0 =	vmul.f32 v0, v1;
	v35 =	vmul.f32 v35, v1  }
0x17e: {  	s25 =	sshra.s32 s28, $0x2;
	s28 =	smov.u32 s30;
	v37 =	vmax.f32 v37, $0.0e+00;
	v38 =	vmax.f32 v38, $0.0e+00;
	v36 =	vmul.f32 v36, v1  }
0x17f: {  	[tilespmem:s25+$0x11D80] =	vst.add.f32.msk $0xffff, v0;
	v0 =	vmul.f32 v37, v1;
	v37 =	vmul.f32 v38, v1;
	v38 =	vadd.f32 v34, v28  }
0x180: {  	v39 =	vadd.f32 v34, v26;
	[tilespmem:s25+$0x11D90] =	vst.add.f32.msk $0xffff, v35;
	v35 =	vadd.f32 v34, v27  }
0x181: {  	v40 =	vadd.f32 v34, v24;
	[tilespmem:s25+$0x11DA0] =	vst.add.f32.msk $0xffff, v36;
	v36 =	vmax.f32 v38, $0.0e+00;
	v38 =	vadd.f32 v34, v25  }
0x182: {  	[tilespmem:s25+$0x11DB0] =	vst.add.f32.msk $0xffff, v0;
	v0 =	vmul.f32 v36, v1;
	v35 =	vmax.f32 v35, $0.0e+00;
	v36 =	vmax.f32 v39, $0.0e+00  }
0x183: {  	[tilespmem:s25+$0x11DC0] =	vst.add.f32.msk $0xffff, v37;
	v35 =	vmul.f32 v35, v1;
	v36 =	vmul.f32 v36, v1;
	v37 =	vmax.f32 v38, $0.0e+00  }
0x184: {  	v38 =	vadd.f32 v34, v23;
	[tilespmem:s25+$0x11DD0] =	vst.add.f32.msk $0xffff, v0;
	v0 =	vmul.f32 v37, v1;
	v37 =	vmax.f32 v40, $0.0e+00  }
0x185: {  	v39 =	vadd.f32 v34, v21;
	[tilespmem:s25+$0x11DE0] =	vst.add.f32.msk $0xffff, v35;
	v35 =	vmul.f32 v37, v1;
	v37 =	vadd.f32 v34, v22  }
0x186: {  	v40 =	vadd.f32 v34, v19;
	[tilespmem:s25+$0x11DF0] =	vst.add.f32.msk $0xffff, v36;
	v36 =	vmax.f32 v38, $0.0e+00;
	v38 =	vadd.f32 v34, v20  }
0x187: {  	[tilespmem:s25+$0x11F80] =	vst.add.f32.msk $0xffff, v0;
	v0 =	vmul.f32 v36, v1;
	v36 =	vmax.f32 v37, $0.0e+00;
	v37 =	vmax.f32 v39, $0.0e+00  }
0x188: {  	[tilespmem:s25+$0x11F90] =	vst.add.f32.msk $0xffff, v35;
	v35 =	vmul.f32 v36, v1;
	v36 =	vmul.f32 v37, v1;
	v37 =	vmax.f32 v38, $0.0e+00  }
0x189: {  	v38 =	vadd.f32 v34, v18;
	[tilespmem:s25+$0x11FA0] =	vst.add.f32.msk $0xffff, v0;
	v0 =	vmul.f32 v37, v1;
	v37 =	vmax.f32 v40, $0.0e+00  }
0x18a: {  	v39 =	vadd.f32 v34, v16;
	[tilespmem:s25+$0x11FB0] =	vst.add.f32.msk $0xffff, v35;
	v35 =	vmul.f32 v37, v1;
	v37 =	vadd.f32 v34, v17  }
0x18b: {  	v40 =	vadd.f32 v34, v14;
	[tilespmem:s25+$0x11FC0] =	vst.add.f32.msk $0xffff, v36;
	v36 =	vmax.f32 v38, $0.0e+00;
	v38 =	vadd.f32 v34, v15  }
0x18c: {  	[tilespmem:s25+$0x11FD0] =	vst.add.f32.msk $0xffff, v0;
	v0 =	vmul.f32 v36, v1;
	v36 =	vmax.f32 v37, $0.0e+00;
	v37 =	vmax.f32 v39, $0.0e+00  }
0x18d: {  	[tilespmem:s25+$0x11FE0] =	vst.add.f32.msk $0xffff, v35;
	v35 =	vmul.f32 v36, v1;
	v36 =	vmul.f32 v37, v1;
	v37 =	vmax.f32 v38, $0.0e+00  }
0x18e: {  	v38 =	vadd.f32 v34, v13;
	[tilespmem:s25+$0x11FF0] =	vst.add.f32.msk $0xffff, v0;
	v0 =	vmul.f32 v37, v1;
	v37 =	vmax.f32 v40, $0.0e+00  }
0x18f: {  	v39 =	vadd.f32 v34, v11;
	[tilespmem:s25+$0x12180] =	vst.add.f32.msk $0xffff, v35;
	v35 =	vmul.f32 v37, v1;
	v37 =	vadd.f32 v34, v12  }
0x190: {  	v40 =	vadd.f32 v34, v9;
	[tilespmem:s25+$0x12190] =	vst.add.f32.msk $0xffff, v36;
	v36 =	vmax.f32 v38, $0.0e+00;
	v38 =	vadd.f32 v34, v10  }
0x191: {  	[tilespmem:s25+$0x121A0] =	vst.add.f32.msk $0xffff, v0;
	v0 =	vmul.f32 v36, v1;
	v36 =	vmax.f32 v37, $0.0e+00;
	v37 =	vmax.f32 v39, $0.0e+00  }
0x192: {  	[tilespmem:s25+$0x121B0] =	vst.add.f32.msk $0xffff, v35;
	v35 =	vmul.f32 v36, v1;
	v36 =	vmul.f32 v37, v1;
	v37 =	vmax.f32 v38, $0.0e+00  }
0x193: {  	v38 =	vadd.f32 v34, v8;
	[tilespmem:s25+$0x121C0] =	vst.add.f32.msk $0xffff, v0;
	v0 =	vmul.f32 v37, v1;
	v37 =	vmax.f32 v40, $0.0e+00  }
.Ltmp0:
0x194: {  	v39 =	vadd.f32 v34, v5;
	[tilespmem:s25+$0x121D0] =	vst.add.f32.msk $0xffff, v35;
	v35 =	vmul.f32 v37, v1;
	v37 =	vadd.f32 v34, v7;
	(pc) =	sbr.rel @p0 .LBB2_3-.Ltmp0, $4  }
0x195: {  	v40 =	vadd.f32 v34, v4;
	[tilespmem:s25+$0x121E0] =	vst.add.f32.msk $0xffff, v36;
	v36 =	vmax.f32 v38, $0.0e+00;
	v38 =	vadd.f32 v34, v6  }
0x196: {  	[tilespmem:s25+$0x121F0] =	vst.add.f32.msk $0xffff, v0;
	v36 =	vmul.f32 v36, v1;
	v0 =	vmax.f32 v37, $0.0e+00;
	v37 =	vmax.f32 v39, $0.0e+00  }
0x197: {  	s29 =	sadd.s32 $0x1, s29;
	[tilespmem:s25+$0x12380] =	vst.add.f32.msk $0xffff, v35;
	v35 =	vmul.f32 v0, v1;
	v0 =	vmul.f32 v37, v1;
	v37 =	vmax.f32 v38, $0.0e+00  }
0x198: {  	s31 =	sshll.u32 s29, $0x7;
	s30 =	sadd.s32 $0x200, s30;
	v38 =	vmax.f32 v40, $0.0e+00;
	[tilespmem:s25+$0x12390] =	vst.add.f32.msk $0xffff, v36;
	v36 =	vmul.f32 v37, v1;
	v37 =	vadd.f32 v34, v2  }
0x199: {  	s29 =	sadd.s32 s26, s31;
	[tilespmem:s25+$0x123A0] =	vst.add.f32.msk $0xffff, v35;
	v34 =	vadd.f32 v34, v3  }
0x19a: {  	v60 =	vmul.f32 v38, v1;
	[tilespmem:s25+$0x123B0] =	vst.add.f32.msk $0xffff, v0;
	v61 =	vmov s29;
	v62 =	vmax.f32 v37, $0.0e+00  }
0x19b: {  	[tilespmem:s25+$0x123C0] =	vst.add.f32.msk $0xffff, v36;
	v0 =	vmul.f32 v62, v1;
	v34 =	vmax.f32 v34, $0.0e+00  }
0x19c: {  	[tilespmem:s25+$0x123D0] =	vst.add.f32.msk $0xffff, v60;
	v34 =	vmul.f32 v34, v1  }
0x19d: {  	[tilespmem:s25+$0x123E0] =	vst.add.f32.msk $0xffff, v0  }
0x19e: {  	[tilespmem:s25+$0x123F0] =	vst.add.f32.msk $0xffff, v34  }
0x19f: {  	v0 =	vld.idx.msk [tilespmem:v61+s3+$0x0], $0xffff;
	_ =	sdelay $0x4  }
0x1a0: {  	v31 =	vadd.f32 v0, v31  }
0x1a1: {  	v32 =	vadd.f32 v0, v32  }
0x1a2: {  	v33 =	vadd.f32 v0, v33;
	v31 =	vmax.f32 v31, $0.0e+00  }
0x1a3: {  	v30 =	vadd.f32 v0, v30;
	v32 =	vmax.f32 v32, $0.0e+00;
	v31 =	vmul.f32 v31, v1  }
0x1a4: {  	s31 =	sshra.s32 s28, $0x2;
	v29 =	vadd.f32 v0, v29;
	v33 =	vmax.f32 v33, $0.0e+00;
	v32 =	vmul.f32 v32, v1  }
0x1a5: {  	v28 =	vadd.f32 v0, v28;
	v30 =	vmax.f32 v30, $0.0e+00;
	v33 =	vmul.f32 v33, v1;
	[tilespmem:s31+$0x11D80] =	vst.add.f32.msk $0xffff, v31  }
0x1a6: {  	v27 =	vadd.f32 v0, v27;
	v29 =	vmax.f32 v29, $0.0e+00;
	v30 =	vmul.f32 v30, v1;
	[tilespmem:s31+$0x11D90] =	vst.add.f32.msk $0xffff, v32  }
0x1a7: {  	v26 =	vadd.f32 v0, v26;
	v28 =	vmax.f32 v28, $0.0e+00;
	v29 =	vmul.f32 v29, v1;
	[tilespmem:s31+$0x11DA0] =	vst.add.f32.msk $0xffff, v33  }
0x1a8: {  	v25 =	vadd.f32 v0, v25;
	v27 =	vmax.f32 v27, $0.0e+00;
	v28 =	vmul.f32 v28, v1;
	[tilespmem:s31+$0x11DB0] =	vst.add.f32.msk $0xffff, v30  }
0x1a9: {  	v24 =	vadd.f32 v0, v24;
	v26 =	vmax.f32 v26, $0.0e+00;
	v27 =	vmul.f32 v27, v1;
	[tilespmem:s31+$0x11DC0] =	vst.add.f32.msk $0xffff, v29  }
0x1aa: {  	v23 =	vadd.f32 v0, v23;
	v25 =	vmax.f32 v25, $0.0e+00;
	v26 =	vmul.f32 v26, v1;
	[tilespmem:s31+$0x11DD0] =	vst.add.f32.msk $0xffff, v28  }
0x1ab: {  	v22 =	vadd.f32 v0, v22;
	v24 =	vmax.f32 v24, $0.0e+00;
	v25 =	vmul.f32 v25, v1;
	[tilespmem:s31+$0x11DE0] =	vst.add.f32.msk $0xffff, v27  }
0x1ac: {  	v21 =	vadd.f32 v0, v21;
	v23 =	vmax.f32 v23, $0.0e+00;
	v24 =	vmul.f32 v24, v1;
	[tilespmem:s31+$0x11DF0] =	vst.add.f32.msk $0xffff, v26  }
0x1ad: {  	v20 =	vadd.f32 v0, v20;
	v22 =	vmax.f32 v22, $0.0e+00;
	v23 =	vmul.f32 v23, v1;
	[tilespmem:s31+$0x11F80] =	vst.add.f32.msk $0xffff, v25  }
0x1ae: {  	v19 =	vadd.f32 v0, v19;
	v21 =	vmax.f32 v21, $0.0e+00;
	v22 =	vmul.f32 v22, v1;
	[tilespmem:s31+$0x11F90] =	vst.add.f32.msk $0xffff, v24  }
0x1af: {  	v18 =	vadd.f32 v0, v18;
	v20 =	vmax.f32 v20, $0.0e+00;
	v21 =	vmul.f32 v21, v1;
	[tilespmem:s31+$0x11FA0] =	vst.add.f32.msk $0xffff, v23  }
0x1b0: {  	v17 =	vadd.f32 v0, v17;
	v19 =	vmax.f32 v19, $0.0e+00;
	v20 =	vmul.f32 v20, v1;
	[tilespmem:s31+$0x11FB0] =	vst.add.f32.msk $0xffff, v22  }
0x1b1: {  	v16 =	vadd.f32 v0, v16;
	v18 =	vmax.f32 v18, $0.0e+00;
	v19 =	vmul.f32 v19, v1;
	[tilespmem:s31+$0x11FC0] =	vst.add.f32.msk $0xffff, v21  }
0x1b2: {  	v15 =	vadd.f32 v0, v15;
	v17 =	vmax.f32 v17, $0.0e+00;
	v18 =	vmul.f32 v18, v1;
	[tilespmem:s31+$0x11FD0] =	vst.add.f32.msk $0xffff, v20  }
0x1b3: {  	v14 =	vadd.f32 v0, v14;
	v16 =	vmax.f32 v16, $0.0e+00;
	v17 =	vmul.f32 v17, v1;
	[tilespmem:s31+$0x11FE0] =	vst.add.f32.msk $0xffff, v19  }
0x1b4: {  	v13 =	vadd.f32 v0, v13;
	v15 =	vmax.f32 v15, $0.0e+00;
	v16 =	vmul.f32 v16, v1;
	[tilespmem:s31+$0x11FF0] =	vst.add.f32.msk $0xffff, v18  }
0x1b5: {  	v12 =	vadd.f32 v0, v12;
	v14 =	vmax.f32 v14, $0.0e+00;
	v15 =	vmul.f32 v15, v1;
	[tilespmem:s31+$0x12180] =	vst.add.f32.msk $0xffff, v17  }
0x1b6: {  	v11 =	vadd.f32 v0, v11;
	v13 =	vmax.f32 v13, $0.0e+00;
	v14 =	vmul.f32 v14, v1;
	[tilespmem:s31+$0x12190] =	vst.add.f32.msk $0xffff, v16  }
0x1b7: {  	v10 =	vadd.f32 v0, v10;
	v12 =	vmax.f32 v12, $0.0e+00;
	v13 =	vmul.f32 v13, v1;
	[tilespmem:s31+$0x121A0] =	vst.add.f32.msk $0xffff, v15  }
0x1b8: {  	v9 =	vadd.f32 v0, v9;
	v11 =	vmax.f32 v11, $0.0e+00;
	v12 =	vmul.f32 v12, v1;
	[tilespmem:s31+$0x121B0] =	vst.add.f32.msk $0xffff, v14  }
0x1b9: {  	v8 =	vadd.f32 v0, v8;
	v10 =	vmax.f32 v10, $0.0e+00;
	v11 =	vmul.f32 v11, v1;
	[tilespmem:s31+$0x121C0] =	vst.add.f32.msk $0xffff, v13  }
0x1ba: {  	v7 =	vadd.f32 v0, v7;
	v9 =	vmax.f32 v9, $0.0e+00;
	v10 =	vmul.f32 v10, v1;
	[tilespmem:s31+$0x121D0] =	vst.add.f32.msk $0xffff, v12  }
0x1bb: {  	v5 =	vadd.f32 v0, v5;
	v8 =	vmax.f32 v8, $0.0e+00;
	v9 =	vmul.f32 v9, v1;
	[tilespmem:s31+$0x121E0] =	vst.add.f32.msk $0xffff, v11  }
0x1bc: {  	v6 =	vadd.f32 v0, v6;
	v7 =	vmax.f32 v7, $0.0e+00;
	v8 =	vmul.f32 v8, v1;
	[tilespmem:s31+$0x121F0] =	vst.add.f32.msk $0xffff, v10  }
0x1bd: {  	v4 =	vadd.f32 v0, v4;
	v5 =	vmax.f32 v5, $0.0e+00;
	v7 =	vmul.f32 v7, v1;
	[tilespmem:s31+$0x12380] =	vst.add.f32.msk $0xffff, v9  }
0x1be: {  	s26 =	sadd.s32 $0x1, s26;
	v2 =	vadd.f32 v0, v2;
	v6 =	vmax.f32 v6, $0.0e+00;
	v5 =	vmul.f32 v5, v1;
	[tilespmem:s31+$0x12390] =	vst.add.f32.msk $0xffff, v8  }
0x1bf: {  	p0 =	sne.s32 s26, $0x40;
	v0 =	vadd.f32 v0, v3;
	v4 =	vmax.f32 v4, $0.0e+00;
	v6 =	vmul.f32 v6, v1;
	[tilespmem:s31+$0x123A0] =	vst.add.f32.msk $0xffff, v7  }
.Ltmp1:
0x1c0: {  	v2 =	vmax.f32 v2, $0.0e+00;
	v63 =	vmul.f32 v4, v1;
	[tilespmem:s31+$0x123B0] =	vst.add.f32.msk $0xffff, v5;
	(pc) =	sbr.rel @p0 .LBB2_2-.Ltmp1, $4  }
0x1c1: {  	v0 =	vmax.f32 v0, $0.0e+00;
	v2 =	vmul.f32 v2, v1;
	[tilespmem:s31+$0x123C0] =	vst.add.f32.msk $0xffff, v6  }
0x1c2: {  	v0 =	vmul.f32 v0, v1;
	[tilespmem:s31+$0x123D0] =	vst.add.f32.msk $0xffff, v63  }
0x1c3: {  	[tilespmem:s31+$0x123E0] =	vst.add.f32.msk $0xffff, v2  }
0x1c4: {  	s25 =	simm.s32 $0x0;
	[tilespmem:s31+$0x123F0] =	vst.add.f32.msk $0xffff, v0  }
.LBB2_5:
0x1c5: {  	s26 =	sshll.u32 s25, $0x9;
	s28 =	sshll.u32 s25, $0x7  }
0x1c6: {  	s26 =	sand.u32 $0x7000, s26;
	s28 =	sand.u32 $0x380, s28  }
0x1c7: {  	s26 =	sor.u32 s28, s26  }
0x1c8: {  	v31 =	vld [tilespmem:s26+$0x400]  }
0x1c9: {  	v32 =	vld [tilespmem:s26+$0x410]  }
0x1ca: {  	v33 =	vld [tilespmem:s26+$0x420]  }
0x1cb: {  	v30 =	vld [tilespmem:s26+$0x430]  }
0x1cc: {  	v29 =	vld [tilespmem:s26+$0x440]  }
0x1cd: {  	v28 =	vld [tilespmem:s26+$0x450]  }
0x1ce: {  	v27 =	vld [tilespmem:s26+$0x460]  }
0x1cf: {  	v26 =	vld [tilespmem:s26+$0x470]  }
0x1d0: {  	v25 =	vld [tilespmem:s26+$0x800]  }
0x1d1: {  	v24 =	vld [tilespmem:s26+$0x810]  }
0x1d2: {  	v23 =	vld [tilespmem:s26+$0x820]  }
0x1d3: {  	v22 =	vld [tilespmem:s26+$0x830]  }
0x1d4: {  	v21 =	vld [tilespmem:s26+$0x840]  }
0x1d5: {  	v20 =	vld [tilespmem:s26+$0x850]  }
0x1d6: {  	v0 =	vmov s25;
	v19 =	vld [tilespmem:s26+$0x860]  }
0x1d7: {  	v18 =	vld [tilespmem:s26+$0x870]  }
0x1d8: {  	v17 =	vld [tilespmem:s26+$0xC00]  }
0x1d9: {  	v16 =	vld [tilespmem:s26+$0xC10]  }
0x1da: {  	s28 =	sadd.s32 $0x0, s25;
	v15 =	vld [tilespmem:s26+$0xC20]  }
0x1db: {  	v1 =	vld.idx.msk [tilespmem:v0+s18+$0x0], $0xffff;
	v0 =	vmov s28  }
0x1dc: {  	v14 =	vld [tilespmem:s26+$0xC30]  }
0x1dd: {  	v13 =	vld [tilespmem:s26+$0xC40]  }
0x1de: {  	v12 =	vld [tilespmem:s26+$0xC50]  }
0x1df: {  	v11 =	vld [tilespmem:s26+$0xC60]  }
0x1e0: {  	v34 =	vld.idx.msk [tilespmem:v0+s15+$0x0], $0xffff  }
0x1e1: {  	v10 =	vld [tilespmem:s26+$0xC70]  }
0x1e2: {  	v9 =	vld [tilespmem:s26+$0x1000]  }
0x1e3: {  	v8 =	vld [tilespmem:s26+$0x1010]  }
0x1e4: {  	v7 =	vld [tilespmem:s26+$0x1020]  }
0x1e5: {  	v5 =	vld [tilespmem:s26+$0x1030];
	v0 =	vadd.f32 v34, v31  }
0x1e6: {  	v6 =	vld [tilespmem:s26+$0x1040];
	v2 =	vadd.f32 v34, v32;
	v3 =	vadd.f32 v34, v33  }
0x1e7: {  	v4 =	vld [tilespmem:s26+$0x1050];
	v35 =	vadd.f32 v34, v30;
	v37 =	vadd.f32 v34, v29;
	v0 =	vmax.f32 v0, $0.0e+00  }
0x1e8: {  	v50 =	vadd.f32 v34, v28;
	v36 =	vmax.f32 v2, $0.0e+00;
	v2 =	vld [tilespmem:s26+$0x1060];
	v0 =	vmul.f32 v0, v1  }
0x1e9: {  	v40 =	vadd.f32 v34, v24;
	v38 =	vmax.f32 v3, $0.0e+00;
	v3 =	vld [tilespmem:s26+$0x1070];
	s26 =	simm.s32 $0x0;
	v36 =	vmul.f32 v36, v1  }
0x1ea: {  	v59 =	vadd.f32 v34, v22;
	v37 =	vmax.f32 v37, $0.0e+00;
	v38 =	vmul.f32 v38, v1;
	[tilespmem:s26+$0x12580] =	vst.add.f32.msk $0xffff, v0  }
0x1eb: {  	v60 =	vadd.f32 v34, v21;
	v56 =	vmax.f32 v40, $0.0e+00;
	v37 =	vmul.f32 v37, v1;
	[tilespmem:s26+$0x12590] =	vst.add.f32.msk $0xffff, v36  }
0x1ec: {  	v51 =	vadd.f32 v34, v27;
	v43 =	vmax.f32 v59, $0.0e+00;
	v58 =	vmul.f32 v56, v1;
	[tilespmem:s26+$0x125A0] =	vst.add.f32.msk $0xffff, v38  }
0x1ed: {  	v39 =	vadd.f32 v34, v26;
	v44 =	vmax.f32 v60, $0.0e+00;
	v45 =	vmul.f32 v43, v1;
	[tilespmem:s26+$0x125C0] =	vst.add.f32.msk $0xffff, v37  }
0x1ee: {  	v52 =	vadd.f32 v34, v25;
	v35 =	vmax.f32 v35, $0.0e+00;
	v46 =	vmul.f32 v44, v1;
	[tilespmem:s26+$0x12790] =	vst.add.f32.msk $0xffff, v58  }
0x1ef: {  	v63 =	vadd.f32 v34, v19;
	v54 =	vmax.f32 v39, $0.0e+00;
	v0 =	vmul.f32 v35, v1;
	[tilespmem:s26+$0x127B0] =	vst.add.f32.msk $0xffff, v45  }
0x1f0: {  	v53 =	vmax.f32 v51, $0.0e+00;
	v35 =	vmax.f32 v50, $0.0e+00;
	v36 =	vmul.f32 v54, v1;
	[tilespmem:s26+$0x127C0] =	vst.add.f32.msk $0xffff, v46  }
0x1f1: {  	v48 =	vmax.f32 v63, $0.0e+00;
	v51 =	vadd.f32 v34, v17;
	[tilespmem:s26+$0x125B0] =	vst.add.f32.msk $0xffff, v0;
	v0 =	vmul.f32 v35, v1  }
0x1f2: {  	v57 =	vadd.f32 v34, v23;
	v55 =	vmax.f32 v52, $0.0e+00;
	v50 =	vmul.f32 v48, v1;
	[tilespmem:s26+$0x125F0] =	vst.add.f32.msk $0xffff, v36  }
0x1f3: {  	v52 =	vadd.f32 v34, v16;
	v56 =	vmax.f32 v51, $0.0e+00;
	[tilespmem:s26+$0x125D0] =	vst.add.f32.msk $0xffff, v0;
	v0 =	vmul.f32 v55, v1  }
0x1f4: {  	v62 =	vadd.f32 v34, v20;
	v61 =	vmax.f32 v57, $0.0e+00;
	v58 =	vmul.f32 v56, v1;
	[tilespmem:s26+$0x127E0] =	vst.add.f32.msk $0xffff, v50  }
0x1f5: {  	v49 =	vadd.f32 v34, v18;
	v57 =	vmax.f32 v52, $0.0e+00;
	[tilespmem:s26+$0x12780] =	vst.add.f32.msk $0xffff, v0;
	v0 =	vmul.f32 v61, v1  }
0x1f6: {  	v47 =	vmax.f32 v62, $0.0e+00;
	v62 =	vadd.f32 v34, v13;
	v59 =	vmul.f32 v57, v1;
	[tilespmem:s26+$0x12980] =	vst.add.f32.msk $0xffff, v58  }
0x1f7: {  	v44 =	vadd.f32 v34, v12;
	v54 =	vadd.f32 v34, v15;
	[tilespmem:s26+$0x127A0] =	vst.add.f32.msk $0xffff, v0;
	v0 =	vmul.f32 v47, v1  }
0x1f8: {  	v45 =	vadd.f32 v34, v11;
	v35 =	vmul.f32 v53, v1;
	v53 =	vmax.f32 v49, $0.0e+00;
	[tilespmem:s26+$0x12990] =	vst.add.f32.msk $0xffff, v59  }
0x1f9: {  	v48 =	vadd.f32 v34, v9;
	v49 =	vmax.f32 v44, $0.0e+00;
	[tilespmem:s26+$0x127D0] =	vst.add.f32.msk $0xffff, v0;
	v0 =	vmul.f32 v53, v1  }
0x1fa: {  	v46 =	vmax.f32 v62, $0.0e+00;
	v60 =	vmax.f32 v54, $0.0e+00;
	v51 =	vmul.f32 v49, v1;
	[tilespmem:s26+$0x125E0] =	vst.add.f32.msk $0xffff, v35  }
0x1fb: {  	v50 =	vmax.f32 v45, $0.0e+00;
	v54 =	vmax.f32 v48, $0.0e+00;
	[tilespmem:s26+$0x127F0] =	vst.add.f32.msk $0xffff, v0;
	v0 =	vmul.f32 v60, v1  }
0x1fc: {  	v52 =	vmul.f32 v50, v1;
	v55 =	vadd.f32 v34, v14;
	[tilespmem:s26+$0x129D0] =	vst.add.f32.msk $0xffff, v51;
	v47 =	vadd.f32 v34, v10  }
0x1fd: {  	v57 =	vadd.f32 v34, v7;
	v56 =	vmul.f32 v54, v1;
	[tilespmem:s26+$0x129A0] =	vst.add.f32.msk $0xffff, v0;
	v0 =	vmul.f32 v46, v1  }
0x1fe: {  	[tilespmem:s26+$0x129E0] =	vst.add.f32.msk $0xffff, v52;
	v61 =	vmax.f32 v55, $0.0e+00;
	v55 =	vadd.f32 v34, v8;
	v53 =	vmax.f32 v47, $0.0e+00  }
0x1ff: {  	v58 =	vadd.f32 v34, v5;
	v37 =	vadd.f32 v34, v2;
	[tilespmem:s26+$0x129C0] =	vst.add.f32.msk $0xffff, v0;
	v0 =	vmul.f32 v53, v1  }
0x200: {  	[tilespmem:s26+$0x12B80] =	vst.add.f32.msk $0xffff, v56;
	v63 =	vmul.f32 v61, v1;
	v59 =	vmax.f32 v55, $0.0e+00;
	v60 =	vadd.f32 v34, v6  }
0x201: {  	v61 =	vadd.f32 v34, v4;
	v36 =	vmul.f32 v59, v1;
	[tilespmem:s26+$0x129F0] =	vst.add.f32.msk $0xffff, v0;
	v0 =	vmax.f32 v57, $0.0e+00  }
0x202: {  	s29 =	simm.s32 $0x1;
	v62 =	vmax.f32 v58, $0.0e+00;
	[tilespmem:s26+$0x129B0] =	vst.add.f32.msk $0xffff, v63;
	v63 =	vmax.f32 v60, $0.0e+00;
	v35 =	vmul.f32 v0, v1  }
0x203: {  	s31 =	simm.s32 $0x80;
	s30 =	simm.s32 $0x400;
	s28 =	simm.s32 $0x200;
	v38 =	vmax.f32 v61, $0.0e+00;
	[tilespmem:s26+$0x12B90] =	vst.add.f32.msk $0xffff, v36;
	v36 =	vmul.f32 v63, v1;
	v0 =	vmul.f32 v62, v1  }
.LBB2_6:
0x204: {  	p0 =	sne.s32 s30, $0x600;
	s31 =	sadd.s32 s25, s31;
	[tilespmem:s26+$0x12BA0] =	vst.add.f32.msk $0xffff, v35;
	v35 =	vmul.f32 v38, v1;
	v34 =	vadd.f32 v34, v3  }
0x205: {  	v38 =	vmov s31;
	[tilespmem:s26+$0x12BB0] =	vst.add.f32.msk $0xffff, v0;
	v0 =	vmax.f32 v37, $0.0e+00  }
0x206: {  	[tilespmem:s26+$0x12BC0] =	vst.add.f32.msk $0xffff, v36;
	v0 =	vmul.f32 v0, v1;
	v34 =	vmax.f32 v34, $0.0e+00  }
0x207: {  	[tilespmem:s26+$0x12BD0] =	vst.add.f32.msk $0xffff, v35;
	v34 =	vmul.f32 v34, v1  }
0x208: {  	[tilespmem:s26+$0x12BE0] =	vst.add.f32.msk $0xffff, v0  }
0x209: {  	[tilespmem:s26+$0x12BF0] =	vst.add.f32.msk $0xffff, v34  }
0x20a: {  	v34 =	vld.idx.msk [tilespmem:v38+s15+$0x0], $0xffff;
	_ =	sdelay $0x5  }
0x20b: {  	v0 =	vadd.f32 v34, v31;
	v35 =	vadd.f32 v34, v32  }
0x20c: {  	v36 =	vadd.f32 v34, v33;
	v37 =	vadd.f32 v34, v30  }
0x20d: {  	v38 =	vadd.f32 v34, v29;
	v0 =	vmax.f32 v0, $0.0e+00;
	v35 =	vmax.f32 v35, $0.0e+00  }
0x20e: {  	v36 =	vmax.f32 v36, $0.0e+00;
	v0 =	vmul.f32 v0, v1;
	v35 =	vmul.f32 v35, v1  }
0x20f: {  	s26 =	sshra.s32 s28, $0x2;
	s28 =	smov.u32 s30;
	v37 =	vmax.f32 v37, $0.0e+00;
	v38 =	vmax.f32 v38, $0.0e+00;
	v36 =	vmul.f32 v36, v1  }
0x210: {  	[tilespmem:s26+$0x12580] =	vst.add.f32.msk $0xffff, v0;
	v0 =	vmul.f32 v37, v1;
	v37 =	vmul.f32 v38, v1;
	v38 =	vadd.f32 v34, v28  }
0x211: {  	v39 =	vadd.f32 v34, v26;
	[tilespmem:s26+$0x12590] =	vst.add.f32.msk $0xffff, v35;
	v35 =	vadd.f32 v34, v27  }
0x212: {  	v40 =	vadd.f32 v34, v24;
	[tilespmem:s26+$0x125A0] =	vst.add.f32.msk $0xffff, v36;
	v36 =	vmax.f32 v38, $0.0e+00;
	v38 =	vadd.f32 v34, v25  }
0x213: {  	[tilespmem:s26+$0x125B0] =	vst.add.f32.msk $0xffff, v0;
	v0 =	vmul.f32 v36, v1;
	v35 =	vmax.f32 v35, $0.0e+00;
	v36 =	vmax.f32 v39, $0.0e+00  }
0x214: {  	[tilespmem:s26+$0x125C0] =	vst.add.f32.msk $0xffff, v37;
	v35 =	vmul.f32 v35, v1;
	v36 =	vmul.f32 v36, v1;
	v37 =	vmax.f32 v38, $0.0e+00  }
0x215: {  	v38 =	vadd.f32 v34, v23;
	[tilespmem:s26+$0x125D0] =	vst.add.f32.msk $0xffff, v0;
	v0 =	vmul.f32 v37, v1;
	v37 =	vmax.f32 v40, $0.0e+00  }
0x216: {  	v39 =	vadd.f32 v34, v21;
	[tilespmem:s26+$0x125E0] =	vst.add.f32.msk $0xffff, v35;
	v35 =	vmul.f32 v37, v1;
	v37 =	vadd.f32 v34, v22  }
0x217: {  	v40 =	vadd.f32 v34, v19;
	[tilespmem:s26+$0x125F0] =	vst.add.f32.msk $0xffff, v36;
	v36 =	vmax.f32 v38, $0.0e+00;
	v38 =	vadd.f32 v34, v20  }
0x218: {  	[tilespmem:s26+$0x12780] =	vst.add.f32.msk $0xffff, v0;
	v0 =	vmul.f32 v36, v1;
	v36 =	vmax.f32 v37, $0.0e+00;
	v37 =	vmax.f32 v39, $0.0e+00  }
0x219: {  	[tilespmem:s26+$0x12790] =	vst.add.f32.msk $0xffff, v35;
	v35 =	vmul.f32 v36, v1;
	v36 =	vmul.f32 v37, v1;
	v37 =	vmax.f32 v38, $0.0e+00  }
0x21a: {  	v38 =	vadd.f32 v34, v18;
	[tilespmem:s26+$0x127A0] =	vst.add.f32.msk $0xffff, v0;
	v0 =	vmul.f32 v37, v1;
	v37 =	vmax.f32 v40, $0.0e+00  }
0x21b: {  	v39 =	vadd.f32 v34, v16;
	[tilespmem:s26+$0x127B0] =	vst.add.f32.msk $0xffff, v35;
	v35 =	vmul.f32 v37, v1;
	v37 =	vadd.f32 v34, v17  }
0x21c: {  	v40 =	vadd.f32 v34, v14;
	[tilespmem:s26+$0x127C0] =	vst.add.f32.msk $0xffff, v36;
	v36 =	vmax.f32 v38, $0.0e+00;
	v38 =	vadd.f32 v34, v15  }
0x21d: {  	[tilespmem:s26+$0x127D0] =	vst.add.f32.msk $0xffff, v0;
	v0 =	vmul.f32 v36, v1;
	v36 =	vmax.f32 v37, $0.0e+00;
	v37 =	vmax.f32 v39, $0.0e+00  }
0x21e: {  	[tilespmem:s26+$0x127E0] =	vst.add.f32.msk $0xffff, v35;
	v35 =	vmul.f32 v36, v1;
	v36 =	vmul.f32 v37, v1;
	v37 =	vmax.f32 v38, $0.0e+00  }
0x21f: {  	v38 =	vadd.f32 v34, v13;
	[tilespmem:s26+$0x127F0] =	vst.add.f32.msk $0xffff, v0;
	v0 =	vmul.f32 v37, v1;
	v37 =	vmax.f32 v40, $0.0e+00  }
0x220: {  	v39 =	vadd.f32 v34, v11;
	[tilespmem:s26+$0x12980] =	vst.add.f32.msk $0xffff, v35;
	v35 =	vmul.f32 v37, v1;
	v37 =	vadd.f32 v34, v12  }
0x221: {  	v40 =	vadd.f32 v34, v9;
	[tilespmem:s26+$0x12990] =	vst.add.f32.msk $0xffff, v36;
	v36 =	vmax.f32 v38, $0.0e+00;
	v38 =	vadd.f32 v34, v10  }
0x222: {  	[tilespmem:s26+$0x129A0] =	vst.add.f32.msk $0xffff, v0;
	v0 =	vmul.f32 v36, v1;
	v36 =	vmax.f32 v37, $0.0e+00;
	v37 =	vmax.f32 v39, $0.0e+00  }
0x223: {  	[tilespmem:s26+$0x129B0] =	vst.add.f32.msk $0xffff, v35;
	v35 =	vmul.f32 v36, v1;
	v36 =	vmul.f32 v37, v1;
	v37 =	vmax.f32 v38, $0.0e+00  }
0x224: {  	v38 =	vadd.f32 v34, v8;
	[tilespmem:s26+$0x129C0] =	vst.add.f32.msk $0xffff, v0;
	v0 =	vmul.f32 v37, v1;
	v37 =	vmax.f32 v40, $0.0e+00  }
.Ltmp2:
0x225: {  	v39 =	vadd.f32 v34, v5;
	[tilespmem:s26+$0x129D0] =	vst.add.f32.msk $0xffff, v35;
	v35 =	vmul.f32 v37, v1;
	v37 =	vadd.f32 v34, v7;
	(pc) =	sbr.rel @p0 .LBB2_6-.Ltmp2, $4  }
0x226: {  	v40 =	vadd.f32 v34, v4;
	[tilespmem:s26+$0x129E0] =	vst.add.f32.msk $0xffff, v36;
	v36 =	vmax.f32 v38, $0.0e+00;
	v38 =	vadd.f32 v34, v6  }
0x227: {  	[tilespmem:s26+$0x129F0] =	vst.add.f32.msk $0xffff, v0;
	v36 =	vmul.f32 v36, v1;
	v0 =	vmax.f32 v37, $0.0e+00;
	v37 =	vmax.f32 v39, $0.0e+00  }
0x228: {  	s29 =	sadd.s32 $0x1, s29;
	[tilespmem:s26+$0x12B80] =	vst.add.f32.msk $0xffff, v35;
	v35 =	vmul.f32 v0, v1;
	v0 =	vmul.f32 v37, v1;
	v37 =	vmax.f32 v38, $0.0e+00  }
0x229: {  	s31 =	sshll.u32 s29, $0x7;
	s30 =	sadd.s32 $0x200, s30;
	v38 =	vmax.f32 v40, $0.0e+00;
	[tilespmem:s26+$0x12B90] =	vst.add.f32.msk $0xffff, v36;
	v36 =	vmul.f32 v37, v1;
	v37 =	vadd.f32 v34, v2  }
0x22a: {  	s29 =	sadd.s32 s25, s31;
	[tilespmem:s26+$0x12BA0] =	vst.add.f32.msk $0xffff, v35;
	v34 =	vadd.f32 v34, v3  }
0x22b: {  	v60 =	vmul.f32 v38, v1;
	[tilespmem:s26+$0x12BB0] =	vst.add.f32.msk $0xffff, v0;
	v61 =	vmov s29;
	v62 =	vmax.f32 v37, $0.0e+00  }
0x22c: {  	[tilespmem:s26+$0x12BC0] =	vst.add.f32.msk $0xffff, v36;
	v0 =	vmul.f32 v62, v1;
	v34 =	vmax.f32 v34, $0.0e+00  }
0x22d: {  	[tilespmem:s26+$0x12BD0] =	vst.add.f32.msk $0xffff, v60;
	v34 =	vmul.f32 v34, v1  }
0x22e: {  	[tilespmem:s26+$0x12BE0] =	vst.add.f32.msk $0xffff, v0  }
0x22f: {  	[tilespmem:s26+$0x12BF0] =	vst.add.f32.msk $0xffff, v34  }
0x230: {  	v0 =	vld.idx.msk [tilespmem:v61+s15+$0x0], $0xffff;
	_ =	sdelay $0x4  }
0x231: {  	v31 =	vadd.f32 v0, v31  }
0x232: {  	v32 =	vadd.f32 v0, v32  }
0x233: {  	v33 =	vadd.f32 v0, v33;
	v31 =	vmax.f32 v31, $0.0e+00  }
0x234: {  	v30 =	vadd.f32 v0, v30;
	v32 =	vmax.f32 v32, $0.0e+00;
	v31 =	vmul.f32 v31, v1  }
0x235: {  	s31 =	sshra.s32 s28, $0x2;
	v29 =	vadd.f32 v0, v29;
	v33 =	vmax.f32 v33, $0.0e+00;
	v32 =	vmul.f32 v32, v1  }
0x236: {  	v28 =	vadd.f32 v0, v28;
	v30 =	vmax.f32 v30, $0.0e+00;
	v33 =	vmul.f32 v33, v1;
	[tilespmem:s31+$0x12580] =	vst.add.f32.msk $0xffff, v31  }
0x237: {  	v27 =	vadd.f32 v0, v27;
	v29 =	vmax.f32 v29, $0.0e+00;
	v30 =	vmul.f32 v30, v1;
	[tilespmem:s31+$0x12590] =	vst.add.f32.msk $0xffff, v32  }
0x238: {  	v26 =	vadd.f32 v0, v26;
	v28 =	vmax.f32 v28, $0.0e+00;
	v29 =	vmul.f32 v29, v1;
	[tilespmem:s31+$0x125A0] =	vst.add.f32.msk $0xffff, v33  }
0x239: {  	v25 =	vadd.f32 v0, v25;
	v27 =	vmax.f32 v27, $0.0e+00;
	v28 =	vmul.f32 v28, v1;
	[tilespmem:s31+$0x125B0] =	vst.add.f32.msk $0xffff, v30  }
0x23a: {  	v24 =	vadd.f32 v0, v24;
	v26 =	vmax.f32 v26, $0.0e+00;
	v27 =	vmul.f32 v27, v1;
	[tilespmem:s31+$0x125C0] =	vst.add.f32.msk $0xffff, v29  }
0x23b: {  	v23 =	vadd.f32 v0, v23;
	v25 =	vmax.f32 v25, $0.0e+00;
	v26 =	vmul.f32 v26, v1;
	[tilespmem:s31+$0x125D0] =	vst.add.f32.msk $0xffff, v28  }
0x23c: {  	v22 =	vadd.f32 v0, v22;
	v24 =	vmax.f32 v24, $0.0e+00;
	v25 =	vmul.f32 v25, v1;
	[tilespmem:s31+$0x125E0] =	vst.add.f32.msk $0xffff, v27  }
0x23d: {  	v21 =	vadd.f32 v0, v21;
	v23 =	vmax.f32 v23, $0.0e+00;
	v24 =	vmul.f32 v24, v1;
	[tilespmem:s31+$0x125F0] =	vst.add.f32.msk $0xffff, v26  }
0x23e: {  	v20 =	vadd.f32 v0, v20;
	v22 =	vmax.f32 v22, $0.0e+00;
	v23 =	vmul.f32 v23, v1;
	[tilespmem:s31+$0x12780] =	vst.add.f32.msk $0xffff, v25  }
0x23f: {  	v19 =	vadd.f32 v0, v19;
	v21 =	vmax.f32 v21, $0.0e+00;
	v22 =	vmul.f32 v22, v1;
	[tilespmem:s31+$0x12790] =	vst.add.f32.msk $0xffff, v24  }
0x240: {  	v18 =	vadd.f32 v0, v18;
	v20 =	vmax.f32 v20, $0.0e+00;
	v21 =	vmul.f32 v21, v1;
	[tilespmem:s31+$0x127A0] =	vst.add.f32.msk $0xffff, v23  }
0x241: {  	v17 =	vadd.f32 v0, v17;
	v19 =	vmax.f32 v19, $0.0e+00;
	v20 =	vmul.f32 v20, v1;
	[tilespmem:s31+$0x127B0] =	vst.add.f32.msk $0xffff, v22  }
0x242: {  	v16 =	vadd.f32 v0, v16;
	v18 =	vmax.f32 v18, $0.0e+00;
	v19 =	vmul.f32 v19, v1;
	[tilespmem:s31+$0x127C0] =	vst.add.f32.msk $0xffff, v21  }
0x243: {  	v15 =	vadd.f32 v0, v15;
	v17 =	vmax.f32 v17, $0.0e+00;
	v18 =	vmul.f32 v18, v1;
	[tilespmem:s31+$0x127D0] =	vst.add.f32.msk $0xffff, v20  }
0x244: {  	v14 =	vadd.f32 v0, v14;
	v16 =	vmax.f32 v16, $0.0e+00;
	v17 =	vmul.f32 v17, v1;
	[tilespmem:s31+$0x127E0] =	vst.add.f32.msk $0xffff, v19  }
0x245: {  	v13 =	vadd.f32 v0, v13;
	v15 =	vmax.f32 v15, $0.0e+00;
	v16 =	vmul.f32 v16, v1;
	[tilespmem:s31+$0x127F0] =	vst.add.f32.msk $0xffff, v18  }
0x246: {  	v12 =	vadd.f32 v0, v12;
	v14 =	vmax.f32 v14, $0.0e+00;
	v15 =	vmul.f32 v15, v1;
	[tilespmem:s31+$0x12980] =	vst.add.f32.msk $0xffff, v17  }
0x247: {  	v11 =	vadd.f32 v0, v11;
	v13 =	vmax.f32 v13, $0.0e+00;
	v14 =	vmul.f32 v14, v1;
	[tilespmem:s31+$0x12990] =	vst.add.f32.msk $0xffff, v16  }
0x248: {  	v10 =	vadd.f32 v0, v10;
	v12 =	vmax.f32 v12, $0.0e+00;
	v13 =	vmul.f32 v13, v1;
	[tilespmem:s31+$0x129A0] =	vst.add.f32.msk $0xffff, v15  }
0x249: {  	v9 =	vadd.f32 v0, v9;
	v11 =	vmax.f32 v11, $0.0e+00;
	v12 =	vmul.f32 v12, v1;
	[tilespmem:s31+$0x129B0] =	vst.add.f32.msk $0xffff, v14  }
0x24a: {  	v8 =	vadd.f32 v0, v8;
	v10 =	vmax.f32 v10, $0.0e+00;
	v11 =	vmul.f32 v11, v1;
	[tilespmem:s31+$0x129C0] =	vst.add.f32.msk $0xffff, v13  }
0x24b: {  	v7 =	vadd.f32 v0, v7;
	v9 =	vmax.f32 v9, $0.0e+00;
	v10 =	vmul.f32 v10, v1;
	[tilespmem:s31+$0x129D0] =	vst.add.f32.msk $0xffff, v12  }
0x24c: {  	v5 =	vadd.f32 v0, v5;
	v8 =	vmax.f32 v8, $0.0e+00;
	v9 =	vmul.f32 v9, v1;
	[tilespmem:s31+$0x129E0] =	vst.add.f32.msk $0xffff, v11  }
0x24d: {  	v6 =	vadd.f32 v0, v6;
	v7 =	vmax.f32 v7, $0.0e+00;
	v8 =	vmul.f32 v8, v1;
	[tilespmem:s31+$0x129F0] =	vst.add.f32.msk $0xffff, v10  }
0x24e: {  	v4 =	vadd.f32 v0, v4;
	v5 =	vmax.f32 v5, $0.0e+00;
	v7 =	vmul.f32 v7, v1;
	[tilespmem:s31+$0x12B80] =	vst.add.f32.msk $0xffff, v9  }
0x24f: {  	s25 =	sadd.s32 $0x1, s25;
	v2 =	vadd.f32 v0, v2;
	v6 =	vmax.f32 v6, $0.0e+00;
	v5 =	vmul.f32 v5, v1;
	[tilespmem:s31+$0x12B90] =	vst.add.f32.msk $0xffff, v8  }
0x250: {  	p0 =	sne.s32 s25, $0x40;
	v0 =	vadd.f32 v0, v3;
	v4 =	vmax.f32 v4, $0.0e+00;
	v6 =	vmul.f32 v6, v1;
	[tilespmem:s31+$0x12BA0] =	vst.add.f32.msk $0xffff, v7  }
.Ltmp3:
0x251: {  	v2 =	vmax.f32 v2, $0.0e+00;
	v63 =	vmul.f32 v4, v1;
	[tilespmem:s31+$0x12BB0] =	vst.add.f32.msk $0xffff, v5;
	(pc) =	sbr.rel @p0 .LBB2_5-.Ltmp3, $4  }
0x252: {  	v0 =	vmax.f32 v0, $0.0e+00;
	v2 =	vmul.f32 v2, v1;
	[tilespmem:s31+$0x12BC0] =	vst.add.f32.msk $0xffff, v6  }
0x253: {  	v0 =	vmul.f32 v0, v1;
	[tilespmem:s31+$0x12BD0] =	vst.add.f32.msk $0xffff, v63  }
0x254: {  	[tilespmem:s31+$0x12BE0] =	vst.add.f32.msk $0xffff, v2  }
0x255: {  	[tilespmem:s31+$0x12BF0] =	vst.add.f32.msk $0xffff, v0  }
0x256: {  	v1 =	vld [tilespmem:$0x10500];
	s25 =	simm.s32 $0x0  }
0x257: {  	v0 =	vld [tilespmem:s25+$0x11580]  }
0x258: {  	v2 =	vld [tilespmem:s25+$0x12580]  }
0x259: {  	v3 =	vld [tilespmem:s25+$0x11590]  }
0x25a: {  	v4 =	vld [tilespmem:s25+$0x12590]  }
0x25b: {  	v5 =	vld [tilespmem:s25+$0x115A0]  }
0x25c: {  	v6 =	vld [tilespmem:s25+$0x125A0]  }
0x25d: {  	v7 =	vld [tilespmem:s25+$0x115B0]  }
0x25e: {  	v8 =	vld [tilespmem:s25+$0x125B0]  }
0x25f: {  	v9 =	vld [tilespmem:s25+$0x115C0]  }
0x260: {  	v10 =	vld [tilespmem:s25+$0x125C0]  }
0x261: {  	v11 =	vld [tilespmem:s25+$0x115D0]  }
0x262: {  	v12 =	vld [tilespmem:s25+$0x125D0]  }
0x263: {  	v13 =	vld [tilespmem:s25+$0x115E0]  }
0x264: {  	v14 =	vld [tilespmem:s25+$0x125E0]  }
0x265: {  	v15 =	vld [tilespmem:s25+$0x115F0]  }
0x266: {  	v16 =	vld [tilespmem:s25+$0x125F0]  }
0x267: {  	v17 =	vld [tilespmem:s25+$0x11780]  }
0x268: {  	v18 =	vld [tilespmem:s25+$0x12780]  }
0x269: {  	v19 =	vld [tilespmem:s25+$0x11790]  }
0x26a: {  	v20 =	vld [tilespmem:s25+$0x12790]  }
0x26b: {  	v21 =	vld [tilespmem:s25+$0x117A0]  }
0x26c: {  	v22 =	vld [tilespmem:s25+$0x127A0]  }
0x26d: {  	v23 =	vld [tilespmem:s25+$0x117B0]  }
0x26e: {  	v24 =	vld [tilespmem:s25+$0x127B0]  }
0x26f: {  	v25 =	vld [tilespmem:s25+$0x117C0]  }
0x270: {  	v26 =	vld [tilespmem:s25+$0x127C0]  }
0x271: {  	v27 =	vld [tilespmem:s25+$0x117D0]  }
0x272: {  	v28 =	vld [tilespmem:s25+$0x127D0]  }
0x273: {  	v29 =	vld [tilespmem:s25+$0x117E0]  }
0x274: {  	v30 =	vld [tilespmem:s25+$0x127E0]  }
0x275: {  	v31 =	vld [tilespmem:s25+$0x117F0]  }
0x276: {  	v32 =	vld [tilespmem:s25+$0x127F0]  }
0x277: {  	v33 =	vld [tilespmem:s25+$0x11980]  }
0x278: {  	v34 =	vld [tilespmem:s25+$0x12980]  }
0x279: {  	v35 =	vld [tilespmem:s25+$0x11990]  }
0x27a: {  	v36 =	vld [tilespmem:s25+$0x12990]  }
0x27b: {  	v37 =	vld [tilespmem:s25+$0x119A0]  }
0x27c: {  	v38 =	vld [tilespmem:s25+$0x129A0]  }
0x27d: {  	v39 =	vld [tilespmem:s25+$0x119B0]  }
0x27e: {  	v40 =	vld [tilespmem:s25+$0x129B0]  }
0x27f: {  	v41 =	vld [tilespmem:s25+$0x119C0]  }
0x280: {  	v42 =	vld [tilespmem:s25+$0x129C0]  }
0x281: {  	v43 =	vld [tilespmem:s25+$0x119D0]  }
0x282: {  	v44 =	vld [tilespmem:s25+$0x129D0]  }
0x283: {  	v45 =	vld [tilespmem:s25+$0x119E0];
	v0 =	vadd.f32 v2, v0;
	v3 =	vadd.f32 v4, v3  }
0x284: {  	v46 =	vld [tilespmem:s25+$0x129E0];
	v4 =	vadd.f32 v6, v5;
	v6 =	vadd.f32 v8, v7  }
0x285: {  	v47 =	vld [tilespmem:s25+$0x119F0];
	v7 =	vadd.f32 v10, v9;
	v9 =	vadd.f32 v12, v11  }
0x286: {  	v48 =	vld [tilespmem:s25+$0x129F0];
	v10 =	vadd.f32 v14, v13;
	v61 =	vadd.f32 v16, v15  }
0x287: {  	v49 =	vld [tilespmem:s25+$0x11B80];
	v62 =	vadd.f32 v18, v17;
	v15 =	vadd.f32 v20, v19  }
0x288: {  	v50 =	vld [tilespmem:s25+$0x12B80];
	v16 =	vadd.f32 v22, v21;
	v18 =	vadd.f32 v24, v23  }
0x289: {  	v51 =	vld [tilespmem:s25+$0x11B90];
	v19 =	vadd.f32 v26, v25;
	v21 =	vadd.f32 v28, v27  }
0x28a: {  	v52 =	vld [tilespmem:s25+$0x12B90];
	v22 =	vadd.f32 v30, v29;
	v24 =	vadd.f32 v32, v31  }
0x28b: {  	v63 =	vld [tilespmem:s25+$0x11BC0];
	v25 =	vadd.f32 v34, v33;
	v27 =	vadd.f32 v36, v35  }
0x28c: {  	v2 =	vld [tilespmem:s25+$0x11BA0];
	v28 =	vadd.f32 v38, v37;
	v30 =	vadd.f32 v40, v39  }
0x28d: {  	v5 =	vld [tilespmem:s25+$0x12BA0];
	v31 =	vadd.f32 v42, v41;
	v41 =	vadd.f32 v44, v43  }
0x28e: {  	v8 =	vld [tilespmem:s25+$0x11BB0];
	v42 =	vadd.f32 v46, v45;
	v44 =	vadd.f32 v48, v47  }
0x28f: {  	v11 =	vld [tilespmem:s25+$0x12BB0];
	v45 =	vadd.f32 v50, v49;
	v46 =	vadd.f32 v52, v51  }
0x290: {  	v17 =	vld [tilespmem:s25+$0x12BC0];
	v0 =	vadd.f32 v0, v1;
	v3 =	vadd.f32 v3, v1  }
0x291: {  	v20 =	vld [tilespmem:s25+$0x11BD0];
	v4 =	vadd.f32 v4, v1;
	v6 =	vadd.f32 v6, v1  }
0x292: {  	v23 =	vld [tilespmem:s25+$0x12BD0];
	v7 =	vadd.f32 v7, v1;
	v9 =	vadd.f32 v9, v1  }
0x293: {  	v26 =	vld [tilespmem:s25+$0x11BE0];
	v10 =	vadd.f32 v10, v1;
	v12 =	vadd.f32 v61, v1  }
0x294: {  	v29 =	vld [tilespmem:s25+$0x12BE0];
	v13 =	vadd.f32 v62, v1;
	v15 =	vadd.f32 v15, v1  }
0x295: {  	v40 =	vld [tilespmem:s25+$0x11BF0];
	v16 =	vadd.f32 v16, v1;
	v18 =	vadd.f32 v18, v1  }
0x296: {  	v43 =	vld [tilespmem:s25+$0x12BF0];
	v19 =	vadd.f32 v19, v1;
	v21 =	vadd.f32 v21, v1  }
0x297: {  	v22 =	vadd.f32 v22, v1;
	v5 =	vadd.f32 v5, v2;
	v2 =	vld [tilespmem:$0x10480]  }
0x298: {  	v48 =	vadd.f32 v45, v1;
	v49 =	vadd.f32 v46, v1  }
0x299: {  	v8 =	vadd.f32 v11, v8;
	v11 =	vadd.f32 v17, v63  }
0x29a: {  	v47 =	vadd.f32 v23, v20;
	v17 =	vadd.f32 v29, v26  }
0x29b: {  	v20 =	vadd.f32 v43, v40;
	v23 =	vadd.f32 v24, v1  }
0x29c: {  	v24 =	vadd.f32 v25, v1;
	v0 =	vmul.f32 v0, v2;
	v3 =	vmul.f32 v3, v2  }
0x29d: {  	v25 =	vadd.f32 v27, v1;
	v4 =	vmul.f32 v4, v2;
	v6 =	vmul.f32 v6, v2  }
0x29e: {  	v26 =	vadd.f32 v28, v1;
	v7 =	vmul.f32 v7, v2;
	v9 =	vmul.f32 v9, v2  }
0x29f: {  	v27 =	vadd.f32 v30, v1;
	v10 =	vmul.f32 v10, v2;
	v12 =	vmul.f32 v12, v2  }
0x2a0: {  	v28 =	vadd.f32 v31, v1;
	v13 =	vmul.f32 v13, v2;
	v15 =	vmul.f32 v15, v2  }
0x2a1: {  	v29 =	vadd.f32 v41, v1;
	v16 =	vmul.f32 v16, v2;
	v18 =	vmul.f32 v18, v2  }
0x2a2: {  	v30 =	vadd.f32 v42, v1;
	v19 =	vmul.f32 v19, v2;
	v21 =	vmul.f32 v21, v2  }
0x2a3: {  	v31 =	vadd.f32 v44, v1;
	v22 =	vmul.f32 v22, v2;
	v23 =	vmul.f32 v23, v2  }
0x2a4: {  	v5 =	vadd.f32 v5, v1;
	v24 =	vmul.f32 v24, v2;
	v25 =	vmul.f32 v25, v2  }
0x2a5: {  	v8 =	vadd.f32 v8, v1;
	v26 =	vmul.f32 v26, v2;
	v27 =	vmul.f32 v27, v2  }
0x2a6: {  	v11 =	vadd.f32 v11, v1;
	v28 =	vmul.f32 v28, v2;
	v29 =	vmul.f32 v29, v2  }
0x2a7: {  	v14 =	vadd.f32 v47, v1;
	v30 =	vmul.f32 v30, v2;
	v31 =	vmul.f32 v31, v2  }
0x2a8: {  	v17 =	vadd.f32 v17, v1;
	v32 =	vmul.f32 v48, v2;
	v33 =	vmul.f32 v49, v2  }
0x2a9: {  	v20 =	vadd.f32 v20, v1;
	v5 =	vmul.f32 v5, v2;
	v8 =	vmul.f32 v8, v2  }
0x2aa: {  	v11 =	vmul.f32 v11, v2;
	v14 =	vmul.f32 v14, v2;
	v0 =	vsub.f32 $0.0e+00, v0  }
0x2ab: {  	v17 =	vmul.f32 v17, v2;
	v3 =	vsub.f32 $0.0e+00, v3;
	v4 =	vsub.f32 $0.0e+00, v4  }
0x2ac: {  	v20 =	vmul.f32 v20, v2;
	v6 =	vsub.f32 $0.0e+00, v6;
	v0 =	vmul.f32 $1.442695020e+00, v0  }
0x2ad: {  	v7 =	vsub.f32 $0.0e+00, v7;
	v3 =	vmul.f32 $1.442695020e+00, v3;
	v4 =	vmul.f32 $1.442695020e+00, v4  }
0x2ae: {  	(erf) = vpow2.f32 v0;
	v0 =	vmul.f32 $1.442695020e+00, v6;
	v6 =	vsub.f32 $0.0e+00, v9  }
0x2af: {  	(erf) = vpow2.f32 v3;
	v3 =	vmul.f32 $1.442695020e+00, v7;
	v7 =	vsub.f32 $0.0e+00, v10  }
0x2b0: {  	(erf) = vpow2.f32 v4;
	v4 =	vmul.f32 $1.442695020e+00, v6;
	v6 =	vsub.f32 $0.0e+00, v12  }
0x2b1: {  	(erf) = vpow2.f32 v0;
	v0 =	vmul.f32 $1.442695020e+00, v7;
	v7 =	vsub.f32 $0.0e+00, v13  }
0x2b2: {  	(erf) = vpow2.f32 v3;
	v3 =	vmul.f32 $1.442695020e+00, v6;
	v6 =	vsub.f32 $0.0e+00, v15  }
0x2b3: {  	(erf) = vpow2.f32 v4;
	v4 =	vmul.f32 $1.442695020e+00, v7;
	v7 =	vsub.f32 $0.0e+00, v16  }
0x2b4: {  	(erf) = vpow2.f32 v0;
	v0 =	vmul.f32 $1.442695020e+00, v6;
	v6 =	vsub.f32 $0.0e+00, v18  }
0x2b5: {  	(erf) = vpow2.f32 v3;
	v3 =	vmul.f32 $1.442695020e+00, v7;
	v7 =	vsub.f32 $0.0e+00, v19  }
0x2b6: {  	(erf) = vpow2.f32 v4;
	v4 =	vmul.f32 $1.442695020e+00, v6;
	v6 =	vsub.f32 $0.0e+00, v21  }
0x2b7: {  	(erf) = vpow2.f32 v0;
	v0 =	vmul.f32 $1.442695020e+00, v7;
	v7 =	vsub.f32 $0.0e+00, v22  }
0x2b8: {  	v9 =	vsub.f32 $0.0e+00, v23;
	(erf) = vpow2.f32 v3;
	v6 =	vmul.f32 $1.442695020e+00, v6  }
0x2b9: {  	v10 =	vsub.f32 $0.0e+00, v24;
	v3 =	vpop (erf);
	(erf) = vpow2.f32 v4;
	v7 =	vmul.f32 $1.442695020e+00, v7  }
0x2ba: {  	v50 =	vsub.f32 $0.0e+00, v25;
	v9 =	vmul.f32 $1.442695020e+00, v9;
	v4 =	vpop (erf);
	(erf) = vpow2.f32 v0  }
0x2bb: {  	v51 =	vsub.f32 $0.0e+00, v26;
	v10 =	vmul.f32 $1.442695020e+00, v10;
	v0 =	vpop (erf);
	(erf) = vpow2.f32 v6  }
0x2bc: {  	v12 =	vmul.f32 $1.442695020e+00, v50;
	v15 =	vsub.f32 $0.0e+00, v27;
	v6 =	vpop (erf);
	(erf) = vpow2.f32 v7  }
0x2bd: {  	v13 =	vmul.f32 $1.442695020e+00, v51;
	v16 =	vsub.f32 $0.0e+00, v28;
	v7 =	vpop (erf);
	(erf) = vpow2.f32 v9  }
0x2be: {  	v15 =	vmul.f32 $1.442695020e+00, v15;
	v18 =	vsub.f32 $0.0e+00, v29;
	v9 =	vpop (erf);
	(erf) = vpow2.f32 v10  }
0x2bf: {  	v16 =	vmul.f32 $1.442695020e+00, v16;
	v19 =	vsub.f32 $0.0e+00, v30;
	v10 =	vpop (erf);
	(erf) = vpow2.f32 v12  }
0x2c0: {  	v18 =	vmul.f32 $1.442695020e+00, v18;
	v21 =	vsub.f32 $0.0e+00, v31;
	v52 =	vpop (erf);
	(erf) = vpow2.f32 v13  }
0x2c1: {  	v19 =	vmul.f32 $1.442695020e+00, v19;
	v22 =	vsub.f32 $0.0e+00, v32;
	v53 =	vpop (erf);
	(erf) = vpow2.f32 v15  }
0x2c2: {  	v23 =	vsub.f32 $0.0e+00, v33;
	v21 =	vmul.f32 $1.442695020e+00, v21;
	v15 =	vpop (erf);
	(erf) = vpow2.f32 v16  }
0x2c3: {  	v5 =	vsub.f32 $0.0e+00, v5;
	v22 =	vmul.f32 $1.442695020e+00, v22;
	v16 =	vpop (erf);
	(erf) = vpow2.f32 v18  }
0x2c4: {  	v8 =	vsub.f32 $0.0e+00, v8;
	v23 =	vmul.f32 $1.442695020e+00, v23;
	v18 =	vpop (erf);
	(erf) = vpow2.f32 v19  }
0x2c5: {  	v11 =	vsub.f32 $0.0e+00, v11;
	v5 =	vmul.f32 $1.442695020e+00, v5;
	v19 =	vpop (erf);
	(erf) = vpow2.f32 v21  }
0x2c6: {  	v17 =	vsub.f32 $0.0e+00, v17;
	v8 =	vmul.f32 $1.442695020e+00, v8;
	v21 =	vpop (erf);
	(erf) = vpow2.f32 v22  }
0x2c7: {  	v14 =	vsub.f32 $0.0e+00, v14;
	v11 =	vmul.f32 $1.442695020e+00, v11;
	v22 =	vpop (erf);
	(erf) = vpow2.f32 v23  }
0x2c8: {  	v17 =	vmul.f32 $1.442695020e+00, v17;
	v23 =	vpop (erf);
	(erf) = vpow2.f32 v5  }
0x2c9: {  	v54 =	vsub.f32 $0.0e+00, v20;
	v5 =	vmul.f32 $1.442695020e+00, v14;
	v25 =	vpop (erf);
	(erf) = vpow2.f32 v8  }
0x2ca: {  	v8 =	vpop (erf);
	(erf) = vpow2.f32 v11  }
0x2cb: {  	v14 =	vmul.f32 $1.442695020e+00, v54;
	v11 =	vpop (erf);
	(erf) = vpow2.f32 v5  }
0x2cc: {  	v3 =	vadd.f32 $1.000000000e+00, v3;
	v20 =	vpop (erf);
	(erf) = vpow2.f32 v17  }
0x2cd: {  	v4 =	vadd.f32 $1.000000000e+00, v4;
	v17 =	vpop (erf);
	(erf) = vpow2.f32 v14  }
0x2ce: {  	v0 =	vadd.f32 $1.000000000e+00, v0;
	v55 =	vpop (erf);
	(erf) = vrcp.f32 v3  }
0x2cf: {  	v3 =	vadd.f32 $1.000000000e+00, v6;
	v26 =	vpop (erf);
	(erf) = vrcp.f32 v4  }
0x2d0: {  	v4 =	vadd.f32 $1.000000000e+00, v7;
	v6 =	vpop (erf);
	(erf) = vrcp.f32 v0  }
0x2d1: {  	v0 =	vadd.f32 $1.000000000e+00, v9;
	v7 =	vpop (erf);
	(erf) = vrcp.f32 v3  }
0x2d2: {  	v3 =	vadd.f32 $1.000000000e+00, v10;
	v9 =	vpop (erf);
	(erf) = vrcp.f32 v4  }
0x2d3: {  	v4 =	vadd.f32 $1.000000000e+00, v52;
	v10 =	vpop (erf);
	(erf) = vrcp.f32 v0  }
0x2d4: {  	v0 =	vadd.f32 $1.000000000e+00, v53;
	v56 =	vpop (erf);
	(erf) = vrcp.f32 v3  }
0x2d5: {  	v3 =	vadd.f32 $1.000000000e+00, v15;
	v57 =	vpop (erf);
	(erf) = vrcp.f32 v4  }
0x2d6: {  	v41 =	vadd.f32 $1.000000000e+00, v16;
	v58 =	vpop (erf);
	(erf) = vrcp.f32 v0  }
0x2d7: {  	v0 =	vadd.f32 $1.000000000e+00, v18;
	v5 =	vpop (erf);
	(erf) = vrcp.f32 v3  }
0x2d8: {  	v3 =	vadd.f32 $1.000000000e+00, v19;
	v4 =	vpop (erf);
	(erf) = vrcp.f32 v41  }
0x2d9: {  	v42 =	vld [tilespmem:s25+$0x10D80];
	v15 =	vadd.f32 $1.000000000e+00, v21;
	v28 =	vpop (erf);
	(erf) = vrcp.f32 v0  }
0x2da: {  	v43 =	vld [tilespmem:s25+$0x11DD0];
	v0 =	vadd.f32 $1.000000000e+00, v22;
	v29 =	vpop (erf);
	(erf) = vrcp.f32 v3  }
0x2db: {  	v16 =	vld [tilespmem:s25+$0x10D90];
	v3 =	vadd.f32 $1.000000000e+00, v23;
	v27 =	vpop (erf);
	(erf) = vrcp.f32 v15  }
0x2dc: {  	v21 =	vld [tilespmem:s25+$0x10DC0];
	v19 =	vadd.f32 $1.000000000e+00, v25;
	v24 =	vpop (erf);
	(erf) = vrcp.f32 v0  }
0x2dd: {  	v8 =	vadd.f32 $1.000000000e+00, v8;
	v18 =	vld [tilespmem:s25+$0x10DA0];
	(erf) = vrcp.f32 v3  }
0x2de: {  	v11 =	vadd.f32 $1.000000000e+00, v11;
	v22 =	vld [tilespmem:s25+$0x10DD0];
	v0 =	vpop (erf);
	(erf) = vrcp.f32 v19  }
0x2df: {  	v20 =	vadd.f32 $1.000000000e+00, v20;
	v3 =	vpop (erf);
	v19 =	vld [tilespmem:s25+$0x11D80];
	(erf) = vrcp.f32 v8  }
0x2e0: {  	v17 =	vadd.f32 $1.000000000e+00, v17;
	v33 =	vpop (erf);
	v8 =	vld [tilespmem:s25+$0x11D90];
	(erf) = vrcp.f32 v11  }
0x2e1: {  	v14 =	vadd.f32 $1.000000000e+00, v55;
	v36 =	vpop (erf);
	v11 =	vld [tilespmem:s25+$0x11DA0];
	(erf) = vrcp.f32 v20  }
0x2e2: {  	v23 =	vadd.f32 $1.000000000e+00, v26;
	v15 =	vld [tilespmem:s25+$0x10DB0];
	v50 =	vpop (erf);
	(erf) = vrcp.f32 v17  }
0x2e3: {  	v6 =	vadd.f32 $1.000000000e+00, v6;
	v49 =	vpop (erf);
	v17 =	vld [tilespmem:s25+$0x11DC0];
	(erf) = vrcp.f32 v14  }
0x2e4: {  	v7 =	vadd.f32 $1.000000000e+00, v7;
	v20 =	vld [tilespmem:s25+$0x11DB0];
	v46 =	vpop (erf);
	v12 =	vadd.f32 v19, v42;
	(erf) = vrcp.f32 v23  }
0x2e5: {  	v9 =	vadd.f32 $1.000000000e+00, v9;
	v47 =	vpop (erf);
	v8 =	vadd.f32 v8, v16;
	(erf) = vrcp.f32 v6  }
0x2e6: {  	v48 =	vpop (erf);
	v6 =	vadd.f32 v12, v1;
	v11 =	vadd.f32 v11, v18;
	(erf) = vrcp.f32 v7  }
0x2e7: {  	v45 =	vpop (erf);
	v7 =	vadd.f32 v8, v1;
	(erf) = vrcp.f32 v9  }
0x2e8: {  	v6 =	vmul.f32 v6, v2;
	v9 =	vadd.f32 v11, v1;
	v11 =	vadd.f32 v17, v21  }
0x2e9: {  	v59 =	vadd.f32 v43, v22;
	v8 =	vadd.f32 v20, v15;
	v7 =	vmul.f32 v7, v2  }
0x2ea: {  	v6 =	vsub.f32 $0.0e+00, v6;
	v11 =	vadd.f32 v11, v1  }
0x2eb: {  	v8 =	vadd.f32 v8, v1;
	v7 =	vsub.f32 $0.0e+00, v7  }
0x2ec: {  	v19 =	vpop (erf);
	v9 =	vmul.f32 v9, v2;
	v6 =	vmul.f32 $1.442695020e+00, v6  }
0x2ed: {  	v12 =	vadd.f32 v59, v1;
	v61 =	vpop (erf);
	v8 =	vmul.f32 v8, v2;
	v7 =	vmul.f32 $1.442695020e+00, v7  }
0x2ee: {  	v9 =	vsub.f32 $0.0e+00, v9;
	v62 =	vmul.f32 v11, v2;
	v11 =	vpop (erf)  }
0x2ef: {  	v16 =	vmul.f32 v12, v2;
	v8 =	vsub.f32 $0.0e+00, v8;
	[tilespmem:$0x1FF10] =	vst v11;
	v11 =	vpop (erf)  }
0x2f0: {  	v9 =	vmul.f32 $1.442695020e+00, v9;
	v14 =	vsub.f32 $0.0e+00, v62;
	(erf) = vpow2.f32 v6;
	v6 =	vpop (erf)  }
0x2f1: {  	(erf) = vpow2.f32 v7;
	[tilespmem:$0x1FF30] =	vst v6;
	v6 =	vmul.f32 $1.442695020e+00, v8;
	v8 =	vsub.f32 $0.0e+00, v16;
	v7 =	vpop (erf)  }
0x2f2: {  	[tilespmem:$0x1FF40] =	vst v7;
	v7 =	vmul.f32 $1.442695020e+00, v14  }
0x2f3: {  	(erf) = vpow2.f32 v9;
	v8 =	vmul.f32 $1.442695020e+00, v8  }
0x2f4: {  	v10 =	vadd.f32 $1.000000000e+00, v10;
	v9 =	vpop (erf)  }
0x2f5: {  	(erf) = vpow2.f32 v6;
	v6 =	vpop (erf)  }
0x2f6: {  	v16 =	vld [tilespmem:s25+$0x10DE0];
	(erf) = vpow2.f32 v7;
	v7 =	vpop (erf)  }
0x2f7: {  	v17 =	vadd.f32 $1.000000000e+00, v56;
	[tilespmem:$0x1FF50] =	vst v9;
	v9 =	vld [tilespmem:s25+$0x11DE0];
	(erf) = vpow2.f32 v8;
	v8 =	vpop (erf)  }
0x2f8: {  	v52 =	vld [tilespmem:s25+$0x10DF0];
	v13 =	vadd.f32 $1.000000000e+00, v57;
	[tilespmem:$0x1FF20] =	vst v11;
	(erf) = vrcp.f32 v10;
	v10 =	vpop (erf)  }
0x2f9: {  	v18 =	vadd.f32 $1.000000000e+00, v58;
	[tilespmem:$0x1FF60] =	vst v6;
	v6 =	vld [tilespmem:s25+$0x11DF0];
	(erf) = vrcp.f32 v17;
	v11 =	vpop (erf)  }
0x2fa: {  	v55 =	vld [tilespmem:s25+$0x11F80];
	v5 =	vadd.f32 $1.000000000e+00, v5;
	(erf) = vrcp.f32 v13;
	v53 =	vpop (erf)  }
0x2fb: {  	v25 =	vld [tilespmem:s25+$0x11FD0];
	v4 =	vadd.f32 $1.000000000e+00, v4;
	(erf) = vrcp.f32 v18;
	v54 =	vpop (erf)  }
0x2fc: {  	v22 =	vld [tilespmem:s25+$0x11FB0];
	v9 =	vadd.f32 v9, v16;
	(erf) = vrcp.f32 v5;
	v5 =	vadd.f32 $1.000000000e+00, v54;
	v20 =	vpop (erf)  }
0x2fd: {  	v23 =	vld [tilespmem:s25+$0x11FC0];
	v13 =	vadd.f32 $1.000000000e+00, v53;
	(erf) = vrcp.f32 v4;
	v4 =	vadd.f32 $1.000000000e+00, v20  }
0x2fe: {  	v21 =	vld [tilespmem:s25+$0x11FA0];
	v6 =	vadd.f32 v6, v52  }
0x2ff: {  	[tilespmem:$0x1FF70] =	vst v7;
	v7 =	vld [tilespmem:s25+$0x10F80];
	v9 =	vadd.f32 v9, v1;
	(erf) = vrcp.f32 v13;
	v56 =	vpop (erf)  }
0x300: {  	[tilespmem:$0x1FF80] =	vst v8;
	v8 =	vld [tilespmem:s25+$0x10F90];
	v6 =	vadd.f32 v6, v1;
	(erf) = vrcp.f32 v5;
	v5 =	vpop (erf)  }
0x301: {  	v9 =	vmul.f32 v9, v2;
	v20 =	vld [tilespmem:s25+$0x11F90];
	(erf) = vrcp.f32 v4;
	v5 =	vadd.f32 $1.000000000e+00, v5;
	v4 =	vpop (erf)  }
0x302: {  	[tilespmem:$0x1FF90] =	vst v10;
	v10 =	vld [tilespmem:s25+$0x10FA0];
	v13 =	vadd.f32 $1.000000000e+00, v56;
	v6 =	vmul.f32 v6, v2;
	v4 =	vadd.f32 $1.000000000e+00, v4  }
0x303: {  	v16 =	vld [tilespmem:s25+$0x10FB0];
	v9 =	vsub.f32 $0.0e+00, v9  }
0x304: {  	v17 =	vld [tilespmem:s25+$0x10FC0];
	(erf) = vrcp.f32 v13;
	v6 =	vsub.f32 $0.0e+00, v6  }
0x305: {  	v18 =	vld [tilespmem:s25+$0x10FD0];
	v7 =	vadd.f32 v55, v7;
	v9 =	vmul.f32 $1.442695020e+00, v9;
	(erf) = vrcp.f32 v5;
	v5 =	vpop (erf)  }
0x306: {  	v60 =	vld [tilespmem:s25+$0x105B0];
	(erf) = vrcp.f32 v4;
	[tilespmem:$0x1FFB0] =	vst v5;
	v5 =	vmul.f32 $1.442695020e+00, v6;
	v6 =	vadd.f32 v20, v8;
	v4 =	vpop (erf)  }
0x307: {  	v34 =	vld [tilespmem:s25+$0x10590];
	[tilespmem:$0x1FFC0] =	vst v4;
	v4 =	vadd.f32 v7, v1;
	v7 =	vadd.f32 v21, v10  }
0x308: {  	v35 =	vld [tilespmem:s25+$0x105A0];
	(erf) = vpow2.f32 v9;
	v8 =	vadd.f32 v22, v16;
	v6 =	vadd.f32 v6, v1  }
0x309: {  	v38 =	vld [tilespmem:s25+$0x109C0];
	v10 =	vadd.f32 v23, v17;
	v9 =	vmul.f32 v4, v2;
	v7 =	vadd.f32 v7, v1  }
0x30a: {  	v37 =	vld [tilespmem:s25+$0x109D0];
	v16 =	vadd.f32 v25, v18;
	v8 =	vadd.f32 v8, v1;
	v6 =	vmul.f32 v6, v2  }
0x30b: {  	v44 =	vld [tilespmem:s25+$0x10580];
	v10 =	vadd.f32 v10, v1;
	v9 =	vsub.f32 $0.0e+00, v9;
	v7 =	vmul.f32 v7, v2  }
0x30c: {  	v63 =	vld [tilespmem:s25+$0x105E0];
	v17 =	vadd.f32 v16, v1;
	v8 =	vmul.f32 v8, v2;
	v6 =	vsub.f32 $0.0e+00, v6  }
0x30d: {  	v30 =	vld [tilespmem:s25+$0x105C0];
	[tilespmem:$0x1FFA0] =	vst v11;
	v11 =	vpop (erf);
	v10 =	vmul.f32 v10, v2;
	v9 =	vmul.f32 $1.442695020e+00, v9;
	v7 =	vsub.f32 $0.0e+00, v7  }
0x30e: {  	v31 =	vld [tilespmem:s25+$0x105D0];
	(erf) = vpow2.f32 v5;
	[tilespmem:$0x1FFD0] =	vst v11;
	v11 =	vpop (erf);
	v8 =	vsub.f32 $0.0e+00, v8;
	v6 =	vmul.f32 $1.442695020e+00, v6  }
0x30f: {  	v32 =	vld [tilespmem:s25+$0x10BD0];
	v18 =	vpop (erf);
	v21 =	vmul.f32 v17, v2;
	v10 =	vsub.f32 $0.0e+00, v10;
	v7 =	vmul.f32 $1.442695020e+00, v7  }
0x310: {  	v26 =	vld [tilespmem:s25+$0x107F0];
	[tilespmem:$0x1FFE0] =	vst v11;
	v11 =	vpop (erf);
	v8 =	vmul.f32 $1.442695020e+00, v8;
	(erf) = vpow2.f32 v9  }
0x311: {  	v59 =	vld [tilespmem:s25+$0x11FF0];
	v57 =	vsub.f32 $0.0e+00, v21;
	v10 =	vmul.f32 $1.442695020e+00, v10;
	(erf) = vpow2.f32 v6;
	v9 =	vpop (erf)  }
0x312: {  	v53 =	vld [tilespmem:s25+$0x10790];
	(erf) = vpow2.f32 v7;
	v6 =	vpop (erf)  }
0x313: {  	v52 =	vld [tilespmem:s25+$0x107D0];
	v9 =	vadd.f32 v28, v9;
	v28 =	vmul.f32 $1.442695020e+00, v57;
	v7 =	vpop (erf);
	v6 =	vadd.f32 v29, v6  }
0x314: {  	v54 =	vld [tilespmem:s25+$0x105F0];
	(erf) = vpow2.f32 v8;
	v8 =	vpop (erf);
	v7 =	vadd.f32 v27, v7  }
0x315: {  	v55 =	vld [tilespmem:s25+$0x107B0];
	(erf) = vpow2.f32 v10;
	v10 =	vpop (erf);
	v6 =	vmul.f32 $5.000000000e-01, v6;
	v8 =	vadd.f32 v24, v8  }
0x316: {  	v56 =	vld [tilespmem:s25+$0x10780];
	(erf) = vpow2.f32 v28;
	v24 =	vpop (erf);
	v7 =	vmul.f32 $5.000000000e-01, v7  }
0x317: {  	v57 =	vld [tilespmem:s25+$0x11180];
	v28 =	vpop (erf);
	v41 =	vmul.f32 v6, v34;
	v6 =	vmul.f32 $5.000000000e-01, v8  }
0x318: {  	v29 =	vld [tilespmem:s25+$0x10FE0];
	v9 =	vmul.f32 $5.000000000e-01, v9;
	v58 =	vpop (erf);
	v40 =	vmul.f32 v7, v35;
	v7 =	vadd.f32 $1.000000000e+00, v28  }
0x319: {  	v27 =	vld [tilespmem:s25+$0x10FF0];
	v0 =	vadd.f32 v0, v10;
	v39 =	vmul.f32 v6, v60;
	v6 =	vadd.f32 $1.000000000e+00, v58;
	v28 =	vpop (erf)  }
0x31a: {  	v3 =	vadd.f32 v3, v24;
	v24 =	vld [tilespmem:s25+$0x11FE0];
	v28 =	vadd.f32 $1.000000000e+00, v28  }
0x31b: {  	v42 =	vmul.f32 v9, v44;
	v9 =	vld [tilespmem:s25+$0x11190];
	v0 =	vmul.f32 $5.000000000e-01, v0  }
0x31c: {  	v8 =	vld [tilespmem:s25+$0x111A0];
	v3 =	vmul.f32 $5.000000000e-01, v3;
	(erf) = vrcp.f32 v7;
	v7 =	vpop (erf)  }
0x31d: {  	v60 =	vld [tilespmem:s25+$0x12180];
	v43 =	vmul.f32 v0, v30;
	(erf) = vrcp.f32 v6;
	v7 =	vadd.f32 $1.000000000e+00, v7;
	v6 =	vpop (erf)  }
0x31e: {  	v44 =	vmul.f32 v3, v31;
	(erf) = vrcp.f32 v28;
	v0 =	vadd.f32 $1.000000000e+00, v6;
	v6 =	vld [tilespmem:s25+$0x12190];
	v28 =	vpop (erf)  }
0x31f: {  	v29 =	vadd.f32 v24, v29;
	v3 =	vadd.f32 $1.000000000e+00, v28;
	v28 =	vld [tilespmem:s25+$0x121A0];
	(erf) = vrcp.f32 v7  }
0x320: {  	v10 =	vld [tilespmem:s25+$0x111B0];
	(erf) = vrcp.f32 v0  }
0x321: {  	v27 =	vadd.f32 v59, v27;
	v30 =	vld [tilespmem:s25+$0x121B0];
	v7 =	vpop (erf);
	(erf) = vrcp.f32 v3;
	v3 =	vadd.f32 v29, v1  }
0x322: {  	v25 =	vld [tilespmem:s25+$0x107E0];
	v29 =	vadd.f32 v60, v57;
	v7 =	vadd.f32 $1.000000000e+00, v7;
	v0 =	vpop (erf)  }
0x323: {  	v22 =	vld [tilespmem:s25+$0x10990];
	v0 =	vadd.f32 $1.000000000e+00, v0;
	v6 =	vadd.f32 v6, v9  }
0x324: {  	v20 =	vld [tilespmem:s25+$0x10B80];
	(erf) = vrcp.f32 v7;
	v7 =	vadd.f32 v27, v1;
	v8 =	vadd.f32 v28, v8  }
0x325: {  	v23 =	vld [tilespmem:s25+$0x10980];
	(erf) = vrcp.f32 v0;
	v0 =	vmul.f32 v3, v2;
	v3 =	vadd.f32 v29, v1  }
0x326: {  	v5 =	vld [tilespmem:s25+$0x107A0];
	v9 =	vadd.f32 v30, v10;
	v6 =	vadd.f32 v6, v1;
	v7 =	vmul.f32 v7, v2  }
0x327: {  	v4 =	vld [tilespmem:s25+$0x107C0];
	v8 =	vadd.f32 v8, v1;
	v0 =	vsub.f32 $0.0e+00, v0;
	v3 =	vmul.f32 v3, v2  }
0x328: {  	v17 =	vld [tilespmem:s25+$0x10BB0];
	v9 =	vadd.f32 v9, v1;
	v6 =	vmul.f32 v6, v2;
	v7 =	vsub.f32 $0.0e+00, v7  }
0x329: {  	v21 =	vld [tilespmem:s25+$0x109A0];
	v8 =	vmul.f32 v8, v2;
	v0 =	vmul.f32 $1.442695020e+00, v0;
	v3 =	vsub.f32 $0.0e+00, v3  }
0x32a: {  	v34 =	vld [tilespmem:s25+$0x109F0];
	v6 =	vsub.f32 $0.0e+00, v6;
	v7 =	vmul.f32 $1.442695020e+00, v7  }
0x32b: {  	v35 =	vld [tilespmem:s25+$0x109E0];
	v9 =	vmul.f32 v9, v2;
	v8 =	vsub.f32 $0.0e+00, v8;
	v3 =	vmul.f32 $1.442695020e+00, v3  }
0x32c: {  	v59 =	vld [tilespmem:s25+$0x12380];
	(erf) = vpow2.f32 v0;
	v6 =	vmul.f32 $1.442695020e+00, v6  }
0x32d: {  	v31 =	vld [tilespmem:s25+$0x10B90];
	v9 =	vsub.f32 $0.0e+00, v9;
	(erf) = vpow2.f32 v7;
	v8 =	vmul.f32 $1.442695020e+00, v8;
	v0 =	vpop (erf)  }
0x32e: {  	v24 =	vld [tilespmem:s25+$0x109B0];
	v7 =	vpop (erf);
	(erf) = vpow2.f32 v3  }
0x32f: {  	v57 =	vld [tilespmem:s25+$0x11380];
	v9 =	vmul.f32 $1.442695020e+00, v9;
	v0 =	vadd.f32 v33, v0;
	v3 =	vpop (erf);
	(erf) = vpow2.f32 v6  }
0x330: {  	v60 =	vld [tilespmem:s25+$0x121D0];
	v7 =	vadd.f32 v36, v7;
	v6 =	vpop (erf);
	v3 =	vadd.f32 v50, v3;
	(erf) = vpow2.f32 v8  }
0x331: {  	v30 =	vld [tilespmem:s25+$0x10BC0];
	v0 =	vmul.f32 $5.000000000e-01, v0;
	v8 =	vpop (erf);
	(erf) = vpow2.f32 v9  }
0x332: {  	[tilespmem:$0x1FF00] =	vst v61;
	v10 =	vld [tilespmem:s25+$0x111C0];
	v7 =	vmul.f32 $5.000000000e-01, v7;
	v61 =	vpop (erf);
	v3 =	vmul.f32 $5.000000000e-01, v3  }
0x333: {  	v29 =	vld [tilespmem:s25+$0x10BA0];
	v6 =	vadd.f32 v49, v6;
	v51 =	vmul.f32 v0, v63;
	v8 =	vadd.f32 v46, v8;
	v62 =	vpop (erf)  }
0x334: {  	v49 =	vmul.f32 v7, v54;
	v50 =	vadd.f32 v47, v61;
	v63 =	vpop (erf);
	v47 =	vmul.f32 v3, v56;
	v3 =	vld [tilespmem:s25+$0x121C0]  }
0x335: {  	v9 =	vld [tilespmem:s25+$0x111D0];
	v6 =	vmul.f32 $5.000000000e-01, v6;
	v8 =	vmul.f32 $5.000000000e-01, v8;
	v13 =	vpop (erf)  }
0x336: {  	v0 =	vld [tilespmem:s25+$0x111E0];
	v12 =	vadd.f32 v48, v62;
	v50 =	vmul.f32 $5.000000000e-01, v50;
	v14 =	vadd.f32 $1.000000000e+00, v13;
	v58 =	vpop (erf)  }
0x337: {  	v7 =	vld [tilespmem:s25+$0x111F0];
	v48 =	vmul.f32 v6, v53;
	v46 =	vmul.f32 v8, v5;
	v5 =	vadd.f32 $1.000000000e+00, v58;
	v61 =	vpop (erf)  }
0x338: {  	v6 =	vadd.f32 v45, v63;
	v8 =	vld [tilespmem:s25+$0x121E0];
	(erf) = vrcp.f32 v14;
	v63 =	vadd.f32 $1.000000000e+00, v61;
	v13 =	vpop (erf)  }
0x339: {  	(erf) = vrcp.f32 v5;
	v3 =	vadd.f32 v3, v10;
	v5 =	vadd.f32 $1.000000000e+00, v13;
	v10 =	vld [tilespmem:s25+$0x121F0]  }
0x33a: {  	v62 =	vmul.f32 $5.000000000e-01, v12;
	v12 =	vld [tilespmem:s25+$0x11390];
	(erf) = vrcp.f32 v63  }
0x33b: {  	v9 =	vadd.f32 v60, v9;
	v6 =	vmul.f32 $5.000000000e-01, v6;
	v14 =	vpop (erf);
	(erf) = vrcp.f32 v5;
	v5 =	vld [tilespmem:s25+$0x12390]  }
0x33c: {  	v33 =	vld [tilespmem:s25+$0x10BE0];
	v45 =	vmul.f32 v50, v55;
	v50 =	vmul.f32 v62, v4;
	v4 =	vadd.f32 $1.000000000e+00, v14  }
0x33d: {  	v36 =	vld [tilespmem:s25+$0x10BF0];
	v52 =	vmul.f32 v6, v52;
	v3 =	vadd.f32 v3, v1;
	v60 =	vadd.f32 v8, v0;
	v0 =	vpop (erf)  }
0x33e: {  	v54 =	vld [tilespmem:s25+$0x123B0];
	(erf) = vrcp.f32 v4;
	v4 =	vadd.f32 $1.000000000e+00, v0;
	v6 =	vadd.f32 v10, v7  }
0x33f: {  	v56 =	vld [tilespmem:s25+$0x113D0];
	v9 =	vadd.f32 v9, v1;
	v61 =	vmul.f32 v3, v2;
	v7 =	vadd.f32 v60, v1  }
0x340: {  	v53 =	vld [tilespmem:s25+$0x123A0];
	(erf) = vrcp.f32 v4;
	v4 =	vadd.f32 v6, v1;
	v5 =	vadd.f32 v5, v12  }
0x341: {  	v58 =	vld [tilespmem:s25+$0x113F0];
	v9 =	vmul.f32 v9, v2;
	v10 =	vadd.f32 v59, v57;
	v6 =	vmul.f32 v7, v2  }
0x342: {  	v55 =	vld [tilespmem:s25+$0x123C0];
	v62 =	vsub.f32 $0.0e+00, v61;
	v4 =	vmul.f32 v4, v2;
	v5 =	vadd.f32 v5, v1  }
0x343: {  	v8 =	vld [tilespmem:s25+$0x113A0];
	v9 =	vsub.f32 $0.0e+00, v9;
	v10 =	vadd.f32 v10, v1  }
0x344: {  	v0 =	vld [tilespmem:s25+$0x113B0];
	v63 =	vmul.f32 $1.442695020e+00, v62;
	v7 =	vpop (erf);
	v60 =	vsub.f32 $0.0e+00, v4  }
0x345: {  	v3 =	vld [tilespmem:s25+$0x113C0];
	v9 =	vmul.f32 $1.442695020e+00, v9;
	v59 =	vsub.f32 $0.0e+00, v6;
	v10 =	vmul.f32 v10, v2;
	v6 =	vpop (erf)  }
0x346: {  	v57 =	vld [tilespmem:s25+$0x113E0];
	(erf) = vpow2.f32 v63;
	v61 =	vmul.f32 v5, v2;
	v5 =	vpop (erf)  }
0x347: {  	(erf) = vpow2.f32 v9;
	v62 =	vmul.f32 $1.442695020e+00, v59;
	v59 =	vld [tilespmem:s25+$0x123D0];
	v4 =	vpop (erf)  }
0x348: {  	s26 =	simm.s32 $0x200;
	[tilespmem:$0x1FFF0] =	vst v11;
	v10 =	vsub.f32 $0.0e+00, v10;
	v63 =	vmul.f32 $1.442695020e+00, v60;
	v9 =	vsub.f32 $0.0e+00, v61;
	v61 =	vld [tilespmem:s25+$0x123E0];
	v60 =	vpop (erf)  }
.LBB2_9:
0x349: {  	v12 =	vld [tilespmem:s25+$0x123F0];
	_ =	sdelay $0x2  }
0x34a: {  	v10 =	vmul.f32 $1.442695020e+00, v10;
	v9 =	vmul.f32 $1.442695020e+00, v9  }
0x34b: {  	s28 =	sshra.s32 s26, $0x2;
	v11 =	vadd.f32 v53, v8;
	v0 =	vadd.f32 v54, v0;
	v8 =	vpop (erf);
	(erf) = vpow2.f32 v62  }
0x34c: {  	v53 =	vld [tilespmem:s28+$0x11580];
	v3 =	vadd.f32 v55, v3;
	v12 =	vadd.f32 v12, v58;
	(erf) = vpow2.f32 v63  }
0x34d: {  	v54 =	vld [tilespmem:s28+$0x12580];
	v11 =	vadd.f32 v11, v1;
	v0 =	vadd.f32 v0, v1;
	(erf) = vpow2.f32 v10  }
0x34e: {  	v55 =	vld [tilespmem:s28+$0x11590];
	v3 =	vadd.f32 v3, v1;
	v10 =	vadd.f32 v59, v56  }
0x34f: {  	v58 =	vld [tilespmem:s28+$0x125A0];
	(erf) = vpow2.f32 v9;
	v9 =	vmul.f32 v11, v2;
	v11 =	vadd.f32 v61, v57  }
0x350: {  	v62 =	vld [tilespmem:s28+$0x115C0];
	v12 =	vadd.f32 v12, v1;
	v0 =	vmul.f32 v0, v2;
	v10 =	vadd.f32 v10, v1  }
0x351: {  	v27 =	vmovc v18;
	v63 =	vld [tilespmem:s28+$0x125C0];
	v3 =	vmul.f32 v3, v2;
	v9 =	vsub.f32 $0.0e+00, v9;
	v11 =	vadd.f32 v11, v1  }
0x352: {  	v13 =	vpop (erf);
	v56 =	vld [tilespmem:s28+$0x12590];
	v12 =	vmul.f32 v12, v2;
	v0 =	vsub.f32 $0.0e+00, v0;
	v10 =	vmul.f32 v10, v2  }
0x353: {  	v59 =	vld [tilespmem:s28+$0x115B0];
	v14 =	vpop (erf);
	v3 =	vsub.f32 $0.0e+00, v3;
	v9 =	vmul.f32 $1.442695020e+00, v9;
	v11 =	vmul.f32 v11, v2  }
0x354: {  	v28 =	vmov v17;
	v57 =	vld [tilespmem:s28+$0x115A0];
	v15 =	vmul.f32 $1.442695020e+00, v0;
	v10 =	vsub.f32 $0.0e+00, v10;
	v16 =	vpop (erf)  }
0x355: {  	v61 =	vld [tilespmem:s28+$0x125B0];
	v17 =	vmul.f32 $1.442695020e+00, v3;
	v11 =	vsub.f32 $0.0e+00, v11;
	v18 =	vpop (erf);
	(erf) = vpow2.f32 v9  }
0x356: {  	v9 =	vmul.f32 $1.442695020e+00, v10;
	v10 =	vsub.f32 $0.0e+00, v12;
	v12 =	vpop (erf);
	(erf) = vpow2.f32 v15;
	v15 =	vld [tilespmem:$0x1FF00]  }
0x357: {  	v0 =	vld [tilespmem:s28+$0x115D0]  }
0x358: {  	v7 =	vadd.f32 v19, v7;
	v3 =	vld [tilespmem:s28+$0x125D0];
	[tilespmem:s25+$0x11D80] =	vst v42;
	v11 =	vmul.f32 $1.442695020e+00, v11;
	v42 =	vpop (erf);
	(erf) = vpow2.f32 v17  }
0x359: {  	v10 =	vmul.f32 $1.442695020e+00, v10;
	(erf) = vpow2.f32 v9  }
0x35a: {  	v7 =	vmul.f32 $5.000000000e-01, v7;
	v19 =	vld [tilespmem:s28+$0x115E0];
	[tilespmem:s25+$0x11D90] =	vst v41;
	v9 =	vadd.f32 $1.000000000e+00, v13;
	(erf) = vpow2.f32 v11  }
0x35b: {  	v11 =	vadd.f32 $1.000000000e+00, v14;
	(erf) = vpow2.f32 v10;
	v6 =	vadd.f32 v15, v6;
	v15 =	vld [tilespmem:s28+$0x125E0];
	[tilespmem:s25+$0x11DA0] =	vst v40  }
0x35c: {  	v10 =	vmul.f32 v7, v25;
	v7 =	vadd.f32 $1.000000000e+00, v16;
	(erf) = vrcp.f32 v9;
	v40 =	vld [tilespmem:s28+$0x115F0]  }
0x35d: {  	(erf) = vrcp.f32 v11;
	v11 =	vld [tilespmem:$0x1FF10];
	v6 =	vmul.f32 $5.000000000e-01, v6  }
0x35e: {  	[tilespmem:s25+$0x11DB0] =	vst v39;
	(erf) = vrcp.f32 v7;
	v7 =	vld [tilespmem:$0x1FF20]  }
0x35f: {  	v41 =	vadd.f32 $1.000000000e+00, v18;
	v39 =	vld [tilespmem:s28+$0x125F0];
	[tilespmem:s25+$0x11DC0] =	vst v43  }
0x360: {  	v16 =	vadd.f32 $1.000000000e+00, v12;
	v25 =	vld [tilespmem:s28+$0x11780];
	[tilespmem:s25+$0x11DD0] =	vst v44  }
0x361: {  	v17 =	vadd.f32 $1.000000000e+00, v42;
	(erf) = vrcp.f32 v41;
	v9 =	vmul.f32 v6, v26;
	v26 =	vld [tilespmem:s28+$0x12780];
	[tilespmem:s25+$0x11DE0] =	vst v51;
	v6 =	vpop (erf)  }
0x362: {  	v11 =	vadd.f32 v11, v5;
	v5 =	vld [tilespmem:s28+$0x11790];
	[tilespmem:s25+$0x11DF0] =	vst v49;
	(erf) = vrcp.f32 v16;
	v18 =	vadd.f32 $1.000000000e+00, v6;
	v43 =	vpop (erf)  }
0x363: {  	v7 =	vadd.f32 v7, v4;
	v4 =	vld [tilespmem:s28+$0x12790];
	[tilespmem:s25+$0x11F80] =	vst v47;
	(erf) = vrcp.f32 v17;
	v16 =	vadd.f32 $1.000000000e+00, v43  }
0x364: {  	v42 =	vmul.f32 $5.000000000e-01, v11;
	v11 =	vld [tilespmem:s28+$0x117A0];
	v44 =	vpop (erf);
	(erf) = vrcp.f32 v18  }
0x365: {  	v6 =	vpop (erf);
	(erf) = vrcp.f32 v16;
	v16 =	vld [tilespmem:$0x1FF30]  }
0x366: {  	[tilespmem:s25+$0x11F90] =	vst v48;
	v48 =	vld [tilespmem:$0x1FF40]  }
0x367: {  	v7 =	vmul.f32 $5.000000000e-01, v7;
	v12 =	vld [tilespmem:s28+$0x127A0];
	[tilespmem:s25+$0x11FA0] =	vst v46  }
0x368: {  	v46 =	vadd.f32 $1.000000000e+00, v44;
	v14 =	vmul.f32 v42, v23;
	v23 =	vld [tilespmem:s28+$0x117B0];
	[tilespmem:s25+$0x11FB0] =	vst v45  }
0x369: {  	v17 =	vmul.f32 v7, v22;
	v7 =	vadd.f32 $1.000000000e+00, v6;
	v6 =	vpop (erf);
	v22 =	vld [tilespmem:s28+$0x127B0];
	[tilespmem:s25+$0x11FC0] =	vst v50  }
0x36a: {  	(erf) = vrcp.f32 v46;
	v18 =	vadd.f32 $1.000000000e+00, v6;
	v47 =	vpop (erf);
	v6 =	vld [tilespmem:s28+$0x117C0];
	[tilespmem:s25+$0x11FD0] =	vst v52;
	v16 =	vadd.f32 v16, v60  }
0x36b: {  	v41 =	vadd.f32 v48, v8;
	v8 =	vpop (erf);
	(erf) = vrcp.f32 v7;
	v7 =	vld [tilespmem:s28+$0x127C0]  }
0x36c: {  	[tilespmem:s25+$0x11FE0] =	vst v10;
	v10 =	vmul.f32 $5.000000000e-01, v16;
	v16 =	vld [tilespmem:$0x1FF50];
	_ =	sdelay $0x4  }
0x36d: {  	v16 =	vadd.f32 v16, v8;
	v8 =	vld [tilespmem:s28+$0x117D0]  }
0x36e: {  	[tilespmem:s25+$0x11FF0] =	vst v9;
	v9 =	vld [tilespmem:$0x1FF60]  }
0x36f: {  	v52 =	vmul.f32 v10, v21;
	v10 =	vld [tilespmem:$0x1FF70];
	_ =	sdelay $0x2  }
0x370: {  	v49 =	vpop (erf)  }
0x371: {  	(erf) = vrcp.f32 v18;
	v18 =	vmul.f32 $5.000000000e-01, v41;
	v51 =	vpop (erf);
	v50 =	vadd.f32 v9, v49;
	v9 =	vld [tilespmem:s28+$0x127D0];
	[tilespmem:s25+$0x12180] =	vst v14  }
0x372: {  	v60 =	vmul.f32 $5.000000000e-01, v16;
	v16 =	vadd.f32 v10, v51;
	v10 =	vld [tilespmem:s28+$0x117E0]  }
0x373: {  	[tilespmem:s25+$0x12190] =	vst v17;
	v17 =	vmul.f32 v18, v24;
	v24 =	vld [tilespmem:$0x1FF80]  }
0x374: {  	v43 =	vmul.f32 $5.000000000e-01, v16;
	v16 =	vld [tilespmem:$0x1FF90];
	_ =	sdelay $0x2  }
0x375: {  	v21 =	vpop (erf)  }
0x376: {  	v18 =	vmul.f32 $5.000000000e-01, v50;
	v41 =	vld [tilespmem:s28+$0x127E0];
	[tilespmem:s25+$0x121A0] =	vst v52;
	v21 =	vadd.f32 v24, v21;
	v24 =	vpop (erf)  }
0x377: {  	v42 =	vmul.f32 v60, v38;
	v38 =	vld [tilespmem:s28+$0x117F0];
	v16 =	vadd.f32 v16, v24  }
0x378: {  	[tilespmem:s25+$0x121B0] =	vst v17;
	v17 =	vmul.f32 v18, v37;
	v18 =	vmul.f32 $5.000000000e-01, v21;
	v21 =	vld [tilespmem:$0x1FFA0]  }
0x379: {  	v45 =	vmul.f32 $5.000000000e-01, v16;
	v16 =	vld [tilespmem:$0x1FFB0];
	_ =	sdelay $0x2  }
0x37a: {  	v24 =	vpop (erf)  }
0x37b: {  	v37 =	vld [tilespmem:s28+$0x127F0];
	[tilespmem:s25+$0x121C0] =	vst v42;
	v21 =	vadd.f32 v21, v24;
	v24 =	vpop (erf)  }
0x37c: {  	v44 =	vmul.f32 v43, v35;
	v35 =	vld [tilespmem:s28+$0x11980];
	v16 =	vadd.f32 v16, v24  }
0x37d: {  	[tilespmem:s25+$0x121D0] =	vst v17;
	v17 =	vmul.f32 v18, v34;
	v18 =	vmul.f32 $5.000000000e-01, v21;
	v21 =	vld [tilespmem:$0x1FFC0]  }
0x37e: {  	v13 =	vadd.f32 $1.000000000e+00, v47;
	v47 =	vmul.f32 $5.000000000e-01, v16;
	v16 =	vld [tilespmem:$0x1FFD0];
	_ =	sdelay $0x2  }
0x37f: {  	v24 =	vpop (erf)  }
0x380: {  	v34 =	vld [tilespmem:s28+$0x12980];
	[tilespmem:s25+$0x121E0] =	vst v44;
	v21 =	vadd.f32 v21, v24;
	v24 =	vpop (erf)  }
0x381: {  	v16 =	vadd.f32 v16, v24;
	v24 =	vld [tilespmem:s28+$0x11990]  }
0x382: {  	[tilespmem:s25+$0x121F0] =	vst v17;
	v17 =	vmul.f32 v18, v31;
	v18 =	vmul.f32 $5.000000000e-01, v21;
	v21 =	vld [tilespmem:$0x1FFE0];
	_ =	sdelay $0x1  }
0x383: {  	(erf) = vrcp.f32 v13  }
0x384: {  	v46 =	vmul.f32 v45, v20  }
0x385: {  	v20 =	vpop (erf)  }
0x386: {  	v31 =	vld [tilespmem:s28+$0x12990];
	[tilespmem:s25+$0x12380] =	vst v46;
	v20 =	vadd.f32 v21, v20  }
0x387: {  	v48 =	vmul.f32 v47, v29;
	v29 =	vld [tilespmem:s28+$0x119A0]  }
0x388: {  	[tilespmem:s25+$0x12390] =	vst v17;
	v17 =	vmul.f32 v18, v28;
	v18 =	vmul.f32 $5.000000000e-01, v20;
	v20 =	vld [tilespmem:$0x1FFF0];
	_ =	sdelay $0x2  }
0x389: {  	v21 =	vpop (erf)  }
0x38a: {  	v49 =	vmul.f32 $5.000000000e-01, v16;
	v16 =	vadd.f32 v27, v21;
	v21 =	vpop (erf)  }
0x38b: {  	v20 =	vadd.f32 v20, v21  }
0x38c: {  	v50 =	vmul.f32 v49, v30;
	v51 =	vmul.f32 $5.000000000e-01, v16;
	v21 =	vld [tilespmem:s28+$0x129A0];
	[tilespmem:s25+$0x123A0] =	vst v48  }
0x38d: {  	v16 =	vld [tilespmem:s28+$0x119B0];
	[tilespmem:s25+$0x123B0] =	vst v17;
	v17 =	vmul.f32 v18, v32;
	v18 =	vmul.f32 $5.000000000e-01, v20  }
0x38e: {  	v52 =	vmul.f32 v51, v33;
	v20 =	vld [tilespmem:s28+$0x129B0];
	[tilespmem:s25+$0x123C0] =	vst v50  }
0x38f: {  	v14 =	vld [tilespmem:s28+$0x119C0];
	[tilespmem:s25+$0x123D0] =	vst v17;
	v17 =	vmul.f32 v18, v36  }
0x390: {  	v54 =	vadd.f32 v54, v53;
	v18 =	vld [tilespmem:s28+$0x129C0];
	[tilespmem:s25+$0x123E0] =	vst v52  }
0x391: {  	v63 =	vadd.f32 v63, v62;
	v56 =	vadd.f32 v56, v55;
	v13 =	vld [tilespmem:s28+$0x119D0];
	[tilespmem:s25+$0x123F0] =	vst v17;
	s25 =	smov.u32 s28  }
0x392: {  	v0 =	vadd.f32 v3, v0;
	v3 =	vadd.f32 v15, v19;
	v17 =	vld [tilespmem:s25+$0x129D0]  }
0x393: {  	v61 =	vadd.f32 v61, v59;
	v19 =	vadd.f32 v39, v40;
	v27 =	vld [tilespmem:s25+$0x119E0]  }
0x394: {  	v3 =	vadd.f32 v3, v1;
	v25 =	vadd.f32 v26, v25;
	v28 =	vld [tilespmem:s25+$0x129E0]  }
0x395: {  	v4 =	vadd.f32 v4, v5;
	v5 =	vadd.f32 v12, v11;
	v30 =	vld [tilespmem:s25+$0x119F0]  }
0x396: {  	v0 =	vadd.f32 v0, v1;
	v19 =	vadd.f32 v19, v1;
	v32 =	vld [tilespmem:s25+$0x129F0]  }
0x397: {  	v3 =	vmul.f32 v3, v2;
	v25 =	vadd.f32 v25, v1;
	v5 =	vadd.f32 v5, v1;
	v33 =	vld [tilespmem:s25+$0x11B80]  }
0x398: {  	v40 =	vadd.f32 v22, v23;
	v6 =	vadd.f32 v7, v6;
	v36 =	vld [tilespmem:s25+$0x12B80]  }
0x399: {  	v3 =	vsub.f32 $0.0e+00, v3;
	v4 =	vadd.f32 v4, v1;
	v5 =	vmul.f32 v5, v2;
	v42 =	vld [tilespmem:s25+$0x11B90]  }
0x39a: {  	v12 =	vadd.f32 v40, v1;
	v6 =	vadd.f32 v6, v1;
	v43 =	vld [tilespmem:s25+$0x12B90]  }
0x39b: {  	v5 =	vsub.f32 $0.0e+00, v5;
	v60 =	vadd.f32 v58, v57;
	v45 =	vld [tilespmem:s25+$0x11BA0]  }
0x39c: {  	v8 =	vadd.f32 v9, v8;
	v9 =	vadd.f32 v41, v10;
	v48 =	vld [tilespmem:s25+$0x12BA0]  }
0x39d: {  	v3 =	vmul.f32 $1.442695020e+00, v3;
	v22 =	vadd.f32 v37, v38;
	v23 =	vadd.f32 v34, v35;
	v51 =	vld [tilespmem:s25+$0x11BB0]  }
0x39e: {  	v4 =	vmul.f32 v4, v2;
	v8 =	vadd.f32 v8, v1;
	v9 =	vadd.f32 v9, v1;
	v15 =	vld [tilespmem:s25+$0x12BB0]  }
0x39f: {  	v12 =	vmul.f32 v12, v2;
	v22 =	vadd.f32 v22, v1;
	v23 =	vadd.f32 v23, v1;
	v26 =	vld [tilespmem:s25+$0x11BC0]  }
0x3a0: {  	v6 =	vmul.f32 v6, v2;
	v49 =	vadd.f32 v63, v1;
	v24 =	vadd.f32 v31, v24;
	v11 =	vld [tilespmem:s25+$0x12BC0]  }
0x3a1: {  	v5 =	vmul.f32 $1.442695020e+00, v5;
	v21 =	vadd.f32 v21, v29;
	v7 =	vld [tilespmem:s25+$0x11BD0];
	v16 =	vadd.f32 v20, v16  }
0x3a2: {  	v8 =	vmul.f32 v8, v2;
	v24 =	vadd.f32 v24, v1;
	v10 =	vld [tilespmem:s25+$0x12BD0];
	v14 =	vadd.f32 v18, v14  }
0x3a3: {  	v9 =	vmul.f32 v9, v2;
	v41 =	vld [tilespmem:s25+$0x11BE0];
	v21 =	vadd.f32 v21, v1;
	v16 =	vadd.f32 v16, v1  }
0x3a4: {  	v22 =	vmul.f32 v22, v2;
	v29 =	vld [tilespmem:s25+$0x12BE0];
	v14 =	vadd.f32 v14, v1;
	v13 =	vadd.f32 v17, v13  }
0x3a5: {  	v23 =	vmul.f32 v23, v2;
	v17 =	vadd.f32 v28, v27;
	v27 =	vadd.f32 v32, v30  }
0x3a6: {  	v24 =	vmul.f32 v24, v2;
	v20 =	vld [tilespmem:s25+$0x12BF0];
	v28 =	vadd.f32 v36, v33;
	v30 =	vadd.f32 v43, v42  }
0x3a7: {  	v50 =	vmul.f32 v0, v2;
	v18 =	vld [tilespmem:s25+$0x11BF0];
	v31 =	vadd.f32 v48, v45;
	v15 =	vadd.f32 v15, v51  }
0x3a8: {  	v21 =	vmul.f32 v21, v2;
	v11 =	vadd.f32 v11, v26;
	v7 =	vadd.f32 v10, v7  }
0x3a9: {  	v16 =	vmul.f32 v16, v2;
	v10 =	vadd.f32 v29, v41;
	v26 =	vadd.f32 v54, v1  }
0x3aa: {  	v29 =	vadd.f32 v60, v1;
	v33 =	vmul.f32 v49, v2;
	v51 =	vmul.f32 v19, v2  }
0x3ab: {  	v48 =	vadd.f32 v61, v1;
	v19 =	vmul.f32 v25, v2;
	v14 =	vmul.f32 v14, v2  }
0x3ac: {  	v18 =	vadd.f32 v20, v18;
	v20 =	vadd.f32 v56, v1;
	v26 =	vmul.f32 v26, v2  }
0x3ad: {  	v29 =	vmul.f32 v29, v2;
	v0 =	vadd.f32 v13, v1;
	v17 =	vadd.f32 v17, v1  }
0x3ae: {  	v32 =	vmul.f32 v48, v2;
	v25 =	vadd.f32 v27, v1;
	v27 =	vadd.f32 v28, v1  }
0x3af: {  	v28 =	vadd.f32 v30, v1;
	v30 =	vadd.f32 v31, v1;
	v20 =	vmul.f32 v20, v2  }
0x3b0: {  	v31 =	vmul.f32 v0, v2;
	v0 =	vadd.f32 v7, v1;
	v7 =	vmul.f32 v17, v2  }
0x3b1: {  	v15 =	vadd.f32 v15, v1;
	v17 =	vmul.f32 v25, v2;
	v25 =	vmul.f32 v27, v2  }
0x3b2: {  	v27 =	vmul.f32 v28, v2;
	v18 =	vadd.f32 v18, v1;
	v26 =	vsub.f32 $0.0e+00, v26  }
0x3b3: {  	v28 =	vmul.f32 v30, v2;
	v15 =	vmul.f32 v15, v2;
	v20 =	vsub.f32 $0.0e+00, v20  }
0x3b4: {  	v29 =	vsub.f32 $0.0e+00, v29;
	v30 =	vmul.f32 v0, v2;
	v26 =	vmul.f32 $1.442695020e+00, v26  }
0x3b5: {  	v32 =	vsub.f32 $0.0e+00, v32;
	v0 =	vmul.f32 v18, v2;
	v20 =	vmul.f32 $1.442695020e+00, v20  }
0x3b6: {  	v18 =	vmul.f32 $1.442695020e+00, v29;
	v29 =	vsub.f32 $0.0e+00, v33;
	(erf) = vpow2.f32 v26  }
0x3b7: {  	v52 =	vsub.f32 $0.0e+00, v50;
	v26 =	vmul.f32 $1.442695020e+00, v32;
	(erf) = vpow2.f32 v20  }
0x3b8: {  	v11 =	vadd.f32 v11, v1;
	v20 =	vmul.f32 $1.442695020e+00, v29;
	(erf) = vpow2.f32 v18  }
0x3b9: {  	v13 =	vsub.f32 $0.0e+00, v51;
	v18 =	vmul.f32 $1.442695020e+00, v52;
	(erf) = vpow2.f32 v26  }
0x3ba: {  	v19 =	vsub.f32 $0.0e+00, v19;
	v11 =	vmul.f32 v11, v2;
	(erf) = vpow2.f32 v20  }
0x3bb: {  	v4 =	vsub.f32 $0.0e+00, v4;
	v13 =	vmul.f32 $1.442695020e+00, v13;
	(erf) = vpow2.f32 v18  }
0x3bc: {  	v10 =	vadd.f32 v10, v1;
	v18 =	vmul.f32 $1.442695020e+00, v19;
	(erf) = vpow2.f32 v3  }
0x3bd: {  	v3 =	vmul.f32 $1.442695020e+00, v4;
	v4 =	vsub.f32 $0.0e+00, v12;
	(erf) = vpow2.f32 v13  }
0x3be: {  	v6 =	vsub.f32 $0.0e+00, v6;
	v10 =	vmul.f32 v10, v2;
	(erf) = vpow2.f32 v18  }
0x3bf: {  	v8 =	vsub.f32 $0.0e+00, v8;
	v4 =	vmul.f32 $1.442695020e+00, v4;
	v53 =	vpop (erf);
	(erf) = vpow2.f32 v3  }
0x3c0: {  	v3 =	vmul.f32 $1.442695020e+00, v6;
	v6 =	vsub.f32 $0.0e+00, v9;
	v9 =	vpop (erf);
	(erf) = vpow2.f32 v5  }
0x3c1: {  	v5 =	vmul.f32 $1.442695020e+00, v8;
	v8 =	vsub.f32 $0.0e+00, v22;
	v54 =	vpop (erf);
	(erf) = vpow2.f32 v4  }
0x3c2: {  	v4 =	vmul.f32 $1.442695020e+00, v6;
	v6 =	vsub.f32 $0.0e+00, v23;
	v18 =	vpop (erf);
	(erf) = vpow2.f32 v3  }
0x3c3: {  	v3 =	vmul.f32 $1.442695020e+00, v8;
	v8 =	vsub.f32 $0.0e+00, v24;
	v19 =	vpop (erf);
	(erf) = vpow2.f32 v5  }
0x3c4: {  	v5 =	vmul.f32 $1.442695020e+00, v6;
	v6 =	vsub.f32 $0.0e+00, v21;
	v20 =	vpop (erf);
	(erf) = vpow2.f32 v4  }
0x3c5: {  	v4 =	vmul.f32 $1.442695020e+00, v8;
	v8 =	vsub.f32 $0.0e+00, v16;
	v16 =	vpop (erf);
	(erf) = vpow2.f32 v3  }
0x3c6: {  	v3 =	vmul.f32 $1.442695020e+00, v6;
	v6 =	vsub.f32 $0.0e+00, v14;
	v55 =	vpop (erf);
	(erf) = vpow2.f32 v5  }
0x3c7: {  	v5 =	vmul.f32 $1.442695020e+00, v8;
	v8 =	vsub.f32 $0.0e+00, v31;
	v21 =	vpop (erf);
	(erf) = vpow2.f32 v4  }
0x3c8: {  	v4 =	vmul.f32 $1.442695020e+00, v6;
	v6 =	vsub.f32 $0.0e+00, v7;
	v7 =	vpop (erf);
	(erf) = vpow2.f32 v3  }
0x3c9: {  	v3 =	vmul.f32 $1.442695020e+00, v8;
	v8 =	vsub.f32 $0.0e+00, v17;
	v17 =	vpop (erf);
	(erf) = vpow2.f32 v5  }
0x3ca: {  	v5 =	vmul.f32 $1.442695020e+00, v6;
	v6 =	vsub.f32 $0.0e+00, v25;
	v22 =	vpop (erf);
	(erf) = vpow2.f32 v4  }
0x3cb: {  	v4 =	vmul.f32 $1.442695020e+00, v8;
	v8 =	vsub.f32 $0.0e+00, v27;
	v23 =	vpop (erf);
	(erf) = vpow2.f32 v3  }
0x3cc: {  	v3 =	vmul.f32 $1.442695020e+00, v6;
	v6 =	vsub.f32 $0.0e+00, v28;
	v25 =	vpop (erf);
	(erf) = vpow2.f32 v5  }
0x3cd: {  	v5 =	vmul.f32 $1.442695020e+00, v8;
	v8 =	vsub.f32 $0.0e+00, v15;
	v15 =	vpop (erf);
	(erf) = vpow2.f32 v4  }
0x3ce: {  	v4 =	vmul.f32 $1.442695020e+00, v6;
	v6 =	vsub.f32 $0.0e+00, v11;
	v11 =	vpop (erf);
	(erf) = vpow2.f32 v3  }
0x3cf: {  	v24 =	vsub.f32 $0.0e+00, v30;
	v3 =	vmul.f32 $1.442695020e+00, v8;
	v26 =	vpop (erf);
	(erf) = vpow2.f32 v5  }
0x3d0: {  	v27 =	vsub.f32 $0.0e+00, v10;
	v5 =	vmul.f32 $1.442695020e+00, v6;
	v10 =	vpop (erf);
	(erf) = vpow2.f32 v4  }
0x3d1: {  	v0 =	vsub.f32 $0.0e+00, v0;
	v4 =	vmul.f32 $1.442695020e+00, v24;
	v8 =	vpop (erf);
	(erf) = vpow2.f32 v3  }
0x3d2: {  	v3 =	vmul.f32 $1.442695020e+00, v27;
	v6 =	vpop (erf);
	(erf) = vpow2.f32 v5  }
0x3d3: {  	v0 =	vmul.f32 $1.442695020e+00, v0;
	v56 =	vpop (erf);
	(erf) = vpow2.f32 v4  }
0x3d4: {  	v4 =	vadd.f32 $1.000000000e+00, v53;
	v57 =	vpop (erf);
	(erf) = vpow2.f32 v3  }
0x3d5: {  	v3 =	vadd.f32 $1.000000000e+00, v9;
	v9 =	vpop (erf);
	(erf) = vpow2.f32 v0  }
0x3d6: {  	v0 =	vadd.f32 $1.000000000e+00, v54;
	(erf) = vrcp.f32 v4;
	v58 =	vpop (erf)  }
0x3d7: {  	v59 =	vadd.f32 $1.000000000e+00, v18;
	(erf) = vrcp.f32 v3;
	v18 =	vpop (erf)  }
0x3d8: {  	v3 =	vadd.f32 $1.000000000e+00, v19;
	(erf) = vrcp.f32 v0;
	v19 =	vpop (erf)  }
0x3d9: {  	v0 =	vadd.f32 $1.000000000e+00, v20;
	(erf) = vrcp.f32 v59;
	v4 =	vpop (erf)  }
0x3da: {  	v16 =	vadd.f32 $1.000000000e+00, v16;
	(erf) = vrcp.f32 v3;
	v5 =	vpop (erf)  }
0x3db: {  	v20 =	vadd.f32 $1.000000000e+00, v55;
	(erf) = vrcp.f32 v0;
	v60 =	vpop (erf)  }
0x3dc: {  	v21 =	vadd.f32 $1.000000000e+00, v21;
	(erf) = vrcp.f32 v16;
	v61 =	vpop (erf)  }
0x3dd: {  	v7 =	vadd.f32 $1.000000000e+00, v7;
	(erf) = vrcp.f32 v20;
	v3 =	vpop (erf)  }
0x3de: {  	v16 =	vadd.f32 $1.000000000e+00, v17;
	(erf) = vrcp.f32 v21;
	v0 =	vpop (erf)  }
0x3df: {  	v17 =	vadd.f32 $1.000000000e+00, v22;
	v24 =	vpop (erf);
	(erf) = vrcp.f32 v7  }
0x3e0: {  	v7 =	vadd.f32 $1.000000000e+00, v23;
	v31 =	vpop (erf);
	(erf) = vrcp.f32 v16  }
0x3e1: {  	v20 =	vadd.f32 $1.000000000e+00, v25;
	v16 =	vld [tilespmem:s25+$0x10D80];
	v29 =	vpop (erf);
	(erf) = vrcp.f32 v17  }
0x3e2: {  	v15 =	vadd.f32 $1.000000000e+00, v15;
	v17 =	vld [tilespmem:s25+$0x10D90];
	v30 =	vpop (erf);
	(erf) = vrcp.f32 v7  }
0x3e3: {  	v11 =	vadd.f32 $1.000000000e+00, v11;
	v7 =	vld [tilespmem:s25+$0x10DA0];
	v27 =	vpop (erf);
	(erf) = vrcp.f32 v20  }
0x3e4: {  	v21 =	vadd.f32 $1.000000000e+00, v26;
	v20 =	vld [tilespmem:s25+$0x10DB0];
	v28 =	vpop (erf);
	(erf) = vrcp.f32 v15  }
0x3e5: {  	v10 =	vadd.f32 $1.000000000e+00, v10;
	v15 =	vld [tilespmem:s25+$0x10DC0];
	v36 =	vpop (erf);
	(erf) = vrcp.f32 v11  }
0x3e6: {  	v8 =	vadd.f32 $1.000000000e+00, v8;
	v11 =	vld [tilespmem:s25+$0x10DD0];
	v51 =	vpop (erf);
	(erf) = vrcp.f32 v21  }
0x3e7: {  	v6 =	vadd.f32 $1.000000000e+00, v6;
	v21 =	vld [tilespmem:s25+$0x11D80];
	v47 =	vpop (erf);
	(erf) = vrcp.f32 v10  }
0x3e8: {  	v22 =	vadd.f32 $1.000000000e+00, v56;
	v10 =	vld [tilespmem:s25+$0x11D90];
	v49 =	vpop (erf);
	(erf) = vrcp.f32 v8  }
0x3e9: {  	v12 =	vadd.f32 $1.000000000e+00, v57;
	v8 =	vld [tilespmem:s25+$0x11DA0];
	v45 =	vpop (erf);
	(erf) = vrcp.f32 v6  }
0x3ea: {  	v9 =	vadd.f32 $1.000000000e+00, v9;
	v6 =	vld [tilespmem:s25+$0x11DB0];
	v46 =	vpop (erf);
	(erf) = vrcp.f32 v22  }
0x3eb: {  	v23 =	vadd.f32 $1.000000000e+00, v58;
	v22 =	vld [tilespmem:s25+$0x11DC0];
	v48 =	vpop (erf);
	(erf) = vrcp.f32 v12  }
0x3ec: {  	v18 =	vadd.f32 $1.000000000e+00, v18;
	v62 =	vadd.f32 v21, v16;
	v16 =	vld [tilespmem:s25+$0x11DD0];
	v50 =	vpop (erf);
	(erf) = vrcp.f32 v9  }
0x3ed: {  	v17 =	vadd.f32 v10, v17;
	v10 =	vadd.f32 $1.000000000e+00, v19;
	v19 =	vpop (erf);
	(erf) = vrcp.f32 v23  }
0x3ee: {  	v21 =	vadd.f32 v62, v1;
	v7 =	vadd.f32 v8, v7;
	v8 =	vpop (erf);
	(erf) = vrcp.f32 v18  }
0x3ef: {  	v34 =	vld [tilespmem:s25+$0x10580];
	v6 =	vadd.f32 v6, v20;
	[tilespmem:$0x1FF00] =	vst v8;
	v8 =	vadd.f32 v17, v1;
	v9 =	vpop (erf);
	(erf) = vrcp.f32 v10  }
0x3f0: {  	v35 =	vld [tilespmem:s25+$0x10590];
	v7 =	vadd.f32 v7, v1;
	v10 =	vadd.f32 v22, v15;
	[tilespmem:$0x1FF10] =	vst v9;
	v9 =	vmul.f32 v21, v2;
	v63 =	vpop (erf)  }
0x3f1: {  	v37 =	vld [tilespmem:s25+$0x105A0];
	v6 =	vadd.f32 v6, v1;
	v11 =	vadd.f32 v16, v11;
	v8 =	vmul.f32 v8, v2;
	v32 =	vpop (erf)  }
0x3f2: {  	v38 =	vld [tilespmem:s25+$0x105B0];
	v7 =	vmul.f32 v7, v2;
	v10 =	vadd.f32 v10, v1;
	v9 =	vsub.f32 $0.0e+00, v9;
	v33 =	vpop (erf)  }
0x3f3: {  	v44 =	vld [tilespmem:s25+$0x10FD0];
	v6 =	vmul.f32 v6, v2;
	v11 =	vadd.f32 v11, v1;
	v8 =	vsub.f32 $0.0e+00, v8;
	v39 =	vpop (erf)  }
0x3f4: {  	v52 =	vld [tilespmem:s25+$0x105E0];
	v7 =	vsub.f32 $0.0e+00, v7;
	v10 =	vmul.f32 v10, v2;
	v15 =	vmul.f32 $1.442695020e+00, v9;
	v40 =	vpop (erf)  }
0x3f5: {  	v53 =	vld [tilespmem:s25+$0x105F0];
	v6 =	vsub.f32 $0.0e+00, v6;
	v11 =	vmul.f32 v11, v2;
	v16 =	vmul.f32 $1.442695020e+00, v8;
	v41 =	vpop (erf)  }
0x3f6: {  	v57 =	vld [tilespmem:s25+$0x11F80];
	v42 =	vmul.f32 $1.442695020e+00, v7;
	v10 =	vsub.f32 $0.0e+00, v10;
	(erf) = vpow2.f32 v15;
	v9 =	vpop (erf)  }
0x3f7: {  	v6 =	vmul.f32 $1.442695020e+00, v6;
	[tilespmem:$0x1FF80] =	vst v9;
	v9 =	vsub.f32 $0.0e+00, v11;
	v11 =	vld [tilespmem:s25+$0x10DE0];
	(erf) = vpow2.f32 v16;
	v8 =	vpop (erf)  }
0x3f8: {  	[tilespmem:$0x1FF90] =	vst v8;
	v8 =	vmul.f32 $1.442695020e+00, v10;
	v10 =	vld [tilespmem:s25+$0x10DF0];
	(erf) = vpow2.f32 v42;
	v7 =	vpop (erf)  }
0x3f9: {  	[tilespmem:$0x1FFA0] =	vst v7;
	v7 =	vmul.f32 $1.442695020e+00, v9;
	v9 =	vld [tilespmem:s25+$0x11DE0];
	(erf) = vpow2.f32 v6  }
0x3fa: {  	v4 =	vadd.f32 $1.000000000e+00, v4;
	v6 =	vld [tilespmem:s25+$0x11DF0];
	(erf) = vpow2.f32 v8  }
0x3fb: {  	v54 =	vld [tilespmem:s25+$0x107A0];
	v5 =	vadd.f32 $1.000000000e+00, v5;
	(erf) = vpow2.f32 v7  }
0x3fc: {  	v55 =	vld [tilespmem:s25+$0x107B0];
	v43 =	vadd.f32 $1.000000000e+00, v60;
	(erf) = vrcp.f32 v4  }
0x3fd: {  	v59 =	vld [tilespmem:s25+$0x11F90];
	v14 =	vadd.f32 $1.000000000e+00, v61;
	(erf) = vrcp.f32 v5  }
0x3fe: {  	v3 =	vadd.f32 $1.000000000e+00, v3;
	v8 =	vld [tilespmem:s25+$0x10F80];
	v5 =	vadd.f32 v9, v11;
	(erf) = vrcp.f32 v43  }
0x3ff: {  	v0 =	vadd.f32 $1.000000000e+00, v0;
	v7 =	vld [tilespmem:s25+$0x10F90];
	v6 =	vadd.f32 v6, v10;
	v11 =	vpop (erf);
	(erf) = vrcp.f32 v14  }
0x400: {  	v4 =	vld [tilespmem:s25+$0x10FA0];
	v15 =	vadd.f32 $1.000000000e+00, v11;
	v5 =	vadd.f32 v5, v1;
	v56 =	vpop (erf);
	(erf) = vrcp.f32 v3  }
0x401: {  	v9 =	vld [tilespmem:s25+$0x10FB0];
	v6 =	vadd.f32 v6, v1;
	v16 =	vadd.f32 $1.000000000e+00, v56;
	v58 =	vpop (erf);
	(erf) = vrcp.f32 v0  }
0x402: {  	v10 =	vld [tilespmem:s25+$0x10FC0];
	v17 =	vadd.f32 $1.000000000e+00, v58;
	v5 =	vmul.f32 v5, v2;
	(erf) = vrcp.f32 v15;
	v11 =	vpop (erf)  }
0x403: {  	v6 =	vmul.f32 v6, v2;
	v15 =	vld [tilespmem:s25+$0x11FA0];
	v18 =	vadd.f32 $1.000000000e+00, v11;
	(erf) = vrcp.f32 v16;
	v3 =	vpop (erf)  }
0x404: {  	v16 =	vld [tilespmem:s25+$0x11FB0];
	v20 =	vadd.f32 $1.000000000e+00, v3;
	v5 =	vsub.f32 $0.0e+00, v5;
	(erf) = vrcp.f32 v17;
	v0 =	vpop (erf)  }
0x405: {  	v17 =	vadd.f32 $1.000000000e+00, v0;
	v0 =	vsub.f32 $0.0e+00, v6;
	v6 =	vld [tilespmem:s25+$0x11FC0];
	(erf) = vrcp.f32 v18;
	v11 =	vpop (erf)  }
0x406: {  	v8 =	vadd.f32 v57, v8;
	[tilespmem:$0x1FFB0] =	vst v11;
	v21 =	vmul.f32 $1.442695020e+00, v5;
	v11 =	vld [tilespmem:s25+$0x11FD0];
	(erf) = vrcp.f32 v20;
	v3 =	vpop (erf)  }
0x407: {  	v25 =	vld [tilespmem:s25+$0x107E0];
	v7 =	vadd.f32 v59, v7;
	[tilespmem:$0x1FFC0] =	vst v3;
	v60 =	vmul.f32 $1.442695020e+00, v0;
	(erf) = vrcp.f32 v17;
	v3 =	vpop (erf)  }
0x408: {  	v26 =	vld [tilespmem:s25+$0x107F0];
	v8 =	vadd.f32 v8, v1;
	v4 =	vadd.f32 v15, v4;
	(erf) = vpow2.f32 v21;
	v5 =	vpop (erf)  }
0x409: {  	v23 =	vld [tilespmem:s25+$0x10980];
	[tilespmem:$0x1FFE0] =	vst v5;
	v5 =	vadd.f32 v7, v1;
	v7 =	vadd.f32 v16, v9;
	(erf) = vpow2.f32 v60;
	v18 =	vpop (erf)  }
0x40a: {  	v22 =	vld [tilespmem:s25+$0x10990];
	[tilespmem:$0x1FF30] =	vst v32;
	v8 =	vmul.f32 v8, v2;
	v4 =	vadd.f32 v4, v1;
	v6 =	vadd.f32 v6, v10;
	v9 =	vpop (erf)  }
0x40b: {  	v32 =	vld [tilespmem:s25+$0x105C0];
	[tilespmem:$0x1FFF0] =	vst v9;
	v5 =	vmul.f32 v5, v2;
	v7 =	vadd.f32 v7, v1;
	v9 =	vadd.f32 v11, v44;
	v10 =	vpop (erf)  }
0x40c: {  	[tilespmem:$0x1FF40] =	vst v33;
	v33 =	vld [tilespmem:s25+$0x105D0];
	v8 =	vsub.f32 $0.0e+00, v8;
	v4 =	vmul.f32 v4, v2;
	v6 =	vadd.f32 v6, v1;
	v11 =	vpop (erf)  }
0x40d: {  	v57 =	vld [tilespmem:s25+$0x107D0];
	v5 =	vsub.f32 $0.0e+00, v5;
	v7 =	vmul.f32 v7, v2;
	v9 =	vadd.f32 v9, v1;
	v61 =	vpop (erf)  }
0x40e: {  	v59 =	vld [tilespmem:s25+$0x11180];
	v8 =	vmul.f32 $1.442695020e+00, v8;
	v4 =	vsub.f32 $0.0e+00, v4;
	v6 =	vmul.f32 v6, v2;
	v62 =	vpop (erf)  }
0x40f: {  	[tilespmem:$0x1FF20] =	vst v63;
	v56 =	vld [tilespmem:s25+$0x107C0];
	v5 =	vmul.f32 $1.442695020e+00, v5;
	v7 =	vsub.f32 $0.0e+00, v7;
	v16 =	vmul.f32 v9, v2;
	v63 =	vpop (erf)  }
0x410: {  	v58 =	vld [tilespmem:s25+$0x10FF0];
	v4 =	vmul.f32 $1.442695020e+00, v4;
	v6 =	vsub.f32 $0.0e+00, v6;
	v15 =	vpop (erf);
	(erf) = vpow2.f32 v8  }
0x411: {  	v0 =	vld [tilespmem:s25+$0x10780];
	v7 =	vmul.f32 $1.442695020e+00, v7;
	v8 =	vsub.f32 $0.0e+00, v16;
	v9 =	vpop (erf);
	(erf) = vpow2.f32 v5  }
0x412: {  	[tilespmem:$0x1FFD0] =	vst v3;
	v3 =	vld [tilespmem:s25+$0x10790];
	v5 =	vadd.f32 v24, v10;
	v6 =	vmul.f32 $1.442695020e+00, v6;
	v10 =	vpop (erf);
	(erf) = vpow2.f32 v4  }
0x413: {  	v21 =	vld [tilespmem:s25+$0x109A0];
	v4 =	vadd.f32 v31, v11;
	v8 =	vmul.f32 $1.442695020e+00, v8;
	(erf) = vpow2.f32 v7  }
0x414: {  	v60 =	vld [tilespmem:s25+$0x11FE0];
	v5 =	vmul.f32 $5.000000000e-01, v5;
	v7 =	vadd.f32 v29, v61;
	(erf) = vpow2.f32 v6  }
0x415: {  	v24 =	vld [tilespmem:s25+$0x109B0];
	v4 =	vmul.f32 $5.000000000e-01, v4;
	v6 =	vadd.f32 v30, v62;
	(erf) = vpow2.f32 v8  }
0x416: {  	v16 =	vld [tilespmem:s25+$0x11FF0];
	v42 =	vmul.f32 v5, v34;
	v5 =	vmul.f32 $5.000000000e-01, v7  }
0x417: {  	[tilespmem:$0x1FF70] =	vst v41;
	v11 =	vld [tilespmem:s25+$0x10FE0];
	v41 =	vmul.f32 v4, v35;
	v4 =	vmul.f32 $5.000000000e-01, v6  }
0x418: {  	[tilespmem:$0x1FF60] =	vst v40;
	v17 =	vadd.f32 $1.000000000e+00, v9;
	v9 =	vld [tilespmem:s25+$0x111B0];
	v40 =	vmul.f32 v5, v37;
	v5 =	vadd.f32 v27, v63  }
0x419: {  	[tilespmem:$0x1FF50] =	vst v39;
	v20 =	vadd.f32 $1.000000000e+00, v10;
	v7 =	vld [tilespmem:s25+$0x11190];
	v39 =	vmul.f32 v4, v38;
	v4 =	vadd.f32 v28, v15;
	v15 =	vpop (erf)  }
0x41a: {  	v6 =	vld [tilespmem:s25+$0x111A0];
	v5 =	vmul.f32 $5.000000000e-01, v5;
	(erf) = vrcp.f32 v17;
	v27 =	vadd.f32 $1.000000000e+00, v15;
	v8 =	vpop (erf)  }
0x41b: {  	v17 =	vld [tilespmem:s25+$0x12180];
	v4 =	vmul.f32 $5.000000000e-01, v4;
	(erf) = vrcp.f32 v20;
	v28 =	vadd.f32 $1.000000000e+00, v8;
	v10 =	vpop (erf)  }
0x41c: {  	v11 =	vadd.f32 v60, v11;
	v20 =	vadd.f32 $1.000000000e+00, v10;
	v10 =	vld [tilespmem:s25+$0x12190];
	(erf) = vrcp.f32 v27;
	v15 =	vpop (erf)  }
0x41d: {  	v44 =	vmul.f32 v4, v33;
	v4 =	vadd.f32 $1.000000000e+00, v15;
	v15 =	vld [tilespmem:s25+$0x121A0];
	(erf) = vrcp.f32 v28;
	v8 =	vpop (erf)  }
0x41e: {  	v61 =	vld [tilespmem:s25+$0x121B0];
	v43 =	vmul.f32 v5, v32;
	v8 =	vadd.f32 $1.000000000e+00, v8;
	(erf) = vrcp.f32 v20;
	v5 =	vpop (erf)  }
0x41f: {  	v31 =	vld [tilespmem:s25+$0x10B90];
	v12 =	vadd.f32 v16, v58;
	v5 =	vadd.f32 $1.000000000e+00, v5;
	(erf) = vrcp.f32 v4  }
0x420: {  	v29 =	vld [tilespmem:s25+$0x10BA0];
	v4 =	vadd.f32 v11, v1;
	v11 =	vadd.f32 v17, v59;
	(erf) = vrcp.f32 v8  }
0x421: {  	v30 =	vld [tilespmem:s25+$0x10BC0];
	v8 =	vadd.f32 v12, v1;
	v7 =	vadd.f32 v10, v7;
	(erf) = vrcp.f32 v5  }
0x422: {  	v34 =	vld [tilespmem:s25+$0x109F0];
	v4 =	vmul.f32 v4, v2;
	v5 =	vadd.f32 v11, v1;
	v6 =	vadd.f32 v15, v6  }
0x423: {  	v35 =	vld [tilespmem:s25+$0x109E0];
	v9 =	vadd.f32 v61, v9;
	v8 =	vmul.f32 v8, v2;
	v10 =	vpop (erf);
	v7 =	vadd.f32 v7, v1  }
0x424: {  	v37 =	vld [tilespmem:s25+$0x109D0];
	v4 =	vsub.f32 $0.0e+00, v4;
	v5 =	vmul.f32 v5, v2;
	v11 =	vpop (erf);
	v6 =	vadd.f32 v6, v1  }
0x425: {  	v60 =	vld [tilespmem:s25+$0x111E0];
	v9 =	vadd.f32 v9, v1;
	v8 =	vsub.f32 $0.0e+00, v8;
	v7 =	vmul.f32 v7, v2;
	v62 =	vpop (erf)  }
0x426: {  	v38 =	vld [tilespmem:s25+$0x109C0];
	v4 =	vmul.f32 $1.442695020e+00, v4;
	v5 =	vsub.f32 $0.0e+00, v5;
	v6 =	vmul.f32 v6, v2;
	v63 =	vpop (erf)  }
0x427: {  	v61 =	vld [tilespmem:s25+$0x111F0];
	v16 =	vmul.f32 v9, v2;
	v8 =	vmul.f32 $1.442695020e+00, v8;
	v7 =	vsub.f32 $0.0e+00, v7;
	v58 =	vpop (erf)  }
0x428: {  	v32 =	vld [tilespmem:s25+$0x10BD0];
	v5 =	vmul.f32 $1.442695020e+00, v5;
	v6 =	vsub.f32 $0.0e+00, v6;
	v15 =	vpop (erf);
	(erf) = vpow2.f32 v4  }
0x429: {  	v33 =	vld [tilespmem:s25+$0x10BE0];
	v4 =	vmul.f32 $1.442695020e+00, v7;
	v7 =	vsub.f32 $0.0e+00, v16;
	v9 =	vpop (erf);
	(erf) = vpow2.f32 v8  }
0x42a: {  	v20 =	vld [tilespmem:s25+$0x10B80];
	v8 =	vadd.f32 v36, v10;
	v6 =	vmul.f32 $1.442695020e+00, v6;
	v10 =	vpop (erf);
	(erf) = vpow2.f32 v5  }
0x42b: {  	v17 =	vld [tilespmem:s25+$0x10BB0];
	v5 =	vadd.f32 v51, v11;
	v7 =	vmul.f32 $1.442695020e+00, v7;
	(erf) = vpow2.f32 v4  }
0x42c: {  	v59 =	vld [tilespmem:s25+$0x111D0];
	v4 =	vmul.f32 $5.000000000e-01, v8;
	v8 =	vadd.f32 v47, v62;
	(erf) = vpow2.f32 v6  }
0x42d: {  	v36 =	vld [tilespmem:s25+$0x10BF0];
	v5 =	vmul.f32 $5.000000000e-01, v5;
	v6 =	vadd.f32 v49, v63;
	(erf) = vpow2.f32 v7  }
0x42e: {  	v11 =	vld [tilespmem:s25+$0x111C0];
	v51 =	vmul.f32 v4, v52;
	v4 =	vmul.f32 $5.000000000e-01, v8;
	v7 =	vadd.f32 v45, v58  }
0x42f: {  	v49 =	vmul.f32 v5, v53;
	v5 =	vmul.f32 $5.000000000e-01, v6;
	v6 =	vadd.f32 v46, v15;
	v15 =	vld [tilespmem:s25+$0x11380]  }
0x430: {  	v47 =	vmul.f32 v4, v0;
	v0 =	vmul.f32 $5.000000000e-01, v7;
	v4 =	vadd.f32 v48, v9;
	v7 =	vld [tilespmem:s25+$0x11390]  }
0x431: {  	v48 =	vmul.f32 v5, v3;
	v3 =	vmul.f32 $5.000000000e-01, v6;
	v5 =	vadd.f32 v50, v10;
	v6 =	vld [tilespmem:s25+$0x121C0];
	v8 =	vpop (erf)  }
0x432: {  	v46 =	vmul.f32 v0, v54;
	v0 =	vmul.f32 $5.000000000e-01, v4;
	v16 =	vadd.f32 $1.000000000e+00, v8;
	v8 =	vld [tilespmem:s25+$0x121D0];
	v9 =	vpop (erf)  }
0x433: {  	v45 =	vmul.f32 v3, v55;
	v3 =	vmul.f32 $5.000000000e-01, v5;
	v27 =	vadd.f32 $1.000000000e+00, v9;
	v9 =	vld [tilespmem:s25+$0x121E0];
	v10 =	vpop (erf)  }
0x434: {  	v50 =	vmul.f32 v0, v56;
	v28 =	vadd.f32 $1.000000000e+00, v10;
	v10 =	vld [tilespmem:s25+$0x121F0];
	(erf) = vrcp.f32 v16;
	v4 =	vpop (erf)  }
0x435: {  	v52 =	vmul.f32 v3, v57;
	v3 =	vadd.f32 $1.000000000e+00, v4;
	v4 =	vld [tilespmem:s25+$0x12380];
	(erf) = vrcp.f32 v27;
	v5 =	vpop (erf)  }
0x436: {  	v6 =	vadd.f32 v6, v11;
	v11 =	vld [tilespmem:s25+$0x12390];
	v5 =	vadd.f32 $1.000000000e+00, v5;
	(erf) = vrcp.f32 v28;
	v0 =	vpop (erf)  }
0x437: {  	v58 =	vld [tilespmem:s25+$0x113F0];
	v16 =	vadd.f32 $1.000000000e+00, v0;
	v12 =	vadd.f32 v8, v59;
	(erf) = vrcp.f32 v3  }
0x438: {  	v53 =	vld [tilespmem:s25+$0x123A0];
	v6 =	vadd.f32 v6, v1;
	v9 =	vadd.f32 v9, v60;
	(erf) = vrcp.f32 v5  }
0x439: {  	v54 =	vld [tilespmem:s25+$0x123B0];
	v5 =	vadd.f32 v12, v1;
	v10 =	vadd.f32 v10, v61;
	(erf) = vrcp.f32 v16  }
0x43a: {  	v55 =	vld [tilespmem:s25+$0x123C0];
	v6 =	vmul.f32 v6, v2;
	v9 =	vadd.f32 v9, v1;
	v4 =	vadd.f32 v4, v15  }
0x43b: {  	v56 =	vld [tilespmem:s25+$0x113D0];
	v62 =	vadd.f32 v11, v7;
	v5 =	vmul.f32 v5, v2;
	v10 =	vadd.f32 v10, v1  }
0x43c: {  	p0 =	sne.s32 s26, $0x600;
	v57 =	vld [tilespmem:s25+$0x113E0];
	v63 =	vsub.f32 $0.0e+00, v6;
	v9 =	vmul.f32 v9, v2;
	v4 =	vadd.f32 v4, v1  }
.Ltmp4:
0x43d: {  	v8 =	vld [tilespmem:s25+$0x113A0];
	v11 =	vadd.f32 v62, v1;
	v15 =	vsub.f32 $0.0e+00, v5;
	v10 =	vmul.f32 v10, v2;
	v7 =	vpop (erf);
	(pc) =	sbr.rel @p0 .LBB2_9-.Ltmp4, $4  }
0x43e: {  	v0 =	vld [tilespmem:s25+$0x113B0];
	v12 =	vmul.f32 $1.442695020e+00, v63;
	v9 =	vsub.f32 $0.0e+00, v9;
	v16 =	vmul.f32 v4, v2;
	v6 =	vpop (erf)  }
0x43f: {  	v3 =	vld [tilespmem:s25+$0x113C0];
	v11 =	vmul.f32 v11, v2;
	v13 =	vmul.f32 $1.442695020e+00, v15;
	v14 =	vsub.f32 $0.0e+00, v10;
	v5 =	vpop (erf)  }
0x440: {  	v59 =	vld [tilespmem:s25+$0x123D0];
	v62 =	vmul.f32 $1.442695020e+00, v9;
	v10 =	vsub.f32 $0.0e+00, v16;
	v4 =	vpop (erf);
	(erf) = vpow2.f32 v12  }
0x441: {  	s26 =	sadd.s32 $0x200, s26;
	v61 =	vld [tilespmem:s25+$0x123E0];
	v9 =	vsub.f32 $0.0e+00, v11;
	v63 =	vmul.f32 $1.442695020e+00, v14;
	v60 =	vpop (erf);
	(erf) = vpow2.f32 v13  }
0x442: {  	v8 =	vadd.f32 v53, v8;
	(erf) = vpow2.f32 v62;
	v10 =	vmul.f32 $1.442695020e+00, v10;
	v11 =	vld [tilespmem:s25+$0x123F0]  }
0x443: {  	v0 =	vadd.f32 v54, v0;
	(erf) = vpow2.f32 v63;
	v9 =	vmul.f32 $1.442695020e+00, v9  }
0x444: {  	v3 =	vadd.f32 v55, v3;
	(erf) = vpow2.f32 v10;
	v8 =	vadd.f32 v8, v1  }
0x445: {  	v59 =	vadd.f32 v59, v56;
	(erf) = vpow2.f32 v9;
	v0 =	vadd.f32 v0, v1  }
0x446: {  	v62 =	vadd.f32 v61, v57;
	v8 =	vmul.f32 v8, v2;
	v3 =	vadd.f32 v3, v1  }
0x447: {  	v11 =	vadd.f32 v11, v58;
	v0 =	vmul.f32 v0, v2;
	v10 =	vadd.f32 v59, v1  }
0x448: {  	v8 =	vsub.f32 $0.0e+00, v8;
	v3 =	vmul.f32 v3, v2;
	v9 =	vadd.f32 v62, v1  }
0x449: {  	v63 =	vadd.f32 v11, v1;
	v0 =	vsub.f32 $0.0e+00, v0;
	v10 =	vmul.f32 v10, v2  }
0x44a: {  	v8 =	vmul.f32 $1.442695020e+00, v8;
	v3 =	vsub.f32 $0.0e+00, v3;
	v9 =	vmul.f32 v9, v2  }
0x44b: {  	v27 =	vld [tilespmem:$0x1FF00];
	v1 =	vmul.f32 v63, v2;
	v0 =	vmul.f32 $1.442695020e+00, v0;
	v12 =	vsub.f32 $0.0e+00, v10  }
0x44c: {  	[tilespmem:s25+$0x11DE0] =	vst v51;
	v51 =	vld [tilespmem:$0x1FF10];
	(erf) = vpow2.f32 v8;
	v3 =	vmul.f32 $1.442695020e+00, v3;
	v13 =	vsub.f32 $0.0e+00, v9  }
0x44d: {  	v54 =	vld [tilespmem:$0x1FF20];
	(erf) = vpow2.f32 v0;
	v14 =	vmul.f32 $1.442695020e+00, v12;
	v1 =	vsub.f32 $0.0e+00, v1  }
0x44e: {  	v15 =	vadd.f32 v19, v7;
	v16 =	vpop (erf);
	(erf) = vpow2.f32 v3;
	v19 =	vmul.f32 $1.442695020e+00, v13  }
0x44f: {  	v28 =	vpop (erf);
	(erf) = vpow2.f32 v14;
	v1 =	vmul.f32 $1.442695020e+00, v1  }
0x450: {  	[tilespmem:s25+$0x11D90] =	vst v41;
	v41 =	vpop (erf);
	v0 =	vadd.f32 $1.000000000e+00, v28;
	(erf) = vpow2.f32 v19  }
0x451: {  	[tilespmem:s25+$0x11D80] =	vst v42;
	v6 =	vadd.f32 v27, v6;
	v5 =	vadd.f32 v51, v5;
	v42 =	vpop (erf);
	(erf) = vpow2.f32 v1  }
0x452: {  	[tilespmem:s25+$0x11DC0] =	vst v43;
	v61 =	vld [tilespmem:$0x1FF30];
	v4 =	vadd.f32 v54, v4;
	v7 =	vadd.f32 $1.000000000e+00, v41;
	v43 =	vpop (erf);
	(erf) = vrcp.f32 v0  }
0x453: {  	[tilespmem:s25+$0x11DD0] =	vst v44;
	v6 =	vmul.f32 $5.000000000e-01, v6;
	v5 =	vmul.f32 $5.000000000e-01, v5;
	v44 =	vpop (erf);
	v1 =	vadd.f32 $1.000000000e+00, v42  }
0x454: {  	v4 =	vmul.f32 $5.000000000e-01, v4;
	v53 =	vpop (erf);
	v0 =	vadd.f32 $1.000000000e+00, v43;
	(erf) = vrcp.f32 v7  }
0x455: {  	[tilespmem:s25+$0x11DA0] =	vst v40;
	v2 =	vmul.f32 $5.000000000e-01, v15;
	v7 =	vadd.f32 $1.000000000e+00, v44;
	(erf) = vrcp.f32 v1;
	v55 =	vpop (erf)  }
0x456: {  	[tilespmem:s25+$0x11DB0] =	vst v39;
	v6 =	vmul.f32 v6, v26;
	v63 =	vld [tilespmem:$0x1FF40];
	v1 =	vadd.f32 $1.000000000e+00, v53;
	(erf) = vrcp.f32 v0;
	v56 =	vpop (erf)  }
0x457: {  	[tilespmem:s25+$0x11DF0] =	vst v49;
	v10 =	vld [tilespmem:$0x1FF50];
	v8 =	vadd.f32 v61, v60;
	v0 =	vadd.f32 $1.000000000e+00, v55;
	(erf) = vrcp.f32 v7;
	v57 =	vpop (erf)  }
0x458: {  	[tilespmem:s25+$0x11F80] =	vst v47;
	v2 =	vmul.f32 v2, v25;
	v7 =	vadd.f32 $1.000000000e+00, v56;
	(erf) = vrcp.f32 v1;
	v58 =	vpop (erf)  }
0x459: {  	[tilespmem:s25+$0x11F90] =	vst v48;
	v15 =	vld [tilespmem:$0x1FF70];
	v11 =	vmul.f32 $5.000000000e-01, v8;
	v1 =	vadd.f32 $1.000000000e+00, v57;
	(erf) = vrcp.f32 v0;
	v59 =	vpop (erf)  }
0x45a: {  	[tilespmem:s25+$0x11FA0] =	vst v46;
	v5 =	vmul.f32 v5, v23;
	v13 =	vld [tilespmem:$0x1FF60];
	v0 =	vadd.f32 $1.000000000e+00, v58;
	(erf) = vrcp.f32 v7;
	v62 =	vpop (erf)  }
0x45b: {  	[tilespmem:s25+$0x11FE0] =	vst v2;
	v2 =	vmul.f32 v11, v21;
	v21 =	vld [tilespmem:$0x1FF80];
	v7 =	vadd.f32 $1.000000000e+00, v59;
	(erf) = vrcp.f32 v1;
	v9 =	vpop (erf)  }
0x45c: {  	[tilespmem:s25+$0x11FB0] =	vst v45;
	v27 =	vld [tilespmem:$0x1FFA0];
	v3 =	vadd.f32 v63, v16;
	(erf) = vrcp.f32 v0;
	v0 =	vadd.f32 v10, v9  }
0x45d: {  	[tilespmem:s25+$0x11FC0] =	vst v50;
	v23 =	vld [tilespmem:$0x1FF90];
	v4 =	vmul.f32 v4, v22;
	v1 =	vadd.f32 $1.000000000e+00, v62;
	(erf) = vrcp.f32 v7;
	v12 =	vpop (erf)  }
0x45e: {  	[tilespmem:s25+$0x11FD0] =	vst v52;
	v3 =	vmul.f32 $5.000000000e-01, v3;
	v14 =	vpop (erf);
	v0 =	vmul.f32 $5.000000000e-01, v0  }
0x45f: {  	[tilespmem:s25+$0x11FF0] =	vst v6;
	v42 =	vld [tilespmem:$0x1FFC0];
	v6 =	vadd.f32 v13, v12;
	(erf) = vrcp.f32 v1;
	v1 =	vadd.f32 v15, v14;
	v16 =	vpop (erf)  }
0x460: {  	[tilespmem:s25+$0x12180] =	vst v5;
	v3 =	vmul.f32 v3, v24;
	v5 =	vadd.f32 v21, v16;
	v22 =	vpop (erf);
	v0 =	vmul.f32 v0, v38;
	v38 =	vld [tilespmem:$0x1FFB0]  }
0x461: {  	v50 =	vld [tilespmem:$0x1FFE0];
	[tilespmem:s25+$0x12190] =	vst v4;
	v19 =	vmul.f32 $5.000000000e-01, v6;
	v1 =	vmul.f32 $5.000000000e-01, v1;
	v24 =	vpop (erf)  }
0x462: {  	[tilespmem:s25+$0x121A0] =	vst v2;
	v2 =	vadd.f32 v23, v22;
	v26 =	vmul.f32 $5.000000000e-01, v5;
	v5 =	vadd.f32 v27, v24;
	v28 =	vpop (erf)  }
0x463: {  	v46 =	vld [tilespmem:$0x1FFD0];
	[tilespmem:s25+$0x121B0] =	vst v3;
	v25 =	vmul.f32 v19, v37;
	v35 =	vmul.f32 v1, v35;
	v39 =	vpop (erf)  }
0x464: {  	v57 =	vld [tilespmem:$0x1FFF0];
	[tilespmem:s25+$0x121C0] =	vst v0;
	v37 =	vmul.f32 $5.000000000e-01, v2;
	v41 =	vmul.f32 $5.000000000e-01, v5;
	v5 =	vadd.f32 v42, v39;
	v43 =	vpop (erf)  }
0x465: {  	[tilespmem:s25+$0x121D0] =	vst v25;
	v40 =	vmul.f32 v26, v34;
	v47 =	vpop (erf);
	v2 =	vadd.f32 v38, v28  }
0x466: {  	[tilespmem:s25+$0x121E0] =	vst v35;
	v44 =	vmul.f32 v37, v20;
	v49 =	vmul.f32 $5.000000000e-01, v5;
	v5 =	vadd.f32 v50, v47;
	v51 =	vpop (erf)  }
0x467: {  	[tilespmem:s25+$0x121F0] =	vst v40;
	v48 =	vmul.f32 v41, v31;
	v54 =	vadd.f32 v18, v51;
	v45 =	vmul.f32 $5.000000000e-01, v2  }
0x468: {  	[tilespmem:s25+$0x12380] =	vst v44;
	v55 =	vpop (erf);
	v2 =	vadd.f32 v46, v43;
	v56 =	vmul.f32 v49, v17;
	v5 =	vmul.f32 $5.000000000e-01, v5  }
0x469: {  	[tilespmem:s25+$0x12390] =	vst v48;
	v4 =	vadd.f32 v57, v55;
	v59 =	vmul.f32 $5.000000000e-01, v54;
	v52 =	vmul.f32 v45, v29  }
0x46a: {  	v53 =	vmul.f32 $5.000000000e-01, v2;
	[tilespmem:s25+$0x123B0] =	vst v56;
	v60 =	vmul.f32 v5, v32  }
0x46b: {  	v61 =	vmul.f32 $5.000000000e-01, v4;
	v62 =	vmul.f32 v59, v33;
	[tilespmem:s25+$0x123A0] =	vst v52  }
0x46c: {  	v58 =	vmul.f32 v53, v30;
	[tilespmem:s25+$0x123D0] =	vst v60  }
0x46d: {  	s24 =	sadd.s32 $0x1, s24;
	v63 =	vmul.f32 v61, v36;
	[tilespmem:s25+$0x123E0] =	vst v62  }
0x46e: {  	p0 =	sne.s32 s24, s13;
	[tilespmem:s25+$0x123C0] =	vst v58  }
.Ltmp5:
0x46f: {  	[tilespmem:s25+$0x123F0] =	vst v63;
	(pc) =	sbr.rel @p0 .LBB2_1-.Ltmp5, $4  }
0x470: {  	[hbm4b:s12+s15] =	stream.strided.scatter [tilespmem:s23], [sflag:$0x1], $0x800, s16, s15, $0x38;
	[tilespmem:$0x12D80] =	vst v63  }
0x471: {  	_ =	swait.ge [sflag:s14], $0x800  }
0x472: {  	[sflag:s14] =	ssyncset.done $0x0  }
0x473: {  	[sflag:s14] =	ssyncadd.s32 $0xFFFFF800  }
0x474: {  	_ =	sfence.sel $0x180000  }
0x475: {  	[bflag:$0x0] =	sbarrier.arrive $0xFFFF  }
0x476: {  	p0 =	sne.s32 s0, $0x0;
	_ =	strace $0x90000047  }
0x477: {  	s0 =	sadd.s32 @!p0 $0x100000, s1;
	[bflag:$0x2] =	sbarrier.arrive $0xFFFF  }
0x478: {  	[sflag:s0] =	ssyncadd.tile.s32 @!p0 $0x1;
	_ =	shalt  }
.Lfunc_end2:
_tile_overlayer_lowered:
.L_overlay_start_2:
0x479: {  	(tag) =	ssettag $0x2  }
0x47a: {  	s0 =	rddreg [dreg:$0x0];
	s2 =	stileid.u32  }
0x47b: {  	s1 =	rddreg [dreg:$0x1];
	p0 =	sne.s32 s2, $0x0  }
0x47c: {  	s3 =	rddreg [dreg:$0x2];
	[bflag:$0x3] =	sbarrier.arrive $0xFFFF;
	s2 =	simm.s32 @!p0 $0x1C01  }
0x47d: {  	[timem:s3], [sflag:s2] =	dma.local @!p0 [hbm:s0], s1  }
0x47e: {  	s0 =	simm.s32 @!p0 $0x1  }
0x47f: {  	_ =	swait.ge @!p0 [sflag:s0], s1  }
0x480: {  	s1 =	ssub.s32 @!p0 $0x0, s1;
	[sflag:s0] =	ssyncset.done @!p0 $0x0  }
0x481: {  	[sflag:s0] =	ssyncadd.s32 @!p0 s1  }
0x482: {  	[bflag:$0x3] =	sbarrier.arrive $0xFFFF  }
0x483: {  	_ =	shalt  }

</sc_bundles>
